<compile_context>
chip_gen: v7x
topology: tpu7x:2x2x1
jax: 0.10.2.dev20260603
libtpu: 0.0.44.dev20260713+nightly
codegen_flags: <defaults>
</compile_context>

<pallas_src>
import functools

import jax
import jax.numpy as jnp
from jax import lax
from jax.experimental import pallas as pl
from jax.experimental.pallas import tpu as pltpu
from jax.experimental.pallas import tpu_sc as plsc

N, E, NG = 10000, 320000, 128
H, HP = 76, 128
DOUT = 64
NGRP = 5
NC, NS, NW = 2, 16, 32
K = 128
KG = K // 128
NJ = E // K
NT = -(-NJ // NW)
RPT = 624

_f32 = jnp.float32



def _dot(a, b):
    return jnp.dot(a, b, preferred_element_type=_f32)


def _node_prologue(x, Wex, bex, Wni_p, bni_p, WeA, WeB, beA):
    BN = 2000

    def body(x_r, wex_r, bex_r, wni_r, bni_r, wea_r, web_r, bea_r,
             h_o, ha_o, hb_o):
        hx = jnp.maximum(_dot(x_r[...], wex_r[...]) + bex_r[...], 0.0)
        h = jnp.maximum(_dot(hx, wni_r[...]) + bni_r[...], 0.0)
        h_o[...] = h
        ha_o[...] = _dot(h, wea_r[...]) + bea_r[...]
        hb_o[...] = _dot(h, web_r[...])

    full = lambda s: pl.BlockSpec(s, lambda i: (0,) * len(s))
    return pl.pallas_call(
        body,
        grid=(N // BN,),
        in_specs=[
            pl.BlockSpec((BN, 128), lambda i: (i, 0)),
            full((128, 128)), full((1, 128)),
            full((128, HP)), full((1, HP)),
            full((HP, HP)), full((HP, HP)), full((1, HP)),
        ],
        out_specs=[pl.BlockSpec((BN, HP), lambda i: (i, 0))] * 3,
        out_shape=[jax.ShapeDtypeStruct((N, HP), _f32)] * 3,
        compiler_params=pltpu.CompilerParams(dimension_semantics=("parallel",)),
    )(x, Wex, bex, Wni_p, bni_p, WeA, WeB, beA)


def _edge_prologue(edge_attr, Wee, bee, Wei_p, bei_p, WeC0):
    BE = 8000

    def body(ea_r, wee_r, bee_r, wei_r, bei_r, wc_r, p_o):
        he = jnp.maximum(_dot(ea_r[...], wee_r[...]) + bee_r[...], 0.0)
        e0 = jnp.maximum(_dot(he, wei_r[...]) + bei_r[...], 0.0)
        p_o[...] = _dot(e0, wc_r[...])

    full = lambda s: pl.BlockSpec(s, lambda i: (0,) * len(s))
    return pl.pallas_call(
        body,
        grid=(E // BE,),
        in_specs=[
            pl.BlockSpec((BE, 16), lambda i: (i, 0)),
            full((16, 128)), full((1, 128)),
            full((128, HP)), full((1, HP)), full((HP, HP)),
        ],
        out_specs=pl.BlockSpec((BE, HP), lambda i: (i, 0)),
        out_shape=jax.ShapeDtypeStruct((E, HP), _f32),
        compiler_params=pltpu.CompilerParams(dimension_semantics=("parallel",)),
    )(edge_attr, Wee, bee, Wei_p, bei_p, WeC0)


def _p_matmul(e, WeC):
    BE = 8000

    def body(e_r, w_r, p_o):
        p_o[...] = _dot(e_r[...], w_r[...])

    return pl.pallas_call(
        body,
        grid=(E // BE,),
        in_specs=[
            pl.BlockSpec((BE, HP), lambda i: (i, 0)),
            pl.BlockSpec((HP, HP), lambda i: (0, 0)),
        ],
        out_specs=pl.BlockSpec((BE, HP), lambda i: (i, 0)),
        out_shape=jax.ShapeDtypeStruct((E, HP), _f32),
        compiler_params=pltpu.CompilerParams(dimension_semantics=("parallel",)),
    )(e, WeC)


def _node_update(h, m, WnA, WnB, bn1, WeA, WeB, beA):
    BN = 2000

    def body(h_r, m_r, wna_r, wnb_r, bn_r, wea_r, web_r, bea_r,
             h_o, ha_o, hb_o):
        msum = m_r[0] + m_r[1]
        hn = jnp.maximum(
            _dot(h_r[...], wna_r[...]) + _dot(msum, wnb_r[...]) + bn_r[...],
            0.0)
        h_o[...] = hn
        ha_o[...] = _dot(hn, wea_r[...]) + bea_r[...]
        hb_o[...] = _dot(hn, web_r[...])

    full = lambda s: pl.BlockSpec(s, lambda i: (0,) * len(s))
    return pl.pallas_call(
        body,
        grid=(N // BN,),
        in_specs=[
            pl.BlockSpec((BN, HP), lambda i: (i, 0)),
            pl.BlockSpec((NC, BN, HP), lambda i: (0, i, 0)),
            full((HP, HP)), full((HP, HP)), full((1, HP)),
            full((HP, HP)), full((HP, HP)), full((1, HP)),
        ],
        out_specs=[pl.BlockSpec((BN, HP), lambda i: (i, 0))] * 3,
        out_shape=[jax.ShapeDtypeStruct((N, HP), _f32)] * 3,
        compiler_params=pltpu.CompilerParams(dimension_semantics=("parallel",)),
    )(h, m, WnA, WnB, bn1, WeA, WeB, beA)


def _final_readout(G, Weo_p, Wr1, br1, Wr2_p, br2_p):
    def body(g_r, weo_r, wr1_r, br1_r, wr2_r, br2_r, o_r):
        seg = g_r[0] + g_r[1]
        pooled = _dot(seg, weo_r[...])
        r = jnp.maximum(_dot(pooled, wr1_r[...]) + br1_r[...], 0.0)
        o_r[...] = _dot(r, wr2_r[...]) + br2_r[...]

    return pl.pallas_call(
        body,
        out_shape=jax.ShapeDtypeStruct((NG, 8), _f32),
    )(G, Weo_p, Wr1, br1, Wr2_p, br2_p)



_MESH = plsc.VectorSubcoreMesh(core_axis_name="c", subcore_axis_name="s")
_SC_PARAMS = pltpu.CompilerParams(needs_layout_passes=False)
NT2 = (NT + 1) // 2


def _zero_fill(buf):
    zero16 = jnp.zeros((16,), _f32)

    @plsc.parallel_loop(0, K, unroll=8)
    def _(r):
        for g in range(HP // 16):
            buf[r, pl.ds(g * 16, 16)] = zero16


def _seed_node_acc(s, buf, acc_sh):
    row0 = s * RPT
    for t0 in range(RPT // K):
        pltpu.sync_copy(buf, acc_sh.at[pl.ds(row0 + t0 * K, K)])
    if RPT % K:
        pltpu.sync_copy(buf.at[pl.ds(0, RPT % K)],
                        acc_sh.at[pl.ds(row0 + (RPT // K) * K, RPT % K)])

    @pl.when(s == NS - 1)
    def _():
        pltpu.sync_copy(buf.at[pl.ds(0, N - NS * RPT)],
                        acc_sh.at[pl.ds(NS * RPT, N - NS * RPT)])


def _flush_node_acc(c, s, acc_sh, m_out):
    row0 = s * RPT
    pltpu.sync_copy(acc_sh.at[pl.ds(row0, RPT)],
                    m_out.at[c, pl.ds(row0, RPT)])

    @pl.when(s == NS - 1)
    def _():
        pltpu.sync_copy(acc_sh.at[pl.ds(NS * RPT, N - NS * RPT)],
                        m_out.at[c, pl.ds(NS * RPT, N - NS * RPT)])


def _make_sc_gather(last: bool):
    if last:
        out_type = jax.ShapeDtypeStruct((NC, NG, HP), _f32)
    else:
        out_type = jax.ShapeDtypeStruct((E, HP), _f32)

    scratch = [
        pltpu.VMEM((K, HP), _f32), pltpu.VMEM((K, HP), _f32),
        pltpu.VMEM((K, HP), _f32), pltpu.VMEM((K, HP), _f32),
        pltpu.VMEM((K, HP), _f32), pltpu.VMEM((K, HP), _f32),
        pltpu.VMEM((1, 128), jnp.int32), pltpu.VMEM((1, 128), jnp.int32),
        pltpu.VMEM((1, 128), jnp.int32), pltpu.VMEM((1, 128), jnp.int32),
        pltpu.SemaphoreType.DMA, pltpu.SemaphoreType.DMA,
    ]
    if last:
        scratch += [
            pltpu.VMEM((1, 128), jnp.int32), pltpu.VMEM((1, 128), jnp.int32),
            pltpu.VMEM((N,), jnp.int32),
            pltpu.VMEM_SHARED((NG, HP), _f32),
        ]

    def body(*refs):
        if last:
            (p_hbm, ha_hbm, hb_hbm, src1, dst1, batch_hbm, g_out,
             bP0, bP1, bA0, bA1, bB0, bB1, sv0, sv1, dv0, dv1,
             sem0, sem1, gv0, gv1, batch_v, acc_sh) = refs
        else:
            (p_hbm, ha_hbm, hb_hbm, src1, dst1, e_out,
             bP0, bP1, bA0, bA1, bB0, bB1, sv0, sv1, dv0, dv1,
             sem0, sem1) = refs
        bufP, bufA, bufB = (bP0, bP1), (bA0, bA1), (bB0, bB1)
        srcv, dstv, sem = (sv0, sv1), (dv0, dv1), (sem0, sem1)
        if last:
            gidv = (gv0, gv1)

        c = lax.axis_index("c")
        s = lax.axis_index("s")
        wid = c * NS + s

        if last:
            _zero_fill(bP0)

            @pl.when(s == 0)
            def _():
                pltpu.sync_copy(bP0.at[pl.ds(0, NG)], acc_sh)
            pltpu.sync_copy(batch_hbm, batch_v)
            plsc.subcore_barrier()

        def jn(t):
            return wid + NW * t

        def descs(q, j):
            base = j * K
            return (
                pltpu.make_async_copy(p_hbm.at[pl.ds(base, K)], bufP[q],
                                      sem[q]),
                pltpu.make_async_copy(ha_hbm.at[srcv[q].at[0]], bufA[q],
                                      sem[q]),
                pltpu.make_async_copy(hb_hbm.at[dstv[q].at[0]], bufB[q],
                                      sem[q]),
            )

        def start(q, j, ds_):
            pltpu.sync_copy(src1.at[pl.ds(j * K, K)], srcv[q].at[0])
            pltpu.sync_copy(dst1.at[pl.ds(j * K, K)], dstv[q].at[0])
            for d in ds_:
                d.start()

        cvec = jnp.where(
            lax.broadcasted_iota(jnp.int32, (16,), 0) == (H - 64),
            1.0, 0.0).astype(_f32)

        def compute(par, t):
            if last:
                for o in range(128 // 16):
                    sv = srcv[par][0, pl.ds(o * 16, 16)]
                    gidv[par][0, pl.ds(o * 16, 16)] = \
                        plsc.load_gather(batch_v, [sv])

            @plsc.parallel_loop(0, K, unroll=4)
            def _(r):
                for g in range(NGRP):
                    sl = pl.ds(g * 16, 16)
                    t2 = jnp.maximum(
                        bufA[par][r, sl] + bufB[par][r, sl]
                        + bufP[par][r, sl], 0.0)
                    if last and g == NGRP - 1:
                        t2 = t2 + cvec
                    bufP[par][r, sl] = t2

            if last:
                pltpu.sync_copy(bufP[par], acc_sh.at[gidv[par].at[0]],
                                add=True)
            else:
                pltpu.sync_copy(bufP[par], e_out.at[pl.ds(jn(t) * K, K)])

        d0 = descs(0, jn(0))
        start(0, jn(0), d0)
        for d in d0:
            d.wait()

        def step(tt, carry):
            for par in (0, 1):
                t = 2 * tt + par
                jnext = jn(t + 1)
                dn = descs(1 - par, jnext)

                @pl.when(jnext < NJ)
                def _():
                    start(1 - par, jnext, dn)

                @pl.when((t < NT) & (jn(t) < NJ))
                def _():
                    compute(par, t)

                @pl.when(jnext < NJ)
                def _():
                    for d in dn:
                        d.wait()
            return carry

        lax.fori_loop(0, NT2, step, 0)

        if last:
            plsc.subcore_barrier()

            @pl.when(s == 0)
            def _():
                pltpu.sync_copy(acc_sh, g_out.at[c])

    return pl.kernel(body, out_type=out_type, mesh=_MESH,
                     scratch_types=scratch, compiler_params=_SC_PARAMS)


def _make_sc_scatter():
    out_type = jax.ShapeDtypeStruct((NC, N, HP), _f32)
    scratch = [
        pltpu.VMEM((K, HP), _f32), pltpu.VMEM((K, HP), _f32),
        pltpu.VMEM((1, 128), jnp.int32), pltpu.VMEM((1, 128), jnp.int32),
        pltpu.SemaphoreType.DMA, pltpu.SemaphoreType.DMA,
        pltpu.VMEM_SHARED((N, HP), _f32),
    ]

    def body(e_hbm, dst1, m_out, bE0, bE1, dv0, dv1, sem0, sem1, acc_sh):
        bufE, dstv, sem = (bE0, bE1), (dv0, dv1), (sem0, sem1)
        c = lax.axis_index("c")
        s = lax.axis_index("s")
        wid = c * NS + s

        _zero_fill(bE0)
        _seed_node_acc(s, bE0, acc_sh)
        plsc.subcore_barrier()

        def jn(t):
            return wid + NW * t

        def desc(q, j):
            return pltpu.make_async_copy(e_hbm.at[pl.ds(j * K, K)], bufE[q],
                                         sem[q])

        def start(q, j, d):
            pltpu.sync_copy(dst1.at[pl.ds(j * K, K)], dstv[q].at[0])
            d.start()

        d0 = desc(0, jn(0))
        start(0, jn(0), d0)
        d0.wait()

        def step(tt, carry):
            for par in (0, 1):
                t = 2 * tt + par
                jnext = jn(t + 1)
                dn = desc(1 - par, jnext)

                @pl.when(jnext < NJ)
                def _():
                    start(1 - par, jnext, dn)

                @pl.when((t < NT) & (jn(t) < NJ))
                def _():
                    pltpu.sync_copy(bufE[par], acc_sh.at[dstv[par].at[0]],
                                    add=True)

                @pl.when(jnext < NJ)
                def _():
                    dn.wait()
            return carry

        lax.fori_loop(0, NT2, step, 0)
        plsc.subcore_barrier()
        _flush_node_acc(c, s, acc_sh, m_out)

    return pl.kernel(body, out_type=out_type, mesh=_MESH,
                     scratch_types=scratch, compiler_params=_SC_PARAMS)


_sc_gather = _make_sc_gather(last=False)
_sc_scatter = _make_sc_scatter()
_sc_round_last = _make_sc_gather(last=True)



def kernel(x, edge_attr, edge_index, batch, Wex, bex, Wee, bee, Wni, bni,
           Wei, bei, We, be, Wn, bn, Weo, beo, Wr1, br1, Wr2, br2):
    src1 = edge_index[0]
    dst1 = edge_index[1]

    def padw(w, r, c):
        return jnp.zeros((r, c), _f32).at[: w.shape[0], : w.shape[1]].set(w)

    def padb(b, c):
        return jnp.zeros((1, c), _f32).at[0, : b.shape[0]].set(b)

    Wni_p = padw(Wni, 128, HP)
    bni_p = padb(bni, HP)
    Wei_p = padw(Wei, 128, HP)
    bei_p = padb(bei, HP)
    WeA = [padw(We[l, :H, :], HP, HP) for l in range(3)]
    WeB = [padw(We[l, H:2 * H, :], HP, HP) for l in range(3)]
    WeC = [padw(We[l, 2 * H:, :], HP, HP) for l in range(3)]
    beA = [padb(be[l], HP) for l in range(3)]
    WnA = [padw(Wn[l, :H, :], HP, HP) for l in range(2)]
    WnB = [padw(Wn[l, H:, :], HP, HP) for l in range(2)]
    bnp = [padb(bn[l], HP) for l in range(2)]
    Weo_p = padw(Weo, HP, DOUT).at[H, :].set(beo)
    Wr2_p = padw(Wr2, DOUT, 8)
    br2_p = padb(br2, 8)

    h0, hA0, hB0 = _node_prologue(x, Wex, bex.reshape(1, 128), Wni_p, bni_p,
                                  WeA[0], WeB[0], beA[0])
    p0 = _edge_prologue(edge_attr, Wee, bee.reshape(1, 128), Wei_p, bei_p,
                        WeC[0])

    stacked = (
        jnp.stack(WnA), jnp.stack(WnB), jnp.stack(bnp),
        jnp.stack(WeA[1:]), jnp.stack(WeB[1:]), jnp.stack(beA[1:]),
        jnp.stack(WeC[1:]),
    )

    def round_body(carry, ws):
        p, h, hA, hB = carry
        wna, wnb, bn_, wea, web, bea, wec = ws
        e_n = _sc_gather(p, hA, hB, src1, dst1)
        m = _sc_scatter(e_n, dst1)
        h_n, hA_n, hB_n = _node_update(h, m, wna, wnb, bn_, wea, web, bea)
        p_n = _p_matmul(e_n, wec)
        return (p_n, h_n, hA_n, hB_n), None

    (p2, _, hA2, hB2), _ = lax.scan(
        round_body, (p0, h0, hA0, hB0), stacked)
    G = _sc_round_last(p2, hA2, hB2, src1, dst1, batch)
    out8 = _final_readout(G, Weo_p, Wr1, br1.reshape(1, DOUT), Wr2_p, br2_p)
    return out8[:, :1]

# --- scband reference (transcript-rebuilt; emitter-appended) ---
"""Pipeline reference for scband-model-encoder-32744830664832 (READ-ONLY COPY).

The authoritative reference and input builder live on the scoring server;
editing this copy changes nothing except your own understanding.
"""

import jax, jax.numpy as jnp
import numpy as np

N, E, NG = 10000, 320000, 128
DX, DE = 128, 16
DIN, H, DOUT = 128, 76, 64


def _w(k, shape):
    fan_in = shape[-2]
    return jax.random.normal(k, shape, dtype=jnp.float32) * (1.0 / np.sqrt(fan_in))


def setup_inputs(seed: int = 0):
    key = jax.random.key(seed)
    ks = jax.random.split(key, 20)
    inp = {
        "x": jax.random.normal(ks[0], (N, DX), dtype=jnp.float32),
        "edge_attr": jax.random.normal(ks[1], (E, DE), dtype=jnp.float32),
        "edge_index": jax.random.randint(ks[2], (2, E), 0, N, dtype=jnp.int32),
        "batch": jnp.sort(jax.random.randint(ks[3], (N,), 0, NG, dtype=jnp.int32)),
        "Wex": _w(ks[4], (DX, DIN)), "bex": jnp.zeros((DIN,), jnp.float32),
        "Wee": _w(ks[5], (DE, DIN)), "bee": jnp.zeros((DIN,), jnp.float32),
        "Wni": _w(ks[6], (DIN, H)), "bni": jnp.zeros((H,), jnp.float32),
        "Wei": _w(ks[7], (DIN, H)), "bei": jnp.zeros((H,), jnp.float32),
        "We": _w(ks[8], (3, 3 * H, H)), "be": jnp.zeros((3, H), jnp.float32),
        "Wn": _w(ks[9], (3, 2 * H, H)), "bn": jnp.zeros((3, H), jnp.float32),
        "Weo": _w(ks[10], (H, DOUT)), "beo": jnp.zeros((DOUT,), jnp.float32),
        "Wr1": _w(ks[11], (DOUT, 64)), "br1": jnp.zeros((64,), jnp.float32),
        "Wr2": _w(ks[12], (64, 1)), "br2": jnp.zeros((1,), jnp.float32),
    }
    return inp


def reference(x, edge_attr, edge_index, batch, Wex, bex, Wee, bee, Wni, bni, Wei, bei, We, be, Wn, bn, Weo, beo, Wr1, br1, Wr2, br2):
    # NodeEdgeFeatEncoder: project raw node/edge feats to hidden_dim=input_dim (dropout skipped: eval mode)
    hx = jax.nn.relu(x @ Wex + bex)
    he = jax.nn.relu(edge_attr @ Wee + bee)
    # EdgeMPNN: input projections to hidden_dim=76
    h = jax.nn.relu(hx @ Wni + bni)
    e = jax.nn.relu(he @ Wei + bei)
    src, dst = edge_index[0], edge_index[1]
    for l in range(3):
        # edge update from (h_src, h_dst, e), then message aggregation (scatter-add to dst), node update
        e = jax.nn.relu(jnp.concatenate([h[src], h[dst], e], axis=-1) @ We[l] + be[l])
        m = jax.ops.segment_sum(e, dst, num_segments=N)
        h = jax.nn.relu(jnp.concatenate([h, m], axis=-1) @ Wn[l] + bn[l])
    # edge output projection to edge_out_dim=64 (node branch unused: use_nodes=False)
    e_out = e @ Weo + beo
    # MLPEdgeReadout: pool edges per-graph (graph id of an edge = batch[src]) then MLP 64->64->out_dim
    edge_graph = batch[src]
    pooled = jax.ops.segment_sum(e_out, edge_graph, num_segments=NG)
    return jax.nn.relu(pooled @ Wr1 + br1) @ Wr2 + br2

if __name__ == "__main__":
    import jax
    _d = setup_inputs()
    print(jax.jit(kernel)(*tuple(_d.values())))

</pallas_src>

<mosaic_0001>
#map = affine_map<(d0, d1) -> (0, 0)>
#map1 = affine_map<(d0, d1) -> (0)>
#map2 = affine_map<(d0, d1) -> (0, 0, 0)>
module attributes {stable_mosaic.version = 14 : i64} {
  func.func @body(%arg0: i32, %arg1: i32, %arg2: memref<320000x128xf32, #tpu.memory_space<hbm>>, %arg3: memref<320000xi32, #tpu.memory_space<hbm>>, %arg4: memref<2x10000x128xf32, #tpu.memory_space<hbm>>, %arg5: memref<128x128xf32, #tpu.memory_space<vmem>>, %arg6: memref<128x128xf32, #tpu.memory_space<vmem>>, %arg7: memref<1x128xi32, #tpu.memory_space<vmem>>, %arg8: memref<1x128xi32, #tpu.memory_space<vmem>>, %arg9: memref<!tpu.dma_semaphore, #tpu.memory_space<semaphore_mem>>, %arg10: memref<!tpu.dma_semaphore, #tpu.memory_space<semaphore_mem>>, %arg11: memref<10000x128xf32, #tpu.memory_space<vmem_shared>>) attributes {dimension_semantics = [#tpu.dimension_semantics<core_parallel>, #tpu.dimension_semantics<subcore_parallel>], iteration_bounds = array<i64: 2, 16>, scalar_prefetch = 0 : i64, scratch_operands = 7 : i64, tpu.core_type = #tpu.core_type<sc_vector_subcore>, window_params = [{transform_indices = #map}, {transform_indices = #map1}, {transform_indices = #map2}]} {
    %mul3A = arith.constant 16 : i32
    %mul3A_0 = arith.muli %arg0, %mul3A : i32
    %add3A = arith.addi %mul3A_0, %arg1 : i32
    %broadcast_in_dim3A = arith.constant 0.000000e+00 : f32
    %broadcast_in_dim3A_1 = vector.broadcast %broadcast_in_dim3A : f32 to vector<16xf32>
    %parallel_loop3A = arith.constant 0 : i32
    %parallel_loop3A_2 = arith.constant 128 : i32
    %parallel_loop3A_3 = arith.constant 1 : i32
    scf.for %parallel_loop3A_45 = %parallel_loop3A to %parallel_loop3A_2 step %parallel_loop3A_3  : i32 {
      %parallel_loop3A_46 = arith.index_cast %parallel_loop3A_45 : i32 to index
      %parallel_loop3A_47 = arith.constant 0 : index
      %parallel_loop3A_48 = tpu.vector_load %arg5[%parallel_loop3A_46, %parallel_loop3A_47] {strides = array<i32>} : memref<128x128xf32, #tpu.memory_space<vmem>>, vector<16xf32>,
      tpu.vector_store %arg5[%parallel_loop3A_46, %parallel_loop3A_47], %broadcast_in_dim3A_1 {strides = array<i32>} : memref<128x128xf32, #tpu.memory_space<vmem>>, vector<16xf32>,
      %parallel_loop3A_49 = arith.index_cast %parallel_loop3A_45 : i32 to index
      %parallel_loop3A_50 = arith.constant 16 : index
      %parallel_loop3A_51 = tpu.vector_load %arg5[%parallel_loop3A_49, %parallel_loop3A_50] {strides = array<i32>} : memref<128x128xf32, #tpu.memory_space<vmem>>, vector<16xf32>,
      tpu.vector_store %arg5[%parallel_loop3A_49, %parallel_loop3A_50], %broadcast_in_dim3A_1 {strides = array<i32>} : memref<128x128xf32, #tpu.memory_space<vmem>>, vector<16xf32>,
      %parallel_loop3A_52 = arith.index_cast %parallel_loop3A_45 : i32 to index
      %parallel_loop3A_53 = arith.constant 32 : index
      %parallel_loop3A_54 = tpu.vector_load %arg5[%parallel_loop3A_52, %parallel_loop3A_53] {strides = array<i32>} : memref<128x128xf32, #tpu.memory_space<vmem>>, vector<16xf32>,
      tpu.vector_store %arg5[%parallel_loop3A_52, %parallel_loop3A_53], %broadcast_in_dim3A_1 {strides = array<i32>} : memref<128x128xf32, #tpu.memory_space<vmem>>, vector<16xf32>,
      %parallel_loop3A_55 = arith.index_cast %parallel_loop3A_45 : i32 to index
      %parallel_loop3A_56 = arith.constant 48 : index
      %parallel_loop3A_57 = tpu.vector_load %arg5[%parallel_loop3A_55, %parallel_loop3A_56] {strides = array<i32>} : memref<128x128xf32, #tpu.memory_space<vmem>>, vector<16xf32>,
      tpu.vector_store %arg5[%parallel_loop3A_55, %parallel_loop3A_56], %broadcast_in_dim3A_1 {strides = array<i32>} : memref<128x128xf32, #tpu.memory_space<vmem>>, vector<16xf32>,
      %parallel_loop3A_58 = arith.index_cast %parallel_loop3A_45 : i32 to index
      %parallel_loop3A_59 = arith.constant 64 : index
      %parallel_loop3A_60 = tpu.vector_load %arg5[%parallel_loop3A_58, %parallel_loop3A_59] {strides = array<i32>} : memref<128x128xf32, #tpu.memory_space<vmem>>, vector<16xf32>,
      tpu.vector_store %arg5[%parallel_loop3A_58, %parallel_loop3A_59], %broadcast_in_dim3A_1 {strides = array<i32>} : memref<128x128xf32, #tpu.memory_space<vmem>>, vector<16xf32>,
      %parallel_loop3A_61 = arith.index_cast %parallel_loop3A_45 : i32 to index
      %parallel_loop3A_62 = arith.constant 80 : index
      %parallel_loop3A_63 = tpu.vector_load %arg5[%parallel_loop3A_61, %parallel_loop3A_62] {strides = array<i32>} : memref<128x128xf32, #tpu.memory_space<vmem>>, vector<16xf32>,
      tpu.vector_store %arg5[%parallel_loop3A_61, %parallel_loop3A_62], %broadcast_in_dim3A_1 {strides = array<i32>} : memref<128x128xf32, #tpu.memory_space<vmem>>, vector<16xf32>,
      %parallel_loop3A_64 = arith.index_cast %parallel_loop3A_45 : i32 to index
      %parallel_loop3A_65 = arith.constant 96 : index
      %parallel_loop3A_66 = tpu.vector_load %arg5[%parallel_loop3A_64, %parallel_loop3A_65] {strides = array<i32>} : memref<128x128xf32, #tpu.memory_space<vmem>>, vector<16xf32>,
      tpu.vector_store %arg5[%parallel_loop3A_64, %parallel_loop3A_65], %broadcast_in_dim3A_1 {strides = array<i32>} : memref<128x128xf32, #tpu.memory_space<vmem>>, vector<16xf32>,
      %parallel_loop3A_67 = arith.index_cast %parallel_loop3A_45 : i32 to index
      %parallel_loop3A_68 = arith.constant 112 : index
      %parallel_loop3A_69 = tpu.vector_load %arg5[%parallel_loop3A_67, %parallel_loop3A_68] {strides = array<i32>} : memref<128x128xf32, #tpu.memory_space<vmem>>, vector<16xf32>,
      tpu.vector_store %arg5[%parallel_loop3A_67, %parallel_loop3A_68], %broadcast_in_dim3A_1 {strides = array<i32>} : memref<128x128xf32, #tpu.memory_space<vmem>>, vector<16xf32>,
    } {sc.loop_unroll_factor = 8 : i64, sc.parallel_access}
    %mul3A_4 = arith.constant 624 : i32
    %mul3A_5 = arith.muli %arg1, %mul3A_4 : i32
    %add3A_6 = arith.constant 0 : i32
    %add3A_7 = arith.addi %mul3A_5, %add3A_6 : i32
    "tpu.region"() ({
      %run_scoped3A_45 = tpu.sem_alloc : memref<!tpu.dma_semaphore, #tpu.memory_space<semaphore_mem>>
      %dma_start3A_46 = arith.constant 0 : i32
      %dma_start3A_47 = tpu.memref_slice %arg11[%add3A_7, %dma_start3A_46] : memref<10000x128xf32, #tpu.memory_space<vmem_shared>> -> memref<128x128xf32, #tpu.memory_space<vmem_shared>>
      %dma_start3A_48 = arith.constant 0 : i32
      %dma_start3A_49 = tpu.memref_slice %arg11[%add3A_7, %dma_start3A_48] : memref<10000x128xf32, #tpu.memory_space<vmem_shared>> -> memref<128x128xf32, #tpu.memory_space<vmem_shared>>
      tpu.enqueue_dma source(%arg5 : memref<128x128xf32, #tpu.memory_space<vmem>>) target(%dma_start3A_49 : memref<128x128xf32, #tpu.memory_space<vmem_shared>>) target_semaphore(%run_scoped3A_45 : memref<!tpu.dma_semaphore, #tpu.memory_space<semaphore_mem>>)
      %dma_wait3A_50 = arith.constant 0 : i32
      %dma_wait3A_51 = tpu.memref_slice %arg11[%add3A_7, %dma_wait3A_50] : memref<10000x128xf32, #tpu.memory_space<vmem_shared>> -> memref<128x128xf32, #tpu.memory_space<vmem_shared>>
      %dma_wait3A_52 = arith.constant 0 : i32
      %dma_wait3A_53 = tpu.memref_slice %arg11[%add3A_7, %dma_wait3A_52] : memref<10000x128xf32, #tpu.memory_space<vmem_shared>> -> memref<128x128xf32, #tpu.memory_space<vmem_shared>>
      tpu.wait_dma2 semaphore(%run_scoped3A_45 : memref<!tpu.dma_semaphore, #tpu.memory_space<semaphore_mem>>) src(%arg5 : memref<128x128xf32, #tpu.memory_space<vmem>>) dst(%dma_wait3A_53 : memref<128x128xf32, #tpu.memory_space<vmem_shared>>)
      tpu.yield
    }) : () -> ()
    %add3A_8 = arith.constant 128 : i32
    %add3A_9 = arith.addi %mul3A_5, %add3A_8 : i32
    "tpu.region"() ({
      %run_scoped3A_45 = tpu.sem_alloc : memref<!tpu.dma_semaphore, #tpu.memory_space<semaphore_mem>>
      %dma_start3A_46 = arith.constant 0 : i32
      %dma_start3A_47 = tpu.memref_slice %arg11[%add3A_9, %dma_start3A_46] : memref<10000x128xf32, #tpu.memory_space<vmem_shared>> -> memref<128x128xf32, #tpu.memory_space<vmem_shared>>
      %dma_start3A_48 = arith.constant 0 : i32
      %dma_start3A_49 = tpu.memref_slice %arg11[%add3A_9, %dma_start3A_48] : memref<10000x128xf32, #tpu.memory_space<vmem_shared>> -> memref<128x128xf32, #tpu.memory_space<vmem_shared>>
      tpu.enqueue_dma source(%arg5 : memref<128x128xf32, #tpu.memory_space<vmem>>) target(%dma_start3A_49 : memref<128x128xf32, #tpu.memory_space<vmem_shared>>) target_semaphore(%run_scoped3A_45 : memref<!tpu.dma_semaphore, #tpu.memory_space<semaphore_mem>>)
      %dma_wait3A_50 = arith.constant 0 : i32
      %dma_wait3A_51 = tpu.memref_slice %arg11[%add3A_9, %dma_wait3A_50] : memref<10000x128xf32, #tpu.memory_space<vmem_shared>> -> memref<128x128xf32, #tpu.memory_space<vmem_shared>>
      %dma_wait3A_52 = arith.constant 0 : i32
      %dma_wait3A_53 = tpu.memref_slice %arg11[%add3A_9, %dma_wait3A_52] : memref<10000x128xf32, #tpu.memory_space<vmem_shared>> -> memref<128x128xf32, #tpu.memory_space<vmem_shared>>
      tpu.wait_dma2 semaphore(%run_scoped3A_45 : memref<!tpu.dma_semaphore, #tpu.memory_space<semaphore_mem>>) src(%arg5 : memref<128x128xf32, #tpu.memory_space<vmem>>) dst(%dma_wait3A_53 : memref<128x128xf32, #tpu.memory_space<vmem_shared>>)
      tpu.yield
    }) : () -> ()
    %add3A_10 = arith.constant 256 : i32
    %add3A_11 = arith.addi %mul3A_5, %add3A_10 : i32
    "tpu.region"() ({
      %run_scoped3A_45 = tpu.sem_alloc : memref<!tpu.dma_semaphore, #tpu.memory_space<semaphore_mem>>
      %dma_start3A_46 = arith.constant 0 : i32
      %dma_start3A_47 = tpu.memref_slice %arg11[%add3A_11, %dma_start3A_46] : memref<10000x128xf32, #tpu.memory_space<vmem_shared>> -> memref<128x128xf32, #tpu.memory_space<vmem_shared>>
      %dma_start3A_48 = arith.constant 0 : i32
      %dma_start3A_49 = tpu.memref_slice %arg11[%add3A_11, %dma_start3A_48] : memref<10000x128xf32, #tpu.memory_space<vmem_shared>> -> memref<128x128xf32, #tpu.memory_space<vmem_shared>>
      tpu.enqueue_dma source(%arg5 : memref<128x128xf32, #tpu.memory_space<vmem>>) target(%dma_start3A_49 : memref<128x128xf32, #tpu.memory_space<vmem_shared>>) target_semaphore(%run_scoped3A_45 : memref<!tpu.dma_semaphore, #tpu.memory_space<semaphore_mem>>)
      %dma_wait3A_50 = arith.constant 0 : i32
      %dma_wait3A_51 = tpu.memref_slice %arg11[%add3A_11, %dma_wait3A_50] : memref<10000x128xf32, #tpu.memory_space<vmem_shared>> -> memref<128x128xf32, #tpu.memory_space<vmem_shared>>
      %dma_wait3A_52 = arith.constant 0 : i32
      %dma_wait3A_53 = tpu.memref_slice %arg11[%add3A_11, %dma_wait3A_52] : memref<10000x128xf32, #tpu.memory_space<vmem_shared>> -> memref<128x128xf32, #tpu.memory_space<vmem_shared>>
      tpu.wait_dma2 semaphore(%run_scoped3A_45 : memref<!tpu.dma_semaphore, #tpu.memory_space<semaphore_mem>>) src(%arg5 : memref<128x128xf32, #tpu.memory_space<vmem>>) dst(%dma_wait3A_53 : memref<128x128xf32, #tpu.memory_space<vmem_shared>>)
      tpu.yield
    }) : () -> ()
    %add3A_12 = arith.constant 384 : i32
    %add3A_13 = arith.addi %mul3A_5, %add3A_12 : i32
    "tpu.region"() ({
      %run_scoped3A_45 = tpu.sem_alloc : memref<!tpu.dma_semaphore, #tpu.memory_space<semaphore_mem>>
      %dma_start3A_46 = arith.constant 0 : i32
      %dma_start3A_47 = tpu.memref_slice %arg11[%add3A_13, %dma_start3A_46] : memref<10000x128xf32, #tpu.memory_space<vmem_shared>> -> memref<128x128xf32, #tpu.memory_space<vmem_shared>>
      %dma_start3A_48 = arith.constant 0 : i32
      %dma_start3A_49 = tpu.memref_slice %arg11[%add3A_13, %dma_start3A_48] : memref<10000x128xf32, #tpu.memory_space<vmem_shared>> -> memref<128x128xf32, #tpu.memory_space<vmem_shared>>
      tpu.enqueue_dma source(%arg5 : memref<128x128xf32, #tpu.memory_space<vmem>>) target(%dma_start3A_49 : memref<128x128xf32, #tpu.memory_space<vmem_shared>>) target_semaphore(%run_scoped3A_45 : memref<!tpu.dma_semaphore, #tpu.memory_space<semaphore_mem>>)
      %dma_wait3A_50 = arith.constant 0 : i32
      %dma_wait3A_51 = tpu.memref_slice %arg11[%add3A_13, %dma_wait3A_50] : memref<10000x128xf32, #tpu.memory_space<vmem_shared>> -> memref<128x128xf32, #tpu.memory_space<vmem_shared>>
      %dma_wait3A_52 = arith.constant 0 : i32
      %dma_wait3A_53 = tpu.memref_slice %arg11[%add3A_13, %dma_wait3A_52] : memref<10000x128xf32, #tpu.memory_space<vmem_shared>> -> memref<128x128xf32, #tpu.memory_space<vmem_shared>>
      tpu.wait_dma2 semaphore(%run_scoped3A_45 : memref<!tpu.dma_semaphore, #tpu.memory_space<semaphore_mem>>) src(%arg5 : memref<128x128xf32, #tpu.memory_space<vmem>>) dst(%dma_wait3A_53 : memref<128x128xf32, #tpu.memory_space<vmem_shared>>)
      tpu.yield
    }) : () -> ()
    %add3A_14 = arith.constant 512 : i32
    %add3A_15 = arith.addi %mul3A_5, %add3A_14 : i32
    "tpu.region"() ({
      %run_scoped3A_45 = tpu.sem_alloc : memref<!tpu.dma_semaphore, #tpu.memory_space<semaphore_mem>>
      %dma_start3A_46 = arith.constant 0 : i32
      %dma_start3A_47 = arith.constant 0 : i32
      %dma_start3A_48 = tpu.memref_slice %arg5[%dma_start3A_46, %dma_start3A_47] : memref<128x128xf32, #tpu.memory_space<vmem>> -> memref<112x128xf32, #tpu.memory_space<vmem>>
      %dma_start3A_49 = arith.constant 0 : i32
      %dma_start3A_50 = tpu.memref_slice %arg11[%add3A_15, %dma_start3A_49] : memref<10000x128xf32, #tpu.memory_space<vmem_shared>> -> memref<112x128xf32, #tpu.memory_space<vmem_shared>>
      %dma_start3A_51 = arith.constant 0 : i32
      %dma_start3A_52 = tpu.memref_slice %arg11[%add3A_15, %dma_start3A_51] : memref<10000x128xf32, #tpu.memory_space<vmem_shared>> -> memref<112x128xf32, #tpu.memory_space<vmem_shared>>
      %dma_start3A_53 = arith.constant 0 : i32
      %dma_start3A_54 = arith.constant 0 : i32
      %dma_start3A_55 = tpu.memref_slice %arg5[%dma_start3A_53, %dma_start3A_54] : memref<128x128xf32, #tpu.memory_space<vmem>> -> memref<112x128xf32, #tpu.memory_space<vmem>>
      tpu.enqueue_dma source(%dma_start3A_55 : memref<112x128xf32, #tpu.memory_space<vmem>>) target(%dma_start3A_52 : memref<112x128xf32, #tpu.memory_space<vmem_shared>>) target_semaphore(%run_scoped3A_45 : memref<!tpu.dma_semaphore, #tpu.memory_space<semaphore_mem>>)
      %dma_wait3A_56 = arith.constant 0 : i32
      %dma_wait3A_57 = arith.constant 0 : i32
      %dma_wait3A_58 = tpu.memref_slice %arg5[%dma_wait3A_56, %dma_wait3A_57] : memref<128x128xf32, #tpu.memory_space<vmem>> -> memref<112x128xf32, #tpu.memory_space<vmem>>
      %dma_wait3A_59 = arith.constant 0 : i32
      %dma_wait3A_60 = tpu.memref_slice %arg11[%add3A_15, %dma_wait3A_59] : memref<10000x128xf32, #tpu.memory_space<vmem_shared>> -> memref<112x128xf32, #tpu.memory_space<vmem_shared>>
      %dma_wait3A_61 = arith.constant 0 : i32
      %dma_wait3A_62 = tpu.memref_slice %arg11[%add3A_15, %dma_wait3A_61] : memref<10000x128xf32, #tpu.memory_space<vmem_shared>> -> memref<112x128xf32, #tpu.memory_space<vmem_shared>>
      %dma_wait3A_63 = arith.constant 0 : i32
      %dma_wait3A_64 = arith.constant 0 : i32
      %dma_wait3A_65 = tpu.memref_slice %arg5[%dma_wait3A_63, %dma_wait3A_64] : memref<128x128xf32, #tpu.memory_space<vmem>> -> memref<112x128xf32, #tpu.memory_space<vmem>>
      tpu.wait_dma2 semaphore(%run_scoped3A_45 : memref<!tpu.dma_semaphore, #tpu.memory_space<semaphore_mem>>) src(%dma_wait3A_65 : memref<112x128xf32, #tpu.memory_space<vmem>>) dst(%dma_wait3A_62 : memref<112x128xf32, #tpu.memory_space<vmem_shared>>)
      tpu.yield
    }) : () -> ()
    %eq3A = arith.constant 15 : i32
    %eq3A_16 = arith.cmpi eq, %arg1, %eq3A : i32
    %convert_element_type3A = arith.extui %eq3A_16 : i1 to i32
    %cond3A = arith.constant 0 : i32
    %cond3A_17 = arith.cmpi ne, %convert_element_type3A, %cond3A : i32
    scf.if %cond3A_17 {
      "tpu.region"() ({
        %run_scoped3A_45 = tpu.sem_alloc : memref<!tpu.dma_semaphore, #tpu.memory_space<semaphore_mem>>
        %dma_start3A_46 = arith.constant 0 : i32
        %dma_start3A_47 = arith.constant 0 : i32
        %dma_start3A_48 = tpu.memref_slice %arg5[%dma_start3A_46, %dma_start3A_47] : memref<128x128xf32, #tpu.memory_space<vmem>> -> memref<16x128xf32, #tpu.memory_space<vmem>>
        %dma_start3A_49 = arith.constant 9984 : i32
        %dma_start3A_50 = arith.constant 0 : i32
        %dma_start3A_51 = tpu.memref_slice %arg11[%dma_start3A_49, %dma_start3A_50] : memref<10000x128xf32, #tpu.memory_space<vmem_shared>> -> memref<16x128xf32, #tpu.memory_space<vmem_shared>>
        %dma_start3A_52 = arith.constant 9984 : i32
        %dma_start3A_53 = arith.constant 0 : i32
        %dma_start3A_54 = tpu.memref_slice %arg11[%dma_start3A_52, %dma_start3A_53] : memref<10000x128xf32, #tpu.memory_space<vmem_shared>> -> memref<16x128xf32, #tpu.memory_space<vmem_shared>>
        %dma_start3A_55 = arith.constant 0 : i32
        %dma_start3A_56 = arith.constant 0 : i32
        %dma_start3A_57 = tpu.memref_slice %arg5[%dma_start3A_55, %dma_start3A_56] : memref<128x128xf32, #tpu.memory_space<vmem>> -> memref<16x128xf32, #tpu.memory_space<vmem>>
        tpu.enqueue_dma source(%dma_start3A_57 : memref<16x128xf32, #tpu.memory_space<vmem>>) target(%dma_start3A_54 : memref<16x128xf32, #tpu.memory_space<vmem_shared>>) target_semaphore(%run_scoped3A_45 : memref<!tpu.dma_semaphore, #tpu.memory_space<semaphore_mem>>)
        %dma_wait3A_58 = arith.constant 0 : i32
        %dma_wait3A_59 = arith.constant 0 : i32
        %dma_wait3A_60 = tpu.memref_slice %arg5[%dma_wait3A_58, %dma_wait3A_59] : memref<128x128xf32, #tpu.memory_space<vmem>> -> memref<16x128xf32, #tpu.memory_space<vmem>>
        %dma_wait3A_61 = arith.constant 9984 : i32
        %dma_wait3A_62 = arith.constant 0 : i32
        %dma_wait3A_63 = tpu.memref_slice %arg11[%dma_wait3A_61, %dma_wait3A_62] : memref<10000x128xf32, #tpu.memory_space<vmem_shared>> -> memref<16x128xf32, #tpu.memory_space<vmem_shared>>
        %dma_wait3A_64 = arith.constant 9984 : i32
        %dma_wait3A_65 = arith.constant 0 : i32
        %dma_wait3A_66 = tpu.memref_slice %arg11[%dma_wait3A_64, %dma_wait3A_65] : memref<10000x128xf32, #tpu.memory_space<vmem_shared>> -> memref<16x128xf32, #tpu.memory_space<vmem_shared>>
        %dma_wait3A_67 = arith.constant 0 : i32
        %dma_wait3A_68 = arith.constant 0 : i32
        %dma_wait3A_69 = tpu.memref_slice %arg5[%dma_wait3A_67, %dma_wait3A_68] : memref<128x128xf32, #tpu.memory_space<vmem>> -> memref<16x128xf32, #tpu.memory_space<vmem>>
        tpu.wait_dma2 semaphore(%run_scoped3A_45 : memref<!tpu.dma_semaphore, #tpu.memory_space<semaphore_mem>>) src(%dma_wait3A_69 : memref<16x128xf32, #tpu.memory_space<vmem>>) dst(%dma_wait3A_66 : memref<16x128xf32, #tpu.memory_space<vmem_shared>>)
        tpu.yield
      }) : () -> ()
    } else {
    }
    %barrier3A = arith.constant 0 : index
    tpu.barrier barrier_id(%barrier3A)
    %add3A_18 = arith.constant 0 : i32
    %add3A_19 = arith.addi %add3A, %add3A_18 : i32
    %mul3A_20 = arith.constant 128 : i32
    %mul3A_21 = arith.muli %add3A_19, %mul3A_20 : i32
    %add3A_22 = arith.constant 0 : i32
    %add3A_23 = arith.addi %add3A, %add3A_22 : i32
    %mul3A_24 = arith.constant 128 : i32
    %mul3A_25 = arith.muli %add3A_23, %mul3A_24 : i32
    %run_scoped3A = arith.constant 0 : i32
    "tpu.region"() ({
      %run_scoped3A_45 = tpu.sem_alloc : memref<!tpu.dma_semaphore, #tpu.memory_space<semaphore_mem>>
      %dma_start3A_46 = arith.constant 0 : i32
      %dma_start3A_47 = tpu.memref_slice %arg7[%run_scoped3A, %dma_start3A_46] : memref<1x128xi32, #tpu.memory_space<vmem>> -> memref<1x128xi32, #tpu.memory_space<vmem>>
      %dma_start3A_48 = tpu.memref_squeeze %dma_start3A_47 : memref<1x128xi32, #tpu.memory_space<vmem>> -> memref<128xi32, #tpu.memory_space<vmem>>
      %dma_start3A_49 = tpu.memref_slice %arg3[%mul3A_25] : memref<320000xi32, #tpu.memory_space<hbm>> -> memref<128xi32, #tpu.memory_space<hbm>>
      %dma_start3A_50 = arith.constant 0 : i32
      %dma_start3A_51 = tpu.memref_slice %arg7[%run_scoped3A, %dma_start3A_50] : memref<1x128xi32, #tpu.memory_space<vmem>> -> memref<1x128xi32, #tpu.memory_space<vmem>>
      %dma_start3A_52 = tpu.memref_squeeze %dma_start3A_51 : memref<1x128xi32, #tpu.memory_space<vmem>> -> memref<128xi32, #tpu.memory_space<vmem>>
      %dma_start3A_53 = tpu.memref_slice %arg3[%mul3A_25] : memref<320000xi32, #tpu.memory_space<hbm>> -> memref<128xi32, #tpu.memory_space<hbm>>
      tpu.enqueue_dma source(%dma_start3A_53 : memref<128xi32, #tpu.memory_space<hbm>>) target(%dma_start3A_52 : memref<128xi32, #tpu.memory_space<vmem>>) target_semaphore(%run_scoped3A_45 : memref<!tpu.dma_semaphore, #tpu.memory_space<semaphore_mem>>)
      %dma_wait3A_54 = arith.constant 0 : i32
      %dma_wait3A_55 = tpu.memref_slice %arg7[%run_scoped3A, %dma_wait3A_54] : memref<1x128xi32, #tpu.memory_space<vmem>> -> memref<1x128xi32, #tpu.memory_space<vmem>>
      %dma_wait3A_56 = tpu.memref_squeeze %dma_wait3A_55 : memref<1x128xi32, #tpu.memory_space<vmem>> -> memref<128xi32, #tpu.memory_space<vmem>>
      %dma_wait3A_57 = tpu.memref_slice %arg3[%mul3A_25] : memref<320000xi32, #tpu.memory_space<hbm>> -> memref<128xi32, #tpu.memory_space<hbm>>
      %dma_wait3A_58 = arith.constant 0 : i32
      %dma_wait3A_59 = tpu.memref_slice %arg7[%run_scoped3A, %dma_wait3A_58] : memref<1x128xi32, #tpu.memory_space<vmem>> -> memref<1x128xi32, #tpu.memory_space<vmem>>
      %dma_wait3A_60 = tpu.memref_squeeze %dma_wait3A_59 : memref<1x128xi32, #tpu.memory_space<vmem>> -> memref<128xi32, #tpu.memory_space<vmem>>
      %dma_wait3A_61 = tpu.memref_slice %arg3[%mul3A_25] : memref<320000xi32, #tpu.memory_space<hbm>> -> memref<128xi32, #tpu.memory_space<hbm>>
      tpu.wait_dma2 semaphore(%run_scoped3A_45 : memref<!tpu.dma_semaphore, #tpu.memory_space<semaphore_mem>>) src(%dma_wait3A_61 : memref<128xi32, #tpu.memory_space<hbm>>) dst(%dma_wait3A_60 : memref<128xi32, #tpu.memory_space<vmem>>)
      tpu.yield
    }) : () -> ()
    %dma_start3A = arith.constant 0 : i32
    %dma_start3A_26 = tpu.memref_slice %arg2[%mul3A_21, %dma_start3A] : memref<320000x128xf32, #tpu.memory_space<hbm>> -> memref<128x128xf32, #tpu.memory_space<hbm>>
    %dma_start3A_27 = arith.constant 0 : i32
    %dma_start3A_28 = tpu.memref_slice %arg2[%mul3A_21, %dma_start3A_27] : memref<320000x128xf32, #tpu.memory_space<hbm>> -> memref<128x128xf32, #tpu.memory_space<hbm>>
    tpu.enqueue_dma source(%dma_start3A_28 : memref<128x128xf32, #tpu.memory_space<hbm>>) target(%arg5 : memref<128x128xf32, #tpu.memory_space<vmem>>) target_semaphore(%arg9 : memref<!tpu.dma_semaphore, #tpu.memory_space<semaphore_mem>>)
    %dma_wait3A = arith.constant 0 : i32
    %dma_wait3A_29 = tpu.memref_slice %arg2[%mul3A_21, %dma_wait3A] : memref<320000x128xf32, #tpu.memory_space<hbm>> -> memref<128x128xf32, #tpu.memory_space<hbm>>
    %dma_wait3A_30 = arith.constant 0 : i32
    %dma_wait3A_31 = tpu.memref_slice %arg2[%mul3A_21, %dma_wait3A_30] : memref<320000x128xf32, #tpu.memory_space<hbm>> -> memref<128x128xf32, #tpu.memory_space<hbm>>
    tpu.wait_dma2 semaphore(%arg9 : memref<!tpu.dma_semaphore, #tpu.memory_space<semaphore_mem>>) src(%dma_wait3A_31 : memref<128x128xf32, #tpu.memory_space<hbm>>) dst(%arg5 : memref<128x128xf32, #tpu.memory_space<vmem>>)
    %scan3A = arith.constant 0 : i32
    %scan3A_32 = arith.constant 0 : i32
    %scan3A_33 = arith.constant 40 : i32
    %scan3A_34 = arith.addi %scan3A_32, %scan3A_33 : i32
    %scan3A_35 = arith.constant 1 : i32
    scf.for %scan3A_45 = %scan3A_32 to %scan3A_34 step %scan3A_35  : i32 {
      %mul3A_46 = arith.constant 2 : i32
      %mul3A_47 = arith.muli %mul3A_46, %scan3A_45 : i32
      %add3A_48 = arith.constant 0 : i32
      %add3A_49 = arith.addi %mul3A_47, %add3A_48 : i32
      %add3A_50 = arith.constant 1 : i32
      %add3A_51 = arith.addi %add3A_49, %add3A_50 : i32
      %mul3A_52 = arith.constant 32 : i32
      %mul3A_53 = arith.muli %mul3A_52, %add3A_51 : i32
      %add3A_54 = arith.addi %add3A, %mul3A_53 : i32
      %mul3A_55 = arith.constant 128 : i32
      %mul3A_56 = arith.muli %add3A_54, %mul3A_55 : i32
      %lt3A = arith.constant 2500 : i32
      %lt3A_57 = arith.cmpi slt, %add3A_54, %lt3A : i32
      %convert_element_type3A_58 = arith.extui %lt3A_57 : i1 to i32
      %cond3A_59 = arith.constant 0 : i32
      %cond3A_60 = arith.cmpi ne, %convert_element_type3A_58, %cond3A_59 : i32
      scf.if %cond3A_60 {
        %mul3A_108 = arith.constant 128 : i32
        %mul3A_109 = arith.muli %add3A_54, %mul3A_108 : i32
        %run_scoped3A_110 = arith.constant 0 : i32
        "tpu.region"() ({
          %run_scoped3A_115 = tpu.sem_alloc : memref<!tpu.dma_semaphore, #tpu.memory_space<semaphore_mem>>
          %dma_start3A_116 = arith.constant 0 : i32
          %dma_start3A_117 = tpu.memref_slice %arg8[%run_scoped3A_110, %dma_start3A_116] : memref<1x128xi32, #tpu.memory_space<vmem>> -> memref<1x128xi32, #tpu.memory_space<vmem>>
          %dma_start3A_118 = tpu.memref_squeeze %dma_start3A_117 : memref<1x128xi32, #tpu.memory_space<vmem>> -> memref<128xi32, #tpu.memory_space<vmem>>
          %dma_start3A_119 = tpu.memref_slice %arg3[%mul3A_109] : memref<320000xi32, #tpu.memory_space<hbm>> -> memref<128xi32, #tpu.memory_space<hbm>>
          %dma_start3A_120 = arith.constant 0 : i32
          %dma_start3A_121 = tpu.memref_slice %arg8[%run_scoped3A_110, %dma_start3A_120] : memref<1x128xi32, #tpu.memory_space<vmem>> -> memref<1x128xi32, #tpu.memory_space<vmem>>
          %dma_start3A_122 = tpu.memref_squeeze %dma_start3A_121 : memref<1x128xi32, #tpu.memory_space<vmem>> -> memref<128xi32, #tpu.memory_space<vmem>>
          %dma_start3A_123 = tpu.memref_slice %arg3[%mul3A_109] : memref<320000xi32, #tpu.memory_space<hbm>> -> memref<128xi32, #tpu.memory_space<hbm>>
          tpu.enqueue_dma source(%dma_start3A_123 : memref<128xi32, #tpu.memory_space<hbm>>) target(%dma_start3A_122 : memref<128xi32, #tpu.memory_space<vmem>>) target_semaphore(%run_scoped3A_115 : memref<!tpu.dma_semaphore, #tpu.memory_space<semaphore_mem>>)
          %dma_wait3A_124 = arith.constant 0 : i32
          %dma_wait3A_125 = tpu.memref_slice %arg8[%run_scoped3A_110, %dma_wait3A_124] : memref<1x128xi32, #tpu.memory_space<vmem>> -> memref<1x128xi32, #tpu.memory_space<vmem>>
          %dma_wait3A_126 = tpu.memref_squeeze %dma_wait3A_125 : memref<1x128xi32, #tpu.memory_space<vmem>> -> memref<128xi32, #tpu.memory_space<vmem>>
          %dma_wait3A_127 = tpu.memref_slice %arg3[%mul3A_109] : memref<320000xi32, #tpu.memory_space<hbm>> -> memref<128xi32, #tpu.memory_space<hbm>>
          %dma_wait3A_128 = arith.constant 0 : i32
          %dma_wait3A_129 = tpu.memref_slice %arg8[%run_scoped3A_110, %dma_wait3A_128] : memref<1x128xi32, #tpu.memory_space<vmem>> -> memref<1x128xi32, #tpu.memory_space<vmem>>
          %dma_wait3A_130 = tpu.memref_squeeze %dma_wait3A_129 : memref<1x128xi32, #tpu.memory_space<vmem>> -> memref<128xi32, #tpu.memory_space<vmem>>
          %dma_wait3A_131 = tpu.memref_slice %arg3[%mul3A_109] : memref<320000xi32, #tpu.memory_space<hbm>> -> memref<128xi32, #tpu.memory_space<hbm>>
          tpu.wait_dma2 semaphore(%run_scoped3A_115 : memref<!tpu.dma_semaphore, #tpu.memory_space<semaphore_mem>>) src(%dma_wait3A_131 : memref<128xi32, #tpu.memory_space<hbm>>) dst(%dma_wait3A_130 : memref<128xi32, #tpu.memory_space<vmem>>)
          tpu.yield
        }) : () -> ()
        %dma_start3A_111 = arith.constant 0 : i32
        %dma_start3A_112 = tpu.memref_slice %arg2[%mul3A_56, %dma_start3A_111] : memref<320000x128xf32, #tpu.memory_space<hbm>> -> memref<128x128xf32, #tpu.memory_space<hbm>>
        %dma_start3A_113 = arith.constant 0 : i32
        %dma_start3A_114 = tpu.memref_slice %arg2[%mul3A_56, %dma_start3A_113] : memref<320000x128xf32, #tpu.memory_space<hbm>> -> memref<128x128xf32, #tpu.memory_space<hbm>>
        tpu.enqueue_dma source(%dma_start3A_114 : memref<128x128xf32, #tpu.memory_space<hbm>>) target(%arg6 : memref<128x128xf32, #tpu.memory_space<vmem>>) target_semaphore(%arg10 : memref<!tpu.dma_semaphore, #tpu.memory_space<semaphore_mem>>)
      } else {
      }
      %lt3A_61 = arith.constant 79 : i32
      %lt3A_62 = arith.cmpi slt, %add3A_49, %lt3A_61 : i32
      %mul3A_63 = arith.constant 32 : i32
      %mul3A_64 = arith.muli %mul3A_63, %add3A_49 : i32
      %add3A_65 = arith.addi %add3A, %mul3A_64 : i32
      %lt3A_66 = arith.constant 2500 : i32
      %lt3A_67 = arith.cmpi slt, %add3A_65, %lt3A_66 : i32
      %and3A = arith.andi %lt3A_62, %lt3A_67 : i1
      %convert_element_type3A_68 = arith.extui %and3A : i1 to i32
      %cond3A_69 = arith.constant 0 : i32
      %cond3A_70 = arith.cmpi ne, %convert_element_type3A_68, %cond3A_69 : i32
      scf.if %cond3A_70 {
        %run_scoped3A_108 = arith.constant 0 : i32
        "tpu.region"() ({
          %run_scoped3A_109 = tpu.sem_alloc : memref<!tpu.dma_semaphore, #tpu.memory_space<semaphore_mem>>
          %dma_start3A_110 = arith.constant 0 : i32
          %dma_start3A_111 = tpu.memref_slice %arg7[%run_scoped3A_108, %dma_start3A_110] : memref<1x128xi32, #tpu.memory_space<vmem>> -> memref<1x128xi32, #tpu.memory_space<vmem>>
          %dma_start3A_112 = tpu.memref_squeeze %dma_start3A_111 : memref<1x128xi32, #tpu.memory_space<vmem>> -> memref<128xi32, #tpu.memory_space<vmem>>
          %dma_start3A_113 = arith.constant 0 : i32
          %dma_start3A_114 = arith.constant 0 : i32
          %dma_start3A_115 = tpu.memref_slice %arg11[%dma_start3A_113, %dma_start3A_114] : memref<10000x128xf32, #tpu.memory_space<vmem_shared>> -> memref<10000x128xf32, #tpu.memory_space<vmem_shared>>
          tpu.enqueue_indirect_dma source(%arg5 : memref<128x128xf32, #tpu.memory_space<vmem>>) target(%dma_start3A_115 : memref<10000x128xf32, #tpu.memory_space<vmem_shared>>) offsets(%dma_start3A_112 : memref<128xi32, #tpu.memory_space<vmem>>) semaphore(%run_scoped3A_109 : memref<!tpu.dma_semaphore, #tpu.memory_space<semaphore_mem>>) {add = true}
          %dma_wait3A_116 = arith.constant 0 : i32
          %dma_wait3A_117 = tpu.memref_slice %arg7[%run_scoped3A_108, %dma_wait3A_116] : memref<1x128xi32, #tpu.memory_space<vmem>> -> memref<1x128xi32, #tpu.memory_space<vmem>>
          %dma_wait3A_118 = tpu.memref_squeeze %dma_wait3A_117 : memref<1x128xi32, #tpu.memory_space<vmem>> -> memref<128xi32, #tpu.memory_space<vmem>>
          %dma_wait3A_119 = arith.constant 0 : i32
          %dma_wait3A_120 = arith.constant 0 : i32
          %dma_wait3A_121 = tpu.memref_slice %arg11[%dma_wait3A_119, %dma_wait3A_120] : memref<10000x128xf32, #tpu.memory_space<vmem_shared>> -> memref<10000x128xf32, #tpu.memory_space<vmem_shared>>
          tpu.wait_indirect_dma semaphore(%run_scoped3A_109 : memref<!tpu.dma_semaphore, #tpu.memory_space<semaphore_mem>>) src(%arg5 : memref<128x128xf32, #tpu.memory_space<vmem>>) dst(%dma_wait3A_121 : memref<10000x128xf32, #tpu.memory_space<vmem_shared>>)
          tpu.yield
        }) : () -> ()
      } else {
      }
      %lt3A_71 = arith.constant 2500 : i32
      %lt3A_72 = arith.cmpi slt, %add3A_54, %lt3A_71 : i32
      %convert_element_type3A_73 = arith.extui %lt3A_72 : i1 to i32
      %cond3A_74 = arith.constant 0 : i32
      %cond3A_75 = arith.cmpi ne, %convert_element_type3A_73, %cond3A_74 : i32
      scf.if %cond3A_75 {
        %dma_wait3A_108 = arith.constant 0 : i32
        %dma_wait3A_109 = tpu.memref_slice %arg2[%mul3A_56, %dma_wait3A_108] : memref<320000x128xf32, #tpu.memory_space<hbm>> -> memref<128x128xf32, #tpu.memory_space<hbm>>
        %dma_wait3A_110 = arith.constant 0 : i32
        %dma_wait3A_111 = tpu.memref_slice %arg2[%mul3A_56, %dma_wait3A_110] : memref<320000x128xf32, #tpu.memory_space<hbm>> -> memref<128x128xf32, #tpu.memory_space<hbm>>
        tpu.wait_dma2 semaphore(%arg10 : memref<!tpu.dma_semaphore, #tpu.memory_space<semaphore_mem>>) src(%dma_wait3A_111 : memref<128x128xf32, #tpu.memory_space<hbm>>) dst(%arg6 : memref<128x128xf32, #tpu.memory_space<vmem>>)
      } else {
      }
      %mul3A_76 = arith.constant 2 : i32
      %mul3A_77 = arith.muli %mul3A_76, %scan3A_45 : i32
      %add3A_78 = arith.constant 1 : i32
      %add3A_79 = arith.addi %mul3A_77, %add3A_78 : i32
      %add3A_80 = arith.constant 1 : i32
      %add3A_81 = arith.addi %add3A_79, %add3A_80 : i32
      %mul3A_82 = arith.constant 32 : i32
      %mul3A_83 = arith.muli %mul3A_82, %add3A_81 : i32
      %add3A_84 = arith.addi %add3A, %mul3A_83 : i32
      %mul3A_85 = arith.constant 128 : i32
      %mul3A_86 = arith.muli %add3A_84, %mul3A_85 : i32
      %lt3A_87 = arith.constant 2500 : i32
      %lt3A_88 = arith.cmpi slt, %add3A_84, %lt3A_87 : i32
      %convert_element_type3A_89 = arith.extui %lt3A_88 : i1 to i32
      %cond3A_90 = arith.constant 0 : i32
      %cond3A_91 = arith.cmpi ne, %convert_element_type3A_89, %cond3A_90 : i32
      scf.if %cond3A_91 {
        %mul3A_108 = arith.constant 128 : i32
        %mul3A_109 = arith.muli %add3A_84, %mul3A_108 : i32
        %run_scoped3A_110 = arith.constant 0 : i32
        "tpu.region"() ({
          %run_scoped3A_115 = tpu.sem_alloc : memref<!tpu.dma_semaphore, #tpu.memory_space<semaphore_mem>>
          %dma_start3A_116 = arith.constant 0 : i32
          %dma_start3A_117 = tpu.memref_slice %arg7[%run_scoped3A_110, %dma_start3A_116] : memref<1x128xi32, #tpu.memory_space<vmem>> -> memref<1x128xi32, #tpu.memory_space<vmem>>
          %dma_start3A_118 = tpu.memref_squeeze %dma_start3A_117 : memref<1x128xi32, #tpu.memory_space<vmem>> -> memref<128xi32, #tpu.memory_space<vmem>>
          %dma_start3A_119 = tpu.memref_slice %arg3[%mul3A_109] : memref<320000xi32, #tpu.memory_space<hbm>> -> memref<128xi32, #tpu.memory_space<hbm>>
          %dma_start3A_120 = arith.constant 0 : i32
          %dma_start3A_121 = tpu.memref_slice %arg7[%run_scoped3A_110, %dma_start3A_120] : memref<1x128xi32, #tpu.memory_space<vmem>> -> memref<1x128xi32, #tpu.memory_space<vmem>>
          %dma_start3A_122 = tpu.memref_squeeze %dma_start3A_121 : memref<1x128xi32, #tpu.memory_space<vmem>> -> memref<128xi32, #tpu.memory_space<vmem>>
          %dma_start3A_123 = tpu.memref_slice %arg3[%mul3A_109] : memref<320000xi32, #tpu.memory_space<hbm>> -> memref<128xi32, #tpu.memory_space<hbm>>
          tpu.enqueue_dma source(%dma_start3A_123 : memref<128xi32, #tpu.memory_space<hbm>>) target(%dma_start3A_122 : memref<128xi32, #tpu.memory_space<vmem>>) target_semaphore(%run_scoped3A_115 : memref<!tpu.dma_semaphore, #tpu.memory_space<semaphore_mem>>)
          %dma_wait3A_124 = arith.constant 0 : i32
          %dma_wait3A_125 = tpu.memref_slice %arg7[%run_scoped3A_110, %dma_wait3A_124] : memref<1x128xi32, #tpu.memory_space<vmem>> -> memref<1x128xi32, #tpu.memory_space<vmem>>
          %dma_wait3A_126 = tpu.memref_squeeze %dma_wait3A_125 : memref<1x128xi32, #tpu.memory_space<vmem>> -> memref<128xi32, #tpu.memory_space<vmem>>
          %dma_wait3A_127 = tpu.memref_slice %arg3[%mul3A_109] : memref<320000xi32, #tpu.memory_space<hbm>> -> memref<128xi32, #tpu.memory_space<hbm>>
          %dma_wait3A_128 = arith.constant 0 : i32
          %dma_wait3A_129 = tpu.memref_slice %arg7[%run_scoped3A_110, %dma_wait3A_128] : memref<1x128xi32, #tpu.memory_space<vmem>> -> memref<1x128xi32, #tpu.memory_space<vmem>>
          %dma_wait3A_130 = tpu.memref_squeeze %dma_wait3A_129 : memref<1x128xi32, #tpu.memory_space<vmem>> -> memref<128xi32, #tpu.memory_space<vmem>>
          %dma_wait3A_131 = tpu.memref_slice %arg3[%mul3A_109] : memref<320000xi32, #tpu.memory_space<hbm>> -> memref<128xi32, #tpu.memory_space<hbm>>
          tpu.wait_dma2 semaphore(%run_scoped3A_115 : memref<!tpu.dma_semaphore, #tpu.memory_space<semaphore_mem>>) src(%dma_wait3A_131 : memref<128xi32, #tpu.memory_space<hbm>>) dst(%dma_wait3A_130 : memref<128xi32, #tpu.memory_space<vmem>>)
          tpu.yield
        }) : () -> ()
        %dma_start3A_111 = arith.constant 0 : i32
        %dma_start3A_112 = tpu.memref_slice %arg2[%mul3A_86, %dma_start3A_111] : memref<320000x128xf32, #tpu.memory_space<hbm>> -> memref<128x128xf32, #tpu.memory_space<hbm>>
        %dma_start3A_113 = arith.constant 0 : i32
        %dma_start3A_114 = tpu.memref_slice %arg2[%mul3A_86, %dma_start3A_113] : memref<320000x128xf32, #tpu.memory_space<hbm>> -> memref<128x128xf32, #tpu.memory_space<hbm>>
        tpu.enqueue_dma source(%dma_start3A_114 : memref<128x128xf32, #tpu.memory_space<hbm>>) target(%arg5 : memref<128x128xf32, #tpu.memory_space<vmem>>) target_semaphore(%arg9 : memref<!tpu.dma_semaphore, #tpu.memory_space<semaphore_mem>>)
      } else {
      }
      %lt3A_92 = arith.constant 79 : i32
      %lt3A_93 = arith.cmpi slt, %add3A_79, %lt3A_92 : i32
      %mul3A_94 = arith.constant 32 : i32
      %mul3A_95 = arith.muli %mul3A_94, %add3A_79 : i32
      %add3A_96 = arith.addi %add3A, %mul3A_95 : i32
      %lt3A_97 = arith.constant 2500 : i32
      %lt3A_98 = arith.cmpi slt, %add3A_96, %lt3A_97 : i32
      %and3A_99 = arith.andi %lt3A_93, %lt3A_98 : i1
      %convert_element_type3A_100 = arith.extui %and3A_99 : i1 to i32
      %cond3A_101 = arith.constant 0 : i32
      %cond3A_102 = arith.cmpi ne, %convert_element_type3A_100, %cond3A_101 : i32
      scf.if %cond3A_102 {
        %run_scoped3A_108 = arith.constant 0 : i32
        "tpu.region"() ({
          %run_scoped3A_109 = tpu.sem_alloc : memref<!tpu.dma_semaphore, #tpu.memory_space<semaphore_mem>>
          %dma_start3A_110 = arith.constant 0 : i32
          %dma_start3A_111 = tpu.memref_slice %arg8[%run_scoped3A_108, %dma_start3A_110] : memref<1x128xi32, #tpu.memory_space<vmem>> -> memref<1x128xi32, #tpu.memory_space<vmem>>
          %dma_start3A_112 = tpu.memref_squeeze %dma_start3A_111 : memref<1x128xi32, #tpu.memory_space<vmem>> -> memref<128xi32, #tpu.memory_space<vmem>>
          %dma_start3A_113 = arith.constant 0 : i32
          %dma_start3A_114 = arith.constant 0 : i32
          %dma_start3A_115 = tpu.memref_slice %arg11[%dma_start3A_113, %dma_start3A_114] : memref<10000x128xf32, #tpu.memory_space<vmem_shared>> -> memref<10000x128xf32, #tpu.memory_space<vmem_shared>>
          tpu.enqueue_indirect_dma source(%arg6 : memref<128x128xf32, #tpu.memory_space<vmem>>) target(%dma_start3A_115 : memref<10000x128xf32, #tpu.memory_space<vmem_shared>>) offsets(%dma_start3A_112 : memref<128xi32, #tpu.memory_space<vmem>>) semaphore(%run_scoped3A_109 : memref<!tpu.dma_semaphore, #tpu.memory_space<semaphore_mem>>) {add = true}
          %dma_wait3A_116 = arith.constant 0 : i32
          %dma_wait3A_117 = tpu.memref_slice %arg8[%run_scoped3A_108, %dma_wait3A_116] : memref<1x128xi32, #tpu.memory_space<vmem>> -> memref<1x128xi32, #tpu.memory_space<vmem>>
          %dma_wait3A_118 = tpu.memref_squeeze %dma_wait3A_117 : memref<1x128xi32, #tpu.memory_space<vmem>> -> memref<128xi32, #tpu.memory_space<vmem>>
          %dma_wait3A_119 = arith.constant 0 : i32
          %dma_wait3A_120 = arith.constant 0 : i32
          %dma_wait3A_121 = tpu.memref_slice %arg11[%dma_wait3A_119, %dma_wait3A_120] : memref<10000x128xf32, #tpu.memory_space<vmem_shared>> -> memref<10000x128xf32, #tpu.memory_space<vmem_shared>>
          tpu.wait_indirect_dma semaphore(%run_scoped3A_109 : memref<!tpu.dma_semaphore, #tpu.memory_space<semaphore_mem>>) src(%arg6 : memref<128x128xf32, #tpu.memory_space<vmem>>) dst(%dma_wait3A_121 : memref<10000x128xf32, #tpu.memory_space<vmem_shared>>)
          tpu.yield
        }) : () -> ()
      } else {
      }
      %lt3A_103 = arith.constant 2500 : i32
      %lt3A_104 = arith.cmpi slt, %add3A_84, %lt3A_103 : i32
      %convert_element_type3A_105 = arith.extui %lt3A_104 : i1 to i32
      %cond3A_106 = arith.constant 0 : i32
      %cond3A_107 = arith.cmpi ne, %convert_element_type3A_105, %cond3A_106 : i32
      scf.if %cond3A_107 {
        %dma_wait3A_108 = arith.constant 0 : i32
        %dma_wait3A_109 = tpu.memref_slice %arg2[%mul3A_86, %dma_wait3A_108] : memref<320000x128xf32, #tpu.memory_space<hbm>> -> memref<128x128xf32, #tpu.memory_space<hbm>>
        %dma_wait3A_110 = arith.constant 0 : i32
        %dma_wait3A_111 = tpu.memref_slice %arg2[%mul3A_86, %dma_wait3A_110] : memref<320000x128xf32, #tpu.memory_space<hbm>> -> memref<128x128xf32, #tpu.memory_space<hbm>>
        tpu.wait_dma2 semaphore(%arg9 : memref<!tpu.dma_semaphore, #tpu.memory_space<semaphore_mem>>) src(%dma_wait3A_111 : memref<128x128xf32, #tpu.memory_space<hbm>>) dst(%arg5 : memref<128x128xf32, #tpu.memory_space<vmem>>)
      } else {
      }
    }
    %scan3A_36 = arith.constant 40 : i32
    %barrier3A_37 = arith.constant 0 : index
    tpu.barrier barrier_id(%barrier3A_37)
    %mul3A_38 = arith.constant 624 : i32
    %mul3A_39 = arith.muli %arg1, %mul3A_38 : i32
    "tpu.region"() ({
      %run_scoped3A_45 = tpu.sem_alloc : memref<!tpu.dma_semaphore, #tpu.memory_space<semaphore_mem>>
      %dma_start3A_46 = arith.constant 0 : i32
      %dma_start3A_47 = tpu.memref_slice %arg4[%arg0, %mul3A_39, %dma_start3A_46] : memref<2x10000x128xf32, #tpu.memory_space<hbm>> -> memref<1x624x128xf32, #tpu.memory_space<hbm>>
      %dma_start3A_48 = tpu.memref_squeeze %dma_start3A_47 : memref<1x624x128xf32, #tpu.memory_space<hbm>> -> memref<624x128xf32, #tpu.memory_space<hbm>>
      %dma_start3A_49 = arith.constant 0 : i32
      %dma_start3A_50 = tpu.memref_slice %arg11[%mul3A_39, %dma_start3A_49] : memref<10000x128xf32, #tpu.memory_space<vmem_shared>> -> memref<624x128xf32, #tpu.memory_space<vmem_shared>>
      tpu.enqueue_dma source(%dma_start3A_50 : memref<624x128xf32, #tpu.memory_space<vmem_shared>>) target(%dma_start3A_48 : memref<624x128xf32, #tpu.memory_space<hbm>>) target_semaphore(%run_scoped3A_45 : memref<!tpu.dma_semaphore, #tpu.memory_space<semaphore_mem>>)
      %dma_wait3A_51 = arith.constant 0 : i32
      %dma_wait3A_52 = tpu.memref_slice %arg4[%arg0, %mul3A_39, %dma_wait3A_51] : memref<2x10000x128xf32, #tpu.memory_space<hbm>> -> memref<1x624x128xf32, #tpu.memory_space<hbm>>
      %dma_wait3A_53 = tpu.memref_squeeze %dma_wait3A_52 : memref<1x624x128xf32, #tpu.memory_space<hbm>> -> memref<624x128xf32, #tpu.memory_space<hbm>>
      %dma_wait3A_54 = arith.constant 0 : i32
      %dma_wait3A_55 = tpu.memref_slice %arg11[%mul3A_39, %dma_wait3A_54] : memref<10000x128xf32, #tpu.memory_space<vmem_shared>> -> memref<624x128xf32, #tpu.memory_space<vmem_shared>>
      tpu.wait_dma2 semaphore(%run_scoped3A_45 : memref<!tpu.dma_semaphore, #tpu.memory_space<semaphore_mem>>) src(%dma_wait3A_55 : memref<624x128xf32, #tpu.memory_space<vmem_shared>>) dst(%dma_wait3A_53 : memref<624x128xf32, #tpu.memory_space<hbm>>)
      tpu.yield
    }) : () -> ()
    %eq3A_40 = arith.constant 15 : i32
    %eq3A_41 = arith.cmpi eq, %arg1, %eq3A_40 : i32
    %convert_element_type3A_42 = arith.extui %eq3A_41 : i1 to i32
    %cond3A_43 = arith.constant 0 : i32
    %cond3A_44 = arith.cmpi ne, %convert_element_type3A_42, %cond3A_43 : i32
    scf.if %cond3A_44 {
      "tpu.region"() ({
        %run_scoped3A_45 = tpu.sem_alloc : memref<!tpu.dma_semaphore, #tpu.memory_space<semaphore_mem>>
        %dma_start3A_46 = arith.constant 9984 : i32
        %dma_start3A_47 = arith.constant 0 : i32
        %dma_start3A_48 = tpu.memref_slice %arg4[%arg0, %dma_start3A_46, %dma_start3A_47] : memref<2x10000x128xf32, #tpu.memory_space<hbm>> -> memref<1x16x128xf32, #tpu.memory_space<hbm>>
        %dma_start3A_49 = tpu.memref_squeeze %dma_start3A_48 : memref<1x16x128xf32, #tpu.memory_space<hbm>> -> memref<16x128xf32, #tpu.memory_space<hbm>>
        %dma_start3A_50 = arith.constant 9984 : i32
        %dma_start3A_51 = arith.constant 0 : i32
        %dma_start3A_52 = tpu.memref_slice %arg11[%dma_start3A_50, %dma_start3A_51] : memref<10000x128xf32, #tpu.memory_space<vmem_shared>> -> memref<16x128xf32, #tpu.memory_space<vmem_shared>>
        tpu.enqueue_dma source(%dma_start3A_52 : memref<16x128xf32, #tpu.memory_space<vmem_shared>>) target(%dma_start3A_49 : memref<16x128xf32, #tpu.memory_space<hbm>>) target_semaphore(%run_scoped3A_45 : memref<!tpu.dma_semaphore, #tpu.memory_space<semaphore_mem>>)
        %dma_wait3A_53 = arith.constant 9984 : i32
        %dma_wait3A_54 = arith.constant 0 : i32
        %dma_wait3A_55 = tpu.memref_slice %arg4[%arg0, %dma_wait3A_53, %dma_wait3A_54] : memref<2x10000x128xf32, #tpu.memory_space<hbm>> -> memref<1x16x128xf32, #tpu.memory_space<hbm>>
        %dma_wait3A_56 = tpu.memref_squeeze %dma_wait3A_55 : memref<1x16x128xf32, #tpu.memory_space<hbm>> -> memref<16x128xf32, #tpu.memory_space<hbm>>
        %dma_wait3A_57 = arith.constant 9984 : i32
        %dma_wait3A_58 = arith.constant 0 : i32
        %dma_wait3A_59 = tpu.memref_slice %arg11[%dma_wait3A_57, %dma_wait3A_58] : memref<10000x128xf32, #tpu.memory_space<vmem_shared>> -> memref<16x128xf32, #tpu.memory_space<vmem_shared>>
        tpu.wait_dma2 semaphore(%run_scoped3A_45 : memref<!tpu.dma_semaphore, #tpu.memory_space<semaphore_mem>>) src(%dma_wait3A_59 : memref<16x128xf32, #tpu.memory_space<vmem_shared>>) dst(%dma_wait3A_56 : memref<16x128xf32, #tpu.memory_space<hbm>>)
        tpu.yield
      }) : () -> ()
    } else {
    }
    return
  }
}

#map = affine_map<(d0, d1) -> (0, 0)>
#map1 = affine_map<(d0, d1) -> (0)>
module attributes {stable_mosaic.version = 14 : i64} {
  func.func @body(%arg0: i32, %arg1: i32, %arg2: memref<320000x128xf32, #tpu.memory_space<hbm>>, %arg3: memref<10000x128xf32, #tpu.memory_space<hbm>>, %arg4: memref<10000x128xf32, #tpu.memory_space<hbm>>, %arg5: memref<320000xi32, #tpu.memory_space<hbm>>, %arg6: memref<320000xi32, #tpu.memory_space<hbm>>, %arg7: memref<320000x128xf32, #tpu.memory_space<hbm>>, %arg8: memref<128x128xf32, #tpu.memory_space<vmem>>, %arg9: memref<128x128xf32, #tpu.memory_space<vmem>>, %arg10: memref<128x128xf32, #tpu.memory_space<vmem>>, %arg11: memref<128x128xf32, #tpu.memory_space<vmem>>, %arg12: memref<128x128xf32, #tpu.memory_space<vmem>>, %arg13: memref<128x128xf32, #tpu.memory_space<vmem>>, %arg14: memref<1x128xi32, #tpu.memory_space<vmem>>, %arg15: memref<1x128xi32, #tpu.memory_space<vmem>>, %arg16: memref<1x128xi32, #tpu.memory_space<vmem>>, %arg17: memref<1x128xi32, #tpu.memory_space<vmem>>, %arg18: memref<!tpu.dma_semaphore, #tpu.memory_space<semaphore_mem>>, %arg19: memref<!tpu.dma_semaphore, #tpu.memory_space<semaphore_mem>>) attributes {dimension_semantics = [#tpu.dimension_semantics<core_parallel>, #tpu.dimension_semantics<subcore_parallel>], iteration_bounds = array<i64: 2, 16>, scalar_prefetch = 0 : i64, scratch_operands = 12 : i64, tpu.core_type = #tpu.core_type<sc_vector_subcore>, window_params = [{transform_indices = #map}, {transform_indices = #map}, {transform_indices = #map}, {transform_indices = #map1}, {transform_indices = #map1}, {transform_indices = #map}]} {
    %mul3A = arith.constant 16 : i32
    %mul3A_0 = arith.muli %arg0, %mul3A : i32
    %add3A = arith.addi %mul3A_0, %arg1 : i32
    %iota3A = tpu.iota {dimensions = array<i32: 0>} : vector<16xi32>
    %eq3A = arith.constant 12 : i32
    %eq3A_1 = vector.broadcast %eq3A : i32 to vector<16xi32>
    %eq3A_2 = arith.cmpi eq, %iota3A, %eq3A_1 : vector<16xi32>
    %jit3A = arith.constant 1.000000e+00 : f32
    %jit3A_3 = arith.constant 0.000000e+00 : f32
    %broadcast_in_dim3A = vector.broadcast %jit3A : f32 to vector<16xf32>
    %broadcast_in_dim3A_4 = vector.broadcast %jit3A_3 : f32 to vector<16xf32>
    %select_n3A = arith.select %eq3A_2, %broadcast_in_dim3A, %broadcast_in_dim3A_4 : vector<16xi1>, vector<16xf32>
    %add3A_5 = arith.constant 0 : i32
    %add3A_6 = arith.addi %add3A, %add3A_5 : i32
    %mul3A_7 = arith.constant 128 : i32
    %mul3A_8 = arith.muli %add3A_6, %mul3A_7 : i32
    %add3A_9 = arith.constant 0 : i32
    %add3A_10 = arith.addi %add3A, %add3A_9 : i32
    %mul3A_11 = arith.constant 128 : i32
    %mul3A_12 = arith.muli %add3A_10, %mul3A_11 : i32
    %run_scoped3A = arith.constant 0 : i32
    "tpu.region"() ({
      %run_scoped3A_55 = tpu.sem_alloc : memref<!tpu.dma_semaphore, #tpu.memory_space<semaphore_mem>>
      %dma_start3A_56 = arith.constant 0 : i32
      %dma_start3A_57 = tpu.memref_slice %arg14[%run_scoped3A, %dma_start3A_56] : memref<1x128xi32, #tpu.memory_space<vmem>> -> memref<1x128xi32, #tpu.memory_space<vmem>>
      %dma_start3A_58 = tpu.memref_squeeze %dma_start3A_57 : memref<1x128xi32, #tpu.memory_space<vmem>> -> memref<128xi32, #tpu.memory_space<vmem>>
      %dma_start3A_59 = tpu.memref_slice %arg5[%mul3A_12] : memref<320000xi32, #tpu.memory_space<hbm>> -> memref<128xi32, #tpu.memory_space<hbm>>
      %dma_start3A_60 = arith.constant 0 : i32
      %dma_start3A_61 = tpu.memref_slice %arg14[%run_scoped3A, %dma_start3A_60] : memref<1x128xi32, #tpu.memory_space<vmem>> -> memref<1x128xi32, #tpu.memory_space<vmem>>
      %dma_start3A_62 = tpu.memref_squeeze %dma_start3A_61 : memref<1x128xi32, #tpu.memory_space<vmem>> -> memref<128xi32, #tpu.memory_space<vmem>>
      %dma_start3A_63 = tpu.memref_slice %arg5[%mul3A_12] : memref<320000xi32, #tpu.memory_space<hbm>> -> memref<128xi32, #tpu.memory_space<hbm>>
      tpu.enqueue_dma source(%dma_start3A_63 : memref<128xi32, #tpu.memory_space<hbm>>) target(%dma_start3A_62 : memref<128xi32, #tpu.memory_space<vmem>>) target_semaphore(%run_scoped3A_55 : memref<!tpu.dma_semaphore, #tpu.memory_space<semaphore_mem>>)
      %dma_wait3A_64 = arith.constant 0 : i32
      %dma_wait3A_65 = tpu.memref_slice %arg14[%run_scoped3A, %dma_wait3A_64] : memref<1x128xi32, #tpu.memory_space<vmem>> -> memref<1x128xi32, #tpu.memory_space<vmem>>
      %dma_wait3A_66 = tpu.memref_squeeze %dma_wait3A_65 : memref<1x128xi32, #tpu.memory_space<vmem>> -> memref<128xi32, #tpu.memory_space<vmem>>
      %dma_wait3A_67 = tpu.memref_slice %arg5[%mul3A_12] : memref<320000xi32, #tpu.memory_space<hbm>> -> memref<128xi32, #tpu.memory_space<hbm>>
      %dma_wait3A_68 = arith.constant 0 : i32
      %dma_wait3A_69 = tpu.memref_slice %arg14[%run_scoped3A, %dma_wait3A_68] : memref<1x128xi32, #tpu.memory_space<vmem>> -> memref<1x128xi32, #tpu.memory_space<vmem>>
      %dma_wait3A_70 = tpu.memref_squeeze %dma_wait3A_69 : memref<1x128xi32, #tpu.memory_space<vmem>> -> memref<128xi32, #tpu.memory_space<vmem>>
      %dma_wait3A_71 = tpu.memref_slice %arg5[%mul3A_12] : memref<320000xi32, #tpu.memory_space<hbm>> -> memref<128xi32, #tpu.memory_space<hbm>>
      tpu.wait_dma2 semaphore(%run_scoped3A_55 : memref<!tpu.dma_semaphore, #tpu.memory_space<semaphore_mem>>) src(%dma_wait3A_71 : memref<128xi32, #tpu.memory_space<hbm>>) dst(%dma_wait3A_70 : memref<128xi32, #tpu.memory_space<vmem>>)
      tpu.yield
    }) : () -> ()
    %mul3A_13 = arith.constant 128 : i32
    %mul3A_14 = arith.muli %add3A_10, %mul3A_13 : i32
    %run_scoped3A_15 = arith.constant 0 : i32
    "tpu.region"() ({
      %run_scoped3A_55 = tpu.sem_alloc : memref<!tpu.dma_semaphore, #tpu.memory_space<semaphore_mem>>
      %dma_start3A_56 = arith.constant 0 : i32
      %dma_start3A_57 = tpu.memref_slice %arg16[%run_scoped3A_15, %dma_start3A_56] : memref<1x128xi32, #tpu.memory_space<vmem>> -> memref<1x128xi32, #tpu.memory_space<vmem>>
      %dma_start3A_58 = tpu.memref_squeeze %dma_start3A_57 : memref<1x128xi32, #tpu.memory_space<vmem>> -> memref<128xi32, #tpu.memory_space<vmem>>
      %dma_start3A_59 = tpu.memref_slice %arg6[%mul3A_14] : memref<320000xi32, #tpu.memory_space<hbm>> -> memref<128xi32, #tpu.memory_space<hbm>>
      %dma_start3A_60 = arith.constant 0 : i32
      %dma_start3A_61 = tpu.memref_slice %arg16[%run_scoped3A_15, %dma_start3A_60] : memref<1x128xi32, #tpu.memory_space<vmem>> -> memref<1x128xi32, #tpu.memory_space<vmem>>
      %dma_start3A_62 = tpu.memref_squeeze %dma_start3A_61 : memref<1x128xi32, #tpu.memory_space<vmem>> -> memref<128xi32, #tpu.memory_space<vmem>>
      %dma_start3A_63 = tpu.memref_slice %arg6[%mul3A_14] : memref<320000xi32, #tpu.memory_space<hbm>> -> memref<128xi32, #tpu.memory_space<hbm>>
      tpu.enqueue_dma source(%dma_start3A_63 : memref<128xi32, #tpu.memory_space<hbm>>) target(%dma_start3A_62 : memref<128xi32, #tpu.memory_space<vmem>>) target_semaphore(%run_scoped3A_55 : memref<!tpu.dma_semaphore, #tpu.memory_space<semaphore_mem>>)
      %dma_wait3A_64 = arith.constant 0 : i32
      %dma_wait3A_65 = tpu.memref_slice %arg16[%run_scoped3A_15, %dma_wait3A_64] : memref<1x128xi32, #tpu.memory_space<vmem>> -> memref<1x128xi32, #tpu.memory_space<vmem>>
      %dma_wait3A_66 = tpu.memref_squeeze %dma_wait3A_65 : memref<1x128xi32, #tpu.memory_space<vmem>> -> memref<128xi32, #tpu.memory_space<vmem>>
      %dma_wait3A_67 = tpu.memref_slice %arg6[%mul3A_14] : memref<320000xi32, #tpu.memory_space<hbm>> -> memref<128xi32, #tpu.memory_space<hbm>>
      %dma_wait3A_68 = arith.constant 0 : i32
      %dma_wait3A_69 = tpu.memref_slice %arg16[%run_scoped3A_15, %dma_wait3A_68] : memref<1x128xi32, #tpu.memory_space<vmem>> -> memref<1x128xi32, #tpu.memory_space<vmem>>
      %dma_wait3A_70 = tpu.memref_squeeze %dma_wait3A_69 : memref<1x128xi32, #tpu.memory_space<vmem>> -> memref<128xi32, #tpu.memory_space<vmem>>
      %dma_wait3A_71 = tpu.memref_slice %arg6[%mul3A_14] : memref<320000xi32, #tpu.memory_space<hbm>> -> memref<128xi32, #tpu.memory_space<hbm>>
      tpu.wait_dma2 semaphore(%run_scoped3A_55 : memref<!tpu.dma_semaphore, #tpu.memory_space<semaphore_mem>>) src(%dma_wait3A_71 : memref<128xi32, #tpu.memory_space<hbm>>) dst(%dma_wait3A_70 : memref<128xi32, #tpu.memory_space<vmem>>)
      tpu.yield
    }) : () -> ()
    %dma_start3A = arith.constant 0 : i32
    %dma_start3A_16 = tpu.memref_slice %arg2[%mul3A_8, %dma_start3A] : memref<320000x128xf32, #tpu.memory_space<hbm>> -> memref<128x128xf32, #tpu.memory_space<hbm>>
    %dma_start3A_17 = arith.constant 0 : i32
    %dma_start3A_18 = tpu.memref_slice %arg2[%mul3A_8, %dma_start3A_17] : memref<320000x128xf32, #tpu.memory_space<hbm>> -> memref<128x128xf32, #tpu.memory_space<hbm>>
    tpu.enqueue_dma source(%dma_start3A_18 : memref<128x128xf32, #tpu.memory_space<hbm>>) target(%arg8 : memref<128x128xf32, #tpu.memory_space<vmem>>) target_semaphore(%arg18 : memref<!tpu.dma_semaphore, #tpu.memory_space<semaphore_mem>>)
    %dma_start3A_19 = arith.constant 0 : i32
    %dma_start3A_20 = arith.constant 0 : i32
    %dma_start3A_21 = tpu.memref_slice %arg14[%dma_start3A_19, %dma_start3A_20] : memref<1x128xi32, #tpu.memory_space<vmem>> -> memref<1x128xi32, #tpu.memory_space<vmem>>
    %dma_start3A_22 = tpu.memref_squeeze %dma_start3A_21 : memref<1x128xi32, #tpu.memory_space<vmem>> -> memref<128xi32, #tpu.memory_space<vmem>>
    %dma_start3A_23 = arith.constant 0 : i32
    %dma_start3A_24 = arith.constant 0 : i32
    %dma_start3A_25 = tpu.memref_slice %arg3[%dma_start3A_23, %dma_start3A_24] : memref<10000x128xf32, #tpu.memory_space<hbm>> -> memref<10000x128xf32, #tpu.memory_space<hbm>>
    tpu.enqueue_indirect_dma source(%dma_start3A_25 : memref<10000x128xf32, #tpu.memory_space<hbm>>) target(%arg10 : memref<128x128xf32, #tpu.memory_space<vmem>>) offsets(%dma_start3A_22 : memref<128xi32, #tpu.memory_space<vmem>>) semaphore(%arg18 : memref<!tpu.dma_semaphore, #tpu.memory_space<semaphore_mem>>)
    %dma_start3A_26 = arith.constant 0 : i32
    %dma_start3A_27 = arith.constant 0 : i32
    %dma_start3A_28 = tpu.memref_slice %arg16[%dma_start3A_26, %dma_start3A_27] : memref<1x128xi32, #tpu.memory_space<vmem>> -> memref<1x128xi32, #tpu.memory_space<vmem>>
    %dma_start3A_29 = tpu.memref_squeeze %dma_start3A_28 : memref<1x128xi32, #tpu.memory_space<vmem>> -> memref<128xi32, #tpu.memory_space<vmem>>
    %dma_start3A_30 = arith.constant 0 : i32
    %dma_start3A_31 = arith.constant 0 : i32
    %dma_start3A_32 = tpu.memref_slice %arg4[%dma_start3A_30, %dma_start3A_31] : memref<10000x128xf32, #tpu.memory_space<hbm>> -> memref<10000x128xf32, #tpu.memory_space<hbm>>
    tpu.enqueue_indirect_dma source(%dma_start3A_32 : memref<10000x128xf32, #tpu.memory_space<hbm>>) target(%arg12 : memref<128x128xf32, #tpu.memory_space<vmem>>) offsets(%dma_start3A_29 : memref<128xi32, #tpu.memory_space<vmem>>) semaphore(%arg18 : memref<!tpu.dma_semaphore, #tpu.memory_space<semaphore_mem>>)
    %dma_wait3A = arith.constant 0 : i32
    %dma_wait3A_33 = tpu.memref_slice %arg2[%mul3A_8, %dma_wait3A] : memref<320000x128xf32, #tpu.memory_space<hbm>> -> memref<128x128xf32, #tpu.memory_space<hbm>>
    %dma_wait3A_34 = arith.constant 0 : i32
    %dma_wait3A_35 = tpu.memref_slice %arg2[%mul3A_8, %dma_wait3A_34] : memref<320000x128xf32, #tpu.memory_space<hbm>> -> memref<128x128xf32, #tpu.memory_space<hbm>>
    tpu.wait_dma2 semaphore(%arg18 : memref<!tpu.dma_semaphore, #tpu.memory_space<semaphore_mem>>) src(%dma_wait3A_35 : memref<128x128xf32, #tpu.memory_space<hbm>>) dst(%arg8 : memref<128x128xf32, #tpu.memory_space<vmem>>)
    %dma_wait3A_36 = arith.constant 0 : i32
    %dma_wait3A_37 = arith.constant 0 : i32
    %dma_wait3A_38 = tpu.memref_slice %arg14[%dma_wait3A_36, %dma_wait3A_37] : memref<1x128xi32, #tpu.memory_space<vmem>> -> memref<1x128xi32, #tpu.memory_space<vmem>>
    %dma_wait3A_39 = tpu.memref_squeeze %dma_wait3A_38 : memref<1x128xi32, #tpu.memory_space<vmem>> -> memref<128xi32, #tpu.memory_space<vmem>>
    %dma_wait3A_40 = arith.constant 0 : i32
    %dma_wait3A_41 = arith.constant 0 : i32
    %dma_wait3A_42 = tpu.memref_slice %arg3[%dma_wait3A_40, %dma_wait3A_41] : memref<10000x128xf32, #tpu.memory_space<hbm>> -> memref<10000x128xf32, #tpu.memory_space<hbm>>
    tpu.wait_indirect_dma semaphore(%arg18 : memref<!tpu.dma_semaphore, #tpu.memory_space<semaphore_mem>>) src(%dma_wait3A_42 : memref<10000x128xf32, #tpu.memory_space<hbm>>) dst(%arg10 : memref<128x128xf32, #tpu.memory_space<vmem>>)
    %dma_wait3A_43 = arith.constant 0 : i32
    %dma_wait3A_44 = arith.constant 0 : i32
    %dma_wait3A_45 = tpu.memref_slice %arg16[%dma_wait3A_43, %dma_wait3A_44] : memref<1x128xi32, #tpu.memory_space<vmem>> -> memref<1x128xi32, #tpu.memory_space<vmem>>
    %dma_wait3A_46 = tpu.memref_squeeze %dma_wait3A_45 : memref<1x128xi32, #tpu.memory_space<vmem>> -> memref<128xi32, #tpu.memory_space<vmem>>
    %dma_wait3A_47 = arith.constant 0 : i32
    %dma_wait3A_48 = arith.constant 0 : i32
    %dma_wait3A_49 = tpu.memref_slice %arg4[%dma_wait3A_47, %dma_wait3A_48] : memref<10000x128xf32, #tpu.memory_space<hbm>> -> memref<10000x128xf32, #tpu.memory_space<hbm>>
    tpu.wait_indirect_dma semaphore(%arg18 : memref<!tpu.dma_semaphore, #tpu.memory_space<semaphore_mem>>) src(%dma_wait3A_49 : memref<10000x128xf32, #tpu.memory_space<hbm>>) dst(%arg12 : memref<128x128xf32, #tpu.memory_space<vmem>>)
    %scan3A = arith.constant 0 : i32
    %scan3A_50 = arith.constant 0 : i32
    %scan3A_51 = arith.constant 40 : i32
    %scan3A_52 = arith.addi %scan3A_50, %scan3A_51 : i32
    %scan3A_53 = arith.constant 1 : i32
    scf.for %scan3A_55 = %scan3A_50 to %scan3A_52 step %scan3A_53  : i32 {
      %mul3A_56 = arith.constant 2 : i32
      %mul3A_57 = arith.muli %mul3A_56, %scan3A_55 : i32
      %add3A_58 = arith.constant 0 : i32
      %add3A_59 = arith.addi %mul3A_57, %add3A_58 : i32
      %add3A_60 = arith.constant 1 : i32
      %add3A_61 = arith.addi %add3A_59, %add3A_60 : i32
      %mul3A_62 = arith.constant 32 : i32
      %mul3A_63 = arith.muli %mul3A_62, %add3A_61 : i32
      %add3A_64 = arith.addi %add3A, %mul3A_63 : i32
      %mul3A_65 = arith.constant 128 : i32
      %mul3A_66 = arith.muli %add3A_64, %mul3A_65 : i32
      %lt3A = arith.constant 2500 : i32
      %lt3A_67 = arith.cmpi slt, %add3A_64, %lt3A : i32
      %convert_element_type3A = arith.extui %lt3A_67 : i1 to i32
      %cond3A = arith.constant 0 : i32
      %cond3A_68 = arith.constant 0 : i32
      %cond3A_69 = arith.constant 0 : i32
      %cond3A_70 = arith.cmpi ne, %convert_element_type3A, %cond3A_69 : i32
      scf.if %cond3A_70 {
        %mul3A_124 = arith.constant 128 : i32
        %mul3A_125 = arith.muli %add3A_64, %mul3A_124 : i32
        %run_scoped3A_126 = arith.constant 0 : i32
        "tpu.region"() ({
          %run_scoped3A_146 = tpu.sem_alloc : memref<!tpu.dma_semaphore, #tpu.memory_space<semaphore_mem>>
          %dma_start3A_147 = arith.constant 0 : i32
          %dma_start3A_148 = tpu.memref_slice %arg15[%run_scoped3A_126, %dma_start3A_147] : memref<1x128xi32, #tpu.memory_space<vmem>> -> memref<1x128xi32, #tpu.memory_space<vmem>>
          %dma_start3A_149 = tpu.memref_squeeze %dma_start3A_148 : memref<1x128xi32, #tpu.memory_space<vmem>> -> memref<128xi32, #tpu.memory_space<vmem>>
          %dma_start3A_150 = tpu.memref_slice %arg5[%mul3A_125] : memref<320000xi32, #tpu.memory_space<hbm>> -> memref<128xi32, #tpu.memory_space<hbm>>
          %dma_start3A_151 = arith.constant 0 : i32
          %dma_start3A_152 = tpu.memref_slice %arg15[%run_scoped3A_126, %dma_start3A_151] : memref<1x128xi32, #tpu.memory_space<vmem>> -> memref<1x128xi32, #tpu.memory_space<vmem>>
          %dma_start3A_153 = tpu.memref_squeeze %dma_start3A_152 : memref<1x128xi32, #tpu.memory_space<vmem>> -> memref<128xi32, #tpu.memory_space<vmem>>
          %dma_start3A_154 = tpu.memref_slice %arg5[%mul3A_125] : memref<320000xi32, #tpu.memory_space<hbm>> -> memref<128xi32, #tpu.memory_space<hbm>>
          tpu.enqueue_dma source(%dma_start3A_154 : memref<128xi32, #tpu.memory_space<hbm>>) target(%dma_start3A_153 : memref<128xi32, #tpu.memory_space<vmem>>) target_semaphore(%run_scoped3A_146 : memref<!tpu.dma_semaphore, #tpu.memory_space<semaphore_mem>>)
          %dma_wait3A_155 = arith.constant 0 : i32
          %dma_wait3A_156 = tpu.memref_slice %arg15[%run_scoped3A_126, %dma_wait3A_155] : memref<1x128xi32, #tpu.memory_space<vmem>> -> memref<1x128xi32, #tpu.memory_space<vmem>>
          %dma_wait3A_157 = tpu.memref_squeeze %dma_wait3A_156 : memref<1x128xi32, #tpu.memory_space<vmem>> -> memref<128xi32, #tpu.memory_space<vmem>>
          %dma_wait3A_158 = tpu.memref_slice %arg5[%mul3A_125] : memref<320000xi32, #tpu.memory_space<hbm>> -> memref<128xi32, #tpu.memory_space<hbm>>
          %dma_wait3A_159 = arith.constant 0 : i32
          %dma_wait3A_160 = tpu.memref_slice %arg15[%run_scoped3A_126, %dma_wait3A_159] : memref<1x128xi32, #tpu.memory_space<vmem>> -> memref<1x128xi32, #tpu.memory_space<vmem>>
          %dma_wait3A_161 = tpu.memref_squeeze %dma_wait3A_160 : memref<1x128xi32, #tpu.memory_space<vmem>> -> memref<128xi32, #tpu.memory_space<vmem>>
          %dma_wait3A_162 = tpu.memref_slice %arg5[%mul3A_125] : memref<320000xi32, #tpu.memory_space<hbm>> -> memref<128xi32, #tpu.memory_space<hbm>>
          tpu.wait_dma2 semaphore(%run_scoped3A_146 : memref<!tpu.dma_semaphore, #tpu.memory_space<semaphore_mem>>) src(%dma_wait3A_162 : memref<128xi32, #tpu.memory_space<hbm>>) dst(%dma_wait3A_161 : memref<128xi32, #tpu.memory_space<vmem>>)
          tpu.yield
        }) : () -> ()
        %mul3A_127 = arith.constant 128 : i32
        %mul3A_128 = arith.muli %add3A_64, %mul3A_127 : i32
        %run_scoped3A_129 = arith.constant 0 : i32
        "tpu.region"() ({
          %run_scoped3A_146 = tpu.sem_alloc : memref<!tpu.dma_semaphore, #tpu.memory_space<semaphore_mem>>
          %dma_start3A_147 = arith.constant 0 : i32
          %dma_start3A_148 = tpu.memref_slice %arg17[%run_scoped3A_129, %dma_start3A_147] : memref<1x128xi32, #tpu.memory_space<vmem>> -> memref<1x128xi32, #tpu.memory_space<vmem>>
          %dma_start3A_149 = tpu.memref_squeeze %dma_start3A_148 : memref<1x128xi32, #tpu.memory_space<vmem>> -> memref<128xi32, #tpu.memory_space<vmem>>
          %dma_start3A_150 = tpu.memref_slice %arg6[%mul3A_128] : memref<320000xi32, #tpu.memory_space<hbm>> -> memref<128xi32, #tpu.memory_space<hbm>>
          %dma_start3A_151 = arith.constant 0 : i32
          %dma_start3A_152 = tpu.memref_slice %arg17[%run_scoped3A_129, %dma_start3A_151] : memref<1x128xi32, #tpu.memory_space<vmem>> -> memref<1x128xi32, #tpu.memory_space<vmem>>
          %dma_start3A_153 = tpu.memref_squeeze %dma_start3A_152 : memref<1x128xi32, #tpu.memory_space<vmem>> -> memref<128xi32, #tpu.memory_space<vmem>>
          %dma_start3A_154 = tpu.memref_slice %arg6[%mul3A_128] : memref<320000xi32, #tpu.memory_space<hbm>> -> memref<128xi32, #tpu.memory_space<hbm>>
          tpu.enqueue_dma source(%dma_start3A_154 : memref<128xi32, #tpu.memory_space<hbm>>) target(%dma_start3A_153 : memref<128xi32, #tpu.memory_space<vmem>>) target_semaphore(%run_scoped3A_146 : memref<!tpu.dma_semaphore, #tpu.memory_space<semaphore_mem>>)
          %dma_wait3A_155 = arith.constant 0 : i32
          %dma_wait3A_156 = tpu.memref_slice %arg17[%run_scoped3A_129, %dma_wait3A_155] : memref<1x128xi32, #tpu.memory_space<vmem>> -> memref<1x128xi32, #tpu.memory_space<vmem>>
          %dma_wait3A_157 = tpu.memref_squeeze %dma_wait3A_156 : memref<1x128xi32, #tpu.memory_space<vmem>> -> memref<128xi32, #tpu.memory_space<vmem>>
          %dma_wait3A_158 = tpu.memref_slice %arg6[%mul3A_128] : memref<320000xi32, #tpu.memory_space<hbm>> -> memref<128xi32, #tpu.memory_space<hbm>>
          %dma_wait3A_159 = arith.constant 0 : i32
          %dma_wait3A_160 = tpu.memref_slice %arg17[%run_scoped3A_129, %dma_wait3A_159] : memref<1x128xi32, #tpu.memory_space<vmem>> -> memref<1x128xi32, #tpu.memory_space<vmem>>
          %dma_wait3A_161 = tpu.memref_squeeze %dma_wait3A_160 : memref<1x128xi32, #tpu.memory_space<vmem>> -> memref<128xi32, #tpu.memory_space<vmem>>
          %dma_wait3A_162 = tpu.memref_slice %arg6[%mul3A_128] : memref<320000xi32, #tpu.memory_space<hbm>> -> memref<128xi32, #tpu.memory_space<hbm>>
          tpu.wait_dma2 semaphore(%run_scoped3A_146 : memref<!tpu.dma_semaphore, #tpu.memory_space<semaphore_mem>>) src(%dma_wait3A_162 : memref<128xi32, #tpu.memory_space<hbm>>) dst(%dma_wait3A_161 : memref<128xi32, #tpu.memory_space<vmem>>)
          tpu.yield
        }) : () -> ()
        %dma_start3A_130 = arith.constant 0 : i32
        %dma_start3A_131 = tpu.memref_slice %arg2[%mul3A_66, %dma_start3A_130] : memref<320000x128xf32, #tpu.memory_space<hbm>> -> memref<128x128xf32, #tpu.memory_space<hbm>>
        %dma_start3A_132 = arith.constant 0 : i32
        %dma_start3A_133 = tpu.memref_slice %arg2[%mul3A_66, %dma_start3A_132] : memref<320000x128xf32, #tpu.memory_space<hbm>> -> memref<128x128xf32, #tpu.memory_space<hbm>>
        tpu.enqueue_dma source(%dma_start3A_133 : memref<128x128xf32, #tpu.memory_space<hbm>>) target(%arg9 : memref<128x128xf32, #tpu.memory_space<vmem>>) target_semaphore(%arg19 : memref<!tpu.dma_semaphore, #tpu.memory_space<semaphore_mem>>)
        %dma_start3A_134 = arith.constant 0 : i32
        %dma_start3A_135 = tpu.memref_slice %arg15[%cond3A, %dma_start3A_134] : memref<1x128xi32, #tpu.memory_space<vmem>> -> memref<1x128xi32, #tpu.memory_space<vmem>>
        %dma_start3A_136 = tpu.memref_squeeze %dma_start3A_135 : memref<1x128xi32, #tpu.memory_space<vmem>> -> memref<128xi32, #tpu.memory_space<vmem>>
        %dma_start3A_137 = arith.constant 0 : i32
        %dma_start3A_138 = arith.constant 0 : i32
        %dma_start3A_139 = tpu.memref_slice %arg3[%dma_start3A_137, %dma_start3A_138] : memref<10000x128xf32, #tpu.memory_space<hbm>> -> memref<10000x128xf32, #tpu.memory_space<hbm>>
        tpu.enqueue_indirect_dma source(%dma_start3A_139 : memref<10000x128xf32, #tpu.memory_space<hbm>>) target(%arg11 : memref<128x128xf32, #tpu.memory_space<vmem>>) offsets(%dma_start3A_136 : memref<128xi32, #tpu.memory_space<vmem>>) semaphore(%arg19 : memref<!tpu.dma_semaphore, #tpu.memory_space<semaphore_mem>>)
        %dma_start3A_140 = arith.constant 0 : i32
        %dma_start3A_141 = tpu.memref_slice %arg17[%cond3A_68, %dma_start3A_140] : memref<1x128xi32, #tpu.memory_space<vmem>> -> memref<1x128xi32, #tpu.memory_space<vmem>>
        %dma_start3A_142 = tpu.memref_squeeze %dma_start3A_141 : memref<1x128xi32, #tpu.memory_space<vmem>> -> memref<128xi32, #tpu.memory_space<vmem>>
        %dma_start3A_143 = arith.constant 0 : i32
        %dma_start3A_144 = arith.constant 0 : i32
        %dma_start3A_145 = tpu.memref_slice %arg4[%dma_start3A_143, %dma_start3A_144] : memref<10000x128xf32, #tpu.memory_space<hbm>> -> memref<10000x128xf32, #tpu.memory_space<hbm>>
        tpu.enqueue_indirect_dma source(%dma_start3A_145 : memref<10000x128xf32, #tpu.memory_space<hbm>>) target(%arg13 : memref<128x128xf32, #tpu.memory_space<vmem>>) offsets(%dma_start3A_142 : memref<128xi32, #tpu.memory_space<vmem>>) semaphore(%arg19 : memref<!tpu.dma_semaphore, #tpu.memory_space<semaphore_mem>>)
      } else {
      }
      %lt3A_71 = arith.constant 79 : i32
      %lt3A_72 = arith.cmpi slt, %add3A_59, %lt3A_71 : i32
      %mul3A_73 = arith.constant 32 : i32
      %mul3A_74 = arith.muli %mul3A_73, %add3A_59 : i32
      %add3A_75 = arith.addi %add3A, %mul3A_74 : i32
      %lt3A_76 = arith.constant 2500 : i32
      %lt3A_77 = arith.cmpi slt, %add3A_75, %lt3A_76 : i32
      %and3A = arith.andi %lt3A_72, %lt3A_77 : i1
      %convert_element_type3A_78 = arith.extui %and3A : i1 to i32
      %cond3A_79 = arith.constant 0 : i32
      %cond3A_80 = arith.cmpi ne, %convert_element_type3A_78, %cond3A_79 : i32
      scf.if %cond3A_80 {
        %parallel_loop3A = arith.constant 0 : i32
        %parallel_loop3A_124 = arith.constant 128 : i32
        %parallel_loop3A_125 = arith.constant 1 : i32
        scf.for %parallel_loop3A_131 = %parallel_loop3A to %parallel_loop3A_124 step %parallel_loop3A_125  : i32 {
          %parallel_loop3A_132 = arith.index_cast %parallel_loop3A_131 : i32 to index
          %parallel_loop3A_133 = arith.constant 0 : index
          %parallel_loop3A_134 = tpu.vector_load %arg10[%parallel_loop3A_132, %parallel_loop3A_133] {strides = array<i32>} : memref<128x128xf32, #tpu.memory_space<vmem>>, vector<16xf32>,
          %parallel_loop3A_135 = arith.index_cast %parallel_loop3A_131 : i32 to index
          %parallel_loop3A_136 = arith.constant 0 : index
          %parallel_loop3A_137 = tpu.vector_load %arg12[%parallel_loop3A_135, %parallel_loop3A_136] {strides = array<i32>} : memref<128x128xf32, #tpu.memory_space<vmem>>, vector<16xf32>,
          %parallel_loop3A_138 = arith.addf %parallel_loop3A_134, %parallel_loop3A_137 : vector<16xf32>
          %parallel_loop3A_139 = arith.index_cast %parallel_loop3A_131 : i32 to index
          %parallel_loop3A_140 = arith.constant 0 : index
          %parallel_loop3A_141 = tpu.vector_load %arg8[%parallel_loop3A_139, %parallel_loop3A_140] {strides = array<i32>} : memref<128x128xf32, #tpu.memory_space<vmem>>, vector<16xf32>,
          %parallel_loop3A_142 = arith.addf %parallel_loop3A_138, %parallel_loop3A_141 : vector<16xf32>
          %parallel_loop3A_143 = arith.constant 0.000000e+00 : f32
          %parallel_loop3A_144 = vector.broadcast %parallel_loop3A_143 : f32 to vector<16xf32>
          %parallel_loop3A_145 = arith.maximumf %parallel_loop3A_142, %parallel_loop3A_144 : vector<16xf32>
          %parallel_loop3A_146 = arith.index_cast %parallel_loop3A_131 : i32 to index
          %parallel_loop3A_147 = arith.constant 0 : index
          %parallel_loop3A_148 = tpu.vector_load %arg8[%parallel_loop3A_146, %parallel_loop3A_147] {strides = array<i32>} : memref<128x128xf32, #tpu.memory_space<vmem>>, vector<16xf32>,
          tpu.vector_store %arg8[%parallel_loop3A_146, %parallel_loop3A_147], %parallel_loop3A_145 {strides = array<i32>} : memref<128x128xf32, #tpu.memory_space<vmem>>, vector<16xf32>,
          %parallel_loop3A_149 = arith.index_cast %parallel_loop3A_131 : i32 to index
          %parallel_loop3A_150 = arith.constant 16 : index
          %parallel_loop3A_151 = tpu.vector_load %arg10[%parallel_loop3A_149, %parallel_loop3A_150] {strides = array<i32>} : memref<128x128xf32, #tpu.memory_space<vmem>>, vector<16xf32>,
          %parallel_loop3A_152 = arith.index_cast %parallel_loop3A_131 : i32 to index
          %parallel_loop3A_153 = arith.constant 16 : index
          %parallel_loop3A_154 = tpu.vector_load %arg12[%parallel_loop3A_152, %parallel_loop3A_153] {strides = array<i32>} : memref<128x128xf32, #tpu.memory_space<vmem>>, vector<16xf32>,
          %parallel_loop3A_155 = arith.addf %parallel_loop3A_151, %parallel_loop3A_154 : vector<16xf32>
          %parallel_loop3A_156 = arith.index_cast %parallel_loop3A_131 : i32 to index
          %parallel_loop3A_157 = arith.constant 16 : index
          %parallel_loop3A_158 = tpu.vector_load %arg8[%parallel_loop3A_156, %parallel_loop3A_157] {strides = array<i32>} : memref<128x128xf32, #tpu.memory_space<vmem>>, vector<16xf32>,
          %parallel_loop3A_159 = arith.addf %parallel_loop3A_155, %parallel_loop3A_158 : vector<16xf32>
          %parallel_loop3A_160 = arith.constant 0.000000e+00 : f32
          %parallel_loop3A_161 = vector.broadcast %parallel_loop3A_160 : f32 to vector<16xf32>
          %parallel_loop3A_162 = arith.maximumf %parallel_loop3A_159, %parallel_loop3A_161 : vector<16xf32>
          %parallel_loop3A_163 = arith.index_cast %parallel_loop3A_131 : i32 to index
          %parallel_loop3A_164 = arith.constant 16 : index
          %parallel_loop3A_165 = tpu.vector_load %arg8[%parallel_loop3A_163, %parallel_loop3A_164] {strides = array<i32>} : memref<128x128xf32, #tpu.memory_space<vmem>>, vector<16xf32>,
          tpu.vector_store %arg8[%parallel_loop3A_163, %parallel_loop3A_164], %parallel_loop3A_162 {strides = array<i32>} : memref<128x128xf32, #tpu.memory_space<vmem>>, vector<16xf32>,
          %parallel_loop3A_166 = arith.index_cast %parallel_loop3A_131 : i32 to index
          %parallel_loop3A_167 = arith.constant 32 : index
          %parallel_loop3A_168 = tpu.vector_load %arg10[%parallel_loop3A_166, %parallel_loop3A_167] {strides = array<i32>} : memref<128x128xf32, #tpu.memory_space<vmem>>, vector<16xf32>,
          %parallel_loop3A_169 = arith.index_cast %parallel_loop3A_131 : i32 to index
          %parallel_loop3A_170 = arith.constant 32 : index
          %parallel_loop3A_171 = tpu.vector_load %arg12[%parallel_loop3A_169, %parallel_loop3A_170] {strides = array<i32>} : memref<128x128xf32, #tpu.memory_space<vmem>>, vector<16xf32>,
          %parallel_loop3A_172 = arith.addf %parallel_loop3A_168, %parallel_loop3A_171 : vector<16xf32>
          %parallel_loop3A_173 = arith.index_cast %parallel_loop3A_131 : i32 to index
          %parallel_loop3A_174 = arith.constant 32 : index
          %parallel_loop3A_175 = tpu.vector_load %arg8[%parallel_loop3A_173, %parallel_loop3A_174] {strides = array<i32>} : memref<128x128xf32, #tpu.memory_space<vmem>>, vector<16xf32>,
          %parallel_loop3A_176 = arith.addf %parallel_loop3A_172, %parallel_loop3A_175 : vector<16xf32>
          %parallel_loop3A_177 = arith.constant 0.000000e+00 : f32
          %parallel_loop3A_178 = vector.broadcast %parallel_loop3A_177 : f32 to vector<16xf32>
          %parallel_loop3A_179 = arith.maximumf %parallel_loop3A_176, %parallel_loop3A_178 : vector<16xf32>
          %parallel_loop3A_180 = arith.index_cast %parallel_loop3A_131 : i32 to index
          %parallel_loop3A_181 = arith.constant 32 : index
          %parallel_loop3A_182 = tpu.vector_load %arg8[%parallel_loop3A_180, %parallel_loop3A_181] {strides = array<i32>} : memref<128x128xf32, #tpu.memory_space<vmem>>, vector<16xf32>,
          tpu.vector_store %arg8[%parallel_loop3A_180, %parallel_loop3A_181], %parallel_loop3A_179 {strides = array<i32>} : memref<128x128xf32, #tpu.memory_space<vmem>>, vector<16xf32>,
          %parallel_loop3A_183 = arith.index_cast %parallel_loop3A_131 : i32 to index
          %parallel_loop3A_184 = arith.constant 48 : index
          %parallel_loop3A_185 = tpu.vector_load %arg10[%parallel_loop3A_183, %parallel_loop3A_184] {strides = array<i32>} : memref<128x128xf32, #tpu.memory_space<vmem>>, vector<16xf32>,
          %parallel_loop3A_186 = arith.index_cast %parallel_loop3A_131 : i32 to index
          %parallel_loop3A_187 = arith.constant 48 : index
          %parallel_loop3A_188 = tpu.vector_load %arg12[%parallel_loop3A_186, %parallel_loop3A_187] {strides = array<i32>} : memref<128x128xf32, #tpu.memory_space<vmem>>, vector<16xf32>,
          %parallel_loop3A_189 = arith.addf %parallel_loop3A_185, %parallel_loop3A_188 : vector<16xf32>
          %parallel_loop3A_190 = arith.index_cast %parallel_loop3A_131 : i32 to index
          %parallel_loop3A_191 = arith.constant 48 : index
          %parallel_loop3A_192 = tpu.vector_load %arg8[%parallel_loop3A_190, %parallel_loop3A_191] {strides = array<i32>} : memref<128x128xf32, #tpu.memory_space<vmem>>, vector<16xf32>,
          %parallel_loop3A_193 = arith.addf %parallel_loop3A_189, %parallel_loop3A_192 : vector<16xf32>
          %parallel_loop3A_194 = arith.constant 0.000000e+00 : f32
          %parallel_loop3A_195 = vector.broadcast %parallel_loop3A_194 : f32 to vector<16xf32>
          %parallel_loop3A_196 = arith.maximumf %parallel_loop3A_193, %parallel_loop3A_195 : vector<16xf32>
          %parallel_loop3A_197 = arith.index_cast %parallel_loop3A_131 : i32 to index
          %parallel_loop3A_198 = arith.constant 48 : index
          %parallel_loop3A_199 = tpu.vector_load %arg8[%parallel_loop3A_197, %parallel_loop3A_198] {strides = array<i32>} : memref<128x128xf32, #tpu.memory_space<vmem>>, vector<16xf32>,
          tpu.vector_store %arg8[%parallel_loop3A_197, %parallel_loop3A_198], %parallel_loop3A_196 {strides = array<i32>} : memref<128x128xf32, #tpu.memory_space<vmem>>, vector<16xf32>,
          %parallel_loop3A_200 = arith.index_cast %parallel_loop3A_131 : i32 to index
          %parallel_loop3A_201 = arith.constant 64 : index
          %parallel_loop3A_202 = tpu.vector_load %arg10[%parallel_loop3A_200, %parallel_loop3A_201] {strides = array<i32>} : memref<128x128xf32, #tpu.memory_space<vmem>>, vector<16xf32>,
          %parallel_loop3A_203 = arith.index_cast %parallel_loop3A_131 : i32 to index
          %parallel_loop3A_204 = arith.constant 64 : index
          %parallel_loop3A_205 = tpu.vector_load %arg12[%parallel_loop3A_203, %parallel_loop3A_204] {strides = array<i32>} : memref<128x128xf32, #tpu.memory_space<vmem>>, vector<16xf32>,
          %parallel_loop3A_206 = arith.addf %parallel_loop3A_202, %parallel_loop3A_205 : vector<16xf32>
          %parallel_loop3A_207 = arith.index_cast %parallel_loop3A_131 : i32 to index
          %parallel_loop3A_208 = arith.constant 64 : index
          %parallel_loop3A_209 = tpu.vector_load %arg8[%parallel_loop3A_207, %parallel_loop3A_208] {strides = array<i32>} : memref<128x128xf32, #tpu.memory_space<vmem>>, vector<16xf32>,
          %parallel_loop3A_210 = arith.addf %parallel_loop3A_206, %parallel_loop3A_209 : vector<16xf32>
          %parallel_loop3A_211 = arith.constant 0.000000e+00 : f32
          %parallel_loop3A_212 = vector.broadcast %parallel_loop3A_211 : f32 to vector<16xf32>
          %parallel_loop3A_213 = arith.maximumf %parallel_loop3A_210, %parallel_loop3A_212 : vector<16xf32>
          %parallel_loop3A_214 = arith.index_cast %parallel_loop3A_131 : i32 to index
          %parallel_loop3A_215 = arith.constant 64 : index
          %parallel_loop3A_216 = tpu.vector_load %arg8[%parallel_loop3A_214, %parallel_loop3A_215] {strides = array<i32>} : memref<128x128xf32, #tpu.memory_space<vmem>>, vector<16xf32>,
          tpu.vector_store %arg8[%parallel_loop3A_214, %parallel_loop3A_215], %parallel_loop3A_213 {strides = array<i32>} : memref<128x128xf32, #tpu.memory_space<vmem>>, vector<16xf32>,
        } {sc.loop_unroll_factor = 4 : i64, sc.parallel_access}
        %mul3A_126 = arith.constant 32 : i32
        %mul3A_127 = arith.muli %mul3A_126, %add3A_59 : i32
        %add3A_128 = arith.addi %add3A, %mul3A_127 : i32
        %mul3A_129 = arith.constant 128 : i32
        %mul3A_130 = arith.muli %add3A_128, %mul3A_129 : i32
        "tpu.region"() ({
          %run_scoped3A_131 = tpu.sem_alloc : memref<!tpu.dma_semaphore, #tpu.memory_space<semaphore_mem>>
          %dma_start3A_132 = arith.constant 0 : i32
          %dma_start3A_133 = tpu.memref_slice %arg7[%mul3A_130, %dma_start3A_132] : memref<320000x128xf32, #tpu.memory_space<hbm>> -> memref<128x128xf32, #tpu.memory_space<hbm>>
          %dma_start3A_134 = arith.constant 0 : i32
          %dma_start3A_135 = tpu.memref_slice %arg7[%mul3A_130, %dma_start3A_134] : memref<320000x128xf32, #tpu.memory_space<hbm>> -> memref<128x128xf32, #tpu.memory_space<hbm>>
          tpu.enqueue_dma source(%arg8 : memref<128x128xf32, #tpu.memory_space<vmem>>) target(%dma_start3A_135 : memref<128x128xf32, #tpu.memory_space<hbm>>) target_semaphore(%run_scoped3A_131 : memref<!tpu.dma_semaphore, #tpu.memory_space<semaphore_mem>>)
          %dma_wait3A_136 = arith.constant 0 : i32
          %dma_wait3A_137 = tpu.memref_slice %arg7[%mul3A_130, %dma_wait3A_136] : memref<320000x128xf32, #tpu.memory_space<hbm>> -> memref<128x128xf32, #tpu.memory_space<hbm>>
          %dma_wait3A_138 = arith.constant 0 : i32
          %dma_wait3A_139 = tpu.memref_slice %arg7[%mul3A_130, %dma_wait3A_138] : memref<320000x128xf32, #tpu.memory_space<hbm>> -> memref<128x128xf32, #tpu.memory_space<hbm>>
          tpu.wait_dma2 semaphore(%run_scoped3A_131 : memref<!tpu.dma_semaphore, #tpu.memory_space<semaphore_mem>>) src(%arg8 : memref<128x128xf32, #tpu.memory_space<vmem>>) dst(%dma_wait3A_139 : memref<128x128xf32, #tpu.memory_space<hbm>>)
          tpu.yield
        }) : () -> ()
      } else {
      }
      %lt3A_81 = arith.constant 2500 : i32
      %lt3A_82 = arith.cmpi slt, %add3A_64, %lt3A_81 : i32
      %convert_element_type3A_83 = arith.extui %lt3A_82 : i1 to i32
      %cond3A_84 = arith.constant 0 : i32
      %cond3A_85 = arith.constant 0 : i32
      %cond3A_86 = arith.constant 0 : i32
      %cond3A_87 = arith.cmpi ne, %convert_element_type3A_83, %cond3A_86 : i32
      scf.if %cond3A_87 {
        %dma_wait3A_124 = arith.constant 0 : i32
        %dma_wait3A_125 = tpu.memref_slice %arg2[%mul3A_66, %dma_wait3A_124] : memref<320000x128xf32, #tpu.memory_space<hbm>> -> memref<128x128xf32, #tpu.memory_space<hbm>>
        %dma_wait3A_126 = arith.constant 0 : i32
        %dma_wait3A_127 = tpu.memref_slice %arg2[%mul3A_66, %dma_wait3A_126] : memref<320000x128xf32, #tpu.memory_space<hbm>> -> memref<128x128xf32, #tpu.memory_space<hbm>>
        tpu.wait_dma2 semaphore(%arg19 : memref<!tpu.dma_semaphore, #tpu.memory_space<semaphore_mem>>) src(%dma_wait3A_127 : memref<128x128xf32, #tpu.memory_space<hbm>>) dst(%arg9 : memref<128x128xf32, #tpu.memory_space<vmem>>)
        %dma_wait3A_128 = arith.constant 0 : i32
        %dma_wait3A_129 = tpu.memref_slice %arg15[%cond3A_84, %dma_wait3A_128] : memref<1x128xi32, #tpu.memory_space<vmem>> -> memref<1x128xi32, #tpu.memory_space<vmem>>
        %dma_wait3A_130 = tpu.memref_squeeze %dma_wait3A_129 : memref<1x128xi32, #tpu.memory_space<vmem>> -> memref<128xi32, #tpu.memory_space<vmem>>
        %dma_wait3A_131 = arith.constant 0 : i32
        %dma_wait3A_132 = arith.constant 0 : i32
        %dma_wait3A_133 = tpu.memref_slice %arg3[%dma_wait3A_131, %dma_wait3A_132] : memref<10000x128xf32, #tpu.memory_space<hbm>> -> memref<10000x128xf32, #tpu.memory_space<hbm>>
        tpu.wait_indirect_dma semaphore(%arg19 : memref<!tpu.dma_semaphore, #tpu.memory_space<semaphore_mem>>) src(%dma_wait3A_133 : memref<10000x128xf32, #tpu.memory_space<hbm>>) dst(%arg11 : memref<128x128xf32, #tpu.memory_space<vmem>>)
        %dma_wait3A_134 = arith.constant 0 : i32
        %dma_wait3A_135 = tpu.memref_slice %arg17[%cond3A_85, %dma_wait3A_134] : memref<1x128xi32, #tpu.memory_space<vmem>> -> memref<1x128xi32, #tpu.memory_space<vmem>>
        %dma_wait3A_136 = tpu.memref_squeeze %dma_wait3A_135 : memref<1x128xi32, #tpu.memory_space<vmem>> -> memref<128xi32, #tpu.memory_space<vmem>>
        %dma_wait3A_137 = arith.constant 0 : i32
        %dma_wait3A_138 = arith.constant 0 : i32
        %dma_wait3A_139 = tpu.memref_slice %arg4[%dma_wait3A_137, %dma_wait3A_138] : memref<10000x128xf32, #tpu.memory_space<hbm>> -> memref<10000x128xf32, #tpu.memory_space<hbm>>
        tpu.wait_indirect_dma semaphore(%arg19 : memref<!tpu.dma_semaphore, #tpu.memory_space<semaphore_mem>>) src(%dma_wait3A_139 : memref<10000x128xf32, #tpu.memory_space<hbm>>) dst(%arg13 : memref<128x128xf32, #tpu.memory_space<vmem>>)
      } else {
      }
      %mul3A_88 = arith.constant 2 : i32
      %mul3A_89 = arith.muli %mul3A_88, %scan3A_55 : i32
      %add3A_90 = arith.constant 1 : i32
      %add3A_91 = arith.addi %mul3A_89, %add3A_90 : i32
      %add3A_92 = arith.constant 1 : i32
      %add3A_93 = arith.addi %add3A_91, %add3A_92 : i32
      %mul3A_94 = arith.constant 32 : i32
      %mul3A_95 = arith.muli %mul3A_94, %add3A_93 : i32
      %add3A_96 = arith.addi %add3A, %mul3A_95 : i32
      %mul3A_97 = arith.constant 128 : i32
      %mul3A_98 = arith.muli %add3A_96, %mul3A_97 : i32
      %lt3A_99 = arith.constant 2500 : i32
      %lt3A_100 = arith.cmpi slt, %add3A_96, %lt3A_99 : i32
      %convert_element_type3A_101 = arith.extui %lt3A_100 : i1 to i32
      %cond3A_102 = arith.constant 0 : i32
      %cond3A_103 = arith.constant 0 : i32
      %cond3A_104 = arith.constant 0 : i32
      %cond3A_105 = arith.cmpi ne, %convert_element_type3A_101, %cond3A_104 : i32
      scf.if %cond3A_105 {
        %mul3A_124 = arith.constant 128 : i32
        %mul3A_125 = arith.muli %add3A_96, %mul3A_124 : i32
        %run_scoped3A_126 = arith.constant 0 : i32
        "tpu.region"() ({
          %run_scoped3A_146 = tpu.sem_alloc : memref<!tpu.dma_semaphore, #tpu.memory_space<semaphore_mem>>
          %dma_start3A_147 = arith.constant 0 : i32
          %dma_start3A_148 = tpu.memref_slice %arg14[%run_scoped3A_126, %dma_start3A_147] : memref<1x128xi32, #tpu.memory_space<vmem>> -> memref<1x128xi32, #tpu.memory_space<vmem>>
          %dma_start3A_149 = tpu.memref_squeeze %dma_start3A_148 : memref<1x128xi32, #tpu.memory_space<vmem>> -> memref<128xi32, #tpu.memory_space<vmem>>
          %dma_start3A_150 = tpu.memref_slice %arg5[%mul3A_125] : memref<320000xi32, #tpu.memory_space<hbm>> -> memref<128xi32, #tpu.memory_space<hbm>>
          %dma_start3A_151 = arith.constant 0 : i32
          %dma_start3A_152 = tpu.memref_slice %arg14[%run_scoped3A_126, %dma_start3A_151] : memref<1x128xi32, #tpu.memory_space<vmem>> -> memref<1x128xi32, #tpu.memory_space<vmem>>
          %dma_start3A_153 = tpu.memref_squeeze %dma_start3A_152 : memref<1x128xi32, #tpu.memory_space<vmem>> -> memref<128xi32, #tpu.memory_space<vmem>>
          %dma_start3A_154 = tpu.memref_slice %arg5[%mul3A_125] : memref<320000xi32, #tpu.memory_space<hbm>> -> memref<128xi32, #tpu.memory_space<hbm>>
          tpu.enqueue_dma source(%dma_start3A_154 : memref<128xi32, #tpu.memory_space<hbm>>) target(%dma_start3A_153 : memref<128xi32, #tpu.memory_space<vmem>>) target_semaphore(%run_scoped3A_146 : memref<!tpu.dma_semaphore, #tpu.memory_space<semaphore_mem>>)
          %dma_wait3A_155 = arith.constant 0 : i32
          %dma_wait3A_156 = tpu.memref_slice %arg14[%run_scoped3A_126, %dma_wait3A_155] : memref<1x128xi32, #tpu.memory_space<vmem>> -> memref<1x128xi32, #tpu.memory_space<vmem>>
          %dma_wait3A_157 = tpu.memref_squeeze %dma_wait3A_156 : memref<1x128xi32, #tpu.memory_space<vmem>> -> memref<128xi32, #tpu.memory_space<vmem>>
          %dma_wait3A_158 = tpu.memref_slice %arg5[%mul3A_125] : memref<320000xi32, #tpu.memory_space<hbm>> -> memref<128xi32, #tpu.memory_space<hbm>>
          %dma_wait3A_159 = arith.constant 0 : i32
          %dma_wait3A_160 = tpu.memref_slice %arg14[%run_scoped3A_126, %dma_wait3A_159] : memref<1x128xi32, #tpu.memory_space<vmem>> -> memref<1x128xi32, #tpu.memory_space<vmem>>
          %dma_wait3A_161 = tpu.memref_squeeze %dma_wait3A_160 : memref<1x128xi32, #tpu.memory_space<vmem>> -> memref<128xi32, #tpu.memory_space<vmem>>
          %dma_wait3A_162 = tpu.memref_slice %arg5[%mul3A_125] : memref<320000xi32, #tpu.memory_space<hbm>> -> memref<128xi32, #tpu.memory_space<hbm>>
          tpu.wait_dma2 semaphore(%run_scoped3A_146 : memref<!tpu.dma_semaphore, #tpu.memory_space<semaphore_mem>>) src(%dma_wait3A_162 : memref<128xi32, #tpu.memory_space<hbm>>) dst(%dma_wait3A_161 : memref<128xi32, #tpu.memory_space<vmem>>)
          tpu.yield
        }) : () -> ()
        %mul3A_127 = arith.constant 128 : i32
        %mul3A_128 = arith.muli %add3A_96, %mul3A_127 : i32
        %run_scoped3A_129 = arith.constant 0 : i32
        "tpu.region"() ({
          %run_scoped3A_146 = tpu.sem_alloc : memref<!tpu.dma_semaphore, #tpu.memory_space<semaphore_mem>>
          %dma_start3A_147 = arith.constant 0 : i32
          %dma_start3A_148 = tpu.memref_slice %arg16[%run_scoped3A_129, %dma_start3A_147] : memref<1x128xi32, #tpu.memory_space<vmem>> -> memref<1x128xi32, #tpu.memory_space<vmem>>
          %dma_start3A_149 = tpu.memref_squeeze %dma_start3A_148 : memref<1x128xi32, #tpu.memory_space<vmem>> -> memref<128xi32, #tpu.memory_space<vmem>>
          %dma_start3A_150 = tpu.memref_slice %arg6[%mul3A_128] : memref<320000xi32, #tpu.memory_space<hbm>> -> memref<128xi32, #tpu.memory_space<hbm>>
          %dma_start3A_151 = arith.constant 0 : i32
          %dma_start3A_152 = tpu.memref_slice %arg16[%run_scoped3A_129, %dma_start3A_151] : memref<1x128xi32, #tpu.memory_space<vmem>> -> memref<1x128xi32, #tpu.memory_space<vmem>>
          %dma_start3A_153 = tpu.memref_squeeze %dma_start3A_152 : memref<1x128xi32, #tpu.memory_space<vmem>> -> memref<128xi32, #tpu.memory_space<vmem>>
          %dma_start3A_154 = tpu.memref_slice %arg6[%mul3A_128] : memref<320000xi32, #tpu.memory_space<hbm>> -> memref<128xi32, #tpu.memory_space<hbm>>
          tpu.enqueue_dma source(%dma_start3A_154 : memref<128xi32, #tpu.memory_space<hbm>>) target(%dma_start3A_153 : memref<128xi32, #tpu.memory_space<vmem>>) target_semaphore(%run_scoped3A_146 : memref<!tpu.dma_semaphore, #tpu.memory_space<semaphore_mem>>)
          %dma_wait3A_155 = arith.constant 0 : i32
          %dma_wait3A_156 = tpu.memref_slice %arg16[%run_scoped3A_129, %dma_wait3A_155] : memref<1x128xi32, #tpu.memory_space<vmem>> -> memref<1x128xi32, #tpu.memory_space<vmem>>
          %dma_wait3A_157 = tpu.memref_squeeze %dma_wait3A_156 : memref<1x128xi32, #tpu.memory_space<vmem>> -> memref<128xi32, #tpu.memory_space<vmem>>
          %dma_wait3A_158 = tpu.memref_slice %arg6[%mul3A_128] : memref<320000xi32, #tpu.memory_space<hbm>> -> memref<128xi32, #tpu.memory_space<hbm>>
          %dma_wait3A_159 = arith.constant 0 : i32
          %dma_wait3A_160 = tpu.memref_slice %arg16[%run_scoped3A_129, %dma_wait3A_159] : memref<1x128xi32, #tpu.memory_space<vmem>> -> memref<1x128xi32, #tpu.memory_space<vmem>>
          %dma_wait3A_161 = tpu.memref_squeeze %dma_wait3A_160 : memref<1x128xi32, #tpu.memory_space<vmem>> -> memref<128xi32, #tpu.memory_space<vmem>>
          %dma_wait3A_162 = tpu.memref_slice %arg6[%mul3A_128] : memref<320000xi32, #tpu.memory_space<hbm>> -> memref<128xi32, #tpu.memory_space<hbm>>
          tpu.wait_dma2 semaphore(%run_scoped3A_146 : memref<!tpu.dma_semaphore, #tpu.memory_space<semaphore_mem>>) src(%dma_wait3A_162 : memref<128xi32, #tpu.memory_space<hbm>>) dst(%dma_wait3A_161 : memref<128xi32, #tpu.memory_space<vmem>>)
          tpu.yield
        }) : () -> ()
        %dma_start3A_130 = arith.constant 0 : i32
        %dma_start3A_131 = tpu.memref_slice %arg2[%mul3A_98, %dma_start3A_130] : memref<320000x128xf32, #tpu.memory_space<hbm>> -> memref<128x128xf32, #tpu.memory_space<hbm>>
        %dma_start3A_132 = arith.constant 0 : i32
        %dma_start3A_133 = tpu.memref_slice %arg2[%mul3A_98, %dma_start3A_132] : memref<320000x128xf32, #tpu.memory_space<hbm>> -> memref<128x128xf32, #tpu.memory_space<hbm>>
        tpu.enqueue_dma source(%dma_start3A_133 : memref<128x128xf32, #tpu.memory_space<hbm>>) target(%arg8 : memref<128x128xf32, #tpu.memory_space<vmem>>) target_semaphore(%arg18 : memref<!tpu.dma_semaphore, #tpu.memory_space<semaphore_mem>>)
        %dma_start3A_134 = arith.constant 0 : i32
        %dma_start3A_135 = tpu.memref_slice %arg14[%cond3A_102, %dma_start3A_134] : memref<1x128xi32, #tpu.memory_space<vmem>> -> memref<1x128xi32, #tpu.memory_space<vmem>>
        %dma_start3A_136 = tpu.memref_squeeze %dma_start3A_135 : memref<1x128xi32, #tpu.memory_space<vmem>> -> memref<128xi32, #tpu.memory_space<vmem>>
        %dma_start3A_137 = arith.constant 0 : i32
        %dma_start3A_138 = arith.constant 0 : i32
        %dma_start3A_139 = tpu.memref_slice %arg3[%dma_start3A_137, %dma_start3A_138] : memref<10000x128xf32, #tpu.memory_space<hbm>> -> memref<10000x128xf32, #tpu.memory_space<hbm>>
        tpu.enqueue_indirect_dma source(%dma_start3A_139 : memref<10000x128xf32, #tpu.memory_space<hbm>>) target(%arg10 : memref<128x128xf32, #tpu.memory_space<vmem>>) offsets(%dma_start3A_136 : memref<128xi32, #tpu.memory_space<vmem>>) semaphore(%arg18 : memref<!tpu.dma_semaphore, #tpu.memory_space<semaphore_mem>>)
        %dma_start3A_140 = arith.constant 0 : i32
        %dma_start3A_141 = tpu.memref_slice %arg16[%cond3A_103, %dma_start3A_140] : memref<1x128xi32, #tpu.memory_space<vmem>> -> memref<1x128xi32, #tpu.memory_space<vmem>>
        %dma_start3A_142 = tpu.memref_squeeze %dma_start3A_141 : memref<1x128xi32, #tpu.memory_space<vmem>> -> memref<128xi32, #tpu.memory_space<vmem>>
        %dma_start3A_143 = arith.constant 0 : i32
        %dma_start3A_144 = arith.constant 0 : i32
        %dma_start3A_145 = tpu.memref_slice %arg4[%dma_start3A_143, %dma_start3A_144] : memref<10000x128xf32, #tpu.memory_space<hbm>> -> memref<10000x128xf32, #tpu.memory_space<hbm>>
        tpu.enqueue_indirect_dma source(%dma_start3A_145 : memref<10000x128xf32, #tpu.memory_space<hbm>>) target(%arg12 : memref<128x128xf32, #tpu.memory_space<vmem>>) offsets(%dma_start3A_142 : memref<128xi32, #tpu.memory_space<vmem>>) semaphore(%arg18 : memref<!tpu.dma_semaphore, #tpu.memory_space<semaphore_mem>>)
      } else {
      }
      %lt3A_106 = arith.constant 79 : i32
      %lt3A_107 = arith.cmpi slt, %add3A_91, %lt3A_106 : i32
      %mul3A_108 = arith.constant 32 : i32
      %mul3A_109 = arith.muli %mul3A_108, %add3A_91 : i32
      %add3A_110 = arith.addi %add3A, %mul3A_109 : i32
      %lt3A_111 = arith.constant 2500 : i32
      %lt3A_112 = arith.cmpi slt, %add3A_110, %lt3A_111 : i32
      %and3A_113 = arith.andi %lt3A_107, %lt3A_112 : i1
      %convert_element_type3A_114 = arith.extui %and3A_113 : i1 to i32
      %cond3A_115 = arith.constant 0 : i32
      %cond3A_116 = arith.cmpi ne, %convert_element_type3A_114, %cond3A_115 : i32
      scf.if %cond3A_116 {
        %parallel_loop3A = arith.constant 0 : i32
        %parallel_loop3A_124 = arith.constant 128 : i32
        %parallel_loop3A_125 = arith.constant 1 : i32
        scf.for %parallel_loop3A_131 = %parallel_loop3A to %parallel_loop3A_124 step %parallel_loop3A_125  : i32 {
          %parallel_loop3A_132 = arith.index_cast %parallel_loop3A_131 : i32 to index
          %parallel_loop3A_133 = arith.constant 0 : index
          %parallel_loop3A_134 = tpu.vector_load %arg11[%parallel_loop3A_132, %parallel_loop3A_133] {strides = array<i32>} : memref<128x128xf32, #tpu.memory_space<vmem>>, vector<16xf32>,
          %parallel_loop3A_135 = arith.index_cast %parallel_loop3A_131 : i32 to index
          %parallel_loop3A_136 = arith.constant 0 : index
          %parallel_loop3A_137 = tpu.vector_load %arg13[%parallel_loop3A_135, %parallel_loop3A_136] {strides = array<i32>} : memref<128x128xf32, #tpu.memory_space<vmem>>, vector<16xf32>,
          %parallel_loop3A_138 = arith.addf %parallel_loop3A_134, %parallel_loop3A_137 : vector<16xf32>
          %parallel_loop3A_139 = arith.index_cast %parallel_loop3A_131 : i32 to index
          %parallel_loop3A_140 = arith.constant 0 : index
          %parallel_loop3A_141 = tpu.vector_load %arg9[%parallel_loop3A_139, %parallel_loop3A_140] {strides = array<i32>} : memref<128x128xf32, #tpu.memory_space<vmem>>, vector<16xf32>,
          %parallel_loop3A_142 = arith.addf %parallel_loop3A_138, %parallel_loop3A_141 : vector<16xf32>
          %parallel_loop3A_143 = arith.constant 0.000000e+00 : f32
          %parallel_loop3A_144 = vector.broadcast %parallel_loop3A_143 : f32 to vector<16xf32>
          %parallel_loop3A_145 = arith.maximumf %parallel_loop3A_142, %parallel_loop3A_144 : vector<16xf32>
          %parallel_loop3A_146 = arith.index_cast %parallel_loop3A_131 : i32 to index
          %parallel_loop3A_147 = arith.constant 0 : index
          %parallel_loop3A_148 = tpu.vector_load %arg9[%parallel_loop3A_146, %parallel_loop3A_147] {strides = array<i32>} : memref<128x128xf32, #tpu.memory_space<vmem>>, vector<16xf32>,
          tpu.vector_store %arg9[%parallel_loop3A_146, %parallel_loop3A_147], %parallel_loop3A_145 {strides = array<i32>} : memref<128x128xf32, #tpu.memory_space<vmem>>, vector<16xf32>,
          %parallel_loop3A_149 = arith.index_cast %parallel_loop3A_131 : i32 to index
          %parallel_loop3A_150 = arith.constant 16 : index
          %parallel_loop3A_151 = tpu.vector_load %arg11[%parallel_loop3A_149, %parallel_loop3A_150] {strides = array<i32>} : memref<128x128xf32, #tpu.memory_space<vmem>>, vector<16xf32>,
          %parallel_loop3A_152 = arith.index_cast %parallel_loop3A_131 : i32 to index
          %parallel_loop3A_153 = arith.constant 16 : index
          %parallel_loop3A_154 = tpu.vector_load %arg13[%parallel_loop3A_152, %parallel_loop3A_153] {strides = array<i32>} : memref<128x128xf32, #tpu.memory_space<vmem>>, vector<16xf32>,
          %parallel_loop3A_155 = arith.addf %parallel_loop3A_151, %parallel_loop3A_154 : vector<16xf32>
          %parallel_loop3A_156 = arith.index_cast %parallel_loop3A_131 : i32 to index
          %parallel_loop3A_157 = arith.constant 16 : index
          %parallel_loop3A_158 = tpu.vector_load %arg9[%parallel_loop3A_156, %parallel_loop3A_157] {strides = array<i32>} : memref<128x128xf32, #tpu.memory_space<vmem>>, vector<16xf32>,
          %parallel_loop3A_159 = arith.addf %parallel_loop3A_155, %parallel_loop3A_158 : vector<16xf32>
          %parallel_loop3A_160 = arith.constant 0.000000e+00 : f32
          %parallel_loop3A_161 = vector.broadcast %parallel_loop3A_160 : f32 to vector<16xf32>
          %parallel_loop3A_162 = arith.maximumf %parallel_loop3A_159, %parallel_loop3A_161 : vector<16xf32>
          %parallel_loop3A_163 = arith.index_cast %parallel_loop3A_131 : i32 to index
          %parallel_loop3A_164 = arith.constant 16 : index
          %parallel_loop3A_165 = tpu.vector_load %arg9[%parallel_loop3A_163, %parallel_loop3A_164] {strides = array<i32>} : memref<128x128xf32, #tpu.memory_space<vmem>>, vector<16xf32>,
          tpu.vector_store %arg9[%parallel_loop3A_163, %parallel_loop3A_164], %parallel_loop3A_162 {strides = array<i32>} : memref<128x128xf32, #tpu.memory_space<vmem>>, vector<16xf32>,
          %parallel_loop3A_166 = arith.index_cast %parallel_loop3A_131 : i32 to index
          %parallel_loop3A_167 = arith.constant 32 : index
          %parallel_loop3A_168 = tpu.vector_load %arg11[%parallel_loop3A_166, %parallel_loop3A_167] {strides = array<i32>} : memref<128x128xf32, #tpu.memory_space<vmem>>, vector<16xf32>,
          %parallel_loop3A_169 = arith.index_cast %parallel_loop3A_131 : i32 to index
          %parallel_loop3A_170 = arith.constant 32 : index
          %parallel_loop3A_171 = tpu.vector_load %arg13[%parallel_loop3A_169, %parallel_loop3A_170] {strides = array<i32>} : memref<128x128xf32, #tpu.memory_space<vmem>>, vector<16xf32>,
          %parallel_loop3A_172 = arith.addf %parallel_loop3A_168, %parallel_loop3A_171 : vector<16xf32>
          %parallel_loop3A_173 = arith.index_cast %parallel_loop3A_131 : i32 to index
          %parallel_loop3A_174 = arith.constant 32 : index
          %parallel_loop3A_175 = tpu.vector_load %arg9[%parallel_loop3A_173, %parallel_loop3A_174] {strides = array<i32>} : memref<128x128xf32, #tpu.memory_space<vmem>>, vector<16xf32>,
          %parallel_loop3A_176 = arith.addf %parallel_loop3A_172, %parallel_loop3A_175 : vector<16xf32>
          %parallel_loop3A_177 = arith.constant 0.000000e+00 : f32
          %parallel_loop3A_178 = vector.broadcast %parallel_loop3A_177 : f32 to vector<16xf32>
          %parallel_loop3A_179 = arith.maximumf %parallel_loop3A_176, %parallel_loop3A_178 : vector<16xf32>
          %parallel_loop3A_180 = arith.index_cast %parallel_loop3A_131 : i32 to index
          %parallel_loop3A_181 = arith.constant 32 : index
          %parallel_loop3A_182 = tpu.vector_load %arg9[%parallel_loop3A_180, %parallel_loop3A_181] {strides = array<i32>} : memref<128x128xf32, #tpu.memory_space<vmem>>, vector<16xf32>,
          tpu.vector_store %arg9[%parallel_loop3A_180, %parallel_loop3A_181], %parallel_loop3A_179 {strides = array<i32>} : memref<128x128xf32, #tpu.memory_space<vmem>>, vector<16xf32>,
          %parallel_loop3A_183 = arith.index_cast %parallel_loop3A_131 : i32 to index
          %parallel_loop3A_184 = arith.constant 48 : index
          %parallel_loop3A_185 = tpu.vector_load %arg11[%parallel_loop3A_183, %parallel_loop3A_184] {strides = array<i32>} : memref<128x128xf32, #tpu.memory_space<vmem>>, vector<16xf32>,
          %parallel_loop3A_186 = arith.index_cast %parallel_loop3A_131 : i32 to index
          %parallel_loop3A_187 = arith.constant 48 : index
          %parallel_loop3A_188 = tpu.vector_load %arg13[%parallel_loop3A_186, %parallel_loop3A_187] {strides = array<i32>} : memref<128x128xf32, #tpu.memory_space<vmem>>, vector<16xf32>,
          %parallel_loop3A_189 = arith.addf %parallel_loop3A_185, %parallel_loop3A_188 : vector<16xf32>
          %parallel_loop3A_190 = arith.index_cast %parallel_loop3A_131 : i32 to index
          %parallel_loop3A_191 = arith.constant 48 : index
          %parallel_loop3A_192 = tpu.vector_load %arg9[%parallel_loop3A_190, %parallel_loop3A_191] {strides = array<i32>} : memref<128x128xf32, #tpu.memory_space<vmem>>, vector<16xf32>,
          %parallel_loop3A_193 = arith.addf %parallel_loop3A_189, %parallel_loop3A_192 : vector<16xf32>
          %parallel_loop3A_194 = arith.constant 0.000000e+00 : f32
          %parallel_loop3A_195 = vector.broadcast %parallel_loop3A_194 : f32 to vector<16xf32>
          %parallel_loop3A_196 = arith.maximumf %parallel_loop3A_193, %parallel_loop3A_195 : vector<16xf32>
          %parallel_loop3A_197 = arith.index_cast %parallel_loop3A_131 : i32 to index
          %parallel_loop3A_198 = arith.constant 48 : index
          %parallel_loop3A_199 = tpu.vector_load %arg9[%parallel_loop3A_197, %parallel_loop3A_198] {strides = array<i32>} : memref<128x128xf32, #tpu.memory_space<vmem>>, vector<16xf32>,
          tpu.vector_store %arg9[%parallel_loop3A_197, %parallel_loop3A_198], %parallel_loop3A_196 {strides = array<i32>} : memref<128x128xf32, #tpu.memory_space<vmem>>, vector<16xf32>,
          %parallel_loop3A_200 = arith.index_cast %parallel_loop3A_131 : i32 to index
          %parallel_loop3A_201 = arith.constant 64 : index
          %parallel_loop3A_202 = tpu.vector_load %arg11[%parallel_loop3A_200, %parallel_loop3A_201] {strides = array<i32>} : memref<128x128xf32, #tpu.memory_space<vmem>>, vector<16xf32>,
          %parallel_loop3A_203 = arith.index_cast %parallel_loop3A_131 : i32 to index
          %parallel_loop3A_204 = arith.constant 64 : index
          %parallel_loop3A_205 = tpu.vector_load %arg13[%parallel_loop3A_203, %parallel_loop3A_204] {strides = array<i32>} : memref<128x128xf32, #tpu.memory_space<vmem>>, vector<16xf32>,
          %parallel_loop3A_206 = arith.addf %parallel_loop3A_202, %parallel_loop3A_205 : vector<16xf32>
          %parallel_loop3A_207 = arith.index_cast %parallel_loop3A_131 : i32 to index
          %parallel_loop3A_208 = arith.constant 64 : index
          %parallel_loop3A_209 = tpu.vector_load %arg9[%parallel_loop3A_207, %parallel_loop3A_208] {strides = array<i32>} : memref<128x128xf32, #tpu.memory_space<vmem>>, vector<16xf32>,
          %parallel_loop3A_210 = arith.addf %parallel_loop3A_206, %parallel_loop3A_209 : vector<16xf32>
          %parallel_loop3A_211 = arith.constant 0.000000e+00 : f32
          %parallel_loop3A_212 = vector.broadcast %parallel_loop3A_211 : f32 to vector<16xf32>
          %parallel_loop3A_213 = arith.maximumf %parallel_loop3A_210, %parallel_loop3A_212 : vector<16xf32>
          %parallel_loop3A_214 = arith.index_cast %parallel_loop3A_131 : i32 to index
          %parallel_loop3A_215 = arith.constant 64 : index
          %parallel_loop3A_216 = tpu.vector_load %arg9[%parallel_loop3A_214, %parallel_loop3A_215] {strides = array<i32>} : memref<128x128xf32, #tpu.memory_space<vmem>>, vector<16xf32>,
          tpu.vector_store %arg9[%parallel_loop3A_214, %parallel_loop3A_215], %parallel_loop3A_213 {strides = array<i32>} : memref<128x128xf32, #tpu.memory_space<vmem>>, vector<16xf32>,
        } {sc.loop_unroll_factor = 4 : i64, sc.parallel_access}
        %mul3A_126 = arith.constant 32 : i32
        %mul3A_127 = arith.muli %mul3A_126, %add3A_91 : i32
        %add3A_128 = arith.addi %add3A, %mul3A_127 : i32
        %mul3A_129 = arith.constant 128 : i32
        %mul3A_130 = arith.muli %add3A_128, %mul3A_129 : i32
        "tpu.region"() ({
          %run_scoped3A_131 = tpu.sem_alloc : memref<!tpu.dma_semaphore, #tpu.memory_space<semaphore_mem>>
          %dma_start3A_132 = arith.constant 0 : i32
          %dma_start3A_133 = tpu.memref_slice %arg7[%mul3A_130, %dma_start3A_132] : memref<320000x128xf32, #tpu.memory_space<hbm>> -> memref<128x128xf32, #tpu.memory_space<hbm>>
          %dma_start3A_134 = arith.constant 0 : i32
          %dma_start3A_135 = tpu.memref_slice %arg7[%mul3A_130, %dma_start3A_134] : memref<320000x128xf32, #tpu.memory_space<hbm>> -> memref<128x128xf32, #tpu.memory_space<hbm>>
          tpu.enqueue_dma source(%arg9 : memref<128x128xf32, #tpu.memory_space<vmem>>) target(%dma_start3A_135 : memref<128x128xf32, #tpu.memory_space<hbm>>) target_semaphore(%run_scoped3A_131 : memref<!tpu.dma_semaphore, #tpu.memory_space<semaphore_mem>>)
          %dma_wait3A_136 = arith.constant 0 : i32
          %dma_wait3A_137 = tpu.memref_slice %arg7[%mul3A_130, %dma_wait3A_136] : memref<320000x128xf32, #tpu.memory_space<hbm>> -> memref<128x128xf32, #tpu.memory_space<hbm>>
          %dma_wait3A_138 = arith.constant 0 : i32
          %dma_wait3A_139 = tpu.memref_slice %arg7[%mul3A_130, %dma_wait3A_138] : memref<320000x128xf32, #tpu.memory_space<hbm>> -> memref<128x128xf32, #tpu.memory_space<hbm>>
          tpu.wait_dma2 semaphore(%run_scoped3A_131 : memref<!tpu.dma_semaphore, #tpu.memory_space<semaphore_mem>>) src(%arg9 : memref<128x128xf32, #tpu.memory_space<vmem>>) dst(%dma_wait3A_139 : memref<128x128xf32, #tpu.memory_space<hbm>>)
          tpu.yield
        }) : () -> ()
      } else {
      }
      %lt3A_117 = arith.constant 2500 : i32
      %lt3A_118 = arith.cmpi slt, %add3A_96, %lt3A_117 : i32
      %convert_element_type3A_119 = arith.extui %lt3A_118 : i1 to i32
      %cond3A_120 = arith.constant 0 : i32
      %cond3A_121 = arith.constant 0 : i32
      %cond3A_122 = arith.constant 0 : i32
      %cond3A_123 = arith.cmpi ne, %convert_element_type3A_119, %cond3A_122 : i32
      scf.if %cond3A_123 {
        %dma_wait3A_124 = arith.constant 0 : i32
        %dma_wait3A_125 = tpu.memref_slice %arg2[%mul3A_98, %dma_wait3A_124] : memref<320000x128xf32, #tpu.memory_space<hbm>> -> memref<128x128xf32, #tpu.memory_space<hbm>>
        %dma_wait3A_126 = arith.constant 0 : i32
        %dma_wait3A_127 = tpu.memref_slice %arg2[%mul3A_98, %dma_wait3A_126] : memref<320000x128xf32, #tpu.memory_space<hbm>> -> memref<128x128xf32, #tpu.memory_space<hbm>>
        tpu.wait_dma2 semaphore(%arg18 : memref<!tpu.dma_semaphore, #tpu.memory_space<semaphore_mem>>) src(%dma_wait3A_127 : memref<128x128xf32, #tpu.memory_space<hbm>>) dst(%arg8 : memref<128x128xf32, #tpu.memory_space<vmem>>)
        %dma_wait3A_128 = arith.constant 0 : i32
        %dma_wait3A_129 = tpu.memref_slice %arg14[%cond3A_120, %dma_wait3A_128] : memref<1x128xi32, #tpu.memory_space<vmem>> -> memref<1x128xi32, #tpu.memory_space<vmem>>
        %dma_wait3A_130 = tpu.memref_squeeze %dma_wait3A_129 : memref<1x128xi32, #tpu.memory_space<vmem>> -> memref<128xi32, #tpu.memory_space<vmem>>
        %dma_wait3A_131 = arith.constant 0 : i32
        %dma_wait3A_132 = arith.constant 0 : i32
        %dma_wait3A_133 = tpu.memref_slice %arg3[%dma_wait3A_131, %dma_wait3A_132] : memref<10000x128xf32, #tpu.memory_space<hbm>> -> memref<10000x128xf32, #tpu.memory_space<hbm>>
        tpu.wait_indirect_dma semaphore(%arg18 : memref<!tpu.dma_semaphore, #tpu.memory_space<semaphore_mem>>) src(%dma_wait3A_133 : memref<10000x128xf32, #tpu.memory_space<hbm>>) dst(%arg10 : memref<128x128xf32, #tpu.memory_space<vmem>>)
        %dma_wait3A_134 = arith.constant 0 : i32
        %dma_wait3A_135 = tpu.memref_slice %arg16[%cond3A_121, %dma_wait3A_134] : memref<1x128xi32, #tpu.memory_space<vmem>> -> memref<1x128xi32, #tpu.memory_space<vmem>>
        %dma_wait3A_136 = tpu.memref_squeeze %dma_wait3A_135 : memref<1x128xi32, #tpu.memory_space<vmem>> -> memref<128xi32, #tpu.memory_space<vmem>>
        %dma_wait3A_137 = arith.constant 0 : i32
        %dma_wait3A_138 = arith.constant 0 : i32
        %dma_wait3A_139 = tpu.memref_slice %arg4[%dma_wait3A_137, %dma_wait3A_138] : memref<10000x128xf32, #tpu.memory_space<hbm>> -> memref<10000x128xf32, #tpu.memory_space<hbm>>
        tpu.wait_indirect_dma semaphore(%arg18 : memref<!tpu.dma_semaphore, #tpu.memory_space<semaphore_mem>>) src(%dma_wait3A_139 : memref<10000x128xf32, #tpu.memory_space<hbm>>) dst(%arg12 : memref<128x128xf32, #tpu.memory_space<vmem>>)
      } else {
      }
    }
    %scan3A_54 = arith.constant 40 : i32
    return
  }
}

#map = affine_map<(d0, d1) -> (0, 0)>
#map1 = affine_map<(d0, d1) -> (0)>
#map2 = affine_map<(d0, d1) -> (0, 0, 0)>
module attributes {stable_mosaic.version = 14 : i64} {
  func.func @body(%arg0: i32, %arg1: i32, %arg2: memref<320000x128xf32, #tpu.memory_space<hbm>>, %arg3: memref<10000x128xf32, #tpu.memory_space<hbm>>, %arg4: memref<10000x128xf32, #tpu.memory_space<hbm>>, %arg5: memref<320000xi32, #tpu.memory_space<hbm>>, %arg6: memref<320000xi32, #tpu.memory_space<hbm>>, %arg7: memref<10000xi32, #tpu.memory_space<hbm>>, %arg8: memref<2x128x128xf32, #tpu.memory_space<hbm>>, %arg9: memref<128x128xf32, #tpu.memory_space<vmem>>, %arg10: memref<128x128xf32, #tpu.memory_space<vmem>>, %arg11: memref<128x128xf32, #tpu.memory_space<vmem>>, %arg12: memref<128x128xf32, #tpu.memory_space<vmem>>, %arg13: memref<128x128xf32, #tpu.memory_space<vmem>>, %arg14: memref<128x128xf32, #tpu.memory_space<vmem>>, %arg15: memref<1x128xi32, #tpu.memory_space<vmem>>, %arg16: memref<1x128xi32, #tpu.memory_space<vmem>>, %arg17: memref<1x128xi32, #tpu.memory_space<vmem>>, %arg18: memref<1x128xi32, #tpu.memory_space<vmem>>, %arg19: memref<!tpu.dma_semaphore, #tpu.memory_space<semaphore_mem>>, %arg20: memref<!tpu.dma_semaphore, #tpu.memory_space<semaphore_mem>>, %arg21: memref<1x128xi32, #tpu.memory_space<vmem>>, %arg22: memref<1x128xi32, #tpu.memory_space<vmem>>, %arg23: memref<10000xi32, #tpu.memory_space<vmem>>, %arg24: memref<128x128xf32, #tpu.memory_space<vmem_shared>>) attributes {dimension_semantics = [#tpu.dimension_semantics<core_parallel>, #tpu.dimension_semantics<subcore_parallel>], iteration_bounds = array<i64: 2, 16>, scalar_prefetch = 0 : i64, scratch_operands = 16 : i64, tpu.core_type = #tpu.core_type<sc_vector_subcore>, window_params = [{transform_indices = #map}, {transform_indices = #map}, {transform_indices = #map}, {transform_indices = #map1}, {transform_indices = #map1}, {transform_indices = #map1}, {transform_indices = #map2}]} {
    %mul3A = arith.constant 16 : i32
    %mul3A_0 = arith.muli %arg0, %mul3A : i32
    %add3A = arith.addi %mul3A_0, %arg1 : i32
    %broadcast_in_dim3A = arith.constant 0.000000e+00 : f32
    %broadcast_in_dim3A_1 = vector.broadcast %broadcast_in_dim3A : f32 to vector<16xf32>
    %parallel_loop3A = arith.constant 0 : i32
    %parallel_loop3A_2 = arith.constant 128 : i32
    %parallel_loop3A_3 = arith.constant 1 : i32
    scf.for %parallel_loop3A_68 = %parallel_loop3A to %parallel_loop3A_2 step %parallel_loop3A_3  : i32 {
      %parallel_loop3A_69 = arith.index_cast %parallel_loop3A_68 : i32 to index
      %parallel_loop3A_70 = arith.constant 0 : index
      %parallel_loop3A_71 = tpu.vector_load %arg9[%parallel_loop3A_69, %parallel_loop3A_70] {strides = array<i32>} : memref<128x128xf32, #tpu.memory_space<vmem>>, vector<16xf32>,
      tpu.vector_store %arg9[%parallel_loop3A_69, %parallel_loop3A_70], %broadcast_in_dim3A_1 {strides = array<i32>} : memref<128x128xf32, #tpu.memory_space<vmem>>, vector<16xf32>,
      %parallel_loop3A_72 = arith.index_cast %parallel_loop3A_68 : i32 to index
      %parallel_loop3A_73 = arith.constant 16 : index
      %parallel_loop3A_74 = tpu.vector_load %arg9[%parallel_loop3A_72, %parallel_loop3A_73] {strides = array<i32>} : memref<128x128xf32, #tpu.memory_space<vmem>>, vector<16xf32>,
      tpu.vector_store %arg9[%parallel_loop3A_72, %parallel_loop3A_73], %broadcast_in_dim3A_1 {strides = array<i32>} : memref<128x128xf32, #tpu.memory_space<vmem>>, vector<16xf32>,
      %parallel_loop3A_75 = arith.index_cast %parallel_loop3A_68 : i32 to index
      %parallel_loop3A_76 = arith.constant 32 : index
      %parallel_loop3A_77 = tpu.vector_load %arg9[%parallel_loop3A_75, %parallel_loop3A_76] {strides = array<i32>} : memref<128x128xf32, #tpu.memory_space<vmem>>, vector<16xf32>,
      tpu.vector_store %arg9[%parallel_loop3A_75, %parallel_loop3A_76], %broadcast_in_dim3A_1 {strides = array<i32>} : memref<128x128xf32, #tpu.memory_space<vmem>>, vector<16xf32>,
      %parallel_loop3A_78 = arith.index_cast %parallel_loop3A_68 : i32 to index
      %parallel_loop3A_79 = arith.constant 48 : index
      %parallel_loop3A_80 = tpu.vector_load %arg9[%parallel_loop3A_78, %parallel_loop3A_79] {strides = array<i32>} : memref<128x128xf32, #tpu.memory_space<vmem>>, vector<16xf32>,
      tpu.vector_store %arg9[%parallel_loop3A_78, %parallel_loop3A_79], %broadcast_in_dim3A_1 {strides = array<i32>} : memref<128x128xf32, #tpu.memory_space<vmem>>, vector<16xf32>,
      %parallel_loop3A_81 = arith.index_cast %parallel_loop3A_68 : i32 to index
      %parallel_loop3A_82 = arith.constant 64 : index
      %parallel_loop3A_83 = tpu.vector_load %arg9[%parallel_loop3A_81, %parallel_loop3A_82] {strides = array<i32>} : memref<128x128xf32, #tpu.memory_space<vmem>>, vector<16xf32>,
      tpu.vector_store %arg9[%parallel_loop3A_81, %parallel_loop3A_82], %broadcast_in_dim3A_1 {strides = array<i32>} : memref<128x128xf32, #tpu.memory_space<vmem>>, vector<16xf32>,
      %parallel_loop3A_84 = arith.index_cast %parallel_loop3A_68 : i32 to index
      %parallel_loop3A_85 = arith.constant 80 : index
      %parallel_loop3A_86 = tpu.vector_load %arg9[%parallel_loop3A_84, %parallel_loop3A_85] {strides = array<i32>} : memref<128x128xf32, #tpu.memory_space<vmem>>, vector<16xf32>,
      tpu.vector_store %arg9[%parallel_loop3A_84, %parallel_loop3A_85], %broadcast_in_dim3A_1 {strides = array<i32>} : memref<128x128xf32, #tpu.memory_space<vmem>>, vector<16xf32>,
      %parallel_loop3A_87 = arith.index_cast %parallel_loop3A_68 : i32 to index
      %parallel_loop3A_88 = arith.constant 96 : index
      %parallel_loop3A_89 = tpu.vector_load %arg9[%parallel_loop3A_87, %parallel_loop3A_88] {strides = array<i32>} : memref<128x128xf32, #tpu.memory_space<vmem>>, vector<16xf32>,
      tpu.vector_store %arg9[%parallel_loop3A_87, %parallel_loop3A_88], %broadcast_in_dim3A_1 {strides = array<i32>} : memref<128x128xf32, #tpu.memory_space<vmem>>, vector<16xf32>,
      %parallel_loop3A_90 = arith.index_cast %parallel_loop3A_68 : i32 to index
      %parallel_loop3A_91 = arith.constant 112 : index
      %parallel_loop3A_92 = tpu.vector_load %arg9[%parallel_loop3A_90, %parallel_loop3A_91] {strides = array<i32>} : memref<128x128xf32, #tpu.memory_space<vmem>>, vector<16xf32>,
      tpu.vector_store %arg9[%parallel_loop3A_90, %parallel_loop3A_91], %broadcast_in_dim3A_1 {strides = array<i32>} : memref<128x128xf32, #tpu.memory_space<vmem>>, vector<16xf32>,
    } {sc.loop_unroll_factor = 8 : i64, sc.parallel_access}
    %eq3A = arith.constant 0 : i32
    %eq3A_4 = arith.cmpi eq, %arg1, %eq3A : i32
    %convert_element_type3A = arith.extui %eq3A_4 : i1 to i32
    %cond3A = arith.constant 0 : i32
    %cond3A_5 = arith.cmpi ne, %convert_element_type3A, %cond3A : i32
    scf.if %cond3A_5 {
      "tpu.region"() ({
        %run_scoped3A_68 = tpu.sem_alloc : memref<!tpu.dma_semaphore, #tpu.memory_space<semaphore_mem>>
        %dma_start3A_69 = arith.constant 0 : i32
        %dma_start3A_70 = arith.constant 0 : i32
        %dma_start3A_71 = tpu.memref_slice %arg9[%dma_start3A_69, %dma_start3A_70] : memref<128x128xf32, #tpu.memory_space<vmem>> -> memref<128x128xf32, #tpu.memory_space<vmem>>
        %dma_start3A_72 = arith.constant 0 : i32
        %dma_start3A_73 = arith.constant 0 : i32
        %dma_start3A_74 = tpu.memref_slice %arg9[%dma_start3A_72, %dma_start3A_73] : memref<128x128xf32, #tpu.memory_space<vmem>> -> memref<128x128xf32, #tpu.memory_space<vmem>>
        tpu.enqueue_dma source(%dma_start3A_74 : memref<128x128xf32, #tpu.memory_space<vmem>>) target(%arg24 : memref<128x128xf32, #tpu.memory_space<vmem_shared>>) target_semaphore(%run_scoped3A_68 : memref<!tpu.dma_semaphore, #tpu.memory_space<semaphore_mem>>)
        %dma_wait3A_75 = arith.constant 0 : i32
        %dma_wait3A_76 = arith.constant 0 : i32
        %dma_wait3A_77 = tpu.memref_slice %arg9[%dma_wait3A_75, %dma_wait3A_76] : memref<128x128xf32, #tpu.memory_space<vmem>> -> memref<128x128xf32, #tpu.memory_space<vmem>>
        %dma_wait3A_78 = arith.constant 0 : i32
        %dma_wait3A_79 = arith.constant 0 : i32
        %dma_wait3A_80 = tpu.memref_slice %arg9[%dma_wait3A_78, %dma_wait3A_79] : memref<128x128xf32, #tpu.memory_space<vmem>> -> memref<128x128xf32, #tpu.memory_space<vmem>>
        tpu.wait_dma2 semaphore(%run_scoped3A_68 : memref<!tpu.dma_semaphore, #tpu.memory_space<semaphore_mem>>) src(%dma_wait3A_80 : memref<128x128xf32, #tpu.memory_space<vmem>>) dst(%arg24 : memref<128x128xf32, #tpu.memory_space<vmem_shared>>)
        tpu.yield
      }) : () -> ()
    } else {
    }
    "tpu.region"() ({
      %run_scoped3A_68 = tpu.sem_alloc : memref<!tpu.dma_semaphore, #tpu.memory_space<semaphore_mem>>
      tpu.enqueue_dma source(%arg7 : memref<10000xi32, #tpu.memory_space<hbm>>) target(%arg23 : memref<10000xi32, #tpu.memory_space<vmem>>) target_semaphore(%run_scoped3A_68 : memref<!tpu.dma_semaphore, #tpu.memory_space<semaphore_mem>>)
      tpu.wait_dma2 semaphore(%run_scoped3A_68 : memref<!tpu.dma_semaphore, #tpu.memory_space<semaphore_mem>>) src(%arg7 : memref<10000xi32, #tpu.memory_space<hbm>>) dst(%arg23 : memref<10000xi32, #tpu.memory_space<vmem>>)
      tpu.yield
    }) : () -> ()
    %barrier3A = arith.constant 0 : index
    tpu.barrier barrier_id(%barrier3A)
    %iota3A = tpu.iota {dimensions = array<i32: 0>} : vector<16xi32>
    %eq3A_6 = arith.constant 12 : i32
    %eq3A_7 = vector.broadcast %eq3A_6 : i32 to vector<16xi32>
    %eq3A_8 = arith.cmpi eq, %iota3A, %eq3A_7 : vector<16xi32>
    %jit3A = arith.constant 1.000000e+00 : f32
    %jit3A_9 = arith.constant 0.000000e+00 : f32
    %broadcast_in_dim3A_10 = vector.broadcast %jit3A : f32 to vector<16xf32>
    %broadcast_in_dim3A_11 = vector.broadcast %jit3A_9 : f32 to vector<16xf32>
    %select_n3A = arith.select %eq3A_8, %broadcast_in_dim3A_10, %broadcast_in_dim3A_11 : vector<16xi1>, vector<16xf32>
    %add3A_12 = arith.constant 0 : i32
    %add3A_13 = arith.addi %add3A, %add3A_12 : i32
    %mul3A_14 = arith.constant 128 : i32
    %mul3A_15 = arith.muli %add3A_13, %mul3A_14 : i32
    %add3A_16 = arith.constant 0 : i32
    %add3A_17 = arith.addi %add3A, %add3A_16 : i32
    %mul3A_18 = arith.constant 128 : i32
    %mul3A_19 = arith.muli %add3A_17, %mul3A_18 : i32
    %run_scoped3A = arith.constant 0 : i32
    "tpu.region"() ({
      %run_scoped3A_68 = tpu.sem_alloc : memref<!tpu.dma_semaphore, #tpu.memory_space<semaphore_mem>>
      %dma_start3A_69 = arith.constant 0 : i32
      %dma_start3A_70 = tpu.memref_slice %arg15[%run_scoped3A, %dma_start3A_69] : memref<1x128xi32, #tpu.memory_space<vmem>> -> memref<1x128xi32, #tpu.memory_space<vmem>>
      %dma_start3A_71 = tpu.memref_squeeze %dma_start3A_70 : memref<1x128xi32, #tpu.memory_space<vmem>> -> memref<128xi32, #tpu.memory_space<vmem>>
      %dma_start3A_72 = tpu.memref_slice %arg5[%mul3A_19] : memref<320000xi32, #tpu.memory_space<hbm>> -> memref<128xi32, #tpu.memory_space<hbm>>
      %dma_start3A_73 = arith.constant 0 : i32
      %dma_start3A_74 = tpu.memref_slice %arg15[%run_scoped3A, %dma_start3A_73] : memref<1x128xi32, #tpu.memory_space<vmem>> -> memref<1x128xi32, #tpu.memory_space<vmem>>
      %dma_start3A_75 = tpu.memref_squeeze %dma_start3A_74 : memref<1x128xi32, #tpu.memory_space<vmem>> -> memref<128xi32, #tpu.memory_space<vmem>>
      %dma_start3A_76 = tpu.memref_slice %arg5[%mul3A_19] : memref<320000xi32, #tpu.memory_space<hbm>> -> memref<128xi32, #tpu.memory_space<hbm>>
      tpu.enqueue_dma source(%dma_start3A_76 : memref<128xi32, #tpu.memory_space<hbm>>) target(%dma_start3A_75 : memref<128xi32, #tpu.memory_space<vmem>>) target_semaphore(%run_scoped3A_68 : memref<!tpu.dma_semaphore, #tpu.memory_space<semaphore_mem>>)
      %dma_wait3A_77 = arith.constant 0 : i32
      %dma_wait3A_78 = tpu.memref_slice %arg15[%run_scoped3A, %dma_wait3A_77] : memref<1x128xi32, #tpu.memory_space<vmem>> -> memref<1x128xi32, #tpu.memory_space<vmem>>
      %dma_wait3A_79 = tpu.memref_squeeze %dma_wait3A_78 : memref<1x128xi32, #tpu.memory_space<vmem>> -> memref<128xi32, #tpu.memory_space<vmem>>
      %dma_wait3A_80 = tpu.memref_slice %arg5[%mul3A_19] : memref<320000xi32, #tpu.memory_space<hbm>> -> memref<128xi32, #tpu.memory_space<hbm>>
      %dma_wait3A_81 = arith.constant 0 : i32
      %dma_wait3A_82 = tpu.memref_slice %arg15[%run_scoped3A, %dma_wait3A_81] : memref<1x128xi32, #tpu.memory_space<vmem>> -> memref<1x128xi32, #tpu.memory_space<vmem>>
      %dma_wait3A_83 = tpu.memref_squeeze %dma_wait3A_82 : memref<1x128xi32, #tpu.memory_space<vmem>> -> memref<128xi32, #tpu.memory_space<vmem>>
      %dma_wait3A_84 = tpu.memref_slice %arg5[%mul3A_19] : memref<320000xi32, #tpu.memory_space<hbm>> -> memref<128xi32, #tpu.memory_space<hbm>>
      tpu.wait_dma2 semaphore(%run_scoped3A_68 : memref<!tpu.dma_semaphore, #tpu.memory_space<semaphore_mem>>) src(%dma_wait3A_84 : memref<128xi32, #tpu.memory_space<hbm>>) dst(%dma_wait3A_83 : memref<128xi32, #tpu.memory_space<vmem>>)
      tpu.yield
    }) : () -> ()
    %mul3A_20 = arith.constant 128 : i32
    %mul3A_21 = arith.muli %add3A_17, %mul3A_20 : i32
    %run_scoped3A_22 = arith.constant 0 : i32
    "tpu.region"() ({
      %run_scoped3A_68 = tpu.sem_alloc : memref<!tpu.dma_semaphore, #tpu.memory_space<semaphore_mem>>
      %dma_start3A_69 = arith.constant 0 : i32
      %dma_start3A_70 = tpu.memref_slice %arg17[%run_scoped3A_22, %dma_start3A_69] : memref<1x128xi32, #tpu.memory_space<vmem>> -> memref<1x128xi32, #tpu.memory_space<vmem>>
      %dma_start3A_71 = tpu.memref_squeeze %dma_start3A_70 : memref<1x128xi32, #tpu.memory_space<vmem>> -> memref<128xi32, #tpu.memory_space<vmem>>
      %dma_start3A_72 = tpu.memref_slice %arg6[%mul3A_21] : memref<320000xi32, #tpu.memory_space<hbm>> -> memref<128xi32, #tpu.memory_space<hbm>>
      %dma_start3A_73 = arith.constant 0 : i32
      %dma_start3A_74 = tpu.memref_slice %arg17[%run_scoped3A_22, %dma_start3A_73] : memref<1x128xi32, #tpu.memory_space<vmem>> -> memref<1x128xi32, #tpu.memory_space<vmem>>
      %dma_start3A_75 = tpu.memref_squeeze %dma_start3A_74 : memref<1x128xi32, #tpu.memory_space<vmem>> -> memref<128xi32, #tpu.memory_space<vmem>>
      %dma_start3A_76 = tpu.memref_slice %arg6[%mul3A_21] : memref<320000xi32, #tpu.memory_space<hbm>> -> memref<128xi32, #tpu.memory_space<hbm>>
      tpu.enqueue_dma source(%dma_start3A_76 : memref<128xi32, #tpu.memory_space<hbm>>) target(%dma_start3A_75 : memref<128xi32, #tpu.memory_space<vmem>>) target_semaphore(%run_scoped3A_68 : memref<!tpu.dma_semaphore, #tpu.memory_space<semaphore_mem>>)
      %dma_wait3A_77 = arith.constant 0 : i32
      %dma_wait3A_78 = tpu.memref_slice %arg17[%run_scoped3A_22, %dma_wait3A_77] : memref<1x128xi32, #tpu.memory_space<vmem>> -> memref<1x128xi32, #tpu.memory_space<vmem>>
      %dma_wait3A_79 = tpu.memref_squeeze %dma_wait3A_78 : memref<1x128xi32, #tpu.memory_space<vmem>> -> memref<128xi32, #tpu.memory_space<vmem>>
      %dma_wait3A_80 = tpu.memref_slice %arg6[%mul3A_21] : memref<320000xi32, #tpu.memory_space<hbm>> -> memref<128xi32, #tpu.memory_space<hbm>>
      %dma_wait3A_81 = arith.constant 0 : i32
      %dma_wait3A_82 = tpu.memref_slice %arg17[%run_scoped3A_22, %dma_wait3A_81] : memref<1x128xi32, #tpu.memory_space<vmem>> -> memref<1x128xi32, #tpu.memory_space<vmem>>
      %dma_wait3A_83 = tpu.memref_squeeze %dma_wait3A_82 : memref<1x128xi32, #tpu.memory_space<vmem>> -> memref<128xi32, #tpu.memory_space<vmem>>
      %dma_wait3A_84 = tpu.memref_slice %arg6[%mul3A_21] : memref<320000xi32, #tpu.memory_space<hbm>> -> memref<128xi32, #tpu.memory_space<hbm>>
      tpu.wait_dma2 semaphore(%run_scoped3A_68 : memref<!tpu.dma_semaphore, #tpu.memory_space<semaphore_mem>>) src(%dma_wait3A_84 : memref<128xi32, #tpu.memory_space<hbm>>) dst(%dma_wait3A_83 : memref<128xi32, #tpu.memory_space<vmem>>)
      tpu.yield
    }) : () -> ()
    %dma_start3A = arith.constant 0 : i32
    %dma_start3A_23 = tpu.memref_slice %arg2[%mul3A_15, %dma_start3A] : memref<320000x128xf32, #tpu.memory_space<hbm>> -> memref<128x128xf32, #tpu.memory_space<hbm>>
    %dma_start3A_24 = arith.constant 0 : i32
    %dma_start3A_25 = tpu.memref_slice %arg2[%mul3A_15, %dma_start3A_24] : memref<320000x128xf32, #tpu.memory_space<hbm>> -> memref<128x128xf32, #tpu.memory_space<hbm>>
    tpu.enqueue_dma source(%dma_start3A_25 : memref<128x128xf32, #tpu.memory_space<hbm>>) target(%arg9 : memref<128x128xf32, #tpu.memory_space<vmem>>) target_semaphore(%arg19 : memref<!tpu.dma_semaphore, #tpu.memory_space<semaphore_mem>>)
    %dma_start3A_26 = arith.constant 0 : i32
    %dma_start3A_27 = arith.constant 0 : i32
    %dma_start3A_28 = tpu.memref_slice %arg15[%dma_start3A_26, %dma_start3A_27] : memref<1x128xi32, #tpu.memory_space<vmem>> -> memref<1x128xi32, #tpu.memory_space<vmem>>
    %dma_start3A_29 = tpu.memref_squeeze %dma_start3A_28 : memref<1x128xi32, #tpu.memory_space<vmem>> -> memref<128xi32, #tpu.memory_space<vmem>>
    %dma_start3A_30 = arith.constant 0 : i32
    %dma_start3A_31 = arith.constant 0 : i32
    %dma_start3A_32 = tpu.memref_slice %arg3[%dma_start3A_30, %dma_start3A_31] : memref<10000x128xf32, #tpu.memory_space<hbm>> -> memref<10000x128xf32, #tpu.memory_space<hbm>>
    tpu.enqueue_indirect_dma source(%dma_start3A_32 : memref<10000x128xf32, #tpu.memory_space<hbm>>) target(%arg11 : memref<128x128xf32, #tpu.memory_space<vmem>>) offsets(%dma_start3A_29 : memref<128xi32, #tpu.memory_space<vmem>>) semaphore(%arg19 : memref<!tpu.dma_semaphore, #tpu.memory_space<semaphore_mem>>)
    %dma_start3A_33 = arith.constant 0 : i32
    %dma_start3A_34 = arith.constant 0 : i32
    %dma_start3A_35 = tpu.memref_slice %arg17[%dma_start3A_33, %dma_start3A_34] : memref<1x128xi32, #tpu.memory_space<vmem>> -> memref<1x128xi32, #tpu.memory_space<vmem>>
    %dma_start3A_36 = tpu.memref_squeeze %dma_start3A_35 : memref<1x128xi32, #tpu.memory_space<vmem>> -> memref<128xi32, #tpu.memory_space<vmem>>
    %dma_start3A_37 = arith.constant 0 : i32
    %dma_start3A_38 = arith.constant 0 : i32
    %dma_start3A_39 = tpu.memref_slice %arg4[%dma_start3A_37, %dma_start3A_38] : memref<10000x128xf32, #tpu.memory_space<hbm>> -> memref<10000x128xf32, #tpu.memory_space<hbm>>
    tpu.enqueue_indirect_dma source(%dma_start3A_39 : memref<10000x128xf32, #tpu.memory_space<hbm>>) target(%arg13 : memref<128x128xf32, #tpu.memory_space<vmem>>) offsets(%dma_start3A_36 : memref<128xi32, #tpu.memory_space<vmem>>) semaphore(%arg19 : memref<!tpu.dma_semaphore, #tpu.memory_space<semaphore_mem>>)
    %dma_wait3A = arith.constant 0 : i32
    %dma_wait3A_40 = tpu.memref_slice %arg2[%mul3A_15, %dma_wait3A] : memref<320000x128xf32, #tpu.memory_space<hbm>> -> memref<128x128xf32, #tpu.memory_space<hbm>>
    %dma_wait3A_41 = arith.constant 0 : i32
    %dma_wait3A_42 = tpu.memref_slice %arg2[%mul3A_15, %dma_wait3A_41] : memref<320000x128xf32, #tpu.memory_space<hbm>> -> memref<128x128xf32, #tpu.memory_space<hbm>>
    tpu.wait_dma2 semaphore(%arg19 : memref<!tpu.dma_semaphore, #tpu.memory_space<semaphore_mem>>) src(%dma_wait3A_42 : memref<128x128xf32, #tpu.memory_space<hbm>>) dst(%arg9 : memref<128x128xf32, #tpu.memory_space<vmem>>)
    %dma_wait3A_43 = arith.constant 0 : i32
    %dma_wait3A_44 = arith.constant 0 : i32
    %dma_wait3A_45 = tpu.memref_slice %arg15[%dma_wait3A_43, %dma_wait3A_44] : memref<1x128xi32, #tpu.memory_space<vmem>> -> memref<1x128xi32, #tpu.memory_space<vmem>>
    %dma_wait3A_46 = tpu.memref_squeeze %dma_wait3A_45 : memref<1x128xi32, #tpu.memory_space<vmem>> -> memref<128xi32, #tpu.memory_space<vmem>>
    %dma_wait3A_47 = arith.constant 0 : i32
    %dma_wait3A_48 = arith.constant 0 : i32
    %dma_wait3A_49 = tpu.memref_slice %arg3[%dma_wait3A_47, %dma_wait3A_48] : memref<10000x128xf32, #tpu.memory_space<hbm>> -> memref<10000x128xf32, #tpu.memory_space<hbm>>
    tpu.wait_indirect_dma semaphore(%arg19 : memref<!tpu.dma_semaphore, #tpu.memory_space<semaphore_mem>>) src(%dma_wait3A_49 : memref<10000x128xf32, #tpu.memory_space<hbm>>) dst(%arg11 : memref<128x128xf32, #tpu.memory_space<vmem>>)
    %dma_wait3A_50 = arith.constant 0 : i32
    %dma_wait3A_51 = arith.constant 0 : i32
    %dma_wait3A_52 = tpu.memref_slice %arg17[%dma_wait3A_50, %dma_wait3A_51] : memref<1x128xi32, #tpu.memory_space<vmem>> -> memref<1x128xi32, #tpu.memory_space<vmem>>
    %dma_wait3A_53 = tpu.memref_squeeze %dma_wait3A_52 : memref<1x128xi32, #tpu.memory_space<vmem>> -> memref<128xi32, #tpu.memory_space<vmem>>
    %dma_wait3A_54 = arith.constant 0 : i32
    %dma_wait3A_55 = arith.constant 0 : i32
    %dma_wait3A_56 = tpu.memref_slice %arg4[%dma_wait3A_54, %dma_wait3A_55] : memref<10000x128xf32, #tpu.memory_space<hbm>> -> memref<10000x128xf32, #tpu.memory_space<hbm>>
    tpu.wait_indirect_dma semaphore(%arg19 : memref<!tpu.dma_semaphore, #tpu.memory_space<semaphore_mem>>) src(%dma_wait3A_56 : memref<10000x128xf32, #tpu.memory_space<hbm>>) dst(%arg13 : memref<128x128xf32, #tpu.memory_space<vmem>>)
    %scan3A = arith.constant 0 : i32
    %scan3A_57 = arith.constant 0 : i32
    %scan3A_58 = arith.constant 40 : i32
    %scan3A_59 = arith.addi %scan3A_57, %scan3A_58 : i32
    %scan3A_60 = arith.constant 1 : i32
    scf.for %scan3A_68 = %scan3A_57 to %scan3A_59 step %scan3A_60  : i32 {
      %mul3A_69 = arith.constant 2 : i32
      %mul3A_70 = arith.muli %mul3A_69, %scan3A_68 : i32
      %add3A_71 = arith.constant 0 : i32
      %add3A_72 = arith.addi %mul3A_70, %add3A_71 : i32
      %add3A_73 = arith.constant 1 : i32
      %add3A_74 = arith.addi %add3A_72, %add3A_73 : i32
      %mul3A_75 = arith.constant 32 : i32
      %mul3A_76 = arith.muli %mul3A_75, %add3A_74 : i32
      %add3A_77 = arith.addi %add3A, %mul3A_76 : i32
      %mul3A_78 = arith.constant 128 : i32
      %mul3A_79 = arith.muli %add3A_77, %mul3A_78 : i32
      %lt3A = arith.constant 2500 : i32
      %lt3A_80 = arith.cmpi slt, %add3A_77, %lt3A : i32
      %convert_element_type3A_81 = arith.extui %lt3A_80 : i1 to i32
      %cond3A_82 = arith.constant 0 : i32
      %cond3A_83 = arith.constant 0 : i32
      %cond3A_84 = arith.constant 0 : i32
      %cond3A_85 = arith.cmpi ne, %convert_element_type3A_81, %cond3A_84 : i32
      scf.if %cond3A_85 {
        %mul3A_139 = arith.constant 128 : i32
        %mul3A_140 = arith.muli %add3A_77, %mul3A_139 : i32
        %run_scoped3A_141 = arith.constant 0 : i32
        "tpu.region"() ({
          %run_scoped3A_161 = tpu.sem_alloc : memref<!tpu.dma_semaphore, #tpu.memory_space<semaphore_mem>>
          %dma_start3A_162 = arith.constant 0 : i32
          %dma_start3A_163 = tpu.memref_slice %arg16[%run_scoped3A_141, %dma_start3A_162] : memref<1x128xi32, #tpu.memory_space<vmem>> -> memref<1x128xi32, #tpu.memory_space<vmem>>
          %dma_start3A_164 = tpu.memref_squeeze %dma_start3A_163 : memref<1x128xi32, #tpu.memory_space<vmem>> -> memref<128xi32, #tpu.memory_space<vmem>>
          %dma_start3A_165 = tpu.memref_slice %arg5[%mul3A_140] : memref<320000xi32, #tpu.memory_space<hbm>> -> memref<128xi32, #tpu.memory_space<hbm>>
          %dma_start3A_166 = arith.constant 0 : i32
          %dma_start3A_167 = tpu.memref_slice %arg16[%run_scoped3A_141, %dma_start3A_166] : memref<1x128xi32, #tpu.memory_space<vmem>> -> memref<1x128xi32, #tpu.memory_space<vmem>>
          %dma_start3A_168 = tpu.memref_squeeze %dma_start3A_167 : memref<1x128xi32, #tpu.memory_space<vmem>> -> memref<128xi32, #tpu.memory_space<vmem>>
          %dma_start3A_169 = tpu.memref_slice %arg5[%mul3A_140] : memref<320000xi32, #tpu.memory_space<hbm>> -> memref<128xi32, #tpu.memory_space<hbm>>
          tpu.enqueue_dma source(%dma_start3A_169 : memref<128xi32, #tpu.memory_space<hbm>>) target(%dma_start3A_168 : memref<128xi32, #tpu.memory_space<vmem>>) target_semaphore(%run_scoped3A_161 : memref<!tpu.dma_semaphore, #tpu.memory_space<semaphore_mem>>)
          %dma_wait3A_170 = arith.constant 0 : i32
          %dma_wait3A_171 = tpu.memref_slice %arg16[%run_scoped3A_141, %dma_wait3A_170] : memref<1x128xi32, #tpu.memory_space<vmem>> -> memref<1x128xi32, #tpu.memory_space<vmem>>
          %dma_wait3A_172 = tpu.memref_squeeze %dma_wait3A_171 : memref<1x128xi32, #tpu.memory_space<vmem>> -> memref<128xi32, #tpu.memory_space<vmem>>
          %dma_wait3A_173 = tpu.memref_slice %arg5[%mul3A_140] : memref<320000xi32, #tpu.memory_space<hbm>> -> memref<128xi32, #tpu.memory_space<hbm>>
          %dma_wait3A_174 = arith.constant 0 : i32
          %dma_wait3A_175 = tpu.memref_slice %arg16[%run_scoped3A_141, %dma_wait3A_174] : memref<1x128xi32, #tpu.memory_space<vmem>> -> memref<1x128xi32, #tpu.memory_space<vmem>>
          %dma_wait3A_176 = tpu.memref_squeeze %dma_wait3A_175 : memref<1x128xi32, #tpu.memory_space<vmem>> -> memref<128xi32, #tpu.memory_space<vmem>>
          %dma_wait3A_177 = tpu.memref_slice %arg5[%mul3A_140] : memref<320000xi32, #tpu.memory_space<hbm>> -> memref<128xi32, #tpu.memory_space<hbm>>
          tpu.wait_dma2 semaphore(%run_scoped3A_161 : memref<!tpu.dma_semaphore, #tpu.memory_space<semaphore_mem>>) src(%dma_wait3A_177 : memref<128xi32, #tpu.memory_space<hbm>>) dst(%dma_wait3A_176 : memref<128xi32, #tpu.memory_space<vmem>>)
          tpu.yield
        }) : () -> ()
        %mul3A_142 = arith.constant 128 : i32
        %mul3A_143 = arith.muli %add3A_77, %mul3A_142 : i32
        %run_scoped3A_144 = arith.constant 0 : i32
        "tpu.region"() ({
          %run_scoped3A_161 = tpu.sem_alloc : memref<!tpu.dma_semaphore, #tpu.memory_space<semaphore_mem>>
          %dma_start3A_162 = arith.constant 0 : i32
          %dma_start3A_163 = tpu.memref_slice %arg18[%run_scoped3A_144, %dma_start3A_162] : memref<1x128xi32, #tpu.memory_space<vmem>> -> memref<1x128xi32, #tpu.memory_space<vmem>>
          %dma_start3A_164 = tpu.memref_squeeze %dma_start3A_163 : memref<1x128xi32, #tpu.memory_space<vmem>> -> memref<128xi32, #tpu.memory_space<vmem>>
          %dma_start3A_165 = tpu.memref_slice %arg6[%mul3A_143] : memref<320000xi32, #tpu.memory_space<hbm>> -> memref<128xi32, #tpu.memory_space<hbm>>
          %dma_start3A_166 = arith.constant 0 : i32
          %dma_start3A_167 = tpu.memref_slice %arg18[%run_scoped3A_144, %dma_start3A_166] : memref<1x128xi32, #tpu.memory_space<vmem>> -> memref<1x128xi32, #tpu.memory_space<vmem>>
          %dma_start3A_168 = tpu.memref_squeeze %dma_start3A_167 : memref<1x128xi32, #tpu.memory_space<vmem>> -> memref<128xi32, #tpu.memory_space<vmem>>
          %dma_start3A_169 = tpu.memref_slice %arg6[%mul3A_143] : memref<320000xi32, #tpu.memory_space<hbm>> -> memref<128xi32, #tpu.memory_space<hbm>>
          tpu.enqueue_dma source(%dma_start3A_169 : memref<128xi32, #tpu.memory_space<hbm>>) target(%dma_start3A_168 : memref<128xi32, #tpu.memory_space<vmem>>) target_semaphore(%run_scoped3A_161 : memref<!tpu.dma_semaphore, #tpu.memory_space<semaphore_mem>>)
          %dma_wait3A_170 = arith.constant 0 : i32
          %dma_wait3A_171 = tpu.memref_slice %arg18[%run_scoped3A_144, %dma_wait3A_170] : memref<1x128xi32, #tpu.memory_space<vmem>> -> memref<1x128xi32, #tpu.memory_space<vmem>>
          %dma_wait3A_172 = tpu.memref_squeeze %dma_wait3A_171 : memref<1x128xi32, #tpu.memory_space<vmem>> -> memref<128xi32, #tpu.memory_space<vmem>>
          %dma_wait3A_173 = tpu.memref_slice %arg6[%mul3A_143] : memref<320000xi32, #tpu.memory_space<hbm>> -> memref<128xi32, #tpu.memory_space<hbm>>
          %dma_wait3A_174 = arith.constant 0 : i32
          %dma_wait3A_175 = tpu.memref_slice %arg18[%run_scoped3A_144, %dma_wait3A_174] : memref<1x128xi32, #tpu.memory_space<vmem>> -> memref<1x128xi32, #tpu.memory_space<vmem>>
          %dma_wait3A_176 = tpu.memref_squeeze %dma_wait3A_175 : memref<1x128xi32, #tpu.memory_space<vmem>> -> memref<128xi32, #tpu.memory_space<vmem>>
          %dma_wait3A_177 = tpu.memref_slice %arg6[%mul3A_143] : memref<320000xi32, #tpu.memory_space<hbm>> -> memref<128xi32, #tpu.memory_space<hbm>>
          tpu.wait_dma2 semaphore(%run_scoped3A_161 : memref<!tpu.dma_semaphore, #tpu.memory_space<semaphore_mem>>) src(%dma_wait3A_177 : memref<128xi32, #tpu.memory_space<hbm>>) dst(%dma_wait3A_176 : memref<128xi32, #tpu.memory_space<vmem>>)
          tpu.yield
        }) : () -> ()
        %dma_start3A_145 = arith.constant 0 : i32
        %dma_start3A_146 = tpu.memref_slice %arg2[%mul3A_79, %dma_start3A_145] : memref<320000x128xf32, #tpu.memory_space<hbm>> -> memref<128x128xf32, #tpu.memory_space<hbm>>
        %dma_start3A_147 = arith.constant 0 : i32
        %dma_start3A_148 = tpu.memref_slice %arg2[%mul3A_79, %dma_start3A_147] : memref<320000x128xf32, #tpu.memory_space<hbm>> -> memref<128x128xf32, #tpu.memory_space<hbm>>
        tpu.enqueue_dma source(%dma_start3A_148 : memref<128x128xf32, #tpu.memory_space<hbm>>) target(%arg10 : memref<128x128xf32, #tpu.memory_space<vmem>>) target_semaphore(%arg20 : memref<!tpu.dma_semaphore, #tpu.memory_space<semaphore_mem>>)
        %dma_start3A_149 = arith.constant 0 : i32
        %dma_start3A_150 = tpu.memref_slice %arg16[%cond3A_82, %dma_start3A_149] : memref<1x128xi32, #tpu.memory_space<vmem>> -> memref<1x128xi32, #tpu.memory_space<vmem>>
        %dma_start3A_151 = tpu.memref_squeeze %dma_start3A_150 : memref<1x128xi32, #tpu.memory_space<vmem>> -> memref<128xi32, #tpu.memory_space<vmem>>
        %dma_start3A_152 = arith.constant 0 : i32
        %dma_start3A_153 = arith.constant 0 : i32
        %dma_start3A_154 = tpu.memref_slice %arg3[%dma_start3A_152, %dma_start3A_153] : memref<10000x128xf32, #tpu.memory_space<hbm>> -> memref<10000x128xf32, #tpu.memory_space<hbm>>
        tpu.enqueue_indirect_dma source(%dma_start3A_154 : memref<10000x128xf32, #tpu.memory_space<hbm>>) target(%arg12 : memref<128x128xf32, #tpu.memory_space<vmem>>) offsets(%dma_start3A_151 : memref<128xi32, #tpu.memory_space<vmem>>) semaphore(%arg20 : memref<!tpu.dma_semaphore, #tpu.memory_space<semaphore_mem>>)
        %dma_start3A_155 = arith.constant 0 : i32
        %dma_start3A_156 = tpu.memref_slice %arg18[%cond3A_83, %dma_start3A_155] : memref<1x128xi32, #tpu.memory_space<vmem>> -> memref<1x128xi32, #tpu.memory_space<vmem>>
        %dma_start3A_157 = tpu.memref_squeeze %dma_start3A_156 : memref<1x128xi32, #tpu.memory_space<vmem>> -> memref<128xi32, #tpu.memory_space<vmem>>
        %dma_start3A_158 = arith.constant 0 : i32
        %dma_start3A_159 = arith.constant 0 : i32
        %dma_start3A_160 = tpu.memref_slice %arg4[%dma_start3A_158, %dma_start3A_159] : memref<10000x128xf32, #tpu.memory_space<hbm>> -> memref<10000x128xf32, #tpu.memory_space<hbm>>
        tpu.enqueue_indirect_dma source(%dma_start3A_160 : memref<10000x128xf32, #tpu.memory_space<hbm>>) target(%arg14 : memref<128x128xf32, #tpu.memory_space<vmem>>) offsets(%dma_start3A_157 : memref<128xi32, #tpu.memory_space<vmem>>) semaphore(%arg20 : memref<!tpu.dma_semaphore, #tpu.memory_space<semaphore_mem>>)
      } else {
      }
      %lt3A_86 = arith.constant 79 : i32
      %lt3A_87 = arith.cmpi slt, %add3A_72, %lt3A_86 : i32
      %mul3A_88 = arith.constant 32 : i32
      %mul3A_89 = arith.muli %mul3A_88, %add3A_72 : i32
      %add3A_90 = arith.addi %add3A, %mul3A_89 : i32
      %lt3A_91 = arith.constant 2500 : i32
      %lt3A_92 = arith.cmpi slt, %add3A_90, %lt3A_91 : i32
      %and3A = arith.andi %lt3A_87, %lt3A_92 : i1
      %convert_element_type3A_93 = arith.extui %and3A : i1 to i32
      %cond3A_94 = arith.constant 0 : i32
      %cond3A_95 = arith.cmpi ne, %convert_element_type3A_93, %cond3A_94 : i32
      scf.if %cond3A_95 {
        %get3A = arith.constant 0 : i32
        %get3A_139 = arith.index_cast %get3A : i32 to index
        %get3A_140 = arith.constant 0 : index
        %get3A_141 = tpu.vector_load %arg15[%get3A_139, %get3A_140] {strides = array<i32>} : memref<1x128xi32, #tpu.memory_space<vmem>>, vector<16xi32>,
        %gather3A = tpu.vector_load_idx %arg23[%get3A_141] : memref<10000xi32, #tpu.memory_space<vmem>>[vector<16xi32>], vector<16xi32>,
        %swap3A = arith.constant 0 : i32
        %swap3A_142 = arith.index_cast %swap3A : i32 to index
        %swap3A_143 = arith.constant 0 : index
        %swap3A_144 = tpu.vector_load %arg21[%swap3A_142, %swap3A_143] {strides = array<i32>} : memref<1x128xi32, #tpu.memory_space<vmem>>, vector<16xi32>,
        tpu.vector_store %arg21[%swap3A_142, %swap3A_143], %gather3A {strides = array<i32>} : memref<1x128xi32, #tpu.memory_space<vmem>>, vector<16xi32>,
        %get3A_145 = arith.constant 0 : i32
        %get3A_146 = arith.index_cast %get3A_145 : i32 to index
        %get3A_147 = arith.constant 16 : index
        %get3A_148 = tpu.vector_load %arg15[%get3A_146, %get3A_147] {strides = array<i32>} : memref<1x128xi32, #tpu.memory_space<vmem>>, vector<16xi32>,
        %gather3A_149 = tpu.vector_load_idx %arg23[%get3A_148] : memref<10000xi32, #tpu.memory_space<vmem>>[vector<16xi32>], vector<16xi32>,
        %swap3A_150 = arith.constant 0 : i32
        %swap3A_151 = arith.index_cast %swap3A_150 : i32 to index
        %swap3A_152 = arith.constant 16 : index
        %swap3A_153 = tpu.vector_load %arg21[%swap3A_151, %swap3A_152] {strides = array<i32>} : memref<1x128xi32, #tpu.memory_space<vmem>>, vector<16xi32>,
        tpu.vector_store %arg21[%swap3A_151, %swap3A_152], %gather3A_149 {strides = array<i32>} : memref<1x128xi32, #tpu.memory_space<vmem>>, vector<16xi32>,
        %get3A_154 = arith.constant 0 : i32
        %get3A_155 = arith.index_cast %get3A_154 : i32 to index
        %get3A_156 = arith.constant 32 : index
        %get3A_157 = tpu.vector_load %arg15[%get3A_155, %get3A_156] {strides = array<i32>} : memref<1x128xi32, #tpu.memory_space<vmem>>, vector<16xi32>,
        %gather3A_158 = tpu.vector_load_idx %arg23[%get3A_157] : memref<10000xi32, #tpu.memory_space<vmem>>[vector<16xi32>], vector<16xi32>,
        %swap3A_159 = arith.constant 0 : i32
        %swap3A_160 = arith.index_cast %swap3A_159 : i32 to index
        %swap3A_161 = arith.constant 32 : index
        %swap3A_162 = tpu.vector_load %arg21[%swap3A_160, %swap3A_161] {strides = array<i32>} : memref<1x128xi32, #tpu.memory_space<vmem>>, vector<16xi32>,
        tpu.vector_store %arg21[%swap3A_160, %swap3A_161], %gather3A_158 {strides = array<i32>} : memref<1x128xi32, #tpu.memory_space<vmem>>, vector<16xi32>,
        %get3A_163 = arith.constant 0 : i32
        %get3A_164 = arith.index_cast %get3A_163 : i32 to index
        %get3A_165 = arith.constant 48 : index
        %get3A_166 = tpu.vector_load %arg15[%get3A_164, %get3A_165] {strides = array<i32>} : memref<1x128xi32, #tpu.memory_space<vmem>>, vector<16xi32>,
        %gather3A_167 = tpu.vector_load_idx %arg23[%get3A_166] : memref<10000xi32, #tpu.memory_space<vmem>>[vector<16xi32>], vector<16xi32>,
        %swap3A_168 = arith.constant 0 : i32
        %swap3A_169 = arith.index_cast %swap3A_168 : i32 to index
        %swap3A_170 = arith.constant 48 : index
        %swap3A_171 = tpu.vector_load %arg21[%swap3A_169, %swap3A_170] {strides = array<i32>} : memref<1x128xi32, #tpu.memory_space<vmem>>, vector<16xi32>,
        tpu.vector_store %arg21[%swap3A_169, %swap3A_170], %gather3A_167 {strides = array<i32>} : memref<1x128xi32, #tpu.memory_space<vmem>>, vector<16xi32>,
        %get3A_172 = arith.constant 0 : i32
        %get3A_173 = arith.index_cast %get3A_172 : i32 to index
        %get3A_174 = arith.constant 64 : index
        %get3A_175 = tpu.vector_load %arg15[%get3A_173, %get3A_174] {strides = array<i32>} : memref<1x128xi32, #tpu.memory_space<vmem>>, vector<16xi32>,
        %gather3A_176 = tpu.vector_load_idx %arg23[%get3A_175] : memref<10000xi32, #tpu.memory_space<vmem>>[vector<16xi32>], vector<16xi32>,
        %swap3A_177 = arith.constant 0 : i32
        %swap3A_178 = arith.index_cast %swap3A_177 : i32 to index
        %swap3A_179 = arith.constant 64 : index
        %swap3A_180 = tpu.vector_load %arg21[%swap3A_178, %swap3A_179] {strides = array<i32>} : memref<1x128xi32, #tpu.memory_space<vmem>>, vector<16xi32>,
        tpu.vector_store %arg21[%swap3A_178, %swap3A_179], %gather3A_176 {strides = array<i32>} : memref<1x128xi32, #tpu.memory_space<vmem>>, vector<16xi32>,
        %get3A_181 = arith.constant 0 : i32
        %get3A_182 = arith.index_cast %get3A_181 : i32 to index
        %get3A_183 = arith.constant 80 : index
        %get3A_184 = tpu.vector_load %arg15[%get3A_182, %get3A_183] {strides = array<i32>} : memref<1x128xi32, #tpu.memory_space<vmem>>, vector<16xi32>,
        %gather3A_185 = tpu.vector_load_idx %arg23[%get3A_184] : memref<10000xi32, #tpu.memory_space<vmem>>[vector<16xi32>], vector<16xi32>,
        %swap3A_186 = arith.constant 0 : i32
        %swap3A_187 = arith.index_cast %swap3A_186 : i32 to index
        %swap3A_188 = arith.constant 80 : index
        %swap3A_189 = tpu.vector_load %arg21[%swap3A_187, %swap3A_188] {strides = array<i32>} : memref<1x128xi32, #tpu.memory_space<vmem>>, vector<16xi32>,
        tpu.vector_store %arg21[%swap3A_187, %swap3A_188], %gather3A_185 {strides = array<i32>} : memref<1x128xi32, #tpu.memory_space<vmem>>, vector<16xi32>,
        %get3A_190 = arith.constant 0 : i32
        %get3A_191 = arith.index_cast %get3A_190 : i32 to index
        %get3A_192 = arith.constant 96 : index
        %get3A_193 = tpu.vector_load %arg15[%get3A_191, %get3A_192] {strides = array<i32>} : memref<1x128xi32, #tpu.memory_space<vmem>>, vector<16xi32>,
        %gather3A_194 = tpu.vector_load_idx %arg23[%get3A_193] : memref<10000xi32, #tpu.memory_space<vmem>>[vector<16xi32>], vector<16xi32>,
        %swap3A_195 = arith.constant 0 : i32
        %swap3A_196 = arith.index_cast %swap3A_195 : i32 to index
        %swap3A_197 = arith.constant 96 : index
        %swap3A_198 = tpu.vector_load %arg21[%swap3A_196, %swap3A_197] {strides = array<i32>} : memref<1x128xi32, #tpu.memory_space<vmem>>, vector<16xi32>,
        tpu.vector_store %arg21[%swap3A_196, %swap3A_197], %gather3A_194 {strides = array<i32>} : memref<1x128xi32, #tpu.memory_space<vmem>>, vector<16xi32>,
        %get3A_199 = arith.constant 0 : i32
        %get3A_200 = arith.index_cast %get3A_199 : i32 to index
        %get3A_201 = arith.constant 112 : index
        %get3A_202 = tpu.vector_load %arg15[%get3A_200, %get3A_201] {strides = array<i32>} : memref<1x128xi32, #tpu.memory_space<vmem>>, vector<16xi32>,
        %gather3A_203 = tpu.vector_load_idx %arg23[%get3A_202] : memref<10000xi32, #tpu.memory_space<vmem>>[vector<16xi32>], vector<16xi32>,
        %swap3A_204 = arith.constant 0 : i32
        %swap3A_205 = arith.index_cast %swap3A_204 : i32 to index
        %swap3A_206 = arith.constant 112 : index
        %swap3A_207 = tpu.vector_load %arg21[%swap3A_205, %swap3A_206] {strides = array<i32>} : memref<1x128xi32, #tpu.memory_space<vmem>>, vector<16xi32>,
        tpu.vector_store %arg21[%swap3A_205, %swap3A_206], %gather3A_203 {strides = array<i32>} : memref<1x128xi32, #tpu.memory_space<vmem>>, vector<16xi32>,
        %parallel_loop3A_208 = arith.constant 0 : i32
        %parallel_loop3A_209 = arith.constant 128 : i32
        %parallel_loop3A_210 = arith.constant 1 : i32
        scf.for %parallel_loop3A_212 = %parallel_loop3A_208 to %parallel_loop3A_209 step %parallel_loop3A_210  : i32 {
          %parallel_loop3A_213 = arith.index_cast %parallel_loop3A_212 : i32 to index
          %parallel_loop3A_214 = arith.constant 0 : index
          %parallel_loop3A_215 = tpu.vector_load %arg11[%parallel_loop3A_213, %parallel_loop3A_214] {strides = array<i32>} : memref<128x128xf32, #tpu.memory_space<vmem>>, vector<16xf32>,
          %parallel_loop3A_216 = arith.index_cast %parallel_loop3A_212 : i32 to index
          %parallel_loop3A_217 = arith.constant 0 : index
          %parallel_loop3A_218 = tpu.vector_load %arg13[%parallel_loop3A_216, %parallel_loop3A_217] {strides = array<i32>} : memref<128x128xf32, #tpu.memory_space<vmem>>, vector<16xf32>,
          %parallel_loop3A_219 = arith.addf %parallel_loop3A_215, %parallel_loop3A_218 : vector<16xf32>
          %parallel_loop3A_220 = arith.index_cast %parallel_loop3A_212 : i32 to index
          %parallel_loop3A_221 = arith.constant 0 : index
          %parallel_loop3A_222 = tpu.vector_load %arg9[%parallel_loop3A_220, %parallel_loop3A_221] {strides = array<i32>} : memref<128x128xf32, #tpu.memory_space<vmem>>, vector<16xf32>,
          %parallel_loop3A_223 = arith.addf %parallel_loop3A_219, %parallel_loop3A_222 : vector<16xf32>
          %parallel_loop3A_224 = arith.constant 0.000000e+00 : f32
          %parallel_loop3A_225 = vector.broadcast %parallel_loop3A_224 : f32 to vector<16xf32>
          %parallel_loop3A_226 = arith.maximumf %parallel_loop3A_223, %parallel_loop3A_225 : vector<16xf32>
          %parallel_loop3A_227 = arith.index_cast %parallel_loop3A_212 : i32 to index
          %parallel_loop3A_228 = arith.constant 0 : index
          %parallel_loop3A_229 = tpu.vector_load %arg9[%parallel_loop3A_227, %parallel_loop3A_228] {strides = array<i32>} : memref<128x128xf32, #tpu.memory_space<vmem>>, vector<16xf32>,
          tpu.vector_store %arg9[%parallel_loop3A_227, %parallel_loop3A_228], %parallel_loop3A_226 {strides = array<i32>} : memref<128x128xf32, #tpu.memory_space<vmem>>, vector<16xf32>,
          %parallel_loop3A_230 = arith.index_cast %parallel_loop3A_212 : i32 to index
          %parallel_loop3A_231 = arith.constant 16 : index
          %parallel_loop3A_232 = tpu.vector_load %arg11[%parallel_loop3A_230, %parallel_loop3A_231] {strides = array<i32>} : memref<128x128xf32, #tpu.memory_space<vmem>>, vector<16xf32>,
          %parallel_loop3A_233 = arith.index_cast %parallel_loop3A_212 : i32 to index
          %parallel_loop3A_234 = arith.constant 16 : index
          %parallel_loop3A_235 = tpu.vector_load %arg13[%parallel_loop3A_233, %parallel_loop3A_234] {strides = array<i32>} : memref<128x128xf32, #tpu.memory_space<vmem>>, vector<16xf32>,
          %parallel_loop3A_236 = arith.addf %parallel_loop3A_232, %parallel_loop3A_235 : vector<16xf32>
          %parallel_loop3A_237 = arith.index_cast %parallel_loop3A_212 : i32 to index
          %parallel_loop3A_238 = arith.constant 16 : index
          %parallel_loop3A_239 = tpu.vector_load %arg9[%parallel_loop3A_237, %parallel_loop3A_238] {strides = array<i32>} : memref<128x128xf32, #tpu.memory_space<vmem>>, vector<16xf32>,
          %parallel_loop3A_240 = arith.addf %parallel_loop3A_236, %parallel_loop3A_239 : vector<16xf32>
          %parallel_loop3A_241 = arith.constant 0.000000e+00 : f32
          %parallel_loop3A_242 = vector.broadcast %parallel_loop3A_241 : f32 to vector<16xf32>
          %parallel_loop3A_243 = arith.maximumf %parallel_loop3A_240, %parallel_loop3A_242 : vector<16xf32>
          %parallel_loop3A_244 = arith.index_cast %parallel_loop3A_212 : i32 to index
          %parallel_loop3A_245 = arith.constant 16 : index
          %parallel_loop3A_246 = tpu.vector_load %arg9[%parallel_loop3A_244, %parallel_loop3A_245] {strides = array<i32>} : memref<128x128xf32, #tpu.memory_space<vmem>>, vector<16xf32>,
          tpu.vector_store %arg9[%parallel_loop3A_244, %parallel_loop3A_245], %parallel_loop3A_243 {strides = array<i32>} : memref<128x128xf32, #tpu.memory_space<vmem>>, vector<16xf32>,
          %parallel_loop3A_247 = arith.index_cast %parallel_loop3A_212 : i32 to index
          %parallel_loop3A_248 = arith.constant 32 : index
          %parallel_loop3A_249 = tpu.vector_load %arg11[%parallel_loop3A_247, %parallel_loop3A_248] {strides = array<i32>} : memref<128x128xf32, #tpu.memory_space<vmem>>, vector<16xf32>,
          %parallel_loop3A_250 = arith.index_cast %parallel_loop3A_212 : i32 to index
          %parallel_loop3A_251 = arith.constant 32 : index
          %parallel_loop3A_252 = tpu.vector_load %arg13[%parallel_loop3A_250, %parallel_loop3A_251] {strides = array<i32>} : memref<128x128xf32, #tpu.memory_space<vmem>>, vector<16xf32>,
          %parallel_loop3A_253 = arith.addf %parallel_loop3A_249, %parallel_loop3A_252 : vector<16xf32>
          %parallel_loop3A_254 = arith.index_cast %parallel_loop3A_212 : i32 to index
          %parallel_loop3A_255 = arith.constant 32 : index
          %parallel_loop3A_256 = tpu.vector_load %arg9[%parallel_loop3A_254, %parallel_loop3A_255] {strides = array<i32>} : memref<128x128xf32, #tpu.memory_space<vmem>>, vector<16xf32>,
          %parallel_loop3A_257 = arith.addf %parallel_loop3A_253, %parallel_loop3A_256 : vector<16xf32>
          %parallel_loop3A_258 = arith.constant 0.000000e+00 : f32
          %parallel_loop3A_259 = vector.broadcast %parallel_loop3A_258 : f32 to vector<16xf32>
          %parallel_loop3A_260 = arith.maximumf %parallel_loop3A_257, %parallel_loop3A_259 : vector<16xf32>
          %parallel_loop3A_261 = arith.index_cast %parallel_loop3A_212 : i32 to index
          %parallel_loop3A_262 = arith.constant 32 : index
          %parallel_loop3A_263 = tpu.vector_load %arg9[%parallel_loop3A_261, %parallel_loop3A_262] {strides = array<i32>} : memref<128x128xf32, #tpu.memory_space<vmem>>, vector<16xf32>,
          tpu.vector_store %arg9[%parallel_loop3A_261, %parallel_loop3A_262], %parallel_loop3A_260 {strides = array<i32>} : memref<128x128xf32, #tpu.memory_space<vmem>>, vector<16xf32>,
          %parallel_loop3A_264 = arith.index_cast %parallel_loop3A_212 : i32 to index
          %parallel_loop3A_265 = arith.constant 48 : index
          %parallel_loop3A_266 = tpu.vector_load %arg11[%parallel_loop3A_264, %parallel_loop3A_265] {strides = array<i32>} : memref<128x128xf32, #tpu.memory_space<vmem>>, vector<16xf32>,
          %parallel_loop3A_267 = arith.index_cast %parallel_loop3A_212 : i32 to index
          %parallel_loop3A_268 = arith.constant 48 : index
          %parallel_loop3A_269 = tpu.vector_load %arg13[%parallel_loop3A_267, %parallel_loop3A_268] {strides = array<i32>} : memref<128x128xf32, #tpu.memory_space<vmem>>, vector<16xf32>,
          %parallel_loop3A_270 = arith.addf %parallel_loop3A_266, %parallel_loop3A_269 : vector<16xf32>
          %parallel_loop3A_271 = arith.index_cast %parallel_loop3A_212 : i32 to index
          %parallel_loop3A_272 = arith.constant 48 : index
          %parallel_loop3A_273 = tpu.vector_load %arg9[%parallel_loop3A_271, %parallel_loop3A_272] {strides = array<i32>} : memref<128x128xf32, #tpu.memory_space<vmem>>, vector<16xf32>,
          %parallel_loop3A_274 = arith.addf %parallel_loop3A_270, %parallel_loop3A_273 : vector<16xf32>
          %parallel_loop3A_275 = arith.constant 0.000000e+00 : f32
          %parallel_loop3A_276 = vector.broadcast %parallel_loop3A_275 : f32 to vector<16xf32>
          %parallel_loop3A_277 = arith.maximumf %parallel_loop3A_274, %parallel_loop3A_276 : vector<16xf32>
          %parallel_loop3A_278 = arith.index_cast %parallel_loop3A_212 : i32 to index
          %parallel_loop3A_279 = arith.constant 48 : index
          %parallel_loop3A_280 = tpu.vector_load %arg9[%parallel_loop3A_278, %parallel_loop3A_279] {strides = array<i32>} : memref<128x128xf32, #tpu.memory_space<vmem>>, vector<16xf32>,
          tpu.vector_store %arg9[%parallel_loop3A_278, %parallel_loop3A_279], %parallel_loop3A_277 {strides = array<i32>} : memref<128x128xf32, #tpu.memory_space<vmem>>, vector<16xf32>,
          %parallel_loop3A_281 = arith.index_cast %parallel_loop3A_212 : i32 to index
          %parallel_loop3A_282 = arith.constant 64 : index
          %parallel_loop3A_283 = tpu.vector_load %arg11[%parallel_loop3A_281, %parallel_loop3A_282] {strides = array<i32>} : memref<128x128xf32, #tpu.memory_space<vmem>>, vector<16xf32>,
          %parallel_loop3A_284 = arith.index_cast %parallel_loop3A_212 : i32 to index
          %parallel_loop3A_285 = arith.constant 64 : index
          %parallel_loop3A_286 = tpu.vector_load %arg13[%parallel_loop3A_284, %parallel_loop3A_285] {strides = array<i32>} : memref<128x128xf32, #tpu.memory_space<vmem>>, vector<16xf32>,
          %parallel_loop3A_287 = arith.addf %parallel_loop3A_283, %parallel_loop3A_286 : vector<16xf32>
          %parallel_loop3A_288 = arith.index_cast %parallel_loop3A_212 : i32 to index
          %parallel_loop3A_289 = arith.constant 64 : index
          %parallel_loop3A_290 = tpu.vector_load %arg9[%parallel_loop3A_288, %parallel_loop3A_289] {strides = array<i32>} : memref<128x128xf32, #tpu.memory_space<vmem>>, vector<16xf32>,
          %parallel_loop3A_291 = arith.addf %parallel_loop3A_287, %parallel_loop3A_290 : vector<16xf32>
          %parallel_loop3A_292 = arith.constant 0.000000e+00 : f32
          %parallel_loop3A_293 = vector.broadcast %parallel_loop3A_292 : f32 to vector<16xf32>
          %parallel_loop3A_294 = arith.maximumf %parallel_loop3A_291, %parallel_loop3A_293 : vector<16xf32>
          %parallel_loop3A_295 = arith.addf %parallel_loop3A_294, %select_n3A : vector<16xf32>
          %parallel_loop3A_296 = arith.index_cast %parallel_loop3A_212 : i32 to index
          %parallel_loop3A_297 = arith.constant 64 : index
          %parallel_loop3A_298 = tpu.vector_load %arg9[%parallel_loop3A_296, %parallel_loop3A_297] {strides = array<i32>} : memref<128x128xf32, #tpu.memory_space<vmem>>, vector<16xf32>,
          tpu.vector_store %arg9[%parallel_loop3A_296, %parallel_loop3A_297], %parallel_loop3A_295 {strides = array<i32>} : memref<128x128xf32, #tpu.memory_space<vmem>>, vector<16xf32>,
        } {sc.loop_unroll_factor = 4 : i64, sc.parallel_access}
        %run_scoped3A_211 = arith.constant 0 : i32
        "tpu.region"() ({
          %run_scoped3A_212 = tpu.sem_alloc : memref<!tpu.dma_semaphore, #tpu.memory_space<semaphore_mem>>
          %dma_start3A_213 = arith.constant 0 : i32
          %dma_start3A_214 = tpu.memref_slice %arg21[%run_scoped3A_211, %dma_start3A_213] : memref<1x128xi32, #tpu.memory_space<vmem>> -> memref<1x128xi32, #tpu.memory_space<vmem>>
          %dma_start3A_215 = tpu.memref_squeeze %dma_start3A_214 : memref<1x128xi32, #tpu.memory_space<vmem>> -> memref<128xi32, #tpu.memory_space<vmem>>
          %dma_start3A_216 = arith.constant 0 : i32
          %dma_start3A_217 = arith.constant 0 : i32
          %dma_start3A_218 = tpu.memref_slice %arg24[%dma_start3A_216, %dma_start3A_217] : memref<128x128xf32, #tpu.memory_space<vmem_shared>> -> memref<128x128xf32, #tpu.memory_space<vmem_shared>>
          tpu.enqueue_indirect_dma source(%arg9 : memref<128x128xf32, #tpu.memory_space<vmem>>) target(%dma_start3A_218 : memref<128x128xf32, #tpu.memory_space<vmem_shared>>) offsets(%dma_start3A_215 : memref<128xi32, #tpu.memory_space<vmem>>) semaphore(%run_scoped3A_212 : memref<!tpu.dma_semaphore, #tpu.memory_space<semaphore_mem>>) {add = true}
          %dma_wait3A_219 = arith.constant 0 : i32
          %dma_wait3A_220 = tpu.memref_slice %arg21[%run_scoped3A_211, %dma_wait3A_219] : memref<1x128xi32, #tpu.memory_space<vmem>> -> memref<1x128xi32, #tpu.memory_space<vmem>>
          %dma_wait3A_221 = tpu.memref_squeeze %dma_wait3A_220 : memref<1x128xi32, #tpu.memory_space<vmem>> -> memref<128xi32, #tpu.memory_space<vmem>>
          %dma_wait3A_222 = arith.constant 0 : i32
          %dma_wait3A_223 = arith.constant 0 : i32
          %dma_wait3A_224 = tpu.memref_slice %arg24[%dma_wait3A_222, %dma_wait3A_223] : memref<128x128xf32, #tpu.memory_space<vmem_shared>> -> memref<128x128xf32, #tpu.memory_space<vmem_shared>>
          tpu.wait_indirect_dma semaphore(%run_scoped3A_212 : memref<!tpu.dma_semaphore, #tpu.memory_space<semaphore_mem>>) src(%arg9 : memref<128x128xf32, #tpu.memory_space<vmem>>) dst(%dma_wait3A_224 : memref<128x128xf32, #tpu.memory_space<vmem_shared>>)
          tpu.yield
        }) : () -> ()
      } else {
      }
      %lt3A_96 = arith.constant 2500 : i32
      %lt3A_97 = arith.cmpi slt, %add3A_77, %lt3A_96 : i32
      %convert_element_type3A_98 = arith.extui %lt3A_97 : i1 to i32
      %cond3A_99 = arith.constant 0 : i32
      %cond3A_100 = arith.constant 0 : i32
      %cond3A_101 = arith.constant 0 : i32
      %cond3A_102 = arith.cmpi ne, %convert_element_type3A_98, %cond3A_101 : i32
      scf.if %cond3A_102 {
        %dma_wait3A_139 = arith.constant 0 : i32
        %dma_wait3A_140 = tpu.memref_slice %arg2[%mul3A_79, %dma_wait3A_139] : memref<320000x128xf32, #tpu.memory_space<hbm>> -> memref<128x128xf32, #tpu.memory_space<hbm>>
        %dma_wait3A_141 = arith.constant 0 : i32
        %dma_wait3A_142 = tpu.memref_slice %arg2[%mul3A_79, %dma_wait3A_141] : memref<320000x128xf32, #tpu.memory_space<hbm>> -> memref<128x128xf32, #tpu.memory_space<hbm>>
        tpu.wait_dma2 semaphore(%arg20 : memref<!tpu.dma_semaphore, #tpu.memory_space<semaphore_mem>>) src(%dma_wait3A_142 : memref<128x128xf32, #tpu.memory_space<hbm>>) dst(%arg10 : memref<128x128xf32, #tpu.memory_space<vmem>>)
        %dma_wait3A_143 = arith.constant 0 : i32
        %dma_wait3A_144 = tpu.memref_slice %arg16[%cond3A_99, %dma_wait3A_143] : memref<1x128xi32, #tpu.memory_space<vmem>> -> memref<1x128xi32, #tpu.memory_space<vmem>>
        %dma_wait3A_145 = tpu.memref_squeeze %dma_wait3A_144 : memref<1x128xi32, #tpu.memory_space<vmem>> -> memref<128xi32, #tpu.memory_space<vmem>>
        %dma_wait3A_146 = arith.constant 0 : i32
        %dma_wait3A_147 = arith.constant 0 : i32
        %dma_wait3A_148 = tpu.memref_slice %arg3[%dma_wait3A_146, %dma_wait3A_147] : memref<10000x128xf32, #tpu.memory_space<hbm>> -> memref<10000x128xf32, #tpu.memory_space<hbm>>
        tpu.wait_indirect_dma semaphore(%arg20 : memref<!tpu.dma_semaphore, #tpu.memory_space<semaphore_mem>>) src(%dma_wait3A_148 : memref<10000x128xf32, #tpu.memory_space<hbm>>) dst(%arg12 : memref<128x128xf32, #tpu.memory_space<vmem>>)
        %dma_wait3A_149 = arith.constant 0 : i32
        %dma_wait3A_150 = tpu.memref_slice %arg18[%cond3A_100, %dma_wait3A_149] : memref<1x128xi32, #tpu.memory_space<vmem>> -> memref<1x128xi32, #tpu.memory_space<vmem>>
        %dma_wait3A_151 = tpu.memref_squeeze %dma_wait3A_150 : memref<1x128xi32, #tpu.memory_space<vmem>> -> memref<128xi32, #tpu.memory_space<vmem>>
        %dma_wait3A_152 = arith.constant 0 : i32
        %dma_wait3A_153 = arith.constant 0 : i32
        %dma_wait3A_154 = tpu.memref_slice %arg4[%dma_wait3A_152, %dma_wait3A_153] : memref<10000x128xf32, #tpu.memory_space<hbm>> -> memref<10000x128xf32, #tpu.memory_space<hbm>>
        tpu.wait_indirect_dma semaphore(%arg20 : memref<!tpu.dma_semaphore, #tpu.memory_space<semaphore_mem>>) src(%dma_wait3A_154 : memref<10000x128xf32, #tpu.memory_space<hbm>>) dst(%arg14 : memref<128x128xf32, #tpu.memory_space<vmem>>)
      } else {
      }
      %mul3A_103 = arith.constant 2 : i32
      %mul3A_104 = arith.muli %mul3A_103, %scan3A_68 : i32
      %add3A_105 = arith.constant 1 : i32
      %add3A_106 = arith.addi %mul3A_104, %add3A_105 : i32
      %add3A_107 = arith.constant 1 : i32
      %add3A_108 = arith.addi %add3A_106, %add3A_107 : i32
      %mul3A_109 = arith.constant 32 : i32
      %mul3A_110 = arith.muli %mul3A_109, %add3A_108 : i32
      %add3A_111 = arith.addi %add3A, %mul3A_110 : i32
      %mul3A_112 = arith.constant 128 : i32
      %mul3A_113 = arith.muli %add3A_111, %mul3A_112 : i32
      %lt3A_114 = arith.constant 2500 : i32
      %lt3A_115 = arith.cmpi slt, %add3A_111, %lt3A_114 : i32
      %convert_element_type3A_116 = arith.extui %lt3A_115 : i1 to i32
      %cond3A_117 = arith.constant 0 : i32
      %cond3A_118 = arith.constant 0 : i32
      %cond3A_119 = arith.constant 0 : i32
      %cond3A_120 = arith.cmpi ne, %convert_element_type3A_116, %cond3A_119 : i32
      scf.if %cond3A_120 {
        %mul3A_139 = arith.constant 128 : i32
        %mul3A_140 = arith.muli %add3A_111, %mul3A_139 : i32
        %run_scoped3A_141 = arith.constant 0 : i32
        "tpu.region"() ({
          %run_scoped3A_161 = tpu.sem_alloc : memref<!tpu.dma_semaphore, #tpu.memory_space<semaphore_mem>>
          %dma_start3A_162 = arith.constant 0 : i32
          %dma_start3A_163 = tpu.memref_slice %arg15[%run_scoped3A_141, %dma_start3A_162] : memref<1x128xi32, #tpu.memory_space<vmem>> -> memref<1x128xi32, #tpu.memory_space<vmem>>
          %dma_start3A_164 = tpu.memref_squeeze %dma_start3A_163 : memref<1x128xi32, #tpu.memory_space<vmem>> -> memref<128xi32, #tpu.memory_space<vmem>>
          %dma_start3A_165 = tpu.memref_slice %arg5[%mul3A_140] : memref<320000xi32, #tpu.memory_space<hbm>> -> memref<128xi32, #tpu.memory_space<hbm>>
          %dma_start3A_166 = arith.constant 0 : i32
          %dma_start3A_167 = tpu.memref_slice %arg15[%run_scoped3A_141, %dma_start3A_166] : memref<1x128xi32, #tpu.memory_space<vmem>> -> memref<1x128xi32, #tpu.memory_space<vmem>>
          %dma_start3A_168 = tpu.memref_squeeze %dma_start3A_167 : memref<1x128xi32, #tpu.memory_space<vmem>> -> memref<128xi32, #tpu.memory_space<vmem>>
          %dma_start3A_169 = tpu.memref_slice %arg5[%mul3A_140] : memref<320000xi32, #tpu.memory_space<hbm>> -> memref<128xi32, #tpu.memory_space<hbm>>
          tpu.enqueue_dma source(%dma_start3A_169 : memref<128xi32, #tpu.memory_space<hbm>>) target(%dma_start3A_168 : memref<128xi32, #tpu.memory_space<vmem>>) target_semaphore(%run_scoped3A_161 : memref<!tpu.dma_semaphore, #tpu.memory_space<semaphore_mem>>)
          %dma_wait3A_170 = arith.constant 0 : i32
          %dma_wait3A_171 = tpu.memref_slice %arg15[%run_scoped3A_141, %dma_wait3A_170] : memref<1x128xi32, #tpu.memory_space<vmem>> -> memref<1x128xi32, #tpu.memory_space<vmem>>
          %dma_wait3A_172 = tpu.memref_squeeze %dma_wait3A_171 : memref<1x128xi32, #tpu.memory_space<vmem>> -> memref<128xi32, #tpu.memory_space<vmem>>
          %dma_wait3A_173 = tpu.memref_slice %arg5[%mul3A_140] : memref<320000xi32, #tpu.memory_space<hbm>> -> memref<128xi32, #tpu.memory_space<hbm>>
          %dma_wait3A_174 = arith.constant 0 : i32
          %dma_wait3A_175 = tpu.memref_slice %arg15[%run_scoped3A_141, %dma_wait3A_174] : memref<1x128xi32, #tpu.memory_space<vmem>> -> memref<1x128xi32, #tpu.memory_space<vmem>>
          %dma_wait3A_176 = tpu.memref_squeeze %dma_wait3A_175 : memref<1x128xi32, #tpu.memory_space<vmem>> -> memref<128xi32, #tpu.memory_space<vmem>>
          %dma_wait3A_177 = tpu.memref_slice %arg5[%mul3A_140] : memref<320000xi32, #tpu.memory_space<hbm>> -> memref<128xi32, #tpu.memory_space<hbm>>
          tpu.wait_dma2 semaphore(%run_scoped3A_161 : memref<!tpu.dma_semaphore, #tpu.memory_space<semaphore_mem>>) src(%dma_wait3A_177 : memref<128xi32, #tpu.memory_space<hbm>>) dst(%dma_wait3A_176 : memref<128xi32, #tpu.memory_space<vmem>>)
          tpu.yield
        }) : () -> ()
        %mul3A_142 = arith.constant 128 : i32
        %mul3A_143 = arith.muli %add3A_111, %mul3A_142 : i32
        %run_scoped3A_144 = arith.constant 0 : i32
        "tpu.region"() ({
          %run_scoped3A_161 = tpu.sem_alloc : memref<!tpu.dma_semaphore, #tpu.memory_space<semaphore_mem>>
          %dma_start3A_162 = arith.constant 0 : i32
          %dma_start3A_163 = tpu.memref_slice %arg17[%run_scoped3A_144, %dma_start3A_162] : memref<1x128xi32, #tpu.memory_space<vmem>> -> memref<1x128xi32, #tpu.memory_space<vmem>>
          %dma_start3A_164 = tpu.memref_squeeze %dma_start3A_163 : memref<1x128xi32, #tpu.memory_space<vmem>> -> memref<128xi32, #tpu.memory_space<vmem>>
          %dma_start3A_165 = tpu.memref_slice %arg6[%mul3A_143] : memref<320000xi32, #tpu.memory_space<hbm>> -> memref<128xi32, #tpu.memory_space<hbm>>
          %dma_start3A_166 = arith.constant 0 : i32
          %dma_start3A_167 = tpu.memref_slice %arg17[%run_scoped3A_144, %dma_start3A_166] : memref<1x128xi32, #tpu.memory_space<vmem>> -> memref<1x128xi32, #tpu.memory_space<vmem>>
          %dma_start3A_168 = tpu.memref_squeeze %dma_start3A_167 : memref<1x128xi32, #tpu.memory_space<vmem>> -> memref<128xi32, #tpu.memory_space<vmem>>
          %dma_start3A_169 = tpu.memref_slice %arg6[%mul3A_143] : memref<320000xi32, #tpu.memory_space<hbm>> -> memref<128xi32, #tpu.memory_space<hbm>>
          tpu.enqueue_dma source(%dma_start3A_169 : memref<128xi32, #tpu.memory_space<hbm>>) target(%dma_start3A_168 : memref<128xi32, #tpu.memory_space<vmem>>) target_semaphore(%run_scoped3A_161 : memref<!tpu.dma_semaphore, #tpu.memory_space<semaphore_mem>>)
          %dma_wait3A_170 = arith.constant 0 : i32
          %dma_wait3A_171 = tpu.memref_slice %arg17[%run_scoped3A_144, %dma_wait3A_170] : memref<1x128xi32, #tpu.memory_space<vmem>> -> memref<1x128xi32, #tpu.memory_space<vmem>>
          %dma_wait3A_172 = tpu.memref_squeeze %dma_wait3A_171 : memref<1x128xi32, #tpu.memory_space<vmem>> -> memref<128xi32, #tpu.memory_space<vmem>>
          %dma_wait3A_173 = tpu.memref_slice %arg6[%mul3A_143] : memref<320000xi32, #tpu.memory_space<hbm>> -> memref<128xi32, #tpu.memory_space<hbm>>
          %dma_wait3A_174 = arith.constant 0 : i32
          %dma_wait3A_175 = tpu.memref_slice %arg17[%run_scoped3A_144, %dma_wait3A_174] : memref<1x128xi32, #tpu.memory_space<vmem>> -> memref<1x128xi32, #tpu.memory_space<vmem>>
          %dma_wait3A_176 = tpu.memref_squeeze %dma_wait3A_175 : memref<1x128xi32, #tpu.memory_space<vmem>> -> memref<128xi32, #tpu.memory_space<vmem>>
          %dma_wait3A_177 = tpu.memref_slice %arg6[%mul3A_143] : memref<320000xi32, #tpu.memory_space<hbm>> -> memref<128xi32, #tpu.memory_space<hbm>>
          tpu.wait_dma2 semaphore(%run_scoped3A_161 : memref<!tpu.dma_semaphore, #tpu.memory_space<semaphore_mem>>) src(%dma_wait3A_177 : memref<128xi32, #tpu.memory_space<hbm>>) dst(%dma_wait3A_176 : memref<128xi32, #tpu.memory_space<vmem>>)
          tpu.yield
        }) : () -> ()
        %dma_start3A_145 = arith.constant 0 : i32
        %dma_start3A_146 = tpu.memref_slice %arg2[%mul3A_113, %dma_start3A_145] : memref<320000x128xf32, #tpu.memory_space<hbm>> -> memref<128x128xf32, #tpu.memory_space<hbm>>
        %dma_start3A_147 = arith.constant 0 : i32
        %dma_start3A_148 = tpu.memref_slice %arg2[%mul3A_113, %dma_start3A_147] : memref<320000x128xf32, #tpu.memory_space<hbm>> -> memref<128x128xf32, #tpu.memory_space<hbm>>
        tpu.enqueue_dma source(%dma_start3A_148 : memref<128x128xf32, #tpu.memory_space<hbm>>) target(%arg9 : memref<128x128xf32, #tpu.memory_space<vmem>>) target_semaphore(%arg19 : memref<!tpu.dma_semaphore, #tpu.memory_space<semaphore_mem>>)
        %dma_start3A_149 = arith.constant 0 : i32
        %dma_start3A_150 = tpu.memref_slice %arg15[%cond3A_117, %dma_start3A_149] : memref<1x128xi32, #tpu.memory_space<vmem>> -> memref<1x128xi32, #tpu.memory_space<vmem>>
        %dma_start3A_151 = tpu.memref_squeeze %dma_start3A_150 : memref<1x128xi32, #tpu.memory_space<vmem>> -> memref<128xi32, #tpu.memory_space<vmem>>
        %dma_start3A_152 = arith.constant 0 : i32
        %dma_start3A_153 = arith.constant 0 : i32
        %dma_start3A_154 = tpu.memref_slice %arg3[%dma_start3A_152, %dma_start3A_153] : memref<10000x128xf32, #tpu.memory_space<hbm>> -> memref<10000x128xf32, #tpu.memory_space<hbm>>
        tpu.enqueue_indirect_dma source(%dma_start3A_154 : memref<10000x128xf32, #tpu.memory_space<hbm>>) target(%arg11 : memref<128x128xf32, #tpu.memory_space<vmem>>) offsets(%dma_start3A_151 : memref<128xi32, #tpu.memory_space<vmem>>) semaphore(%arg19 : memref<!tpu.dma_semaphore, #tpu.memory_space<semaphore_mem>>)
        %dma_start3A_155 = arith.constant 0 : i32
        %dma_start3A_156 = tpu.memref_slice %arg17[%cond3A_118, %dma_start3A_155] : memref<1x128xi32, #tpu.memory_space<vmem>> -> memref<1x128xi32, #tpu.memory_space<vmem>>
        %dma_start3A_157 = tpu.memref_squeeze %dma_start3A_156 : memref<1x128xi32, #tpu.memory_space<vmem>> -> memref<128xi32, #tpu.memory_space<vmem>>
        %dma_start3A_158 = arith.constant 0 : i32
        %dma_start3A_159 = arith.constant 0 : i32
        %dma_start3A_160 = tpu.memref_slice %arg4[%dma_start3A_158, %dma_start3A_159] : memref<10000x128xf32, #tpu.memory_space<hbm>> -> memref<10000x128xf32, #tpu.memory_space<hbm>>
        tpu.enqueue_indirect_dma source(%dma_start3A_160 : memref<10000x128xf32, #tpu.memory_space<hbm>>) target(%arg13 : memref<128x128xf32, #tpu.memory_space<vmem>>) offsets(%dma_start3A_157 : memref<128xi32, #tpu.memory_space<vmem>>) semaphore(%arg19 : memref<!tpu.dma_semaphore, #tpu.memory_space<semaphore_mem>>)
      } else {
      }
      %lt3A_121 = arith.constant 79 : i32
      %lt3A_122 = arith.cmpi slt, %add3A_106, %lt3A_121 : i32
      %mul3A_123 = arith.constant 32 : i32
      %mul3A_124 = arith.muli %mul3A_123, %add3A_106 : i32
      %add3A_125 = arith.addi %add3A, %mul3A_124 : i32
      %lt3A_126 = arith.constant 2500 : i32
      %lt3A_127 = arith.cmpi slt, %add3A_125, %lt3A_126 : i32
      %and3A_128 = arith.andi %lt3A_122, %lt3A_127 : i1
      %convert_element_type3A_129 = arith.extui %and3A_128 : i1 to i32
      %cond3A_130 = arith.constant 0 : i32
      %cond3A_131 = arith.cmpi ne, %convert_element_type3A_129, %cond3A_130 : i32
      scf.if %cond3A_131 {
        %get3A = arith.constant 0 : i32
        %get3A_139 = arith.index_cast %get3A : i32 to index
        %get3A_140 = arith.constant 0 : index
        %get3A_141 = tpu.vector_load %arg16[%get3A_139, %get3A_140] {strides = array<i32>} : memref<1x128xi32, #tpu.memory_space<vmem>>, vector<16xi32>,
        %gather3A = tpu.vector_load_idx %arg23[%get3A_141] : memref<10000xi32, #tpu.memory_space<vmem>>[vector<16xi32>], vector<16xi32>,
        %swap3A = arith.constant 0 : i32
        %swap3A_142 = arith.index_cast %swap3A : i32 to index
        %swap3A_143 = arith.constant 0 : index
        %swap3A_144 = tpu.vector_load %arg22[%swap3A_142, %swap3A_143] {strides = array<i32>} : memref<1x128xi32, #tpu.memory_space<vmem>>, vector<16xi32>,
        tpu.vector_store %arg22[%swap3A_142, %swap3A_143], %gather3A {strides = array<i32>} : memref<1x128xi32, #tpu.memory_space<vmem>>, vector<16xi32>,
        %get3A_145 = arith.constant 0 : i32
        %get3A_146 = arith.index_cast %get3A_145 : i32 to index
        %get3A_147 = arith.constant 16 : index
        %get3A_148 = tpu.vector_load %arg16[%get3A_146, %get3A_147] {strides = array<i32>} : memref<1x128xi32, #tpu.memory_space<vmem>>, vector<16xi32>,
        %gather3A_149 = tpu.vector_load_idx %arg23[%get3A_148] : memref<10000xi32, #tpu.memory_space<vmem>>[vector<16xi32>], vector<16xi32>,
        %swap3A_150 = arith.constant 0 : i32
        %swap3A_151 = arith.index_cast %swap3A_150 : i32 to index
        %swap3A_152 = arith.constant 16 : index
        %swap3A_153 = tpu.vector_load %arg22[%swap3A_151, %swap3A_152] {strides = array<i32>} : memref<1x128xi32, #tpu.memory_space<vmem>>, vector<16xi32>,
        tpu.vector_store %arg22[%swap3A_151, %swap3A_152], %gather3A_149 {strides = array<i32>} : memref<1x128xi32, #tpu.memory_space<vmem>>, vector<16xi32>,
        %get3A_154 = arith.constant 0 : i32
        %get3A_155 = arith.index_cast %get3A_154 : i32 to index
        %get3A_156 = arith.constant 32 : index
        %get3A_157 = tpu.vector_load %arg16[%get3A_155, %get3A_156] {strides = array<i32>} : memref<1x128xi32, #tpu.memory_space<vmem>>, vector<16xi32>,
        %gather3A_158 = tpu.vector_load_idx %arg23[%get3A_157] : memref<10000xi32, #tpu.memory_space<vmem>>[vector<16xi32>], vector<16xi32>,
        %swap3A_159 = arith.constant 0 : i32
        %swap3A_160 = arith.index_cast %swap3A_159 : i32 to index
        %swap3A_161 = arith.constant 32 : index
        %swap3A_162 = tpu.vector_load %arg22[%swap3A_160, %swap3A_161] {strides = array<i32>} : memref<1x128xi32, #tpu.memory_space<vmem>>, vector<16xi32>,
        tpu.vector_store %arg22[%swap3A_160, %swap3A_161], %gather3A_158 {strides = array<i32>} : memref<1x128xi32, #tpu.memory_space<vmem>>, vector<16xi32>,
        %get3A_163 = arith.constant 0 : i32
        %get3A_164 = arith.index_cast %get3A_163 : i32 to index
        %get3A_165 = arith.constant 48 : index
        %get3A_166 = tpu.vector_load %arg16[%get3A_164, %get3A_165] {strides = array<i32>} : memref<1x128xi32, #tpu.memory_space<vmem>>, vector<16xi32>,
        %gather3A_167 = tpu.vector_load_idx %arg23[%get3A_166] : memref<10000xi32, #tpu.memory_space<vmem>>[vector<16xi32>], vector<16xi32>,
        %swap3A_168 = arith.constant 0 : i32
        %swap3A_169 = arith.index_cast %swap3A_168 : i32 to index
        %swap3A_170 = arith.constant 48 : index
        %swap3A_171 = tpu.vector_load %arg22[%swap3A_169, %swap3A_170] {strides = array<i32>} : memref<1x128xi32, #tpu.memory_space<vmem>>, vector<16xi32>,
        tpu.vector_store %arg22[%swap3A_169, %swap3A_170], %gather3A_167 {strides = array<i32>} : memref<1x128xi32, #tpu.memory_space<vmem>>, vector<16xi32>,
        %get3A_172 = arith.constant 0 : i32
        %get3A_173 = arith.index_cast %get3A_172 : i32 to index
        %get3A_174 = arith.constant 64 : index
        %get3A_175 = tpu.vector_load %arg16[%get3A_173, %get3A_174] {strides = array<i32>} : memref<1x128xi32, #tpu.memory_space<vmem>>, vector<16xi32>,
        %gather3A_176 = tpu.vector_load_idx %arg23[%get3A_175] : memref<10000xi32, #tpu.memory_space<vmem>>[vector<16xi32>], vector<16xi32>,
        %swap3A_177 = arith.constant 0 : i32
        %swap3A_178 = arith.index_cast %swap3A_177 : i32 to index
        %swap3A_179 = arith.constant 64 : index
        %swap3A_180 = tpu.vector_load %arg22[%swap3A_178, %swap3A_179] {strides = array<i32>} : memref<1x128xi32, #tpu.memory_space<vmem>>, vector<16xi32>,
        tpu.vector_store %arg22[%swap3A_178, %swap3A_179], %gather3A_176 {strides = array<i32>} : memref<1x128xi32, #tpu.memory_space<vmem>>, vector<16xi32>,
        %get3A_181 = arith.constant 0 : i32
        %get3A_182 = arith.index_cast %get3A_181 : i32 to index
        %get3A_183 = arith.constant 80 : index
        %get3A_184 = tpu.vector_load %arg16[%get3A_182, %get3A_183] {strides = array<i32>} : memref<1x128xi32, #tpu.memory_space<vmem>>, vector<16xi32>,
        %gather3A_185 = tpu.vector_load_idx %arg23[%get3A_184] : memref<10000xi32, #tpu.memory_space<vmem>>[vector<16xi32>], vector<16xi32>,
        %swap3A_186 = arith.constant 0 : i32
        %swap3A_187 = arith.index_cast %swap3A_186 : i32 to index
        %swap3A_188 = arith.constant 80 : index
        %swap3A_189 = tpu.vector_load %arg22[%swap3A_187, %swap3A_188] {strides = array<i32>} : memref<1x128xi32, #tpu.memory_space<vmem>>, vector<16xi32>,
        tpu.vector_store %arg22[%swap3A_187, %swap3A_188], %gather3A_185 {strides = array<i32>} : memref<1x128xi32, #tpu.memory_space<vmem>>, vector<16xi32>,
        %get3A_190 = arith.constant 0 : i32
        %get3A_191 = arith.index_cast %get3A_190 : i32 to index
        %get3A_192 = arith.constant 96 : index
        %get3A_193 = tpu.vector_load %arg16[%get3A_191, %get3A_192] {strides = array<i32>} : memref<1x128xi32, #tpu.memory_space<vmem>>, vector<16xi32>,
        %gather3A_194 = tpu.vector_load_idx %arg23[%get3A_193] : memref<10000xi32, #tpu.memory_space<vmem>>[vector<16xi32>], vector<16xi32>,
        %swap3A_195 = arith.constant 0 : i32
        %swap3A_196 = arith.index_cast %swap3A_195 : i32 to index
        %swap3A_197 = arith.constant 96 : index
        %swap3A_198 = tpu.vector_load %arg22[%swap3A_196, %swap3A_197] {strides = array<i32>} : memref<1x128xi32, #tpu.memory_space<vmem>>, vector<16xi32>,
        tpu.vector_store %arg22[%swap3A_196, %swap3A_197], %gather3A_194 {strides = array<i32>} : memref<1x128xi32, #tpu.memory_space<vmem>>, vector<16xi32>,
        %get3A_199 = arith.constant 0 : i32
        %get3A_200 = arith.index_cast %get3A_199 : i32 to index
        %get3A_201 = arith.constant 112 : index
        %get3A_202 = tpu.vector_load %arg16[%get3A_200, %get3A_201] {strides = array<i32>} : memref<1x128xi32, #tpu.memory_space<vmem>>, vector<16xi32>,
        %gather3A_203 = tpu.vector_load_idx %arg23[%get3A_202] : memref<10000xi32, #tpu.memory_space<vmem>>[vector<16xi32>], vector<16xi32>,
        %swap3A_204 = arith.constant 0 : i32
        %swap3A_205 = arith.index_cast %swap3A_204 : i32 to index
        %swap3A_206 = arith.constant 112 : index
        %swap3A_207 = tpu.vector_load %arg22[%swap3A_205, %swap3A_206] {strides = array<i32>} : memref<1x128xi32, #tpu.memory_space<vmem>>, vector<16xi32>,
        tpu.vector_store %arg22[%swap3A_205, %swap3A_206], %gather3A_203 {strides = array<i32>} : memref<1x128xi32, #tpu.memory_space<vmem>>, vector<16xi32>,
        %parallel_loop3A_208 = arith.constant 0 : i32
        %parallel_loop3A_209 = arith.constant 128 : i32
        %parallel_loop3A_210 = arith.constant 1 : i32
        scf.for %parallel_loop3A_212 = %parallel_loop3A_208 to %parallel_loop3A_209 step %parallel_loop3A_210  : i32 {
          %parallel_loop3A_213 = arith.index_cast %parallel_loop3A_212 : i32 to index
          %parallel_loop3A_214 = arith.constant 0 : index
          %parallel_loop3A_215 = tpu.vector_load %arg12[%parallel_loop3A_213, %parallel_loop3A_214] {strides = array<i32>} : memref<128x128xf32, #tpu.memory_space<vmem>>, vector<16xf32>,
          %parallel_loop3A_216 = arith.index_cast %parallel_loop3A_212 : i32 to index
          %parallel_loop3A_217 = arith.constant 0 : index
          %parallel_loop3A_218 = tpu.vector_load %arg14[%parallel_loop3A_216, %parallel_loop3A_217] {strides = array<i32>} : memref<128x128xf32, #tpu.memory_space<vmem>>, vector<16xf32>,
          %parallel_loop3A_219 = arith.addf %parallel_loop3A_215, %parallel_loop3A_218 : vector<16xf32>
          %parallel_loop3A_220 = arith.index_cast %parallel_loop3A_212 : i32 to index
          %parallel_loop3A_221 = arith.constant 0 : index
          %parallel_loop3A_222 = tpu.vector_load %arg10[%parallel_loop3A_220, %parallel_loop3A_221] {strides = array<i32>} : memref<128x128xf32, #tpu.memory_space<vmem>>, vector<16xf32>,
          %parallel_loop3A_223 = arith.addf %parallel_loop3A_219, %parallel_loop3A_222 : vector<16xf32>
          %parallel_loop3A_224 = arith.constant 0.000000e+00 : f32
          %parallel_loop3A_225 = vector.broadcast %parallel_loop3A_224 : f32 to vector<16xf32>
          %parallel_loop3A_226 = arith.maximumf %parallel_loop3A_223, %parallel_loop3A_225 : vector<16xf32>
          %parallel_loop3A_227 = arith.index_cast %parallel_loop3A_212 : i32 to index
          %parallel_loop3A_228 = arith.constant 0 : index
          %parallel_loop3A_229 = tpu.vector_load %arg10[%parallel_loop3A_227, %parallel_loop3A_228] {strides = array<i32>} : memref<128x128xf32, #tpu.memory_space<vmem>>, vector<16xf32>,
          tpu.vector_store %arg10[%parallel_loop3A_227, %parallel_loop3A_228], %parallel_loop3A_226 {strides = array<i32>} : memref<128x128xf32, #tpu.memory_space<vmem>>, vector<16xf32>,
          %parallel_loop3A_230 = arith.index_cast %parallel_loop3A_212 : i32 to index
          %parallel_loop3A_231 = arith.constant 16 : index
          %parallel_loop3A_232 = tpu.vector_load %arg12[%parallel_loop3A_230, %parallel_loop3A_231] {strides = array<i32>} : memref<128x128xf32, #tpu.memory_space<vmem>>, vector<16xf32>,
          %parallel_loop3A_233 = arith.index_cast %parallel_loop3A_212 : i32 to index
          %parallel_loop3A_234 = arith.constant 16 : index
          %parallel_loop3A_235 = tpu.vector_load %arg14[%parallel_loop3A_233, %parallel_loop3A_234] {strides = array<i32>} : memref<128x128xf32, #tpu.memory_space<vmem>>, vector<16xf32>,
          %parallel_loop3A_236 = arith.addf %parallel_loop3A_232, %parallel_loop3A_235 : vector<16xf32>
          %parallel_loop3A_237 = arith.index_cast %parallel_loop3A_212 : i32 to index
          %parallel_loop3A_238 = arith.constant 16 : index
          %parallel_loop3A_239 = tpu.vector_load %arg10[%parallel_loop3A_237, %parallel_loop3A_238] {strides = array<i32>} : memref<128x128xf32, #tpu.memory_space<vmem>>, vector<16xf32>,
          %parallel_loop3A_240 = arith.addf %parallel_loop3A_236, %parallel_loop3A_239 : vector<16xf32>
          %parallel_loop3A_241 = arith.constant 0.000000e+00 : f32
          %parallel_loop3A_242 = vector.broadcast %parallel_loop3A_241 : f32 to vector<16xf32>
          %parallel_loop3A_243 = arith.maximumf %parallel_loop3A_240, %parallel_loop3A_242 : vector<16xf32>
          %parallel_loop3A_244 = arith.index_cast %parallel_loop3A_212 : i32 to index
          %parallel_loop3A_245 = arith.constant 16 : index
          %parallel_loop3A_246 = tpu.vector_load %arg10[%parallel_loop3A_244, %parallel_loop3A_245] {strides = array<i32>} : memref<128x128xf32, #tpu.memory_space<vmem>>, vector<16xf32>,
          tpu.vector_store %arg10[%parallel_loop3A_244, %parallel_loop3A_245], %parallel_loop3A_243 {strides = array<i32>} : memref<128x128xf32, #tpu.memory_space<vmem>>, vector<16xf32>,
          %parallel_loop3A_247 = arith.index_cast %parallel_loop3A_212 : i32 to index
          %parallel_loop3A_248 = arith.constant 32 : index
          %parallel_loop3A_249 = tpu.vector_load %arg12[%parallel_loop3A_247, %parallel_loop3A_248] {strides = array<i32>} : memref<128x128xf32, #tpu.memory_space<vmem>>, vector<16xf32>,
          %parallel_loop3A_250 = arith.index_cast %parallel_loop3A_212 : i32 to index
          %parallel_loop3A_251 = arith.constant 32 : index
          %parallel_loop3A_252 = tpu.vector_load %arg14[%parallel_loop3A_250, %parallel_loop3A_251] {strides = array<i32>} : memref<128x128xf32, #tpu.memory_space<vmem>>, vector<16xf32>,
          %parallel_loop3A_253 = arith.addf %parallel_loop3A_249, %parallel_loop3A_252 : vector<16xf32>
          %parallel_loop3A_254 = arith.index_cast %parallel_loop3A_212 : i32 to index
          %parallel_loop3A_255 = arith.constant 32 : index
          %parallel_loop3A_256 = tpu.vector_load %arg10[%parallel_loop3A_254, %parallel_loop3A_255] {strides = array<i32>} : memref<128x128xf32, #tpu.memory_space<vmem>>, vector<16xf32>,
          %parallel_loop3A_257 = arith.addf %parallel_loop3A_253, %parallel_loop3A_256 : vector<16xf32>
          %parallel_loop3A_258 = arith.constant 0.000000e+00 : f32
          %parallel_loop3A_259 = vector.broadcast %parallel_loop3A_258 : f32 to vector<16xf32>
          %parallel_loop3A_260 = arith.maximumf %parallel_loop3A_257, %parallel_loop3A_259 : vector<16xf32>
          %parallel_loop3A_261 = arith.index_cast %parallel_loop3A_212 : i32 to index
          %parallel_loop3A_262 = arith.constant 32 : index
          %parallel_loop3A_263 = tpu.vector_load %arg10[%parallel_loop3A_261, %parallel_loop3A_262] {strides = array<i32>} : memref<128x128xf32, #tpu.memory_space<vmem>>, vector<16xf32>,
          tpu.vector_store %arg10[%parallel_loop3A_261, %parallel_loop3A_262], %parallel_loop3A_260 {strides = array<i32>} : memref<128x128xf32, #tpu.memory_space<vmem>>, vector<16xf32>,
          %parallel_loop3A_264 = arith.index_cast %parallel_loop3A_212 : i32 to index
          %parallel_loop3A_265 = arith.constant 48 : index
          %parallel_loop3A_266 = tpu.vector_load %arg12[%parallel_loop3A_264, %parallel_loop3A_265] {strides = array<i32>} : memref<128x128xf32, #tpu.memory_space<vmem>>, vector<16xf32>,
          %parallel_loop3A_267 = arith.index_cast %parallel_loop3A_212 : i32 to index
          %parallel_loop3A_268 = arith.constant 48 : index
          %parallel_loop3A_269 = tpu.vector_load %arg14[%parallel_loop3A_267, %parallel_loop3A_268] {strides = array<i32>} : memref<128x128xf32, #tpu.memory_space<vmem>>, vector<16xf32>,
          %parallel_loop3A_270 = arith.addf %parallel_loop3A_266, %parallel_loop3A_269 : vector<16xf32>
          %parallel_loop3A_271 = arith.index_cast %parallel_loop3A_212 : i32 to index
          %parallel_loop3A_272 = arith.constant 48 : index
          %parallel_loop3A_273 = tpu.vector_load %arg10[%parallel_loop3A_271, %parallel_loop3A_272] {strides = array<i32>} : memref<128x128xf32, #tpu.memory_space<vmem>>, vector<16xf32>,
          %parallel_loop3A_274 = arith.addf %parallel_loop3A_270, %parallel_loop3A_273 : vector<16xf32>
          %parallel_loop3A_275 = arith.constant 0.000000e+00 : f32
          %parallel_loop3A_276 = vector.broadcast %parallel_loop3A_275 : f32 to vector<16xf32>
          %parallel_loop3A_277 = arith.maximumf %parallel_loop3A_274, %parallel_loop3A_276 : vector<16xf32>
          %parallel_loop3A_278 = arith.index_cast %parallel_loop3A_212 : i32 to index
          %parallel_loop3A_279 = arith.constant 48 : index
          %parallel_loop3A_280 = tpu.vector_load %arg10[%parallel_loop3A_278, %parallel_loop3A_279] {strides = array<i32>} : memref<128x128xf32, #tpu.memory_space<vmem>>, vector<16xf32>,
          tpu.vector_store %arg10[%parallel_loop3A_278, %parallel_loop3A_279], %parallel_loop3A_277 {strides = array<i32>} : memref<128x128xf32, #tpu.memory_space<vmem>>, vector<16xf32>,
          %parallel_loop3A_281 = arith.index_cast %parallel_loop3A_212 : i32 to index
          %parallel_loop3A_282 = arith.constant 64 : index
          %parallel_loop3A_283 = tpu.vector_load %arg12[%parallel_loop3A_281, %parallel_loop3A_282] {strides = array<i32>} : memref<128x128xf32, #tpu.memory_space<vmem>>, vector<16xf32>,
          %parallel_loop3A_284 = arith.index_cast %parallel_loop3A_212 : i32 to index
          %parallel_loop3A_285 = arith.constant 64 : index
          %parallel_loop3A_286 = tpu.vector_load %arg14[%parallel_loop3A_284, %parallel_loop3A_285] {strides = array<i32>} : memref<128x128xf32, #tpu.memory_space<vmem>>, vector<16xf32>,
          %parallel_loop3A_287 = arith.addf %parallel_loop3A_283, %parallel_loop3A_286 : vector<16xf32>
          %parallel_loop3A_288 = arith.index_cast %parallel_loop3A_212 : i32 to index
          %parallel_loop3A_289 = arith.constant 64 : index
          %parallel_loop3A_290 = tpu.vector_load %arg10[%parallel_loop3A_288, %parallel_loop3A_289] {strides = array<i32>} : memref<128x128xf32, #tpu.memory_space<vmem>>, vector<16xf32>,
          %parallel_loop3A_291 = arith.addf %parallel_loop3A_287, %parallel_loop3A_290 : vector<16xf32>
          %parallel_loop3A_292 = arith.constant 0.000000e+00 : f32
          %parallel_loop3A_293 = vector.broadcast %parallel_loop3A_292 : f32 to vector<16xf32>
          %parallel_loop3A_294 = arith.maximumf %parallel_loop3A_291, %parallel_loop3A_293 : vector<16xf32>
          %parallel_loop3A_295 = arith.addf %parallel_loop3A_294, %select_n3A : vector<16xf32>
          %parallel_loop3A_296 = arith.index_cast %parallel_loop3A_212 : i32 to index
          %parallel_loop3A_297 = arith.constant 64 : index
          %parallel_loop3A_298 = tpu.vector_load %arg10[%parallel_loop3A_296, %parallel_loop3A_297] {strides = array<i32>} : memref<128x128xf32, #tpu.memory_space<vmem>>, vector<16xf32>,
          tpu.vector_store %arg10[%parallel_loop3A_296, %parallel_loop3A_297], %parallel_loop3A_295 {strides = array<i32>} : memref<128x128xf32, #tpu.memory_space<vmem>>, vector<16xf32>,
        } {sc.loop_unroll_factor = 4 : i64, sc.parallel_access}
        %run_scoped3A_211 = arith.constant 0 : i32
        "tpu.region"() ({
          %run_scoped3A_212 = tpu.sem_alloc : memref<!tpu.dma_semaphore, #tpu.memory_space<semaphore_mem>>
          %dma_start3A_213 = arith.constant 0 : i32
          %dma_start3A_214 = tpu.memref_slice %arg22[%run_scoped3A_211, %dma_start3A_213] : memref<1x128xi32, #tpu.memory_space<vmem>> -> memref<1x128xi32, #tpu.memory_space<vmem>>
          %dma_start3A_215 = tpu.memref_squeeze %dma_start3A_214 : memref<1x128xi32, #tpu.memory_space<vmem>> -> memref<128xi32, #tpu.memory_space<vmem>>
          %dma_start3A_216 = arith.constant 0 : i32
          %dma_start3A_217 = arith.constant 0 : i32
          %dma_start3A_218 = tpu.memref_slice %arg24[%dma_start3A_216, %dma_start3A_217] : memref<128x128xf32, #tpu.memory_space<vmem_shared>> -> memref<128x128xf32, #tpu.memory_space<vmem_shared>>
          tpu.enqueue_indirect_dma source(%arg10 : memref<128x128xf32, #tpu.memory_space<vmem>>) target(%dma_start3A_218 : memref<128x128xf32, #tpu.memory_space<vmem_shared>>) offsets(%dma_start3A_215 : memref<128xi32, #tpu.memory_space<vmem>>) semaphore(%run_scoped3A_212 : memref<!tpu.dma_semaphore, #tpu.memory_space<semaphore_mem>>) {add = true}
          %dma_wait3A_219 = arith.constant 0 : i32
          %dma_wait3A_220 = tpu.memref_slice %arg22[%run_scoped3A_211, %dma_wait3A_219] : memref<1x128xi32, #tpu.memory_space<vmem>> -> memref<1x128xi32, #tpu.memory_space<vmem>>
          %dma_wait3A_221 = tpu.memref_squeeze %dma_wait3A_220 : memref<1x128xi32, #tpu.memory_space<vmem>> -> memref<128xi32, #tpu.memory_space<vmem>>
          %dma_wait3A_222 = arith.constant 0 : i32
          %dma_wait3A_223 = arith.constant 0 : i32
          %dma_wait3A_224 = tpu.memref_slice %arg24[%dma_wait3A_222, %dma_wait3A_223] : memref<128x128xf32, #tpu.memory_space<vmem_shared>> -> memref<128x128xf32, #tpu.memory_space<vmem_shared>>
          tpu.wait_indirect_dma semaphore(%run_scoped3A_212 : memref<!tpu.dma_semaphore, #tpu.memory_space<semaphore_mem>>) src(%arg10 : memref<128x128xf32, #tpu.memory_space<vmem>>) dst(%dma_wait3A_224 : memref<128x128xf32, #tpu.memory_space<vmem_shared>>)
          tpu.yield
        }) : () -> ()
      } else {
      }
      %lt3A_132 = arith.constant 2500 : i32
      %lt3A_133 = arith.cmpi slt, %add3A_111, %lt3A_132 : i32
      %convert_element_type3A_134 = arith.extui %lt3A_133 : i1 to i32
      %cond3A_135 = arith.constant 0 : i32
      %cond3A_136 = arith.constant 0 : i32
      %cond3A_137 = arith.constant 0 : i32
      %cond3A_138 = arith.cmpi ne, %convert_element_type3A_134, %cond3A_137 : i32
      scf.if %cond3A_138 {
        %dma_wait3A_139 = arith.constant 0 : i32
        %dma_wait3A_140 = tpu.memref_slice %arg2[%mul3A_113, %dma_wait3A_139] : memref<320000x128xf32, #tpu.memory_space<hbm>> -> memref<128x128xf32, #tpu.memory_space<hbm>>
        %dma_wait3A_141 = arith.constant 0 : i32
        %dma_wait3A_142 = tpu.memref_slice %arg2[%mul3A_113, %dma_wait3A_141] : memref<320000x128xf32, #tpu.memory_space<hbm>> -> memref<128x128xf32, #tpu.memory_space<hbm>>
        tpu.wait_dma2 semaphore(%arg19 : memref<!tpu.dma_semaphore, #tpu.memory_space<semaphore_mem>>) src(%dma_wait3A_142 : memref<128x128xf32, #tpu.memory_space<hbm>>) dst(%arg9 : memref<128x128xf32, #tpu.memory_space<vmem>>)
        %dma_wait3A_143 = arith.constant 0 : i32
        %dma_wait3A_144 = tpu.memref_slice %arg15[%cond3A_135, %dma_wait3A_143] : memref<1x128xi32, #tpu.memory_space<vmem>> -> memref<1x128xi32, #tpu.memory_space<vmem>>
        %dma_wait3A_145 = tpu.memref_squeeze %dma_wait3A_144 : memref<1x128xi32, #tpu.memory_space<vmem>> -> memref<128xi32, #tpu.memory_space<vmem>>
        %dma_wait3A_146 = arith.constant 0 : i32
        %dma_wait3A_147 = arith.constant 0 : i32
        %dma_wait3A_148 = tpu.memref_slice %arg3[%dma_wait3A_146, %dma_wait3A_147] : memref<10000x128xf32, #tpu.memory_space<hbm>> -> memref<10000x128xf32, #tpu.memory_space<hbm>>
        tpu.wait_indirect_dma semaphore(%arg19 : memref<!tpu.dma_semaphore, #tpu.memory_space<semaphore_mem>>) src(%dma_wait3A_148 : memref<10000x128xf32, #tpu.memory_space<hbm>>) dst(%arg11 : memref<128x128xf32, #tpu.memory_space<vmem>>)
        %dma_wait3A_149 = arith.constant 0 : i32
        %dma_wait3A_150 = tpu.memref_slice %arg17[%cond3A_136, %dma_wait3A_149] : memref<1x128xi32, #tpu.memory_space<vmem>> -> memref<1x128xi32, #tpu.memory_space<vmem>>
        %dma_wait3A_151 = tpu.memref_squeeze %dma_wait3A_150 : memref<1x128xi32, #tpu.memory_space<vmem>> -> memref<128xi32, #tpu.memory_space<vmem>>
        %dma_wait3A_152 = arith.constant 0 : i32
        %dma_wait3A_153 = arith.constant 0 : i32
        %dma_wait3A_154 = tpu.memref_slice %arg4[%dma_wait3A_152, %dma_wait3A_153] : memref<10000x128xf32, #tpu.memory_space<hbm>> -> memref<10000x128xf32, #tpu.memory_space<hbm>>
        tpu.wait_indirect_dma semaphore(%arg19 : memref<!tpu.dma_semaphore, #tpu.memory_space<semaphore_mem>>) src(%dma_wait3A_154 : memref<10000x128xf32, #tpu.memory_space<hbm>>) dst(%arg13 : memref<128x128xf32, #tpu.memory_space<vmem>>)
      } else {
      }
    }
    %scan3A_61 = arith.constant 40 : i32
    %barrier3A_62 = arith.constant 0 : index
    tpu.barrier barrier_id(%barrier3A_62)
    %eq3A_63 = arith.constant 0 : i32
    %eq3A_64 = arith.cmpi eq, %arg1, %eq3A_63 : i32
    %convert_element_type3A_65 = arith.extui %eq3A_64 : i1 to i32
    %cond3A_66 = arith.constant 0 : i32
    %cond3A_67 = arith.cmpi ne, %convert_element_type3A_65, %cond3A_66 : i32
    scf.if %cond3A_67 {
      "tpu.region"() ({
        %run_scoped3A_68 = tpu.sem_alloc : memref<!tpu.dma_semaphore, #tpu.memory_space<semaphore_mem>>
        %dma_start3A_69 = arith.constant 0 : i32
        %dma_start3A_70 = arith.constant 0 : i32
        %dma_start3A_71 = tpu.memref_slice %arg8[%arg0, %dma_start3A_69, %dma_start3A_70] : memref<2x128x128xf32, #tpu.memory_space<hbm>> -> memref<1x128x128xf32, #tpu.memory_space<hbm>>
        %dma_start3A_72 = tpu.memref_squeeze %dma_start3A_71 : memref<1x128x128xf32, #tpu.memory_space<hbm>> -> memref<128x128xf32, #tpu.memory_space<hbm>>
        tpu.enqueue_dma source(%arg24 : memref<128x128xf32, #tpu.memory_space<vmem_shared>>) target(%dma_start3A_72 : memref<128x128xf32, #tpu.memory_space<hbm>>) target_semaphore(%run_scoped3A_68 : memref<!tpu.dma_semaphore, #tpu.memory_space<semaphore_mem>>)
        %dma_wait3A_73 = arith.constant 0 : i32
        %dma_wait3A_74 = arith.constant 0 : i32
        %dma_wait3A_75 = tpu.memref_slice %arg8[%arg0, %dma_wait3A_73, %dma_wait3A_74] : memref<2x128x128xf32, #tpu.memory_space<hbm>> -> memref<1x128x128xf32, #tpu.memory_space<hbm>>
        %dma_wait3A_76 = tpu.memref_squeeze %dma_wait3A_75 : memref<1x128x128xf32, #tpu.memory_space<hbm>> -> memref<128x128xf32, #tpu.memory_space<hbm>>
        tpu.wait_dma2 semaphore(%run_scoped3A_68 : memref<!tpu.dma_semaphore, #tpu.memory_space<semaphore_mem>>) src(%arg24 : memref<128x128xf32, #tpu.memory_space<vmem_shared>>) dst(%dma_wait3A_76 : memref<128x128xf32, #tpu.memory_space<hbm>>)
        tpu.yield
      }) : () -> ()
    } else {
    }
    return
  }
}

module attributes {stable_mosaic.version = 14 : i64} {
  func.func @body(%arg0: i32, %arg1: memref<8000x16xf32, #tpu.memory_space<vmem>>, %arg2: memref<16x128xf32, #tpu.memory_space<vmem>>, %arg3: memref<1x128xf32, #tpu.memory_space<vmem>>, %arg4: memref<128x128xf32, #tpu.memory_space<vmem>>, %arg5: memref<1x128xf32, #tpu.memory_space<vmem>>, %arg6: memref<128x128xf32, #tpu.memory_space<vmem>>, %arg7: memref<8000x128xf32, #tpu.memory_space<vmem>>) attributes {dimension_semantics = [#tpu.dimension_semantics<parallel>], iteration_bounds = array<i64: 40>, scalar_prefetch = 0 : i64, scratch_operands = 0 : i64, tpu.core_type = #tpu.core_type<tc>, window_params = [{transform_indices = @transform_0, window_bounds = array<i64: 8000, 16>}, {pipeline_mode = #tpu.pipeline_mode<synchronous>, transform_indices = @transform_1, window_bounds = array<i64: 16, 128>}, {pipeline_mode = #tpu.pipeline_mode<synchronous>, transform_indices = @transform_2, window_bounds = array<i64: 1, 128>}, {pipeline_mode = #tpu.pipeline_mode<synchronous>, transform_indices = @transform_3, window_bounds = array<i64: 128, 128>}, {pipeline_mode = #tpu.pipeline_mode<synchronous>, transform_indices = @transform_4, window_bounds = array<i64: 1, 128>}, {pipeline_mode = #tpu.pipeline_mode<synchronous>, transform_indices = @transform_5, window_bounds = array<i64: 128, 128>}, {transform_indices = @transform_6, window_bounds = array<i64: 8000, 128>}]} {
    %get3A = arith.constant 0 : index
    %get3A_0 = arith.constant 0 : index
    %get3A_1 = vector.load %arg1[%get3A, %get3A_0] : memref<8000x16xf32, #tpu.memory_space<vmem>>, vector<8000x16xf32>
    %get3A_2 = arith.constant 0 : index
    %get3A_3 = arith.constant 0 : index
    %get3A_4 = vector.load %arg2[%get3A_2, %get3A_3] : memref<16x128xf32, #tpu.memory_space<vmem>>, vector<16x128xf32>
    %dot_general3A = arith.constant dense<0.000000e+00> : vector<8000x128xf32>
    %dot_general3A_5 = tpu.matmul %get3A_1, %get3A_4, %dot_general3A {dimension_numbers = #tpu.dot_dimension_numbers<[1], [0], [0], [1], [0, 0, 1, 1], [], []>, transpose_lhs_hint = false} : vector<8000x16xf32>, vector<16x128xf32>, vector<8000x128xf32> -> vector<8000x128xf32>
    %get3A_6 = arith.constant 0 : index
    %get3A_7 = arith.constant 0 : index
    %get3A_8 = vector.load %arg3[%get3A_6, %get3A_7] : memref<1x128xf32, #tpu.memory_space<vmem>>, vector<1x128xf32>
    %add3A = vector.broadcast %get3A_8 : vector<1x128xf32> to vector<8000x128xf32>
    %add3A_9 = arith.addf %dot_general3A_5, %add3A : vector<8000x128xf32>
    %max3A = arith.constant 0.000000e+00 : f32
    %max3A_10 = vector.broadcast %max3A : f32 to vector<8000x128xf32>
    %max3A_11 = arith.maximumf %add3A_9, %max3A_10 : vector<8000x128xf32>
    %get3A_12 = arith.constant 0 : index
    %get3A_13 = arith.constant 0 : index
    %get3A_14 = vector.load %arg4[%get3A_12, %get3A_13] : memref<128x128xf32, #tpu.memory_space<vmem>>, vector<128x128xf32>
    %dot_general3A_15 = arith.constant dense<0.000000e+00> : vector<8000x128xf32>
    %dot_general3A_16 = tpu.matmul %max3A_11, %get3A_14, %dot_general3A_15 {dimension_numbers = #tpu.dot_dimension_numbers<[1], [0], [0], [1], [0, 0, 1, 1], [], []>, transpose_lhs_hint = false} : vector<8000x128xf32>, vector<128x128xf32>, vector<8000x128xf32> -> vector<8000x128xf32>
    %get3A_17 = arith.constant 0 : index
    %get3A_18 = arith.constant 0 : index
    %get3A_19 = vector.load %arg5[%get3A_17, %get3A_18] : memref<1x128xf32, #tpu.memory_space<vmem>>, vector<1x128xf32>
    %add3A_20 = vector.broadcast %get3A_19 : vector<1x128xf32> to vector<8000x128xf32>
    %add3A_21 = arith.addf %dot_general3A_16, %add3A_20 : vector<8000x128xf32>
    %max3A_22 = arith.constant 0.000000e+00 : f32
    %max3A_23 = vector.broadcast %max3A_22 : f32 to vector<8000x128xf32>
    %max3A_24 = arith.maximumf %add3A_21, %max3A_23 : vector<8000x128xf32>
    %get3A_25 = arith.constant 0 : index
    %get3A_26 = arith.constant 0 : index
    %get3A_27 = vector.load %arg6[%get3A_25, %get3A_26] : memref<128x128xf32, #tpu.memory_space<vmem>>, vector<128x128xf32>
    %dot_general3A_28 = arith.constant dense<0.000000e+00> : vector<8000x128xf32>
    %dot_general3A_29 = tpu.matmul %max3A_24, %get3A_27, %dot_general3A_28 {dimension_numbers = #tpu.dot_dimension_numbers<[1], [0], [0], [1], [0, 0, 1, 1], [], []>, transpose_lhs_hint = false} : vector<8000x128xf32>, vector<128x128xf32>, vector<8000x128xf32> -> vector<8000x128xf32>
    %swap3A = arith.constant 0 : index
    %swap3A_30 = arith.constant 0 : index
    %swap3A_31 = vector.load %arg7[%swap3A, %swap3A_30] : memref<8000x128xf32, #tpu.memory_space<vmem>>, vector<8000x128xf32>
    tpu.vector_store %arg7[%swap3A, %swap3A_30], %dot_general3A_29 {strides = array<i32>} : memref<8000x128xf32, #tpu.memory_space<vmem>>, vector<8000x128xf32>,
    return
  }
  func.func @transform_0(%arg0: i32) -> (i32, i32) {
    %c0_i32 = arith.constant 0 : i32
    %c0_i32_0 = arith.constant 0 : i32
    return %arg0, %c0_i32 : i32, i32
  }
  func.func @transform_1(%arg0: i32) -> (i32, i32) {
    %c0_i32 = arith.constant 0 : i32
    %c0_i32_0 = arith.constant 0 : i32
    %c0_i32_1 = arith.constant 0 : i32
    return %c0_i32, %c0_i32_0 : i32, i32
  }
  func.func @transform_2(%arg0: i32) -> (i32, i32) {
    %c0_i32 = arith.constant 0 : i32
    %c0_i32_0 = arith.constant 0 : i32
    %c0_i32_1 = arith.constant 0 : i32
    return %c0_i32, %c0_i32_0 : i32, i32
  }
  func.func @transform_3(%arg0: i32) -> (i32, i32) {
    %c0_i32 = arith.constant 0 : i32
    %c0_i32_0 = arith.constant 0 : i32
    %c0_i32_1 = arith.constant 0 : i32
    return %c0_i32, %c0_i32_0 : i32, i32
  }
  func.func @transform_4(%arg0: i32) -> (i32, i32) {
    %c0_i32 = arith.constant 0 : i32
    %c0_i32_0 = arith.constant 0 : i32
    %c0_i32_1 = arith.constant 0 : i32
    return %c0_i32, %c0_i32_0 : i32, i32
  }
  func.func @transform_5(%arg0: i32) -> (i32, i32) {
    %c0_i32 = arith.constant 0 : i32
    %c0_i32_0 = arith.constant 0 : i32
    %c0_i32_1 = arith.constant 0 : i32
    return %c0_i32, %c0_i32_0 : i32, i32
  }
  func.func @transform_6(%arg0: i32) -> (i32, i32) {
    %c0_i32 = arith.constant 0 : i32
    %c0_i32_0 = arith.constant 0 : i32
    return %arg0, %c0_i32 : i32, i32
  }
}

module attributes {stable_mosaic.version = 14 : i64} {
  func.func @body(%arg0: i32, %arg1: memref<2000x128xf32, #tpu.memory_space<vmem>>, %arg2: memref<128x128xf32, #tpu.memory_space<vmem>>, %arg3: memref<1x128xf32, #tpu.memory_space<vmem>>, %arg4: memref<128x128xf32, #tpu.memory_space<vmem>>, %arg5: memref<1x128xf32, #tpu.memory_space<vmem>>, %arg6: memref<128x128xf32, #tpu.memory_space<vmem>>, %arg7: memref<128x128xf32, #tpu.memory_space<vmem>>, %arg8: memref<1x128xf32, #tpu.memory_space<vmem>>, %arg9: memref<2000x128xf32, #tpu.memory_space<vmem>>, %arg10: memref<2000x128xf32, #tpu.memory_space<vmem>>, %arg11: memref<2000x128xf32, #tpu.memory_space<vmem>>) attributes {dimension_semantics = [#tpu.dimension_semantics<parallel>], iteration_bounds = array<i64: 5>, scalar_prefetch = 0 : i64, scratch_operands = 0 : i64, tpu.core_type = #tpu.core_type<tc>, window_params = [{transform_indices = @transform_0, window_bounds = array<i64: 2000, 128>}, {pipeline_mode = #tpu.pipeline_mode<synchronous>, transform_indices = @transform_1, window_bounds = array<i64: 128, 128>}, {pipeline_mode = #tpu.pipeline_mode<synchronous>, transform_indices = @transform_2, window_bounds = array<i64: 1, 128>}, {pipeline_mode = #tpu.pipeline_mode<synchronous>, transform_indices = @transform_3, window_bounds = array<i64: 128, 128>}, {pipeline_mode = #tpu.pipeline_mode<synchronous>, transform_indices = @transform_4, window_bounds = array<i64: 1, 128>}, {pipeline_mode = #tpu.pipeline_mode<synchronous>, transform_indices = @transform_5, window_bounds = array<i64: 128, 128>}, {pipeline_mode = #tpu.pipeline_mode<synchronous>, transform_indices = @transform_6, window_bounds = array<i64: 128, 128>}, {pipeline_mode = #tpu.pipeline_mode<synchronous>, transform_indices = @transform_7, window_bounds = array<i64: 1, 128>}, {transform_indices = @transform_8, window_bounds = array<i64: 2000, 128>}, {transform_indices = @transform_9, window_bounds = array<i64: 2000, 128>}, {transform_indices = @transform_10, window_bounds = array<i64: 2000, 128>}]} {
    %get3A = arith.constant 0 : index
    %get3A_0 = arith.constant 0 : index
    %get3A_1 = vector.load %arg1[%get3A, %get3A_0] : memref<2000x128xf32, #tpu.memory_space<vmem>>, vector<2000x128xf32>
    %get3A_2 = arith.constant 0 : index
    %get3A_3 = arith.constant 0 : index
    %get3A_4 = vector.load %arg2[%get3A_2, %get3A_3] : memref<128x128xf32, #tpu.memory_space<vmem>>, vector<128x128xf32>
    %dot_general3A = arith.constant dense<0.000000e+00> : vector<2000x128xf32>
    %dot_general3A_5 = tpu.matmul %get3A_1, %get3A_4, %dot_general3A {dimension_numbers = #tpu.dot_dimension_numbers<[1], [0], [0], [1], [0, 0, 1, 1], [], []>, transpose_lhs_hint = false} : vector<2000x128xf32>, vector<128x128xf32>, vector<2000x128xf32> -> vector<2000x128xf32>
    %get3A_6 = arith.constant 0 : index
    %get3A_7 = arith.constant 0 : index
    %get3A_8 = vector.load %arg3[%get3A_6, %get3A_7] : memref<1x128xf32, #tpu.memory_space<vmem>>, vector<1x128xf32>
    %add3A = vector.broadcast %get3A_8 : vector<1x128xf32> to vector<2000x128xf32>
    %add3A_9 = arith.addf %dot_general3A_5, %add3A : vector<2000x128xf32>
    %max3A = arith.constant 0.000000e+00 : f32
    %max3A_10 = vector.broadcast %max3A : f32 to vector<2000x128xf32>
    %max3A_11 = arith.maximumf %add3A_9, %max3A_10 : vector<2000x128xf32>
    %get3A_12 = arith.constant 0 : index
    %get3A_13 = arith.constant 0 : index
    %get3A_14 = vector.load %arg4[%get3A_12, %get3A_13] : memref<128x128xf32, #tpu.memory_space<vmem>>, vector<128x128xf32>
    %dot_general3A_15 = arith.constant dense<0.000000e+00> : vector<2000x128xf32>
    %dot_general3A_16 = tpu.matmul %max3A_11, %get3A_14, %dot_general3A_15 {dimension_numbers = #tpu.dot_dimension_numbers<[1], [0], [0], [1], [0, 0, 1, 1], [], []>, transpose_lhs_hint = false} : vector<2000x128xf32>, vector<128x128xf32>, vector<2000x128xf32> -> vector<2000x128xf32>
    %get3A_17 = arith.constant 0 : index
    %get3A_18 = arith.constant 0 : index
    %get3A_19 = vector.load %arg5[%get3A_17, %get3A_18] : memref<1x128xf32, #tpu.memory_space<vmem>>, vector<1x128xf32>
    %add3A_20 = vector.broadcast %get3A_19 : vector<1x128xf32> to vector<2000x128xf32>
    %add3A_21 = arith.addf %dot_general3A_16, %add3A_20 : vector<2000x128xf32>
    %max3A_22 = arith.constant 0.000000e+00 : f32
    %max3A_23 = vector.broadcast %max3A_22 : f32 to vector<2000x128xf32>
    %max3A_24 = arith.maximumf %add3A_21, %max3A_23 : vector<2000x128xf32>
    %swap3A = arith.constant 0 : index
    %swap3A_25 = arith.constant 0 : index
    %swap3A_26 = vector.load %arg9[%swap3A, %swap3A_25] : memref<2000x128xf32, #tpu.memory_space<vmem>>, vector<2000x128xf32>
    tpu.vector_store %arg9[%swap3A, %swap3A_25], %max3A_24 {strides = array<i32>} : memref<2000x128xf32, #tpu.memory_space<vmem>>, vector<2000x128xf32>,
    %get3A_27 = arith.constant 0 : index
    %get3A_28 = arith.constant 0 : index
    %get3A_29 = vector.load %arg6[%get3A_27, %get3A_28] : memref<128x128xf32, #tpu.memory_space<vmem>>, vector<128x128xf32>
    %dot_general3A_30 = arith.constant dense<0.000000e+00> : vector<2000x128xf32>
    %dot_general3A_31 = tpu.matmul %max3A_24, %get3A_29, %dot_general3A_30 {dimension_numbers = #tpu.dot_dimension_numbers<[1], [0], [0], [1], [0, 0, 1, 1], [], []>, transpose_lhs_hint = false} : vector<2000x128xf32>, vector<128x128xf32>, vector<2000x128xf32> -> vector<2000x128xf32>
    %get3A_32 = arith.constant 0 : index
    %get3A_33 = arith.constant 0 : index
    %get3A_34 = vector.load %arg8[%get3A_32, %get3A_33] : memref<1x128xf32, #tpu.memory_space<vmem>>, vector<1x128xf32>
    %add3A_35 = vector.broadcast %get3A_34 : vector<1x128xf32> to vector<2000x128xf32>
    %add3A_36 = arith.addf %dot_general3A_31, %add3A_35 : vector<2000x128xf32>
    %swap3A_37 = arith.constant 0 : index
    %swap3A_38 = arith.constant 0 : index
    %swap3A_39 = vector.load %arg10[%swap3A_37, %swap3A_38] : memref<2000x128xf32, #tpu.memory_space<vmem>>, vector<2000x128xf32>
    tpu.vector_store %arg10[%swap3A_37, %swap3A_38], %add3A_36 {strides = array<i32>} : memref<2000x128xf32, #tpu.memory_space<vmem>>, vector<2000x128xf32>,
    %get3A_40 = arith.constant 0 : index
    %get3A_41 = arith.constant 0 : index
    %get3A_42 = vector.load %arg7[%get3A_40, %get3A_41] : memref<128x128xf32, #tpu.memory_space<vmem>>, vector<128x128xf32>
    %dot_general3A_43 = arith.constant dense<0.000000e+00> : vector<2000x128xf32>
    %dot_general3A_44 = tpu.matmul %max3A_24, %get3A_42, %dot_general3A_43 {dimension_numbers = #tpu.dot_dimension_numbers<[1], [0], [0], [1], [0, 0, 1, 1], [], []>, transpose_lhs_hint = false} : vector<2000x128xf32>, vector<128x128xf32>, vector<2000x128xf32> -> vector<2000x128xf32>
    %swap3A_45 = arith.constant 0 : index
    %swap3A_46 = arith.constant 0 : index
    %swap3A_47 = vector.load %arg11[%swap3A_45, %swap3A_46] : memref<2000x128xf32, #tpu.memory_space<vmem>>, vector<2000x128xf32>
    tpu.vector_store %arg11[%swap3A_45, %swap3A_46], %dot_general3A_44 {strides = array<i32>} : memref<2000x128xf32, #tpu.memory_space<vmem>>, vector<2000x128xf32>,
    return
  }
  func.func @transform_0(%arg0: i32) -> (i32, i32) {
    %c0_i32 = arith.constant 0 : i32
    %c0_i32_0 = arith.constant 0 : i32
    return %arg0, %c0_i32 : i32, i32
  }
  func.func @transform_1(%arg0: i32) -> (i32, i32) {
    %c0_i32 = arith.constant 0 : i32
    %c0_i32_0 = arith.constant 0 : i32
    %c0_i32_1 = arith.constant 0 : i32
    return %c0_i32, %c0_i32_0 : i32, i32
  }
  func.func @transform_2(%arg0: i32) -> (i32, i32) {
    %c0_i32 = arith.constant 0 : i32
    %c0_i32_0 = arith.constant 0 : i32
    %c0_i32_1 = arith.constant 0 : i32
    return %c0_i32, %c0_i32_0 : i32, i32
  }
  func.func @transform_3(%arg0: i32) -> (i32, i32) {
    %c0_i32 = arith.constant 0 : i32
    %c0_i32_0 = arith.constant 0 : i32
    %c0_i32_1 = arith.constant 0 : i32
    return %c0_i32, %c0_i32_0 : i32, i32
  }
  func.func @transform_4(%arg0: i32) -> (i32, i32) {
    %c0_i32 = arith.constant 0 : i32
    %c0_i32_0 = arith.constant 0 : i32
    %c0_i32_1 = arith.constant 0 : i32
    return %c0_i32, %c0_i32_0 : i32, i32
  }
  func.func @transform_5(%arg0: i32) -> (i32, i32) {
    %c0_i32 = arith.constant 0 : i32
    %c0_i32_0 = arith.constant 0 : i32
    %c0_i32_1 = arith.constant 0 : i32
    return %c0_i32, %c0_i32_0 : i32, i32
  }
  func.func @transform_6(%arg0: i32) -> (i32, i32) {
    %c0_i32 = arith.constant 0 : i32
    %c0_i32_0 = arith.constant 0 : i32
    %c0_i32_1 = arith.constant 0 : i32
    return %c0_i32, %c0_i32_0 : i32, i32
  }
  func.func @transform_7(%arg0: i32) -> (i32, i32) {
    %c0_i32 = arith.constant 0 : i32
    %c0_i32_0 = arith.constant 0 : i32
    %c0_i32_1 = arith.constant 0 : i32
    return %c0_i32, %c0_i32_0 : i32, i32
  }
  func.func @transform_8(%arg0: i32) -> (i32, i32) {
    %c0_i32 = arith.constant 0 : i32
    %c0_i32_0 = arith.constant 0 : i32
    return %arg0, %c0_i32 : i32, i32
  }
  func.func @transform_9(%arg0: i32) -> (i32, i32) {
    %c0_i32 = arith.constant 0 : i32
    %c0_i32_0 = arith.constant 0 : i32
    return %arg0, %c0_i32 : i32, i32
  }
  func.func @transform_10(%arg0: i32) -> (i32, i32) {
    %c0_i32 = arith.constant 0 : i32
    %c0_i32_0 = arith.constant 0 : i32
    return %arg0, %c0_i32 : i32, i32
  }
}

module attributes {stable_mosaic.version = 14 : i64} {
  func.func @body(%arg0: i32, %arg1: memref<8000x128xf32, #tpu.memory_space<vmem>>, %arg2: memref<128x128xf32, #tpu.memory_space<vmem>>, %arg3: memref<8000x128xf32, #tpu.memory_space<vmem>>) attributes {dimension_semantics = [#tpu.dimension_semantics<parallel>], iteration_bounds = array<i64: 40>, scalar_prefetch = 0 : i64, scratch_operands = 0 : i64, tpu.core_type = #tpu.core_type<tc>, window_params = [{transform_indices = @transform_0, window_bounds = array<i64: 8000, 128>}, {pipeline_mode = #tpu.pipeline_mode<synchronous>, transform_indices = @transform_1, window_bounds = array<i64: 128, 128>}, {transform_indices = @transform_2, window_bounds = array<i64: 8000, 128>}]} {
    %get3A = arith.constant 0 : index
    %get3A_0 = arith.constant 0 : index
    %get3A_1 = vector.load %arg1[%get3A, %get3A_0] : memref<8000x128xf32, #tpu.memory_space<vmem>>, vector<8000x128xf32>
    %get3A_2 = arith.constant 0 : index
    %get3A_3 = arith.constant 0 : index
    %get3A_4 = vector.load %arg2[%get3A_2, %get3A_3] : memref<128x128xf32, #tpu.memory_space<vmem>>, vector<128x128xf32>
    %dot_general3A = arith.constant dense<0.000000e+00> : vector<8000x128xf32>
    %dot_general3A_5 = tpu.matmul %get3A_1, %get3A_4, %dot_general3A {dimension_numbers = #tpu.dot_dimension_numbers<[1], [0], [0], [1], [0, 0, 1, 1], [], []>, transpose_lhs_hint = false} : vector<8000x128xf32>, vector<128x128xf32>, vector<8000x128xf32> -> vector<8000x128xf32>
    %swap3A = arith.constant 0 : index
    %swap3A_6 = arith.constant 0 : index
    %swap3A_7 = vector.load %arg3[%swap3A, %swap3A_6] : memref<8000x128xf32, #tpu.memory_space<vmem>>, vector<8000x128xf32>
    tpu.vector_store %arg3[%swap3A, %swap3A_6], %dot_general3A_5 {strides = array<i32>} : memref<8000x128xf32, #tpu.memory_space<vmem>>, vector<8000x128xf32>,
    return
  }
  func.func @transform_0(%arg0: i32) -> (i32, i32) {
    %c0_i32 = arith.constant 0 : i32
    %c0_i32_0 = arith.constant 0 : i32
    return %arg0, %c0_i32 : i32, i32
  }
  func.func @transform_1(%arg0: i32) -> (i32, i32) {
    %c0_i32 = arith.constant 0 : i32
    %c0_i32_0 = arith.constant 0 : i32
    %c0_i32_1 = arith.constant 0 : i32
    return %c0_i32, %c0_i32_0 : i32, i32
  }
  func.func @transform_2(%arg0: i32) -> (i32, i32) {
    %c0_i32 = arith.constant 0 : i32
    %c0_i32_0 = arith.constant 0 : i32
    return %arg0, %c0_i32 : i32, i32
  }
}

module attributes {stable_mosaic.version = 14 : i64} {
  func.func @body(%arg0: i32, %arg1: memref<2000x128xf32, #tpu.memory_space<vmem>>, %arg2: memref<2x2000x128xf32, #tpu.memory_space<vmem>>, %arg3: memref<128x128xf32, #tpu.memory_space<vmem>>, %arg4: memref<128x128xf32, #tpu.memory_space<vmem>>, %arg5: memref<1x128xf32, #tpu.memory_space<vmem>>, %arg6: memref<128x128xf32, #tpu.memory_space<vmem>>, %arg7: memref<128x128xf32, #tpu.memory_space<vmem>>, %arg8: memref<1x128xf32, #tpu.memory_space<vmem>>, %arg9: memref<2000x128xf32, #tpu.memory_space<vmem>>, %arg10: memref<2000x128xf32, #tpu.memory_space<vmem>>, %arg11: memref<2000x128xf32, #tpu.memory_space<vmem>>) attributes {dimension_semantics = [#tpu.dimension_semantics<parallel>], iteration_bounds = array<i64: 5>, scalar_prefetch = 0 : i64, scratch_operands = 0 : i64, tpu.core_type = #tpu.core_type<tc>, window_params = [{transform_indices = @transform_0, window_bounds = array<i64: 2000, 128>}, {transform_indices = @transform_1, window_bounds = array<i64: 2, 2000, 128>}, {pipeline_mode = #tpu.pipeline_mode<synchronous>, transform_indices = @transform_2, window_bounds = array<i64: 128, 128>}, {pipeline_mode = #tpu.pipeline_mode<synchronous>, transform_indices = @transform_3, window_bounds = array<i64: 128, 128>}, {pipeline_mode = #tpu.pipeline_mode<synchronous>, transform_indices = @transform_4, window_bounds = array<i64: 1, 128>}, {pipeline_mode = #tpu.pipeline_mode<synchronous>, transform_indices = @transform_5, window_bounds = array<i64: 128, 128>}, {pipeline_mode = #tpu.pipeline_mode<synchronous>, transform_indices = @transform_6, window_bounds = array<i64: 128, 128>}, {pipeline_mode = #tpu.pipeline_mode<synchronous>, transform_indices = @transform_7, window_bounds = array<i64: 1, 128>}, {transform_indices = @transform_8, window_bounds = array<i64: 2000, 128>}, {transform_indices = @transform_9, window_bounds = array<i64: 2000, 128>}, {transform_indices = @transform_10, window_bounds = array<i64: 2000, 128>}]} {
    %get3A = arith.constant 0 : index
    %get3A_0 = arith.constant 0 : index
    %get3A_1 = arith.constant 0 : index
    %get3A_2 = vector.load %arg2[%get3A, %get3A_0, %get3A_1] : memref<2x2000x128xf32, #tpu.memory_space<vmem>>, vector<1x2000x128xf32>
    %get3A_3 = vector.shape_cast %get3A_2 : vector<1x2000x128xf32> to vector<2000x128xf32>
    %get3A_4 = arith.constant 1 : index
    %get3A_5 = arith.constant 0 : index
    %get3A_6 = arith.constant 0 : index
    %get3A_7 = vector.load %arg2[%get3A_4, %get3A_5, %get3A_6] : memref<2x2000x128xf32, #tpu.memory_space<vmem>>, vector<1x2000x128xf32>
    %get3A_8 = vector.shape_cast %get3A_7 : vector<1x2000x128xf32> to vector<2000x128xf32>
    %add3A = arith.addf %get3A_3, %get3A_8 : vector<2000x128xf32>
    %get3A_9 = arith.constant 0 : index
    %get3A_10 = arith.constant 0 : index
    %get3A_11 = vector.load %arg1[%get3A_9, %get3A_10] : memref<2000x128xf32, #tpu.memory_space<vmem>>, vector<2000x128xf32>
    %get3A_12 = arith.constant 0 : index
    %get3A_13 = arith.constant 0 : index
    %get3A_14 = vector.load %arg3[%get3A_12, %get3A_13] : memref<128x128xf32, #tpu.memory_space<vmem>>, vector<128x128xf32>
    %dot_general3A = arith.constant dense<0.000000e+00> : vector<2000x128xf32>
    %dot_general3A_15 = tpu.matmul %get3A_11, %get3A_14, %dot_general3A {dimension_numbers = #tpu.dot_dimension_numbers<[1], [0], [0], [1], [0, 0, 1, 1], [], []>, transpose_lhs_hint = false} : vector<2000x128xf32>, vector<128x128xf32>, vector<2000x128xf32> -> vector<2000x128xf32>
    %get3A_16 = arith.constant 0 : index
    %get3A_17 = arith.constant 0 : index
    %get3A_18 = vector.load %arg4[%get3A_16, %get3A_17] : memref<128x128xf32, #tpu.memory_space<vmem>>, vector<128x128xf32>
    %dot_general3A_19 = arith.constant dense<0.000000e+00> : vector<2000x128xf32>
    %dot_general3A_20 = tpu.matmul %add3A, %get3A_18, %dot_general3A_19 {dimension_numbers = #tpu.dot_dimension_numbers<[1], [0], [0], [1], [0, 0, 1, 1], [], []>, transpose_lhs_hint = false} : vector<2000x128xf32>, vector<128x128xf32>, vector<2000x128xf32> -> vector<2000x128xf32>
    %add3A_21 = arith.addf %dot_general3A_15, %dot_general3A_20 : vector<2000x128xf32>
    %get3A_22 = arith.constant 0 : index
    %get3A_23 = arith.constant 0 : index
    %get3A_24 = vector.load %arg5[%get3A_22, %get3A_23] : memref<1x128xf32, #tpu.memory_space<vmem>>, vector<1x128xf32>
    %add3A_25 = vector.broadcast %get3A_24 : vector<1x128xf32> to vector<2000x128xf32>
    %add3A_26 = arith.addf %add3A_21, %add3A_25 : vector<2000x128xf32>
    %max3A = arith.constant 0.000000e+00 : f32
    %max3A_27 = vector.broadcast %max3A : f32 to vector<2000x128xf32>
    %max3A_28 = arith.maximumf %add3A_26, %max3A_27 : vector<2000x128xf32>
    %swap3A = arith.constant 0 : index
    %swap3A_29 = arith.constant 0 : index
    %swap3A_30 = vector.load %arg9[%swap3A, %swap3A_29] : memref<2000x128xf32, #tpu.memory_space<vmem>>, vector<2000x128xf32>
    tpu.vector_store %arg9[%swap3A, %swap3A_29], %max3A_28 {strides = array<i32>} : memref<2000x128xf32, #tpu.memory_space<vmem>>, vector<2000x128xf32>,
    %get3A_31 = arith.constant 0 : index
    %get3A_32 = arith.constant 0 : index
    %get3A_33 = vector.load %arg6[%get3A_31, %get3A_32] : memref<128x128xf32, #tpu.memory_space<vmem>>, vector<128x128xf32>
    %dot_general3A_34 = arith.constant dense<0.000000e+00> : vector<2000x128xf32>
    %dot_general3A_35 = tpu.matmul %max3A_28, %get3A_33, %dot_general3A_34 {dimension_numbers = #tpu.dot_dimension_numbers<[1], [0], [0], [1], [0, 0, 1, 1], [], []>, transpose_lhs_hint = false} : vector<2000x128xf32>, vector<128x128xf32>, vector<2000x128xf32> -> vector<2000x128xf32>
    %get3A_36 = arith.constant 0 : index
    %get3A_37 = arith.constant 0 : index
    %get3A_38 = vector.load %arg8[%get3A_36, %get3A_37] : memref<1x128xf32, #tpu.memory_space<vmem>>, vector<1x128xf32>
    %add3A_39 = vector.broadcast %get3A_38 : vector<1x128xf32> to vector<2000x128xf32>
    %add3A_40 = arith.addf %dot_general3A_35, %add3A_39 : vector<2000x128xf32>
    %swap3A_41 = arith.constant 0 : index
    %swap3A_42 = arith.constant 0 : index
    %swap3A_43 = vector.load %arg10[%swap3A_41, %swap3A_42] : memref<2000x128xf32, #tpu.memory_space<vmem>>, vector<2000x128xf32>
    tpu.vector_store %arg10[%swap3A_41, %swap3A_42], %add3A_40 {strides = array<i32>} : memref<2000x128xf32, #tpu.memory_space<vmem>>, vector<2000x128xf32>,
    %get3A_44 = arith.constant 0 : index
    %get3A_45 = arith.constant 0 : index
    %get3A_46 = vector.load %arg7[%get3A_44, %get3A_45] : memref<128x128xf32, #tpu.memory_space<vmem>>, vector<128x128xf32>
    %dot_general3A_47 = arith.constant dense<0.000000e+00> : vector<2000x128xf32>
    %dot_general3A_48 = tpu.matmul %max3A_28, %get3A_46, %dot_general3A_47 {dimension_numbers = #tpu.dot_dimension_numbers<[1], [0], [0], [1], [0, 0, 1, 1], [], []>, transpose_lhs_hint = false} : vector<2000x128xf32>, vector<128x128xf32>, vector<2000x128xf32> -> vector<2000x128xf32>
    %swap3A_49 = arith.constant 0 : index
    %swap3A_50 = arith.constant 0 : index
    %swap3A_51 = vector.load %arg11[%swap3A_49, %swap3A_50] : memref<2000x128xf32, #tpu.memory_space<vmem>>, vector<2000x128xf32>
    tpu.vector_store %arg11[%swap3A_49, %swap3A_50], %dot_general3A_48 {strides = array<i32>} : memref<2000x128xf32, #tpu.memory_space<vmem>>, vector<2000x128xf32>,
    return
  }
  func.func @transform_0(%arg0: i32) -> (i32, i32) {
    %c0_i32 = arith.constant 0 : i32
    %c0_i32_0 = arith.constant 0 : i32
    return %arg0, %c0_i32 : i32, i32
  }
  func.func @transform_1(%arg0: i32) -> (i32, i32, i32) {
    %c0_i32 = arith.constant 0 : i32
    %c0_i32_0 = arith.constant 0 : i32
    %c0_i32_1 = arith.constant 0 : i32
    return %c0_i32, %arg0, %c0_i32_0 : i32, i32, i32
  }
  func.func @transform_2(%arg0: i32) -> (i32, i32) {
    %c0_i32 = arith.constant 0 : i32
    %c0_i32_0 = arith.constant 0 : i32
    %c0_i32_1 = arith.constant 0 : i32
    return %c0_i32, %c0_i32_0 : i32, i32
  }
  func.func @transform_3(%arg0: i32) -> (i32, i32) {
    %c0_i32 = arith.constant 0 : i32
    %c0_i32_0 = arith.constant 0 : i32
    %c0_i32_1 = arith.constant 0 : i32
    return %c0_i32, %c0_i32_0 : i32, i32
  }
  func.func @transform_4(%arg0: i32) -> (i32, i32) {
    %c0_i32 = arith.constant 0 : i32
    %c0_i32_0 = arith.constant 0 : i32
    %c0_i32_1 = arith.constant 0 : i32
    return %c0_i32, %c0_i32_0 : i32, i32
  }
  func.func @transform_5(%arg0: i32) -> (i32, i32) {
    %c0_i32 = arith.constant 0 : i32
    %c0_i32_0 = arith.constant 0 : i32
    %c0_i32_1 = arith.constant 0 : i32
    return %c0_i32, %c0_i32_0 : i32, i32
  }
  func.func @transform_6(%arg0: i32) -> (i32, i32) {
    %c0_i32 = arith.constant 0 : i32
    %c0_i32_0 = arith.constant 0 : i32
    %c0_i32_1 = arith.constant 0 : i32
    return %c0_i32, %c0_i32_0 : i32, i32
  }
  func.func @transform_7(%arg0: i32) -> (i32, i32) {
    %c0_i32 = arith.constant 0 : i32
    %c0_i32_0 = arith.constant 0 : i32
    %c0_i32_1 = arith.constant 0 : i32
    return %c0_i32, %c0_i32_0 : i32, i32
  }
  func.func @transform_8(%arg0: i32) -> (i32, i32) {
    %c0_i32 = arith.constant 0 : i32
    %c0_i32_0 = arith.constant 0 : i32
    return %arg0, %c0_i32 : i32, i32
  }
  func.func @transform_9(%arg0: i32) -> (i32, i32) {
    %c0_i32 = arith.constant 0 : i32
    %c0_i32_0 = arith.constant 0 : i32
    return %arg0, %c0_i32 : i32, i32
  }
  func.func @transform_10(%arg0: i32) -> (i32, i32) {
    %c0_i32 = arith.constant 0 : i32
    %c0_i32_0 = arith.constant 0 : i32
    return %arg0, %c0_i32 : i32, i32
  }
}

module attributes {stable_mosaic.version = 14 : i64} {
  func.func @body(%arg0: memref<2x128x128xf32, #tpu.memory_space<vmem>>, %arg1: memref<128x64xf32, #tpu.memory_space<vmem>>, %arg2: memref<64x64xf32, #tpu.memory_space<vmem>>, %arg3: memref<1x64xf32, #tpu.memory_space<vmem>>, %arg4: memref<64x8xf32, #tpu.memory_space<vmem>>, %arg5: memref<1x8xf32, #tpu.memory_space<vmem>>, %arg6: memref<128x8xf32, #tpu.memory_space<vmem>>) attributes {dimension_semantics = [], scalar_prefetch = 0 : i64, scratch_operands = 0 : i64, tpu.core_type = #tpu.core_type<tc>} {
    %get3A = arith.constant 0 : index
    %get3A_0 = arith.constant 0 : index
    %get3A_1 = arith.constant 0 : index
    %get3A_2 = vector.load %arg0[%get3A, %get3A_0, %get3A_1] : memref<2x128x128xf32, #tpu.memory_space<vmem>>, vector<1x128x128xf32>
    %get3A_3 = vector.shape_cast %get3A_2 : vector<1x128x128xf32> to vector<128x128xf32>
    %get3A_4 = arith.constant 1 : index
    %get3A_5 = arith.constant 0 : index
    %get3A_6 = arith.constant 0 : index
    %get3A_7 = vector.load %arg0[%get3A_4, %get3A_5, %get3A_6] : memref<2x128x128xf32, #tpu.memory_space<vmem>>, vector<1x128x128xf32>
    %get3A_8 = vector.shape_cast %get3A_7 : vector<1x128x128xf32> to vector<128x128xf32>
    %add3A = arith.addf %get3A_3, %get3A_8 : vector<128x128xf32>
    %get3A_9 = arith.constant 0 : index
    %get3A_10 = arith.constant 0 : index
    %get3A_11 = vector.load %arg1[%get3A_9, %get3A_10] : memref<128x64xf32, #tpu.memory_space<vmem>>, vector<128x64xf32>
    %dot_general3A = arith.constant dense<0.000000e+00> : vector<128x64xf32>
    %dot_general3A_12 = tpu.matmul %add3A, %get3A_11, %dot_general3A {dimension_numbers = #tpu.dot_dimension_numbers<[1], [0], [0], [1], [0, 0, 1, 1], [], []>, transpose_lhs_hint = false} : vector<128x128xf32>, vector<128x64xf32>, vector<128x64xf32> -> vector<128x64xf32>
    %get3A_13 = arith.constant 0 : index
    %get3A_14 = arith.constant 0 : index
    %get3A_15 = vector.load %arg2[%get3A_13, %get3A_14] : memref<64x64xf32, #tpu.memory_space<vmem>>, vector<64x64xf32>
    %dot_general3A_16 = arith.constant dense<0.000000e+00> : vector<128x64xf32>
    %dot_general3A_17 = tpu.matmul %dot_general3A_12, %get3A_15, %dot_general3A_16 {dimension_numbers = #tpu.dot_dimension_numbers<[1], [0], [0], [1], [0, 0, 1, 1], [], []>, transpose_lhs_hint = false} : vector<128x64xf32>, vector<64x64xf32>, vector<128x64xf32> -> vector<128x64xf32>
    %get3A_18 = arith.constant 0 : index
    %get3A_19 = arith.constant 0 : index
    %get3A_20 = vector.load %arg3[%get3A_18, %get3A_19] : memref<1x64xf32, #tpu.memory_space<vmem>>, vector<1x64xf32>
    %add3A_21 = vector.broadcast %get3A_20 : vector<1x64xf32> to vector<128x64xf32>
    %add3A_22 = arith.addf %dot_general3A_17, %add3A_21 : vector<128x64xf32>
    %max3A = arith.constant 0.000000e+00 : f32
    %max3A_23 = vector.broadcast %max3A : f32 to vector<128x64xf32>
    %max3A_24 = arith.maximumf %add3A_22, %max3A_23 : vector<128x64xf32>
    %get3A_25 = arith.constant 0 : index
    %get3A_26 = arith.constant 0 : index
    %get3A_27 = vector.load %arg4[%get3A_25, %get3A_26] : memref<64x8xf32, #tpu.memory_space<vmem>>, vector<64x8xf32>
    %dot_general3A_28 = arith.constant dense<0.000000e+00> : vector<128x8xf32>
    %dot_general3A_29 = tpu.matmul %max3A_24, %get3A_27, %dot_general3A_28 {dimension_numbers = #tpu.dot_dimension_numbers<[1], [0], [0], [1], [0, 0, 1, 1], [], []>, transpose_lhs_hint = false} : vector<128x64xf32>, vector<64x8xf32>, vector<128x8xf32> -> vector<128x8xf32>
    %get3A_30 = arith.constant 0 : index
    %get3A_31 = arith.constant 0 : index
    %get3A_32 = vector.load %arg5[%get3A_30, %get3A_31] : memref<1x8xf32, #tpu.memory_space<vmem>>, vector<1x8xf32>
    %add3A_33 = vector.broadcast %get3A_32 : vector<1x8xf32> to vector<128x8xf32>
    %add3A_34 = arith.addf %dot_general3A_29, %add3A_33 : vector<128x8xf32>
    %swap3A = arith.constant 0 : index
    %swap3A_35 = arith.constant 0 : index
    %swap3A_36 = vector.load %arg6[%swap3A, %swap3A_35] : memref<128x8xf32, #tpu.memory_space<vmem>>, vector<128x8xf32>
    tpu.vector_store %arg6[%swap3A, %swap3A_35], %add3A_34 {strides = array<i32>} : memref<128x8xf32, #tpu.memory_space<vmem>>, vector<128x8xf32>,
    return
  }
}

</mosaic_0001>

<sc_bundles>
// kernel: closed_call.22.cloned.1.call-start
scs
__scs_entry_jumppad:
0x0: {  	(pc) =	sbr.rel $0x88, $3  }
0x1: {  	(tag) =	ssettag $0x0;
	lr =	simm.s32 $0x1  }
0x2: {  	[smem:$0x3F8B] =	sst lr;
	_ =	strace $0xD0000000  }
0x3: {  	_ = 	snop  }
0x4: {  	_ = 	snop  }
0x5: {  	_ = 	snop  }
0x6: {  	_ = 	snop  }
0x7: {  	_ = 	snop  }
__scs_overlays_trampoline_lowered:
0x8: {  	[smem:$0x3F9A] =	sst s0  }
0x9: {  	[smem:$0x3F9B] =	sst s1  }
0xa: {  	[smem:$0x3F9C] =	sst s2  }
0xb: {  	[smem:$0x3F9D] =	sst s3  }
0xc: {  	[smem:$0x3F9E] =	sst s4  }
0xd: {  	[smem:$0x3F9F] =	sst s5  }
0xe: {  	[smem:$0x3FA0] =	sst s6  }
0xf: {  	[smem:$0x3FA1] =	sst s7  }
0x10: {  	[smem:$0x3FA2] =	sst s8  }
0x11: {  	[smem:$0x3FA3] =	sst s9;
	s0 =	simm.s32 @!p0 $0x0  }
0x12: {  	s1 =	sld [smem:$0x3F89];
	s0 =	simm.s32 @p0 $0x1  }
0x13: {  	[smem:$0x3FA4] =	sst s0;
	s0 =	simm.s32 @!p1 $0x0  }
0x14: {  	s2 =	sld [smem:$0x3F88];
	s0 =	simm.s32 @p1 $0x1  }
0x15: {  	[smem:$0x3FA5] =	sst s0;
	s0 =	simm.s32 @!p2 $0x0  }
0x16: {  	s3 =	sld [smem:$0x3FDB];
	s0 =	simm.s32 @p2 $0x1  }
0x17: {  	s4 =	simm.s32 $0x1BF5;
	[smem:$0x3FA7] =	sst s0  }
0x18: {  	s0 =	sld [smem:$0x3F8A];
	_ =	swait.ge [sflag:s4], $0x0  }
0x19: {  	s7 =	sld [smem:$0x3F8B]  }
0x1a: {  	s8 =	sadd.s32 $0xFFFFE003, lr  }
0x1b: {  	s9 =	sadd.s32 $0xFFFFFEF7, lr;
	s5 =	simm.s32 $0xFFFFFFFF;
	p2 =	slt.u32 s8, $0xFFFFF086  }
0x1c: {  	p1 =	slt.u32 s9, $0xF7A;
	s5 =	simm.s32 @!p2 $0x0  }
0x1d: {  	s5 =	simm.s32 @p1 $0x1;
	p0 =	seq.s32 s7, s2  }
0x1e: {  	s7 =	smul.u32 @!p0 $0xF7A, s2;
	p2 =	seq.s32 @!p0 s5, $0x0  }
0x1f: {  	s9 =	smul.u32 $0xF7A, s1;
	s8 =	simm.s32 @!p0 $0x1BF5;
	p2 =	por !p2, p0  }
0x20: {  	[sflag:s8] =	ssyncset.s32 @!p0 $0xFFFFF086;
	s6 =	sadd.s32 @!p0 s3, s7;
	s7 =	simm.s32 @!p0 $0x108  }
0x21: {  	s3 =	sadd.s32 s3, s9;
	s6 =	sadd.s32 @!p0 $0x88, s6;
	s7 =	simm.s32 @p2 $0x1082  }
0x22: {  	[simem:s7], [sflag:s8] =	dma.local @!p0 [hbm:s6], $0xF7A  }
0x23: {  	s9 =	sor.u32 $0xD0000000, s2;
	s6 =	simm.s32 $0x108;
	_ =	swait.ge @!p0 [sflag:s8], $0x0  }
0x24: {  	s3 =	sadd.s32 $0x88, s3;
	s6 =	simm.s32 @!p1 $0x1082;
	[sflag:s4] =	ssyncset.s32 $0xFFFFF086  }
0x25: {  	[simem:s6], [sflag:s4] =	dma.local [hbm:s3], $0xF7A  }
0x26: {  	[smem:$0x3F8B] =	sst s1;
	(tag) =	ssettag s2;
	_ =	strace s9  }
0x27: {  	s1 =	sld [smem:$0x3F9B]  }
0x28: {  	s2 =	sld [smem:$0x3F9C]  }
0x29: {  	s4 =	sld [smem:$0x3F9E]  }
0x2a: {  	p0 =	seq.s32 s5, $0x0;
	s5 =	sld [smem:$0x3F9F]  }
0x2b: {  	s6 =	sld [smem:$0x3FA0]  }
0x2c: {  	s7 =	sld [smem:$0x3FA1]  }
0x2d: {  	s3 =	simm.s32 $0x108;
	s8 =	sld [smem:$0x3FA2]  }
0x2e: {  	s3 =	simm.s32 @!p0 $0x1082;
	s9 =	sld [smem:$0x3FA3]  }
0x2f: {  	lr =	sadd.s32 s0, s3;
	s0 =	sld [smem:$0x3F9A]  }
0x30: {  	s3 =	sld [smem:$0x3F9D]  }
0x31: {  	[smem:$0x3FA6] =	sst s10  }
0x32: {  	s10 =	sld [smem:$0x3FA4];
	_ =	sdelay $0x3  }
0x33: {  	p0 =	seq.s32 s10, $0x1;
	s10 =	sld [smem:$0x3FA6];
	_ =	sdelay $0x3  }
0x34: {  	[smem:$0x3FA6] =	sst s10  }
0x35: {  	s10 =	sld [smem:$0x3FA5];
	_ =	sdelay $0x3  }
0x36: {  	p1 =	seq.s32 s10, $0x1;
	s10 =	sld [smem:$0x3FA6];
	_ =	sdelay $0x3  }
0x37: {  	[smem:$0x3FA6] =	sst s10  }
0x38: {  	s10 =	sld [smem:$0x3FA7]  }
0x39: {  	_ = 	snop;
	(pc) =	sbr.ind lr, $3  }
0x3a: {  	_ = 	snop  }
0x3b: {  	_ = 	snop  }
0x3c: {  	p2 =	seq.s32 s10, $0x1;
	s10 =	sld [smem:$0x3FA6]  }
0x3d: {  	_ =	shalt  }
0x3e: {  	_ =	shalt  }
0x3f: {  	_ =	shalt  }
0x40: {  	_ =	shalt  }
0x41: {  	_ =	shalt  }
0x42: {  	_ =	shalt  }
0x43: {  	_ =	shalt  }
0x44: {  	_ =	shalt  }
0x45: {  	_ =	shalt  }
0x46: {  	_ =	shalt  }
0x47: {  	_ =	shalt  }
0x48: {  	_ =	shalt  }
0x49: {  	_ =	shalt  }
0x4a: {  	_ =	shalt  }
0x4b: {  	_ =	shalt  }
0x4c: {  	_ =	shalt  }
0x4d: {  	_ =	shalt  }
0x4e: {  	_ =	shalt  }
0x4f: {  	_ =	shalt  }
0x50: {  	_ =	shalt  }
0x51: {  	_ =	shalt  }
0x52: {  	_ =	shalt  }
0x53: {  	_ =	shalt  }
0x54: {  	_ =	shalt  }
0x55: {  	_ =	shalt  }
0x56: {  	_ =	shalt  }
0x57: {  	_ =	shalt  }
0x58: {  	_ =	shalt  }
0x59: {  	_ =	shalt  }
0x5a: {  	_ =	shalt  }
0x5b: {  	_ =	shalt  }
0x5c: {  	_ =	shalt  }
0x5d: {  	_ =	shalt  }
0x5e: {  	_ =	shalt  }
0x5f: {  	_ =	shalt  }
0x60: {  	_ =	shalt  }
0x61: {  	_ =	shalt  }
0x62: {  	_ =	shalt  }
0x63: {  	_ =	shalt  }
0x64: {  	_ =	shalt  }
0x65: {  	_ =	shalt  }
0x66: {  	_ =	shalt  }
0x67: {  	_ =	shalt  }
0x68: {  	_ =	shalt  }
0x69: {  	_ =	shalt  }
0x6a: {  	_ =	shalt  }
0x6b: {  	_ =	shalt  }
0x6c: {  	_ =	shalt  }
0x6d: {  	_ =	shalt  }
0x6e: {  	_ =	shalt  }
0x6f: {  	_ =	shalt  }
0x70: {  	_ =	shalt  }
0x71: {  	_ =	shalt  }
0x72: {  	_ =	shalt  }
0x73: {  	_ =	shalt  }
0x74: {  	_ =	shalt  }
0x75: {  	_ =	shalt  }
0x76: {  	_ =	shalt  }
0x77: {  	_ =	shalt  }
0x78: {  	_ =	shalt  }
0x79: {  	_ =	shalt  }
0x7a: {  	_ =	shalt  }
0x7b: {  	_ =	shalt  }
0x7c: {  	_ =	shalt  }
0x7d: {  	_ =	shalt  }
0x7e: {  	_ =	shalt  }
0x7f: {  	_ =	shalt  }
0x80: {  	_ =	shalt  }
0x81: {  	_ =	shalt  }
0x82: {  	_ =	shalt  }
0x83: {  	_ =	shalt  }
0x84: {  	_ =	shalt  }
0x85: {  	_ =	shalt  }
0x86: {  	_ =	shalt  }
0x87: {  	_ =	shalt  }
.Lfunc_end0:
.L_simem_size_0:
called_computation_lowered:
.L_overlay_start_0:
0x88: {  	s2 =	sld [smem:$0x3FD9]  }
0x89: {  	s3 =	sld [smem:$0x3FFE];
	_ =	sdelay $0x1  }
0x8a: {  	s1 =	srdreg.scid  }
0x8b: {  	s0 =	sand.u32 $0x1, s1  }
0x8c: {  	s16 =	sshll.u32 s0, $0xA;
	s2 =	sadd.s32 s3, s2  }
0x8d: {  	s2 =	sadd.s32 s2, s16  }
0x8e: {  	[smem:$0x3FB2] =	sst s2  }
0x8f: {  	_ = 	snop  }
0x90: {  	(tm) =	ssettm $0x1  }
0x91: {  	s17 =	sld [smem:$0x3FFB];
	_ =	sdelay $0x3  }
0x92: {  	_ =	strace s17  }
0x93: {  	s2 =	sld [smem:$0x3FFC];
	_ =	sdelay $0x3  }
0x94: {  	_ =	strace s2  }
0x95: {  	s2 =	sld [smem:$0x3FFD];
	_ =	sdelay $0x3  }
0x96: {  	_ =	strace s2  }
0x97: {  	_ =	strace $0x8FFFFFFF  }
0x98: {  	s18 =	sld [smem:$0x3FDB];
	_ =	sdelay $0x1  }
0x99: {  	s19 =	simm.s32 $_scs_section_size  }
0x9a: {  	s4 =	simm.s32 $_size__tile_overlayer_lowered;
	s5 =	simm.s32 $_tile_overlayer_lowered  }
0x9b: {  	s22 =	simm.s32 $0x1BFF;
	s21 =	sshll.u32 s5, $0x1;
	s2 =	sadd.s32 s19, s18  }
0x9c: {  	s6 =	simm.s32 $0x0;
	s20 =	sshll.u32 s4, $0x1;
	s4 =	sadd.s32 s21, s2  }
0x9d: {  	[timem:s6], [sflag:s22] =	dma.local [hbm:s4], s20  }
0x9e: {  	_ =	swait.ge [sflag:s22], s20  }
0x9f: {  	s3 =	ssub.s32 $0x0, s20;
	[sflag:s22] =	ssyncset.done $0x0  }
0xa0: {  	[sflag:s22] =	ssyncadd.s32 s3;
	_ =	sdelay $0x1  }
0xa1: {  	s23 =	simm.s32 $0x1B8B  }
0xa2: {  	_ =	swait.ge [sflag:s23], $0x1  }
0xa3: {  	[sflag:s23] =	ssyncset.done $0x0  }
0xa4: {  	s25 =	simm.s32 $0x1B8E;
	s24 =	sld [smem:$0x3FFE];
	[sflag:s23] =	ssyncadd.s32 $0xFFFFFFFF  }
0xa5: {  	s26 =	simm.s32 $execute0_lowered;
	[smem:$0x3FD2] =	sst s25  }
0xa6: {  	s4 =	sshll.u32 s26, $0x1;
	_ =	strace $0x80000049;
	[dreg:$0x1] =	wrdreg $0xFFFFFFFF  }
0xa7: {  	s28 =	simm.s32 $_size_execute0_lowered;
	s2 =	sadd.s32 s2, s4;
	[dreg:$0x0] =	wrdreg $0x0  }
0xa8: {  	s4 =	sshll.u32 s28, $0x1;
	[dreg:$0x2] =	wrdreg s2  }
0xa9: {  	[dreg:$0x3] =	wrdreg s4  }
0xaa: {  	[dreg:$0x4] =	wrdreg $0xC0  }
0xab: {  	_ =	task [dreg:s6], $0x5FFFF  }
0xac: {  	[dreg:$0x1] =	wrdreg $0xFFFFFFFF  }
0xad: {  	[dreg:$0x0] =	wrdreg $0x60  }
0xae: {  	[dreg:$0x2] =	wrdreg s24  }
0xaf: {  	[dreg:$0x3] =	wrdreg $0x9  }
0xb0: {  	_ =	task.clear_ibuf [dreg:s6], $0x4FFFF;
	_ =	strace $0x90000049  }
0xb1: {  	s29 =	simm.s32 $0x9;
	_ =	strace $0x8000004B  }
0xb2: {  	_ =	swait.ge [sflag:s29], $0x1  }
0xb3: {  	[sflag:s29] =	ssyncadd.s32 $0xFFFFFFFF  }
0xb4: {  	_ =	strace $0x9000004B  }
0xb5: {  	_ =	sfence  }
0xb6: {  	s30 =	sld [smem:$0x0];
	_ =	sdelay $0x2  }
0xb7: {  	s31 =	sshll.u32 s1, $0xD;
	s1 =	sshrl.u32 s1, $0x2  }
0xb8: {  	s3 =	sand.u32 $0x4000, s31;
	s1 =	sadd.s32 s1, s30  }
0xb9: {  	s0 =	sor.u32 s3, s0;
	s1 =	sshll.u32 s1, $0x11  }
0xba: {  	s0 =	sor.u32 s1, s0  }
0xbb: {  	s0 =	sadd.s32 $0x8F2B, s0  }
0xbc: {  	[sflag:s0] =	ssyncadd.remote.s32 $0x1  }
0xbd: {  	_ =	sfence.sel $0xFFFF  }
0xbe: {  	[dreg:$0x0] =	wrdreg $0xFFFFFFFF;
	(pc) =	sbr.abs _section_cstart, $3  }
0xbf: {  	[dreg:$0x1] =	wrdreg $0xFFFFFFFF  }
0xc0: {  	_ =	task.clear_ibuf [dreg:s6], $0x2FFFF;
	_ =	strace $0x9FFFFFFF  }
0xc1: {  	(tm) =	ssettm $0x7FFFFFFF  }
tec
execute0_lowered:
.L_overlay_start_1:
0x0: {  	(tag) =	ssettag $0x1  }
0x1: {  	s0 =	rddreg [dreg:$0x0];
	s1 =	simm.s32 $0x0;
	s4 =	srdreg.scid  }
0x2: {  	s8 =	stileid.u32;
	s15 =	simm.s32 $0x18000;
	s16 =	simm.s32 $0x3  }
0x3: {  	s17 =	simm.s32 $0x18100;
	s18 =	simm.s32 $0x80;
	s21 =	simm.s32 $0x1  }
0x4: {  	s22 =	simm.s32 $0x4000;
	s23 =	simm.s32 $0x0;
	[smem:$0x7FF] =	sst s1  }
0x5: {  	s2 =	sadd.s32 $0x4FFA00, s0;
	s3 =	sadd.s32 $0x2BC00, s0;
	s5 =	sadd.s32 $0x52E00, s0  }
0x6: {  	s6 =	sadd.s32 $0x4F0800, s0;
	s4 =	sand.u32 $0x1, s4;
	s7 =	sadd.s32 $0x4E6A00, s0  }
.Ltmp0:
0x7: {  	s10 =	ssub.s32 $0x2, s4;
	s4 =	sshll.u32 s4, $0x4;
	(pc) =	sbr.rel .LBB2_1-.Ltmp0, $4  }
0x8: {  	s9 =	sadd.s32 $0x9E1A00, s0;
	s11 =	sshrl.u32 s10, $0x1;
	s8 =	sor.u32 s8, s4  }
0x9: {  	_ =	strace $0x8000004A;
	s30 =	ssub.s32 s10, s11;
	s4 =	sshll.u32 s8, $0x4  }
0xa: {  	s31 =	sshll.u32 s8, $0xB;
	s13 =	sor.u32 $0x40, s8;
	s10 =	sadd.s32 s6, s4  }
0xb: {  	s11 =	sadd.s32 s7, s4;
	s12 =	sadd.s32 s2, s31;
	s14 =	smax.u32 s30, $0x1  }
.LBB2_11:
0xc: {  	s23 =	sadd.s32 $0x1, s23  }
0xd: {  	p0 =	sne.s32 s23, s14  }
.Ltmp1:
0xe: {  	_ = 	snop;
	(pc) =	sbr.rel @!p0 .LBB2_12-.Ltmp1, $1  }
0xf: {  	_ =	sdelay $0x3  }
.LBB2_1:
0x10: {  	[tilespmem:s15], [sflag:$0x3] =	stream.linear.gather [hbm4b:s10+s1], $0x80, $0x38;
	[tilespmem:$0x18200] =	vst v63  }
0x11: {  	_ =	swait.ge [sflag:s16], $0x80  }
0x12: {  	[sflag:s16] =	ssyncset.done $0x0  }
0x13: {  	[sflag:s16] =	ssyncadd.s32 $0xFFFFFF80  }
0x14: {  	[tilespmem:s17], [sflag:$0x3] =	stream.linear.gather [hbm4b:s11+s1], $0x80, $0x38;
	[tilespmem:$0x18200] =	vst v63  }
0x15: {  	_ =	swait.ge [sflag:s16], $0x80  }
0x16: {  	[sflag:s16] =	ssyncset.done $0x0  }
0x17: {  	[sflag:s16] =	ssyncadd.s32 $0xFFFFFF80  }
0x18: {  	[tilespmem:s1], [sflag:$0x1] =	stream.linear.gather [hbm4b:s12+s1], $0x4000, $0x38;
	[tilespmem:$0x18200] =	vst v63  }
0x19: {  	s0 =	simm.s32 $0x8000  }
0x1a: {  	[tilespmem:s0], [sflag:$0x1] =	stream.indirect.gather [hbm4b:s3+s18], $0x80, s15, s18, $0xb8;
	[tilespmem:$0x18200] =	vst v63  }
0x1b: {  	s31 =	simm.s32 $0x10000  }
0x1c: {  	[tilespmem:s31], [sflag:$0x1] =	stream.indirect.gather [hbm4b:s5+s18], $0x80, s17, s18, $0xb8;
	[tilespmem:$0x18200] =	vst v63  }
0x1d: {  	_ =	swait.ge [sflag:s21], $0x4000  }
0x1e: {  	[sflag:s21] =	ssyncset.done $0x0  }
0x1f: {  	[sflag:s21] =	ssyncadd.s32 $0xFFFFC000  }
0x20: {  	_ =	swait.ge [sflag:s21], $0x4000  }
.Ltmp2:
0x21: {  	[sflag:s21] =	ssyncset.done $0x0;
	(pc) =	sbr.rel .LBB2_2-.Ltmp2, $4  }
0x22: {  	[sflag:s21] =	ssyncadd.s32 $0xFFFFC000  }
0x23: {  	_ =	swait.ge [sflag:s21], $0x4000  }
0x24: {  	[sflag:s21] =	ssyncset.done $0x0  }
0x25: {  	s24 =	simm.s32 $0x0;
	[sflag:s21] =	ssyncadd.s32 $0xFFFFC000  }
.LBB2_10:
0x26: {  	s0 =	simm.s32 @!p1 $0x1  }
0x27: {  	_ =	swait.ge @!p1 [sflag:s0], $0x4000  }
0x28: {  	[sflag:s0] =	ssyncset.done @!p1 $0x0  }
0x29: {  	s24 =	sadd.s32 $0x1, s24;
	[sflag:s0] =	ssyncadd.s32 @!p1 $0xFFFFC000  }
0x2a: {  	p0 =	sne.s32 s24, $0x28;
	_ =	swait.ge @!p1 [sflag:s0], $0x4000  }
.Ltmp3:
0x2b: {  	[sflag:s0] =	ssyncset.done @!p1 $0x0;
	(pc) =	sbr.rel @!p0 .LBB2_11-.Ltmp3, $4  }
0x2c: {  	[sflag:s0] =	ssyncadd.s32 @!p1 $0xFFFFC000  }
0x2d: {  	_ =	swait.ge @!p1 [sflag:s0], $0x4000  }
0x2e: {  	[sflag:s0] =	ssyncset.done @!p1 $0x0  }
0x2f: {  	[sflag:s0] =	ssyncadd.s32 @!p1 $0xFFFFC000  }
.LBB2_2:
0x30: {  	s26 =	sshll.u32 s24, $0x6  }
0x31: {  	s28 =	sor.u32 s8, s26  }
0x32: {  	s25 =	sor.u32 $0x20, s28  }
0x33: {  	p0 =	sgt.u32 s25, $0x9C3  }
0x34: {  	s0 =	sshll.u32 @!p0 s25, $0x4  }
0x35: {  	s19 =	simm.s32 @!p0 $0x0;
	s20 =	simm.s32 @!p0 $0x18080;
	s4 =	sadd.s32 @!p0 s6, s0  }
0x36: {  	[tilespmem:s20], [sflag:$0x3] =	stream.linear.gather @!p0 [hbm4b:s4+s19], $0x80, $0x38;
	[tilespmem:$0x18200] =	vst v63  }
0x37: {  	s4 =	simm.s32 @!p0 $0x3  }
0x38: {  	_ =	swait.ge @!p0 [sflag:s4], $0x80  }
0x39: {  	[sflag:s4] =	ssyncset.done @!p0 $0x0  }
0x3a: {  	s29 =	simm.s32 @!p0 $0x18180;
	s0 =	sadd.s32 @!p0 s7, s0;
	[sflag:s4] =	ssyncadd.s32 @!p0 $0xFFFFFF80  }
0x3b: {  	[tilespmem:s29], [sflag:$0x3] =	stream.linear.gather @!p0 [hbm4b:s0+s19], $0x80, $0x38;
	[tilespmem:$0x18200] =	vst v63  }
0x3c: {  	_ =	swait.ge @!p0 [sflag:s4], $0x80  }
0x3d: {  	p1 =	sgt.u32 s28, $0x9C3;
	s0 =	sshll.u32 @!p0 s25, $0xB;
	[sflag:s4] =	ssyncset.done @!p0 $0x0  }
0x3e: {  	s0 =	sadd.s32 @!p0 s2, s0;
	[sflag:s4] =	ssyncadd.s32 @!p0 $0xFFFFFF80;
	s4 =	simm.s32 @!p0 $0x4000  }
0x3f: {  	[tilespmem:s4], [sflag:$0x2] =	stream.linear.gather @!p0 [hbm4b:s0+s19], $0x4000, $0x38;
	[tilespmem:$0x18200] =	vst v63  }
.Ltmp4:
0x40: {  	_ = 	snop;
	(pc) =	sbr.rel @p1 .LBB2_6-.Ltmp4, $4  }
0x41: {  	s0 =	simm.s32 @!p0 $0x80;
	s4 =	simm.s32 @!p0 $0xC000  }
0x42: {  	[tilespmem:s4], [sflag:$0x2] =	stream.indirect.gather @!p0 [hbm4b:s3+s0], $0x80, s20, s0, $0xb8;
	[tilespmem:$0x18200] =	vst v63  }
0x43: {  	s4 =	simm.s32 @!p0 $0x14000  }
0x44: {  	[tilespmem:s4], [sflag:$0x2] =	stream.indirect.gather @!p0 [hbm4b:s5+s0], $0x80, s29, s0, $0xb8;
	[tilespmem:$0x18200] =	vst v63  }
0x45: {  	s29 =	simm.s32 $0x8100  }
0x46: {  	s30 =	simm.s32 $0x10100;
	v0 =	vld [tilespmem:s29+$0x80]  }
0x47: {  	v1 =	vld [tilespmem:s30+$0x80]  }
0x48: {  	s31 =	simm.s32 $0x100  }
0x49: {  	v2 =	vld [tilespmem:s31+$0x80];
	_ =	sdelay $0x1  }
0x4a: {  	v3 =	vld [tilespmem:s30+$0xFFFFFF00]  }
0x4b: {  	v4 =	vld [tilespmem:s29+$0xFFFFFF80];
	v0 =	vadd.f32 v1, v0  }
0x4c: {  	v5 =	vld [tilespmem:s29+$0xFFFFFF00]  }
0x4d: {  	v6 =	vld [tilespmem:s31+$0xFFFFFF00];
	v0 =	vadd.f32 v2, v0  }
0x4e: {  	v7 =	vld [tilespmem:s31+$0xFFFFFF80]  }
0x4f: {  	v1 =	vld [tilespmem:s30+$0xFFFFFF80];
	v0 =	vmax.f32 v0, $0.0e+00  }
0x50: {  	v8 =	vld [tilespmem:s30+$0x0];
	[tilespmem:s31+$0x80] =	vst v0  }
0x51: {  	v3 =	vadd.f32 v3, v5;
	v0 =	vld [tilespmem:s29+$0x90]  }
0x52: {  	v5 =	vld [tilespmem:s30+$0x90]  }
0x53: {  	v9 =	vld [tilespmem:s31+$0xFFFFFF10];
	v3 =	vadd.f32 v6, v3  }
0x54: {  	v1 =	vadd.f32 v1, v4;
	v4 =	vld [tilespmem:s31+$0x90]  }
0x55: {  	v2 =	vld [tilespmem:s29+$0x0];
	v3 =	vmax.f32 v3, $0.0e+00  }
0x56: {  	v6 =	vld [tilespmem:s31+$0x0];
	[tilespmem:s31+$0xFFFFFF00] =	vst v3;
	v1 =	vadd.f32 v7, v1  }
0x57: {  	v3 =	vld [tilespmem:s29+$0xFFFFFF10];
	v0 =	vadd.f32 v5, v0  }
0x58: {  	v7 =	vld [tilespmem:s31+$0xFFFFFF90];
	v1 =	vmax.f32 v1, $0.0e+00  }
0x59: {  	[tilespmem:s31+$0xFFFFFF80] =	vst v1;
	v1 =	vld [tilespmem:s30+$0xFFFFFF10];
	v0 =	vadd.f32 v4, v0  }
0x5a: {  	v5 =	vld [tilespmem:s30+$0xFFFFFF90]  }
0x5b: {  	v2 =	vadd.f32 v8, v2;
	v4 =	vld [tilespmem:s29+$0xFFFFFF90];
	v0 =	vmax.f32 v0, $0.0e+00  }
0x5c: {  	v8 =	vld [tilespmem:s31+$0x10];
	[tilespmem:s31+$0x90] =	vst v0  }
0x5d: {  	v0 =	vadd.f32 v6, v2;
	v2 =	vld [tilespmem:s29+$0xA0]  }
0x5e: {  	v1 =	vadd.f32 v1, v3;
	v3 =	vld [tilespmem:s30+$0xA0]  }
0x5f: {  	v6 =	vld [tilespmem:s31+$0xFFFFFF20];
	v0 =	vmax.f32 v0, $0.0e+00  }
0x60: {  	[tilespmem:s31+$0x0] =	vst v0;
	v0 =	vadd.f32 v9, v1;
	v1 =	vadd.f32 v5, v4;
	v4 =	vld [tilespmem:s31+$0xA0]  }
0x61: {  	v5 =	vld [tilespmem:s29+$0x10]  }
0x62: {  	v9 =	vld [tilespmem:s30+$0x10];
	v0 =	vmax.f32 v0, $0.0e+00;
	v1 =	vadd.f32 v7, v1  }
0x63: {  	v7 =	vld [tilespmem:s31+$0xFFFFFFA0];
	[tilespmem:s31+$0xFFFFFF10] =	vst v0;
	v0 =	vadd.f32 v3, v2  }
0x64: {  	v2 =	vld [tilespmem:s29+$0xFFFFFF20];
	v1 =	vmax.f32 v1, $0.0e+00  }
0x65: {  	v3 =	vld [tilespmem:s30+$0xFFFFFF20];
	[tilespmem:s31+$0xFFFFFF90] =	vst v1;
	v0 =	vadd.f32 v4, v0  }
0x66: {  	v1 =	vld [tilespmem:s29+$0xFFFFFFA0]  }
0x67: {  	v4 =	vadd.f32 v9, v5;
	v5 =	vld [tilespmem:s30+$0xFFFFFFA0];
	v0 =	vmax.f32 v0, $0.0e+00  }
0x68: {  	v9 =	vld [tilespmem:s31+$0x20];
	[tilespmem:s31+$0xA0] =	vst v0  }
0x69: {  	v0 =	vadd.f32 v8, v4;
	v4 =	vld [tilespmem:s29+$0xB0]  }
0x6a: {  	v2 =	vadd.f32 v3, v2;
	v3 =	vld [tilespmem:s30+$0xB0]  }
0x6b: {  	v8 =	vld [tilespmem:s31+$0xFFFFFF30];
	v0 =	vmax.f32 v0, $0.0e+00  }
0x6c: {  	[tilespmem:s31+$0x10] =	vst v0;
	v0 =	vadd.f32 v6, v2;
	v1 =	vadd.f32 v5, v1;
	v2 =	vld [tilespmem:s31+$0xB0]  }
0x6d: {  	v5 =	vld [tilespmem:s29+$0x20]  }
0x6e: {  	v6 =	vld [tilespmem:s30+$0x20];
	v0 =	vmax.f32 v0, $0.0e+00;
	v1 =	vadd.f32 v7, v1  }
0x6f: {  	v7 =	vld [tilespmem:s31+$0xFFFFFFB0];
	[tilespmem:s31+$0xFFFFFF20] =	vst v0;
	v0 =	vadd.f32 v3, v4  }
0x70: {  	v3 =	vld [tilespmem:s29+$0xFFFFFF30];
	v1 =	vmax.f32 v1, $0.0e+00  }
0x71: {  	v4 =	vld [tilespmem:s30+$0xFFFFFF30];
	[tilespmem:s31+$0xFFFFFFA0] =	vst v1;
	v0 =	vadd.f32 v2, v0  }
0x72: {  	v10 =	vld [tilespmem:s29+$0xFFFFFFB0]  }
0x73: {  	v2 =	vadd.f32 v6, v5;
	v5 =	vld [tilespmem:s30+$0xFFFFFFB0];
	v0 =	vmax.f32 v0, $0.0e+00  }
0x74: {  	v1 =	vld [tilespmem:s31+$0x30];
	[tilespmem:s31+$0xB0] =	vst v0  }
0x75: {  	v0 =	vadd.f32 v9, v2;
	v6 =	vld [tilespmem:s29+$0xC0]  }
0x76: {  	v3 =	vadd.f32 v4, v3;
	v4 =	vld [tilespmem:s30+$0xC0]  }
0x77: {  	v2 =	vld [tilespmem:s31+$0xFFFFFF40];
	v0 =	vmax.f32 v0, $0.0e+00  }
0x78: {  	[tilespmem:s31+$0x20] =	vst v0;
	v0 =	vadd.f32 v8, v3;
	v3 =	vadd.f32 v5, v10;
	v5 =	vld [tilespmem:s31+$0xC0]  }
0x79: {  	v8 =	vld [tilespmem:s29+$0x30]  }
0x7a: {  	v9 =	vld [tilespmem:s30+$0x30];
	v0 =	vmax.f32 v0, $0.0e+00;
	v7 =	vadd.f32 v7, v3  }
0x7b: {  	v3 =	vld [tilespmem:s31+$0xFFFFFFC0];
	[tilespmem:s31+$0xFFFFFF30] =	vst v0;
	v0 =	vadd.f32 v4, v6  }
0x7c: {  	v4 =	vld [tilespmem:s29+$0xFFFFFF40];
	v7 =	vmax.f32 v7, $0.0e+00  }
0x7d: {  	v6 =	vld [tilespmem:s30+$0xFFFFFF40];
	[tilespmem:s31+$0xFFFFFFB0] =	vst v7;
	v0 =	vadd.f32 v5, v0  }
0x7e: {  	v5 =	vld [tilespmem:s29+$0xFFFFFFC0]  }
0x7f: {  	s4 =	simm.s32 $0x0;
	v7 =	vld [tilespmem:s30+$0xFFFFFFC0];
	v8 =	vadd.f32 v9, v8;
	v10 =	vmax.f32 v0, $0.0e+00  }
0x80: {  	s20 =	simm.s32 $0x8300;
	s0 =	simm.s32 $0x100;
	s19 =	simm.s32 $0x10100;
	v0 =	vld [tilespmem:s31+$0x40];
	[tilespmem:s31+$0xC0] =	vst v10  }
.LBB2_4:
0x81: {  	v9 =	vld [tilespmem:s20+$0x80];
	v1 =	vadd.f32 v1, v8;
	s30 =	sadd.s32 $0x200, s30  }
0x82: {  	v8 =	vld [tilespmem:s30+$0x80];
	v4 =	vadd.f32 v6, v4  }
0x83: {  	s31 =	sadd.s32 $0x200, s31;
	v6 =	vld [tilespmem:s30+$0xFFFFFF00];
	v1 =	vmax.f32 v1, $0.0e+00  }
0x84: {  	v10 =	vld [tilespmem:s31+$0x80];
	v2 =	vadd.f32 v2, v4;
	v4 =	vadd.f32 v7, v5;
	[tilespmem:s0+$0x30] =	vst v1  }
0x85: {  	v1 =	vld [tilespmem:s20+$0xFFFFFF80]  }
0x86: {  	s4 =	sadd.s32 $0x4, s4;
	v5 =	vld [tilespmem:s30+$0xFFFFFF80];
	v2 =	vmax.f32 v2, $0.0e+00;
	v3 =	vadd.f32 v3, v4  }
0x87: {  	p1 =	slt.u32 s4, $0x7C;
	v4 =	vld [tilespmem:s20+$0x0];
	v7 =	vadd.f32 v8, v9;
	[tilespmem:s0+$0xFFFFFF40] =	vst v2  }
0x88: {  	v2 =	vld [tilespmem:s30+$0x0];
	v3 =	vmax.f32 v3, $0.0e+00  }
0x89: {  	v8 =	vld [tilespmem:s20+$0xFFFFFF00];
	v7 =	vadd.f32 v10, v7;
	[tilespmem:s0+$0xFFFFFFC0] =	vst v3  }
0x8a: {  	v3 =	vld [tilespmem:s31+$0xFFFFFF00]  }
0x8b: {  	v1 =	vadd.f32 v5, v1;
	v5 =	vld [tilespmem:s31+$0xFFFFFF80];
	v7 =	vmax.f32 v7, $0.0e+00  }
0x8c: {  	v9 =	vld [tilespmem:s31+$0x0];
	[tilespmem:s31+$0x80] =	vst v7  }
0x8d: {  	v2 =	vadd.f32 v2, v4;
	v4 =	vld [tilespmem:s20+$0x90]  }
0x8e: {  	v6 =	vadd.f32 v6, v8;
	v7 =	vld [tilespmem:s30+$0x90]  }
0x8f: {  	v8 =	vld [tilespmem:s31+$0xFFFFFF10]  }
0x90: {  	v3 =	vadd.f32 v3, v6;
	v1 =	vadd.f32 v5, v1;
	v5 =	vld [tilespmem:s31+$0x90]  }
0x91: {  	v6 =	vld [tilespmem:s31+$0xFFFFFF90];
	v2 =	vadd.f32 v9, v2  }
0x92: {  	v3 =	vmax.f32 v3, $0.0e+00;
	v1 =	vmax.f32 v1, $0.0e+00;
	v9 =	vld [tilespmem:s31+$0x10]  }
0x93: {  	[tilespmem:s31+$0xFFFFFF00] =	vst v3;
	v3 =	vld [tilespmem:s31+$0xFFFFFF20];
	v2 =	vmax.f32 v2, $0.0e+00;
	v4 =	vadd.f32 v7, v4  }
0x94: {  	v7 =	vld [tilespmem:s20+$0xFFFFFF10];
	[tilespmem:s31+$0xFFFFFF80] =	vst v1  }
0x95: {  	v1 =	vld [tilespmem:s30+$0xFFFFFF10];
	[tilespmem:s31+$0x0] =	vst v2;
	v2 =	vadd.f32 v5, v4  }
0x96: {  	v4 =	vld [tilespmem:s20+$0xFFFFFF90]  }
0x97: {  	v5 =	vld [tilespmem:s30+$0xFFFFFF90];
	v2 =	vmax.f32 v2, $0.0e+00  }
0x98: {  	v10 =	vld [tilespmem:s20+$0x10];
	[tilespmem:s31+$0x90] =	vst v2  }
0x99: {  	v2 =	vld [tilespmem:s20+$0xA0]  }
0x9a: {  	v1 =	vadd.f32 v1, v7;
	v7 =	vld [tilespmem:s30+$0xA0]  }
0x9b: {  	v11 =	vld [tilespmem:s30+$0x10]  }
0x9c: {  	v1 =	vadd.f32 v8, v1;
	v4 =	vadd.f32 v5, v4;
	v5 =	vld [tilespmem:s31+$0xA0]  }
0x9d: {  	v8 =	vld [tilespmem:s31+$0xFFFFFFA0]  }
0x9e: {  	v1 =	vmax.f32 v1, $0.0e+00;
	v4 =	vadd.f32 v6, v4;
	v6 =	vld [tilespmem:s31+$0x20]  }
0x9f: {  	[tilespmem:s31+$0xFFFFFF10] =	vst v1;
	v12 =	vld [tilespmem:s31+$0xFFFFFF30];
	v1 =	vadd.f32 v7, v2  }
0xa0: {  	v2 =	vld [tilespmem:s20+$0xFFFFFF20];
	v4 =	vmax.f32 v4, $0.0e+00;
	v7 =	vadd.f32 v11, v10  }
0xa1: {  	v10 =	vld [tilespmem:s30+$0xFFFFFF20];
	[tilespmem:s31+$0xFFFFFF90] =	vst v4;
	v1 =	vadd.f32 v5, v1  }
0xa2: {  	v4 =	vld [tilespmem:s20+$0xFFFFFFA0];
	v5 =	vadd.f32 v9, v7  }
0xa3: {  	v7 =	vld [tilespmem:s30+$0xFFFFFFA0];
	v1 =	vmax.f32 v1, $0.0e+00  }
0xa4: {  	v9 =	vld [tilespmem:s31+$0xFFFFFFB0];
	v5 =	vmax.f32 v5, $0.0e+00;
	[tilespmem:s31+$0xA0] =	vst v1  }
0xa5: {  	[tilespmem:s31+$0x10] =	vst v5;
	v5 =	vld [tilespmem:s20+$0xB0]  }
0xa6: {  	v1 =	vadd.f32 v10, v2;
	v2 =	vld [tilespmem:s30+$0xB0]  }
0xa7: {  	v10 =	vld [tilespmem:s20+$0x20]  }
0xa8: {  	v1 =	vadd.f32 v3, v1;
	v3 =	vadd.f32 v7, v4;
	v4 =	vld [tilespmem:s31+$0xB0]  }
0xa9: {  	v7 =	vld [tilespmem:s30+$0x20]  }
0xaa: {  	v11 =	vmax.f32 v1, $0.0e+00;
	v3 =	vadd.f32 v8, v3;
	v1 =	vld [tilespmem:s31+$0x30]  }
0xab: {  	[tilespmem:s31+$0xFFFFFF20] =	vst v11;
	v2 =	vadd.f32 v2, v5;
	v5 =	vld [tilespmem:s29+$0x40];
	s29 =	smov.u32 s20  }
0xac: {  	v8 =	vld [tilespmem:s20+$0xFFFFFF30];
	v3 =	vmax.f32 v3, $0.0e+00  }
0xad: {  	v11 =	vld [tilespmem:s30+$0xFFFFFF30];
	[tilespmem:s31+$0xFFFFFFA0] =	vst v3;
	v2 =	vadd.f32 v4, v2  }
0xae: {  	v3 =	vld [tilespmem:s20+$0xFFFFFFB0];
	v4 =	vadd.f32 v7, v10  }
0xaf: {  	v7 =	vld [tilespmem:s30+$0xFFFFFFB0];
	v2 =	vmax.f32 v2, $0.0e+00  }
0xb0: {  	v4 =	vadd.f32 v6, v4;
	[tilespmem:s31+$0xB0] =	vst v2;
	v6 =	vld [tilespmem:s19+$0x40];
	s19 =	smov.u32 s30  }
0xb1: {  	v10 =	vld [tilespmem:s20+$0xC0]  }
0xb2: {  	v8 =	vadd.f32 v11, v8;
	v4 =	vmax.f32 v4, $0.0e+00;
	v11 =	vld [tilespmem:s30+$0xC0]  }
0xb3: {  	v2 =	vld [tilespmem:s31+$0xFFFFFF40];
	[tilespmem:s31+$0x20] =	vst v4  }
0xb4: {  	v4 =	vadd.f32 v12, v8;
	v3 =	vadd.f32 v7, v3;
	v7 =	vld [tilespmem:s31+$0xC0]  }
0xb5: {  	v8 =	vld [tilespmem:s20+$0x30];
	v5 =	vadd.f32 v6, v5  }
0xb6: {  	v4 =	vmax.f32 v4, $0.0e+00;
	v6 =	vadd.f32 v9, v3;
	v9 =	vld [tilespmem:s30+$0x30]  }
0xb7: {  	[tilespmem:s31+$0xFFFFFF30] =	vst v4;
	v3 =	vld [tilespmem:s31+$0xFFFFFFC0];
	v10 =	vadd.f32 v11, v10;
	v0 =	vadd.f32 v0, v5  }
.Ltmp5:
0xb8: {  	v4 =	vld [tilespmem:s20+$0xFFFFFF40];
	v5 =	vmax.f32 v6, $0.0e+00;
	(pc) =	sbr.rel @p1 .LBB2_4-.Ltmp5, $4  }
0xb9: {  	v6 =	vld [tilespmem:s30+$0xFFFFFF40];
	[tilespmem:s31+$0xFFFFFFB0] =	vst v5;
	v10 =	vadd.f32 v7, v10;
	v0 =	vmax.f32 v0, $0.0e+00  }
0xba: {  	v5 =	vld [tilespmem:s20+$0xFFFFFFC0];
	[tilespmem:s0+$0x40] =	vst v0;
	s0 =	smov.u32 s31  }
0xbb: {  	v7 =	vld [tilespmem:s30+$0xFFFFFFC0];
	v8 =	vadd.f32 v9, v8;
	v9 =	vmax.f32 v10, $0.0e+00  }
0xbc: {  	s20 =	sadd.s32 $0x200, s20;
	v0 =	vld [tilespmem:s31+$0x40];
	[tilespmem:s31+$0xC0] =	vst v9  }
0xbd: {  	v1 =	vadd.f32 v1, v8;
	_ =	sdelay $0x1  }
0xbe: {  	v1 =	vmax.f32 v1, $0.0e+00  }
0xbf: {  	[tilespmem:s0+$0x30] =	vst v1  }
0xc0: {  	v1 =	vld [tilespmem:s29+$0x40]  }
0xc1: {  	v62 =	vld [tilespmem:s19+$0x40];
	_ =	sdelay $0x2  }
0xc2: {  	v4 =	vadd.f32 v6, v4  }
0xc3: {  	v5 =	vadd.f32 v7, v5  }
0xc4: {  	v2 =	vadd.f32 v2, v4;
	v1 =	vadd.f32 v62, v1  }
0xc5: {  	v3 =	vadd.f32 v3, v5  }
0xc6: {  	v2 =	vmax.f32 v2, $0.0e+00;
	v0 =	vadd.f32 v0, v1  }
0xc7: {  	[tilespmem:s0+$0xFFFFFF40] =	vst v2;
	v63 =	vmax.f32 v3, $0.0e+00  }
0xc8: {  	s4 =	sshll.u32 s28, $0xB;
	[tilespmem:s0+$0xFFFFFFC0] =	vst v63;
	v0 =	vmax.f32 v0, $0.0e+00  }
0xc9: {  	s31 =	sadd.s32 s9, s4;
	[tilespmem:s0+$0x40] =	vst v0  }
0xca: {  	[hbm4b:s31+s1] =	stream.linear.scatter [tilespmem:s1], [sflag:$0x3], $0x4000, $0x38;
	[tilespmem:$0x18200] =	vst v63  }
0xcb: {  	_ =	swait.ge [sflag:s16], $0x4000  }
0xcc: {  	[sflag:s16] =	ssyncset.done $0x0  }
0xcd: {  	s0 =	simm.s32 @!p0 $0x2;
	[sflag:s16] =	ssyncadd.s32 $0xFFFFC000  }
0xce: {  	_ =	swait.ge @!p0 [sflag:s0], $0x4000  }
0xcf: {  	[sflag:s0] =	ssyncset.done @!p0 $0x0  }
0xd0: {  	[sflag:s0] =	ssyncadd.s32 @!p0 $0xFFFFC000  }
0xd1: {  	_ =	swait.ge @!p0 [sflag:s0], $0x4000  }
0xd2: {  	[sflag:s0] =	ssyncset.done @!p0 $0x0  }
0xd3: {  	[sflag:s0] =	ssyncadd.s32 @!p0 $0xFFFFC000  }
0xd4: {  	_ =	swait.ge @!p0 [sflag:s0], $0x4000  }
0xd5: {  	[sflag:s0] =	ssyncset.done @!p0 $0x0  }
0xd6: {  	[sflag:s0] =	ssyncadd.s32 @!p0 $0xFFFFC000  }
.LBB2_6:
0xd7: {  	s0 =	sadd.s32 s13, s26  }
0xd8: {  	p1 =	sgt.u32 s0, $0x9C3  }
0xd9: {  	s4 =	sshll.u32 @!p1 s0, $0x4  }
0xda: {  	s20 =	simm.s32 @!p1 $0x0;
	s26 =	simm.s32 @!p1 $0x18000;
	s19 =	sadd.s32 @!p1 s6, s4  }
0xdb: {  	[tilespmem:s26], [sflag:$0x3] =	stream.linear.gather @!p1 [hbm4b:s19+s20], $0x80, $0x38;
	[tilespmem:$0x18200] =	vst v63  }
0xdc: {  	s19 =	simm.s32 @!p1 $0x3  }
0xdd: {  	_ =	swait.ge @!p1 [sflag:s19], $0x80  }
0xde: {  	[sflag:s19] =	ssyncset.done @!p1 $0x0  }
0xdf: {  	s28 =	simm.s32 @!p1 $0x18100;
	s4 =	sadd.s32 @!p1 s7, s4;
	[sflag:s19] =	ssyncadd.s32 @!p1 $0xFFFFFF80  }
0xe0: {  	[tilespmem:s28], [sflag:$0x3] =	stream.linear.gather @!p1 [hbm4b:s4+s20], $0x80, $0x38;
	[tilespmem:$0x18200] =	vst v63  }
0xe1: {  	_ =	swait.ge @!p1 [sflag:s19], $0x80  }
0xe2: {  	s0 =	sshll.u32 @!p1 s0, $0xB;
	[sflag:s19] =	ssyncset.done @!p1 $0x0  }
0xe3: {  	s0 =	sadd.s32 @!p1 s2, s0;
	[sflag:s19] =	ssyncadd.s32 @!p1 $0xFFFFFF80  }
0xe4: {  	[tilespmem:s20], [sflag:$0x1] =	stream.linear.gather @!p1 [hbm4b:s0+s20], $0x4000, $0x38;
	[tilespmem:$0x18200] =	vst v63  }
.Ltmp6:
0xe5: {  	_ = 	snop;
	(pc) =	sbr.rel @p0 .LBB2_10-.Ltmp6, $4  }
0xe6: {  	s4 =	simm.s32 @!p1 $0x8000;
	s0 =	simm.s32 @!p1 $0x80  }
0xe7: {  	[tilespmem:s4], [sflag:$0x1] =	stream.indirect.gather @!p1 [hbm4b:s3+s0], $0x80, s26, s0, $0xb8;
	[tilespmem:$0x18200] =	vst v63  }
0xe8: {  	s4 =	simm.s32 @!p1 $0x10000  }
0xe9: {  	[tilespmem:s4], [sflag:$0x1] =	stream.indirect.gather @!p1 [hbm4b:s5+s0], $0x80, s28, s0, $0xb8;
	[tilespmem:$0x18200] =	vst v63  }
0xea: {  	s26 =	simm.s32 $0xC100  }
0xeb: {  	s28 =	simm.s32 $0x14100;
	v0 =	vld [tilespmem:s26+$0x80]  }
0xec: {  	v1 =	vld [tilespmem:s28+$0x80]  }
0xed: {  	s29 =	simm.s32 $0x4100  }
0xee: {  	v2 =	vld [tilespmem:s29+$0x80];
	_ =	sdelay $0x1  }
0xef: {  	v3 =	vld [tilespmem:s28+$0xFFFFFF00]  }
0xf0: {  	v4 =	vld [tilespmem:s26+$0xFFFFFF80];
	v0 =	vadd.f32 v1, v0  }
0xf1: {  	v5 =	vld [tilespmem:s26+$0xFFFFFF00]  }
0xf2: {  	v6 =	vld [tilespmem:s29+$0xFFFFFF00];
	v0 =	vadd.f32 v2, v0  }
0xf3: {  	v7 =	vld [tilespmem:s29+$0xFFFFFF80]  }
0xf4: {  	v1 =	vld [tilespmem:s28+$0xFFFFFF80];
	v0 =	vmax.f32 v0, $0.0e+00  }
0xf5: {  	v8 =	vld [tilespmem:s28+$0x0];
	[tilespmem:s29+$0x80] =	vst v0  }
0xf6: {  	v3 =	vadd.f32 v3, v5;
	v0 =	vld [tilespmem:s26+$0x90]  }
0xf7: {  	v5 =	vld [tilespmem:s28+$0x90]  }
0xf8: {  	v9 =	vld [tilespmem:s29+$0xFFFFFF10];
	v3 =	vadd.f32 v6, v3  }
0xf9: {  	v1 =	vadd.f32 v1, v4;
	v4 =	vld [tilespmem:s29+$0x90]  }
0xfa: {  	v2 =	vld [tilespmem:s26+$0x0];
	v3 =	vmax.f32 v3, $0.0e+00  }
0xfb: {  	v6 =	vld [tilespmem:s29+$0x0];
	[tilespmem:s29+$0xFFFFFF00] =	vst v3;
	v1 =	vadd.f32 v7, v1  }
0xfc: {  	v3 =	vld [tilespmem:s26+$0xFFFFFF10];
	v0 =	vadd.f32 v5, v0  }
0xfd: {  	v7 =	vld [tilespmem:s29+$0xFFFFFF90];
	v1 =	vmax.f32 v1, $0.0e+00  }
0xfe: {  	[tilespmem:s29+$0xFFFFFF80] =	vst v1;
	v1 =	vld [tilespmem:s28+$0xFFFFFF10];
	v0 =	vadd.f32 v4, v0  }
0xff: {  	v5 =	vld [tilespmem:s28+$0xFFFFFF90]  }
0x100: {  	v2 =	vadd.f32 v8, v2;
	v4 =	vld [tilespmem:s26+$0xFFFFFF90];
	v0 =	vmax.f32 v0, $0.0e+00  }
0x101: {  	v8 =	vld [tilespmem:s29+$0x10];
	[tilespmem:s29+$0x90] =	vst v0  }
0x102: {  	v0 =	vadd.f32 v6, v2;
	v2 =	vld [tilespmem:s26+$0xA0]  }
0x103: {  	v1 =	vadd.f32 v1, v3;
	v3 =	vld [tilespmem:s28+$0xA0]  }
0x104: {  	v6 =	vld [tilespmem:s29+$0xFFFFFF20];
	v0 =	vmax.f32 v0, $0.0e+00  }
0x105: {  	[tilespmem:s29+$0x0] =	vst v0;
	v0 =	vadd.f32 v9, v1;
	v1 =	vadd.f32 v5, v4;
	v4 =	vld [tilespmem:s29+$0xA0]  }
0x106: {  	v5 =	vld [tilespmem:s26+$0x10]  }
0x107: {  	v9 =	vld [tilespmem:s28+$0x10];
	v0 =	vmax.f32 v0, $0.0e+00;
	v1 =	vadd.f32 v7, v1  }
0x108: {  	v7 =	vld [tilespmem:s29+$0xFFFFFFA0];
	[tilespmem:s29+$0xFFFFFF10] =	vst v0;
	v0 =	vadd.f32 v3, v2  }
0x109: {  	v2 =	vld [tilespmem:s26+$0xFFFFFF20];
	v1 =	vmax.f32 v1, $0.0e+00  }
0x10a: {  	v3 =	vld [tilespmem:s28+$0xFFFFFF20];
	[tilespmem:s29+$0xFFFFFF90] =	vst v1;
	v0 =	vadd.f32 v4, v0  }
0x10b: {  	v1 =	vld [tilespmem:s26+$0xFFFFFFA0]  }
0x10c: {  	v4 =	vadd.f32 v9, v5;
	v5 =	vld [tilespmem:s28+$0xFFFFFFA0];
	v0 =	vmax.f32 v0, $0.0e+00  }
0x10d: {  	v9 =	vld [tilespmem:s29+$0x20];
	[tilespmem:s29+$0xA0] =	vst v0  }
0x10e: {  	v0 =	vadd.f32 v8, v4;
	v4 =	vld [tilespmem:s26+$0xB0]  }
0x10f: {  	v2 =	vadd.f32 v3, v2;
	v3 =	vld [tilespmem:s28+$0xB0]  }
0x110: {  	v8 =	vld [tilespmem:s29+$0xFFFFFF30];
	v0 =	vmax.f32 v0, $0.0e+00  }
0x111: {  	[tilespmem:s29+$0x10] =	vst v0;
	v0 =	vadd.f32 v6, v2;
	v1 =	vadd.f32 v5, v1;
	v2 =	vld [tilespmem:s29+$0xB0]  }
0x112: {  	v5 =	vld [tilespmem:s26+$0x20]  }
0x113: {  	v6 =	vld [tilespmem:s28+$0x20];
	v0 =	vmax.f32 v0, $0.0e+00;
	v1 =	vadd.f32 v7, v1  }
0x114: {  	v7 =	vld [tilespmem:s29+$0xFFFFFFB0];
	[tilespmem:s29+$0xFFFFFF20] =	vst v0;
	v0 =	vadd.f32 v3, v4  }
0x115: {  	v3 =	vld [tilespmem:s26+$0xFFFFFF30];
	v1 =	vmax.f32 v1, $0.0e+00  }
0x116: {  	v4 =	vld [tilespmem:s28+$0xFFFFFF30];
	[tilespmem:s29+$0xFFFFFFA0] =	vst v1;
	v0 =	vadd.f32 v2, v0  }
0x117: {  	v10 =	vld [tilespmem:s26+$0xFFFFFFB0]  }
0x118: {  	v2 =	vadd.f32 v6, v5;
	v5 =	vld [tilespmem:s28+$0xFFFFFFB0];
	v0 =	vmax.f32 v0, $0.0e+00  }
0x119: {  	v1 =	vld [tilespmem:s29+$0x30];
	[tilespmem:s29+$0xB0] =	vst v0  }
0x11a: {  	v0 =	vadd.f32 v9, v2;
	v6 =	vld [tilespmem:s26+$0xC0]  }
0x11b: {  	v3 =	vadd.f32 v4, v3;
	v4 =	vld [tilespmem:s28+$0xC0]  }
0x11c: {  	v2 =	vld [tilespmem:s29+$0xFFFFFF40];
	v0 =	vmax.f32 v0, $0.0e+00  }
0x11d: {  	[tilespmem:s29+$0x20] =	vst v0;
	v0 =	vadd.f32 v8, v3;
	v3 =	vadd.f32 v5, v10;
	v5 =	vld [tilespmem:s29+$0xC0]  }
0x11e: {  	v8 =	vld [tilespmem:s26+$0x30]  }
0x11f: {  	v9 =	vld [tilespmem:s28+$0x30];
	v0 =	vmax.f32 v0, $0.0e+00;
	v7 =	vadd.f32 v7, v3  }
0x120: {  	v3 =	vld [tilespmem:s29+$0xFFFFFFC0];
	[tilespmem:s29+$0xFFFFFF30] =	vst v0;
	v0 =	vadd.f32 v4, v6  }
0x121: {  	v4 =	vld [tilespmem:s26+$0xFFFFFF40];
	v7 =	vmax.f32 v7, $0.0e+00  }
0x122: {  	v6 =	vld [tilespmem:s28+$0xFFFFFF40];
	[tilespmem:s29+$0xFFFFFFB0] =	vst v7;
	v0 =	vadd.f32 v5, v0  }
0x123: {  	v5 =	vld [tilespmem:s26+$0xFFFFFFC0]  }
0x124: {  	s4 =	simm.s32 $0x0;
	v7 =	vld [tilespmem:s28+$0xFFFFFFC0];
	v8 =	vadd.f32 v9, v8;
	v10 =	vmax.f32 v0, $0.0e+00  }
0x125: {  	s20 =	simm.s32 $0xC300;
	s0 =	simm.s32 $0x4100;
	s19 =	simm.s32 $0x14100;
	v0 =	vld [tilespmem:s29+$0x40];
	[tilespmem:s29+$0xC0] =	vst v10  }
.LBB2_8:
0x126: {  	v9 =	vld [tilespmem:s20+$0x80];
	v1 =	vadd.f32 v1, v8;
	s28 =	sadd.s32 $0x200, s28  }
0x127: {  	v8 =	vld [tilespmem:s28+$0x80];
	v4 =	vadd.f32 v6, v4  }
0x128: {  	s29 =	sadd.s32 $0x200, s29;
	v6 =	vld [tilespmem:s28+$0xFFFFFF00];
	v1 =	vmax.f32 v1, $0.0e+00  }
0x129: {  	v10 =	vld [tilespmem:s29+$0x80];
	v2 =	vadd.f32 v2, v4;
	v4 =	vadd.f32 v7, v5;
	[tilespmem:s0+$0x30] =	vst v1  }
0x12a: {  	v1 =	vld [tilespmem:s20+$0xFFFFFF80]  }
0x12b: {  	s4 =	sadd.s32 $0x4, s4;
	v5 =	vld [tilespmem:s28+$0xFFFFFF80];
	v2 =	vmax.f32 v2, $0.0e+00;
	v3 =	vadd.f32 v3, v4  }
0x12c: {  	p0 =	slt.u32 s4, $0x7C;
	v4 =	vld [tilespmem:s20+$0x0];
	v7 =	vadd.f32 v8, v9;
	[tilespmem:s0+$0xFFFFFF40] =	vst v2  }
0x12d: {  	v2 =	vld [tilespmem:s28+$0x0];
	v3 =	vmax.f32 v3, $0.0e+00  }
0x12e: {  	v8 =	vld [tilespmem:s20+$0xFFFFFF00];
	v7 =	vadd.f32 v10, v7;
	[tilespmem:s0+$0xFFFFFFC0] =	vst v3  }
0x12f: {  	v3 =	vld [tilespmem:s29+$0xFFFFFF00]  }
0x130: {  	v1 =	vadd.f32 v5, v1;
	v5 =	vld [tilespmem:s29+$0xFFFFFF80];
	v7 =	vmax.f32 v7, $0.0e+00  }
0x131: {  	v9 =	vld [tilespmem:s29+$0x0];
	[tilespmem:s29+$0x80] =	vst v7  }
0x132: {  	v2 =	vadd.f32 v2, v4;
	v4 =	vld [tilespmem:s20+$0x90]  }
0x133: {  	v6 =	vadd.f32 v6, v8;
	v7 =	vld [tilespmem:s28+$0x90]  }
0x134: {  	v8 =	vld [tilespmem:s29+$0xFFFFFF10]  }
0x135: {  	v3 =	vadd.f32 v3, v6;
	v1 =	vadd.f32 v5, v1;
	v5 =	vld [tilespmem:s29+$0x90]  }
0x136: {  	v6 =	vld [tilespmem:s29+$0xFFFFFF90];
	v2 =	vadd.f32 v9, v2  }
0x137: {  	v3 =	vmax.f32 v3, $0.0e+00;
	v1 =	vmax.f32 v1, $0.0e+00;
	v9 =	vld [tilespmem:s29+$0x10]  }
0x138: {  	[tilespmem:s29+$0xFFFFFF00] =	vst v3;
	v3 =	vld [tilespmem:s29+$0xFFFFFF20];
	v2 =	vmax.f32 v2, $0.0e+00;
	v4 =	vadd.f32 v7, v4  }
0x139: {  	v7 =	vld [tilespmem:s20+$0xFFFFFF10];
	[tilespmem:s29+$0xFFFFFF80] =	vst v1  }
0x13a: {  	v1 =	vld [tilespmem:s28+$0xFFFFFF10];
	[tilespmem:s29+$0x0] =	vst v2;
	v2 =	vadd.f32 v5, v4  }
0x13b: {  	v4 =	vld [tilespmem:s20+$0xFFFFFF90]  }
0x13c: {  	v5 =	vld [tilespmem:s28+$0xFFFFFF90];
	v2 =	vmax.f32 v2, $0.0e+00  }
0x13d: {  	v10 =	vld [tilespmem:s20+$0x10];
	[tilespmem:s29+$0x90] =	vst v2  }
0x13e: {  	v2 =	vld [tilespmem:s20+$0xA0]  }
0x13f: {  	v1 =	vadd.f32 v1, v7;
	v7 =	vld [tilespmem:s28+$0xA0]  }
0x140: {  	v11 =	vld [tilespmem:s28+$0x10]  }
0x141: {  	v1 =	vadd.f32 v8, v1;
	v4 =	vadd.f32 v5, v4;
	v5 =	vld [tilespmem:s29+$0xA0]  }
0x142: {  	v8 =	vld [tilespmem:s29+$0xFFFFFFA0]  }
0x143: {  	v1 =	vmax.f32 v1, $0.0e+00;
	v4 =	vadd.f32 v6, v4;
	v6 =	vld [tilespmem:s29+$0x20]  }
0x144: {  	[tilespmem:s29+$0xFFFFFF10] =	vst v1;
	v12 =	vld [tilespmem:s29+$0xFFFFFF30];
	v1 =	vadd.f32 v7, v2  }
0x145: {  	v2 =	vld [tilespmem:s20+$0xFFFFFF20];
	v4 =	vmax.f32 v4, $0.0e+00;
	v7 =	vadd.f32 v11, v10  }
0x146: {  	v10 =	vld [tilespmem:s28+$0xFFFFFF20];
	[tilespmem:s29+$0xFFFFFF90] =	vst v4;
	v1 =	vadd.f32 v5, v1  }
0x147: {  	v4 =	vld [tilespmem:s20+$0xFFFFFFA0];
	v5 =	vadd.f32 v9, v7  }
0x148: {  	v7 =	vld [tilespmem:s28+$0xFFFFFFA0];
	v1 =	vmax.f32 v1, $0.0e+00  }
0x149: {  	v9 =	vld [tilespmem:s29+$0xFFFFFFB0];
	v5 =	vmax.f32 v5, $0.0e+00;
	[tilespmem:s29+$0xA0] =	vst v1  }
0x14a: {  	[tilespmem:s29+$0x10] =	vst v5;
	v5 =	vld [tilespmem:s20+$0xB0]  }
0x14b: {  	v1 =	vadd.f32 v10, v2;
	v2 =	vld [tilespmem:s28+$0xB0]  }
0x14c: {  	v10 =	vld [tilespmem:s20+$0x20]  }
0x14d: {  	v1 =	vadd.f32 v3, v1;
	v3 =	vadd.f32 v7, v4;
	v4 =	vld [tilespmem:s29+$0xB0]  }
0x14e: {  	v7 =	vld [tilespmem:s28+$0x20]  }
0x14f: {  	v11 =	vmax.f32 v1, $0.0e+00;
	v3 =	vadd.f32 v8, v3;
	v1 =	vld [tilespmem:s29+$0x30]  }
0x150: {  	[tilespmem:s29+$0xFFFFFF20] =	vst v11;
	v2 =	vadd.f32 v2, v5;
	v5 =	vld [tilespmem:s26+$0x40];
	s26 =	smov.u32 s20  }
0x151: {  	v8 =	vld [tilespmem:s20+$0xFFFFFF30];
	v3 =	vmax.f32 v3, $0.0e+00  }
0x152: {  	v11 =	vld [tilespmem:s28+$0xFFFFFF30];
	[tilespmem:s29+$0xFFFFFFA0] =	vst v3;
	v2 =	vadd.f32 v4, v2  }
0x153: {  	v3 =	vld [tilespmem:s20+$0xFFFFFFB0];
	v4 =	vadd.f32 v7, v10  }
0x154: {  	v7 =	vld [tilespmem:s28+$0xFFFFFFB0];
	v2 =	vmax.f32 v2, $0.0e+00  }
0x155: {  	v4 =	vadd.f32 v6, v4;
	[tilespmem:s29+$0xB0] =	vst v2;
	v6 =	vld [tilespmem:s19+$0x40];
	s19 =	smov.u32 s28  }
0x156: {  	v10 =	vld [tilespmem:s20+$0xC0]  }
0x157: {  	v8 =	vadd.f32 v11, v8;
	v4 =	vmax.f32 v4, $0.0e+00;
	v11 =	vld [tilespmem:s28+$0xC0]  }
0x158: {  	v2 =	vld [tilespmem:s29+$0xFFFFFF40];
	[tilespmem:s29+$0x20] =	vst v4  }
0x159: {  	v4 =	vadd.f32 v12, v8;
	v3 =	vadd.f32 v7, v3;
	v7 =	vld [tilespmem:s29+$0xC0]  }
0x15a: {  	v8 =	vld [tilespmem:s20+$0x30];
	v5 =	vadd.f32 v6, v5  }
0x15b: {  	v4 =	vmax.f32 v4, $0.0e+00;
	v6 =	vadd.f32 v9, v3;
	v9 =	vld [tilespmem:s28+$0x30]  }
0x15c: {  	[tilespmem:s29+$0xFFFFFF30] =	vst v4;
	v3 =	vld [tilespmem:s29+$0xFFFFFFC0];
	v10 =	vadd.f32 v11, v10;
	v0 =	vadd.f32 v0, v5  }
.Ltmp7:
0x15d: {  	v4 =	vld [tilespmem:s20+$0xFFFFFF40];
	v5 =	vmax.f32 v6, $0.0e+00;
	(pc) =	sbr.rel @p0 .LBB2_8-.Ltmp7, $4  }
0x15e: {  	v6 =	vld [tilespmem:s28+$0xFFFFFF40];
	[tilespmem:s29+$0xFFFFFFB0] =	vst v5;
	v10 =	vadd.f32 v7, v10;
	v0 =	vmax.f32 v0, $0.0e+00  }
0x15f: {  	v5 =	vld [tilespmem:s20+$0xFFFFFFC0];
	[tilespmem:s0+$0x40] =	vst v0;
	s0 =	smov.u32 s29  }
0x160: {  	v7 =	vld [tilespmem:s28+$0xFFFFFFC0];
	v8 =	vadd.f32 v9, v8;
	v9 =	vmax.f32 v10, $0.0e+00  }
0x161: {  	s20 =	sadd.s32 $0x200, s20;
	v0 =	vld [tilespmem:s29+$0x40];
	[tilespmem:s29+$0xC0] =	vst v9  }
0x162: {  	v1 =	vadd.f32 v1, v8;
	_ =	sdelay $0x1  }
0x163: {  	v1 =	vmax.f32 v1, $0.0e+00  }
0x164: {  	[tilespmem:s0+$0x30] =	vst v1  }
0x165: {  	v1 =	vld [tilespmem:s26+$0x40]  }
0x166: {  	v62 =	vld [tilespmem:s19+$0x40];
	_ =	sdelay $0x2  }
0x167: {  	v4 =	vadd.f32 v6, v4  }
0x168: {  	v5 =	vadd.f32 v7, v5  }
0x169: {  	v2 =	vadd.f32 v2, v4;
	v1 =	vadd.f32 v62, v1  }
0x16a: {  	v3 =	vadd.f32 v3, v5  }
0x16b: {  	v2 =	vmax.f32 v2, $0.0e+00;
	v0 =	vadd.f32 v0, v1  }
0x16c: {  	[tilespmem:s0+$0xFFFFFF40] =	vst v2;
	v63 =	vmax.f32 v3, $0.0e+00  }
0x16d: {  	s4 =	sshll.u32 s25, $0xB;
	[tilespmem:s0+$0xFFFFFFC0] =	vst v63;
	v0 =	vmax.f32 v0, $0.0e+00  }
.Ltmp8:
0x16e: {  	s31 =	sadd.s32 s9, s4;
	[tilespmem:s0+$0x40] =	vst v0;
	(pc) =	sbr.rel .LBB2_10-.Ltmp8, $4  }
0x16f: {  	[hbm4b:s31+s1] =	stream.linear.scatter [tilespmem:s22], [sflag:$0x3], $0x4000, $0x38;
	[tilespmem:$0x18200] =	vst v63  }
0x170: {  	_ =	swait.ge [sflag:s16], $0x4000  }
0x171: {  	[sflag:s16] =	ssyncset.done $0x0  }
0x172: {  	[sflag:s16] =	ssyncadd.s32 $0xFFFFC000  }
.LBB2_12:
0x173: {  	_ =	sfence.sel $0x180000  }
0x174: {  	[bflag:$0x0] =	sbarrier.arrive $0xFFFF  }
0x175: {  	_ =	strace $0x9000004A  }
0x176: {  	s0 =	stileid.u32;
	[bflag:$0x2] =	sbarrier.arrive $0xFFFF  }
0x177: {  	p0 =	sne.s32 s0, $0x0;
	s0 =	rddreg [dreg:$0x1]  }
0x178: {  	s0 =	sadd.s32 @!p0 $0x100000, s0  }
0x179: {  	[sflag:s0] =	ssyncadd.tile.s32 @!p0 $0x1;
	_ =	shalt  }
.Lfunc_end2:
_tile_overlayer_lowered:
.L_overlay_start_2:
0x17a: {  	(tag) =	ssettag $0x2  }
0x17b: {  	s0 =	rddreg [dreg:$0x0];
	s2 =	stileid.u32  }
0x17c: {  	s1 =	rddreg [dreg:$0x1];
	p0 =	sne.s32 s2, $0x0  }
0x17d: {  	s3 =	rddreg [dreg:$0x2];
	[bflag:$0x3] =	sbarrier.arrive $0xFFFF;
	s2 =	simm.s32 @!p0 $0x1C03  }
0x17e: {  	[timem:s3], [sflag:s2] =	dma.local @!p0 [hbm:s0], s1  }
0x17f: {  	s0 =	simm.s32 @!p0 $0x3  }
0x180: {  	_ =	swait.ge @!p0 [sflag:s0], s1  }
0x181: {  	s1 =	ssub.s32 @!p0 $0x0, s1;
	[sflag:s0] =	ssyncset.done @!p0 $0x0  }
0x182: {  	[sflag:s0] =	ssyncadd.s32 @!p0 s1  }
0x183: {  	[bflag:$0x3] =	sbarrier.arrive $0xFFFF  }
0x184: {  	_ =	shalt  }

// kernel: closed_call.25.cloned.1.call-start
scs
__scs_entry_jumppad:
0x0: {  	(pc) =	sbr.rel $0x88, $3  }
0x1: {  	(tag) =	ssettag $0x0;
	lr =	simm.s32 $0x1  }
0x2: {  	[smem:$0x3F8B] =	sst lr;
	_ =	strace $0xD0000000  }
0x3: {  	_ = 	snop  }
0x4: {  	_ = 	snop  }
0x5: {  	_ = 	snop  }
0x6: {  	_ = 	snop  }
0x7: {  	_ = 	snop  }
__scs_overlays_trampoline_lowered:
0x8: {  	[smem:$0x3F9A] =	sst s0  }
0x9: {  	[smem:$0x3F9B] =	sst s1  }
0xa: {  	[smem:$0x3F9C] =	sst s2  }
0xb: {  	[smem:$0x3F9D] =	sst s3  }
0xc: {  	[smem:$0x3F9E] =	sst s4  }
0xd: {  	[smem:$0x3F9F] =	sst s5  }
0xe: {  	[smem:$0x3FA0] =	sst s6  }
0xf: {  	[smem:$0x3FA1] =	sst s7  }
0x10: {  	[smem:$0x3FA2] =	sst s8  }
0x11: {  	[smem:$0x3FA3] =	sst s9;
	s0 =	simm.s32 @!p0 $0x0  }
0x12: {  	s1 =	sld [smem:$0x3F89];
	s0 =	simm.s32 @p0 $0x1  }
0x13: {  	[smem:$0x3FA4] =	sst s0;
	s0 =	simm.s32 @!p1 $0x0  }
0x14: {  	s2 =	sld [smem:$0x3F88];
	s0 =	simm.s32 @p1 $0x1  }
0x15: {  	[smem:$0x3FA5] =	sst s0;
	s0 =	simm.s32 @!p2 $0x0  }
0x16: {  	s3 =	sld [smem:$0x3FDB];
	s0 =	simm.s32 @p2 $0x1  }
0x17: {  	s4 =	simm.s32 $0x1BF5;
	[smem:$0x3FA7] =	sst s0  }
0x18: {  	s0 =	sld [smem:$0x3F8A];
	_ =	swait.ge [sflag:s4], $0x0  }
0x19: {  	s7 =	sld [smem:$0x3F8B]  }
0x1a: {  	s8 =	sadd.s32 $0xFFFFE003, lr  }
0x1b: {  	s9 =	sadd.s32 $0xFFFFFEF7, lr;
	s5 =	simm.s32 $0xFFFFFFFF;
	p2 =	slt.u32 s8, $0xFFFFF086  }
0x1c: {  	p1 =	slt.u32 s9, $0xF7A;
	s5 =	simm.s32 @!p2 $0x0  }
0x1d: {  	s5 =	simm.s32 @p1 $0x1;
	p0 =	seq.s32 s7, s2  }
0x1e: {  	s7 =	smul.u32 @!p0 $0xF7A, s2;
	p2 =	seq.s32 @!p0 s5, $0x0  }
0x1f: {  	s9 =	smul.u32 $0xF7A, s1;
	s8 =	simm.s32 @!p0 $0x1BF5;
	p2 =	por !p2, p0  }
0x20: {  	[sflag:s8] =	ssyncset.s32 @!p0 $0xFFFFF086;
	s6 =	sadd.s32 @!p0 s3, s7;
	s7 =	simm.s32 @!p0 $0x108  }
0x21: {  	s3 =	sadd.s32 s3, s9;
	s6 =	sadd.s32 @!p0 $0x88, s6;
	s7 =	simm.s32 @p2 $0x1082  }
0x22: {  	[simem:s7], [sflag:s8] =	dma.local @!p0 [hbm:s6], $0xF7A  }
0x23: {  	s9 =	sor.u32 $0xD0000000, s2;
	s6 =	simm.s32 $0x108;
	_ =	swait.ge @!p0 [sflag:s8], $0x0  }
0x24: {  	s3 =	sadd.s32 $0x88, s3;
	s6 =	simm.s32 @!p1 $0x1082;
	[sflag:s4] =	ssyncset.s32 $0xFFFFF086  }
0x25: {  	[simem:s6], [sflag:s4] =	dma.local [hbm:s3], $0xF7A  }
0x26: {  	[smem:$0x3F8B] =	sst s1;
	(tag) =	ssettag s2;
	_ =	strace s9  }
0x27: {  	s1 =	sld [smem:$0x3F9B]  }
0x28: {  	s2 =	sld [smem:$0x3F9C]  }
0x29: {  	s4 =	sld [smem:$0x3F9E]  }
0x2a: {  	p0 =	seq.s32 s5, $0x0;
	s5 =	sld [smem:$0x3F9F]  }
0x2b: {  	s6 =	sld [smem:$0x3FA0]  }
0x2c: {  	s7 =	sld [smem:$0x3FA1]  }
0x2d: {  	s3 =	simm.s32 $0x108;
	s8 =	sld [smem:$0x3FA2]  }
0x2e: {  	s3 =	simm.s32 @!p0 $0x1082;
	s9 =	sld [smem:$0x3FA3]  }
0x2f: {  	lr =	sadd.s32 s0, s3;
	s0 =	sld [smem:$0x3F9A]  }
0x30: {  	s3 =	sld [smem:$0x3F9D]  }
0x31: {  	[smem:$0x3FA6] =	sst s10  }
0x32: {  	s10 =	sld [smem:$0x3FA4];
	_ =	sdelay $0x3  }
0x33: {  	p0 =	seq.s32 s10, $0x1;
	s10 =	sld [smem:$0x3FA6];
	_ =	sdelay $0x3  }
0x34: {  	[smem:$0x3FA6] =	sst s10  }
0x35: {  	s10 =	sld [smem:$0x3FA5];
	_ =	sdelay $0x3  }
0x36: {  	p1 =	seq.s32 s10, $0x1;
	s10 =	sld [smem:$0x3FA6];
	_ =	sdelay $0x3  }
0x37: {  	[smem:$0x3FA6] =	sst s10  }
0x38: {  	s10 =	sld [smem:$0x3FA7]  }
0x39: {  	_ = 	snop;
	(pc) =	sbr.ind lr, $3  }
0x3a: {  	_ = 	snop  }
0x3b: {  	_ = 	snop  }
0x3c: {  	p2 =	seq.s32 s10, $0x1;
	s10 =	sld [smem:$0x3FA6]  }
0x3d: {  	_ =	shalt  }
0x3e: {  	_ =	shalt  }
0x3f: {  	_ =	shalt  }
0x40: {  	_ =	shalt  }
0x41: {  	_ =	shalt  }
0x42: {  	_ =	shalt  }
0x43: {  	_ =	shalt  }
0x44: {  	_ =	shalt  }
0x45: {  	_ =	shalt  }
0x46: {  	_ =	shalt  }
0x47: {  	_ =	shalt  }
0x48: {  	_ =	shalt  }
0x49: {  	_ =	shalt  }
0x4a: {  	_ =	shalt  }
0x4b: {  	_ =	shalt  }
0x4c: {  	_ =	shalt  }
0x4d: {  	_ =	shalt  }
0x4e: {  	_ =	shalt  }
0x4f: {  	_ =	shalt  }
0x50: {  	_ =	shalt  }
0x51: {  	_ =	shalt  }
0x52: {  	_ =	shalt  }
0x53: {  	_ =	shalt  }
0x54: {  	_ =	shalt  }
0x55: {  	_ =	shalt  }
0x56: {  	_ =	shalt  }
0x57: {  	_ =	shalt  }
0x58: {  	_ =	shalt  }
0x59: {  	_ =	shalt  }
0x5a: {  	_ =	shalt  }
0x5b: {  	_ =	shalt  }
0x5c: {  	_ =	shalt  }
0x5d: {  	_ =	shalt  }
0x5e: {  	_ =	shalt  }
0x5f: {  	_ =	shalt  }
0x60: {  	_ =	shalt  }
0x61: {  	_ =	shalt  }
0x62: {  	_ =	shalt  }
0x63: {  	_ =	shalt  }
0x64: {  	_ =	shalt  }
0x65: {  	_ =	shalt  }
0x66: {  	_ =	shalt  }
0x67: {  	_ =	shalt  }
0x68: {  	_ =	shalt  }
0x69: {  	_ =	shalt  }
0x6a: {  	_ =	shalt  }
0x6b: {  	_ =	shalt  }
0x6c: {  	_ =	shalt  }
0x6d: {  	_ =	shalt  }
0x6e: {  	_ =	shalt  }
0x6f: {  	_ =	shalt  }
0x70: {  	_ =	shalt  }
0x71: {  	_ =	shalt  }
0x72: {  	_ =	shalt  }
0x73: {  	_ =	shalt  }
0x74: {  	_ =	shalt  }
0x75: {  	_ =	shalt  }
0x76: {  	_ =	shalt  }
0x77: {  	_ =	shalt  }
0x78: {  	_ =	shalt  }
0x79: {  	_ =	shalt  }
0x7a: {  	_ =	shalt  }
0x7b: {  	_ =	shalt  }
0x7c: {  	_ =	shalt  }
0x7d: {  	_ =	shalt  }
0x7e: {  	_ =	shalt  }
0x7f: {  	_ =	shalt  }
0x80: {  	_ =	shalt  }
0x81: {  	_ =	shalt  }
0x82: {  	_ =	shalt  }
0x83: {  	_ =	shalt  }
0x84: {  	_ =	shalt  }
0x85: {  	_ =	shalt  }
0x86: {  	_ =	shalt  }
0x87: {  	_ =	shalt  }
.Lfunc_end0:
.L_simem_size_0:
called_computation.1_lowered:
.L_overlay_start_0:
0x88: {  	s2 =	sld [smem:$0x3FD9]  }
0x89: {  	s3 =	sld [smem:$0x3FFE];
	_ =	sdelay $0x1  }
0x8a: {  	s1 =	srdreg.scid  }
0x8b: {  	s0 =	sand.u32 $0x1, s1  }
0x8c: {  	s16 =	sshll.u32 s0, $0xA;
	s2 =	sadd.s32 s3, s2  }
0x8d: {  	s2 =	sadd.s32 s2, s16  }
0x8e: {  	[smem:$0x3FB2] =	sst s2  }
0x8f: {  	_ = 	snop  }
0x90: {  	(tm) =	ssettm $0x1  }
0x91: {  	s17 =	sld [smem:$0x3FFB];
	_ =	sdelay $0x3  }
0x92: {  	_ =	strace s17  }
0x93: {  	s2 =	sld [smem:$0x3FFC];
	_ =	sdelay $0x3  }
0x94: {  	_ =	strace s2  }
0x95: {  	s2 =	sld [smem:$0x3FFD];
	_ =	sdelay $0x3  }
0x96: {  	_ =	strace s2  }
0x97: {  	_ =	strace $0x8FFFFFFF  }
0x98: {  	s18 =	sld [smem:$0x3FDB];
	_ =	sdelay $0x1  }
0x99: {  	s19 =	simm.s32 $_scs_section_size  }
0x9a: {  	s4 =	simm.s32 $_size__tile_overlayer_lowered;
	s5 =	simm.s32 $_tile_overlayer_lowered  }
0x9b: {  	s22 =	simm.s32 $0x1BFF;
	s21 =	sshll.u32 s5, $0x1;
	s2 =	sadd.s32 s19, s18  }
0x9c: {  	s6 =	simm.s32 $0x0;
	s20 =	sshll.u32 s4, $0x1;
	s4 =	sadd.s32 s21, s2  }
0x9d: {  	[timem:s6], [sflag:s22] =	dma.local [hbm:s4], s20  }
0x9e: {  	_ =	swait.ge [sflag:s22], s20  }
0x9f: {  	s3 =	ssub.s32 $0x0, s20;
	[sflag:s22] =	ssyncset.done $0x0  }
0xa0: {  	[sflag:s22] =	ssyncadd.s32 s3;
	_ =	sdelay $0x1  }
0xa1: {  	s23 =	simm.s32 $0x1B8B  }
0xa2: {  	_ =	swait.ge [sflag:s23], $0x1  }
0xa3: {  	[sflag:s23] =	ssyncset.done $0x0  }
0xa4: {  	s25 =	simm.s32 $0x1B8E;
	s24 =	sld [smem:$0x3FFE];
	[sflag:s23] =	ssyncadd.s32 $0xFFFFFFFF  }
0xa5: {  	s26 =	simm.s32 $execute0_lowered;
	[smem:$0x3FD2] =	sst s25  }
0xa6: {  	s4 =	sshll.u32 s26, $0x1;
	_ =	strace $0x8000004C;
	[dreg:$0x1] =	wrdreg $0xFFFFFFFF  }
0xa7: {  	s28 =	simm.s32 $_size_execute0_lowered;
	s2 =	sadd.s32 s2, s4;
	[dreg:$0x0] =	wrdreg $0x0  }
0xa8: {  	s4 =	sshll.u32 s28, $0x1;
	[dreg:$0x2] =	wrdreg s2  }
0xa9: {  	[dreg:$0x3] =	wrdreg s4  }
0xaa: {  	[dreg:$0x4] =	wrdreg $0xC0  }
0xab: {  	_ =	task [dreg:s6], $0x5FFFF  }
0xac: {  	[dreg:$0x1] =	wrdreg $0xFFFFFFFF  }
0xad: {  	[dreg:$0x0] =	wrdreg $0x60  }
0xae: {  	[dreg:$0x2] =	wrdreg s24  }
0xaf: {  	[dreg:$0x3] =	wrdreg $0x81000  }
0xb0: {  	[dreg:$0x4] =	wrdreg $0x9  }
0xb1: {  	_ =	task.clear_ibuf [dreg:s6], $0x5FFFF;
	_ =	strace $0x9000004C  }
0xb2: {  	s29 =	simm.s32 $0x9;
	_ =	strace $0x8000004E  }
0xb3: {  	_ =	swait.ge [sflag:s29], $0x1  }
0xb4: {  	[sflag:s29] =	ssyncadd.s32 $0xFFFFFFFF  }
0xb5: {  	_ =	strace $0x9000004E  }
0xb6: {  	_ =	sfence  }
0xb7: {  	s30 =	sld [smem:$0x0];
	_ =	sdelay $0x2  }
0xb8: {  	s31 =	sshll.u32 s1, $0xD;
	s1 =	sshrl.u32 s1, $0x2  }
0xb9: {  	s3 =	sand.u32 $0x4000, s31;
	s1 =	sadd.s32 s1, s30  }
0xba: {  	s0 =	sor.u32 s3, s0;
	s1 =	sshll.u32 s1, $0x11  }
0xbb: {  	s0 =	sor.u32 s1, s0  }
0xbc: {  	s0 =	sadd.s32 $0x8F2B, s0  }
0xbd: {  	[sflag:s0] =	ssyncadd.remote.s32 $0x1  }
0xbe: {  	_ =	sfence.sel $0xFFFF  }
0xbf: {  	[dreg:$0x0] =	wrdreg $0xFFFFFFFF;
	(pc) =	sbr.abs _section_cstart, $3  }
0xc0: {  	[dreg:$0x1] =	wrdreg $0xFFFFFFFF  }
0xc1: {  	_ =	task.clear_ibuf [dreg:s6], $0x2FFFF;
	_ =	strace $0x9FFFFFFF  }
0xc2: {  	(tm) =	ssettm $0x7FFFFFFF  }
0xc3: {  	_ =	shalt  }
tec
execute0_lowered:
.L_overlay_start_1:
0x0: {  	(tag) =	ssettag $0x1  }
0x1: {  	s4 =	rddreg [dreg:$0x0]  }
0x2: {  	s1 =	rddreg [dreg:$0x1]  }
0x3: {  	s3 =	simm.s32 $0x0;
	s5 =	srdreg.scid;
	s0 =	stileid.u32  }
0x4: {  	[smem:$0x7FF] =	sst s3;
	s18 =	smul.u32 $0x4E000, s0  }
0x5: {  	s14 =	sand.u32 $0x1, s5;
	s15 =	sadd.s32 $0x9E1A00, s4;
	s16 =	sadd.s32 $0x4E6A00, s4  }
0x6: {  	s13 =	sadd.s32 $0x7A000, s4;
	s11 =	smul.u32 $0x13800, s0;
	s9 =	sadd.s32 $0x138000, s1  }
0x7: {  	s29 =	sshll.u32 s0, $0x4;
	p0 =	sne.s32 s0, $0xF;
	_ =	strace $0x8000004D  }
0x8: {  	s6 =	ssub.s32 $0x2, s14;
	s20 =	sshll.u32 s14, $0x4;
	s12 =	smul.u32 $0x138800, s14  }
0x9: {  	s28 =	sshll.u32 s14, $0x8;
	s14 =	sshll.u32 s14, $0xF;
	s19 =	sshrl.u32 s6, $0x1  }
0xa: {  	s5 =	sshrl.u32 s18, $0x2;
	s25 =	sor.u32 s0, s20;
	s30 =	sadd.s32 s14, s15  }
0xb: {  	s20 =	sshll.u32 s0, $0xB;
	s17 =	ssub.s32 s6, s19;
	s4 =	sadd.s32 s5, s1  }
0xc: {  	s10 =	sshll.u32 s25, $0x4;
	s18 =	sshll.u32 s25, $0xB;
	s19 =	sadd.s32 s11, s12  }
0xd: {  	s26 =	sshrl.u32 s12, $0x3;
	s31 =	sadd.s32 s20, s30;
	s20 =	simm.s32 $0x1  }
0xe: {  	p1 =	sgt.u32 s25, $0x3;
	s2 =	sadd.s32 $0x4000, s4;
	s21 =	sadd.s32 $0x8000, s4  }
0xf: {  	s22 =	sadd.s32 $0xC000, s4;
	s23 =	sadd.s32 $0x10000, s4;
	s10 =	sadd.s32 s16, s10  }
0x10: {  	s11 =	sadd.s32 s15, s18;
	s24 =	sshrl.u32 s19, $0x3;
	[dreg:$0x3] =	wrdreg s2  }
0x11: {  	s16 =	sadd.s32 s28, s16;
	s14 =	smax.u32 s17, $0x1;
	[dreg:$0x4] =	wrdreg s21  }
0x12: {  	s17 =	sor.u32 $0x40, s25;
	s18 =	simm.s32 $0x3;
	[dreg:$0x5] =	wrdreg s22  }
0x13: {  	s19 =	simm.s32 $0x8000;
	s25 =	simm.s32 $0x0;
	[dreg:$0x6] =	wrdreg s23  }
0x14: {  	s12 =	sadd.s32 s13, s24;
	s13 =	sadd.s32 s13, s26;
	s15 =	sadd.s32 s29, s16  }
0x15: {  	s16 =	sadd.s32 $0x10000, s31;
	s21 =	simm.s32 $0x8080;
	s22 =	simm.s32 $0x4000  }
0x16: {  	v0 =	vimm.f32 $0.0e+00;
	s23 =	simm.s32 $0x80;
	s24 =	simm.s32 $0x2;
	s13 =	sadd.s32 $0x27000, s13  }
.LBB2_1:
0x17: {  	s26 =	simm.s32 $0x200  }
0x18: {  	[tilespmem:s26+$0xFFFFFE00] =	vst v0  }
0x19: {  	[tilespmem:s26+$0x1F0] =	vst v0  }
0x1a: {  	[tilespmem:s26+$0x1E0] =	vst v0  }
0x1b: {  	[tilespmem:s26+$0x1D0] =	vst v0  }
0x1c: {  	[tilespmem:s26+$0x1C0] =	vst v0  }
0x1d: {  	[tilespmem:s26+$0x1B0] =	vst v0  }
0x1e: {  	[tilespmem:s26+$0x1A0] =	vst v0  }
0x1f: {  	[tilespmem:s26+$0x190] =	vst v0  }
0x20: {  	[tilespmem:s26+$0x180] =	vst v0  }
0x21: {  	[tilespmem:s26+$0x170] =	vst v0  }
0x22: {  	[tilespmem:s26+$0x160] =	vst v0  }
0x23: {  	[tilespmem:s26+$0x150] =	vst v0  }
0x24: {  	[tilespmem:s26+$0x140] =	vst v0  }
0x25: {  	[tilespmem:s26+$0x130] =	vst v0  }
0x26: {  	[tilespmem:s26+$0x120] =	vst v0  }
0x27: {  	[tilespmem:s26+$0x110] =	vst v0  }
0x28: {  	[tilespmem:s26+$0x100] =	vst v0  }
0x29: {  	[tilespmem:s26+$0xF0] =	vst v0  }
0x2a: {  	[tilespmem:s26+$0xE0] =	vst v0  }
0x2b: {  	[tilespmem:s26+$0xD0] =	vst v0  }
0x2c: {  	[tilespmem:s26+$0xC0] =	vst v0  }
0x2d: {  	[tilespmem:s26+$0xB0] =	vst v0  }
0x2e: {  	[tilespmem:s26+$0xA0] =	vst v0  }
0x2f: {  	[tilespmem:s26+$0x90] =	vst v0  }
0x30: {  	[tilespmem:s26+$0x80] =	vst v0  }
0x31: {  	[tilespmem:s26+$0x70] =	vst v0  }
0x32: {  	[tilespmem:s26+$0x60] =	vst v0  }
0x33: {  	[tilespmem:s26+$0x50] =	vst v0  }
0x34: {  	[tilespmem:s26+$0x40] =	vst v0  }
0x35: {  	[tilespmem:s26+$0x30] =	vst v0  }
0x36: {  	[tilespmem:s26+$0x20] =	vst v0  }
0x37: {  	[tilespmem:s26+$0x10] =	vst v0  }
0x38: {  	[tilespmem:s26+$0x0] =	vst v0  }
0x39: {  	[tilespmem:s26+$0xFFFFFFF0] =	vst v0  }
0x3a: {  	[tilespmem:s26+$0xFFFFFFE0] =	vst v0  }
0x3b: {  	[tilespmem:s26+$0xFFFFFFD0] =	vst v0  }
0x3c: {  	[tilespmem:s26+$0xFFFFFFC0] =	vst v0  }
0x3d: {  	[tilespmem:s26+$0xFFFFFFB0] =	vst v0  }
0x3e: {  	[tilespmem:s26+$0xFFFFFFA0] =	vst v0  }
0x3f: {  	[tilespmem:s26+$0xFFFFFF90] =	vst v0  }
0x40: {  	[tilespmem:s26+$0xFFFFFF80] =	vst v0  }
0x41: {  	[tilespmem:s26+$0xFFFFFF70] =	vst v0  }
0x42: {  	[tilespmem:s26+$0xFFFFFF60] =	vst v0  }
0x43: {  	[tilespmem:s26+$0xFFFFFF50] =	vst v0  }
0x44: {  	[tilespmem:s26+$0xFFFFFF40] =	vst v0  }
0x45: {  	[tilespmem:s26+$0xFFFFFF30] =	vst v0  }
0x46: {  	[tilespmem:s26+$0xFFFFFF20] =	vst v0  }
0x47: {  	[tilespmem:s26+$0xFFFFFF10] =	vst v0  }
0x48: {  	[tilespmem:s26+$0xFFFFFF00] =	vst v0  }
0x49: {  	[tilespmem:s26+$0xFFFFFEF0] =	vst v0  }
0x4a: {  	[tilespmem:s26+$0xFFFFFEE0] =	vst v0  }
0x4b: {  	[tilespmem:s26+$0xFFFFFED0] =	vst v0  }
0x4c: {  	[tilespmem:s26+$0xFFFFFEC0] =	vst v0  }
0x4d: {  	[tilespmem:s26+$0xFFFFFEB0] =	vst v0  }
0x4e: {  	[tilespmem:s26+$0xFFFFFEA0] =	vst v0  }
0x4f: {  	[tilespmem:s26+$0xFFFFFE90] =	vst v0  }
0x50: {  	[tilespmem:s26+$0xFFFFFE80] =	vst v0  }
0x51: {  	[tilespmem:s26+$0xFFFFFE70] =	vst v0  }
0x52: {  	[tilespmem:s26+$0xFFFFFE60] =	vst v0  }
0x53: {  	[tilespmem:s26+$0xFFFFFE50] =	vst v0  }
0x54: {  	[tilespmem:s26+$0xFFFFFE40] =	vst v0  }
0x55: {  	[tilespmem:s26+$0xFFFFFE30] =	vst v0  }
0x56: {  	s28 =	simm.s32 $0x0;
	[tilespmem:s26+$0xFFFFFE20] =	vst v0  }
.LBB2_2:
0x57: {  	s28 =	sadd.s32 $0x8, s28;
	[tilespmem:s26+$0xFFFFFE10] =	vst v0;
	s26 =	sadd.s32 $0x400, s26  }
0x58: {  	[tilespmem:s26+$0xFFFFFE00] =	vst v0;
	p2 =	slt.u32 s28, $0x78  }
0x59: {  	[tilespmem:s26+$0x1F0] =	vst v0  }
0x5a: {  	[tilespmem:s26+$0x1E0] =	vst v0  }
0x5b: {  	[tilespmem:s26+$0x1D0] =	vst v0  }
0x5c: {  	[tilespmem:s26+$0x1C0] =	vst v0  }
0x5d: {  	[tilespmem:s26+$0x1B0] =	vst v0  }
0x5e: {  	[tilespmem:s26+$0x1A0] =	vst v0  }
0x5f: {  	[tilespmem:s26+$0x190] =	vst v0  }
0x60: {  	[tilespmem:s26+$0x180] =	vst v0  }
0x61: {  	[tilespmem:s26+$0x170] =	vst v0  }
0x62: {  	[tilespmem:s26+$0x160] =	vst v0  }
0x63: {  	[tilespmem:s26+$0x150] =	vst v0  }
0x64: {  	[tilespmem:s26+$0x140] =	vst v0  }
0x65: {  	[tilespmem:s26+$0x130] =	vst v0  }
0x66: {  	[tilespmem:s26+$0x120] =	vst v0  }
0x67: {  	[tilespmem:s26+$0x110] =	vst v0  }
0x68: {  	[tilespmem:s26+$0x100] =	vst v0  }
0x69: {  	[tilespmem:s26+$0xF0] =	vst v0  }
0x6a: {  	[tilespmem:s26+$0xE0] =	vst v0  }
0x6b: {  	[tilespmem:s26+$0xD0] =	vst v0  }
0x6c: {  	[tilespmem:s26+$0xC0] =	vst v0  }
0x6d: {  	[tilespmem:s26+$0xB0] =	vst v0  }
0x6e: {  	[tilespmem:s26+$0xA0] =	vst v0  }
0x6f: {  	[tilespmem:s26+$0x90] =	vst v0  }
0x70: {  	[tilespmem:s26+$0x80] =	vst v0  }
0x71: {  	[tilespmem:s26+$0x70] =	vst v0  }
0x72: {  	[tilespmem:s26+$0x60] =	vst v0  }
0x73: {  	[tilespmem:s26+$0x50] =	vst v0  }
0x74: {  	[tilespmem:s26+$0x40] =	vst v0  }
0x75: {  	[tilespmem:s26+$0x30] =	vst v0  }
0x76: {  	[tilespmem:s26+$0x20] =	vst v0  }
0x77: {  	[tilespmem:s26+$0x10] =	vst v0  }
0x78: {  	[tilespmem:s26+$0x0] =	vst v0  }
0x79: {  	[tilespmem:s26+$0xFFFFFFF0] =	vst v0  }
0x7a: {  	[tilespmem:s26+$0xFFFFFFE0] =	vst v0  }
0x7b: {  	[tilespmem:s26+$0xFFFFFFD0] =	vst v0  }
0x7c: {  	[tilespmem:s26+$0xFFFFFFC0] =	vst v0  }
0x7d: {  	[tilespmem:s26+$0xFFFFFFB0] =	vst v0  }
0x7e: {  	[tilespmem:s26+$0xFFFFFFA0] =	vst v0  }
0x7f: {  	[tilespmem:s26+$0xFFFFFF90] =	vst v0  }
0x80: {  	[tilespmem:s26+$0xFFFFFF80] =	vst v0  }
0x81: {  	[tilespmem:s26+$0xFFFFFF70] =	vst v0  }
0x82: {  	[tilespmem:s26+$0xFFFFFF60] =	vst v0  }
0x83: {  	[tilespmem:s26+$0xFFFFFF50] =	vst v0  }
0x84: {  	[tilespmem:s26+$0xFFFFFF40] =	vst v0  }
0x85: {  	[tilespmem:s26+$0xFFFFFF30] =	vst v0  }
0x86: {  	[tilespmem:s26+$0xFFFFFF20] =	vst v0  }
0x87: {  	[tilespmem:s26+$0xFFFFFF10] =	vst v0  }
0x88: {  	[tilespmem:s26+$0xFFFFFF00] =	vst v0  }
0x89: {  	[tilespmem:s26+$0xFFFFFEF0] =	vst v0  }
0x8a: {  	[tilespmem:s26+$0xFFFFFEE0] =	vst v0  }
0x8b: {  	[tilespmem:s26+$0xFFFFFED0] =	vst v0  }
0x8c: {  	[tilespmem:s26+$0xFFFFFEC0] =	vst v0  }
0x8d: {  	[tilespmem:s26+$0xFFFFFEB0] =	vst v0  }
0x8e: {  	[tilespmem:s26+$0xFFFFFEA0] =	vst v0  }
0x8f: {  	[tilespmem:s26+$0xFFFFFE90] =	vst v0  }
0x90: {  	[tilespmem:s26+$0xFFFFFE80] =	vst v0  }
0x91: {  	[tilespmem:s26+$0xFFFFFE70] =	vst v0  }
.Ltmp0:
0x92: {  	[tilespmem:s26+$0xFFFFFE60] =	vst v0;
	(pc) =	sbr.rel @p2 .LBB2_2-.Ltmp0, $4  }
0x93: {  	[tilespmem:s26+$0xFFFFFE50] =	vst v0  }
0x94: {  	[tilespmem:s26+$0xFFFFFE40] =	vst v0  }
0x95: {  	[tilespmem:s26+$0xFFFFFE30] =	vst v0  }
0x96: {  	[tilespmem:s26+$0xFFFFFE20] =	vst v0  }
0x97: {  	[tilespmem:s26+$0xFFFFFE10] =	vst v0  }
0x98: {  	[spmem:s4] =	stream.linear.scatter [tilespmem:s3], [sflag:$0x3], $0x4000, $0x38;
	[tilespmem:$0x1B980] =	vst v63  }
0x99: {  	_ =	swait.ge [sflag:s18], $0x4000  }
0x9a: {  	[sflag:s18] =	ssyncset.done $0x0  }
0x9b: {  	s0 =	rddreg [dreg:$0x3];
	[sflag:s18] =	ssyncadd.s32 $0xFFFFC000  }
0x9c: {  	[spmem:s0] =	stream.linear.scatter [tilespmem:s3], [sflag:$0x3], $0x4000, $0x38;
	[tilespmem:$0x1B980] =	vst v63  }
0x9d: {  	_ =	swait.ge [sflag:s18], $0x4000  }
0x9e: {  	[sflag:s18] =	ssyncset.done $0x0  }
0x9f: {  	s2 =	rddreg [dreg:$0x4];
	[sflag:s18] =	ssyncadd.s32 $0xFFFFC000  }
0xa0: {  	[spmem:s2] =	stream.linear.scatter [tilespmem:s3], [sflag:$0x3], $0x4000, $0x38;
	[tilespmem:$0x1B980] =	vst v63  }
0xa1: {  	_ =	swait.ge [sflag:s18], $0x4000  }
0xa2: {  	[sflag:s18] =	ssyncset.done $0x0  }
0xa3: {  	s5 =	rddreg [dreg:$0x5];
	[sflag:s18] =	ssyncadd.s32 $0xFFFFC000  }
0xa4: {  	[spmem:s5] =	stream.linear.scatter [tilespmem:s3], [sflag:$0x3], $0x4000, $0x38;
	[tilespmem:$0x1B980] =	vst v63  }
0xa5: {  	_ =	swait.ge [sflag:s18], $0x4000  }
0xa6: {  	[sflag:s18] =	ssyncset.done $0x0  }
0xa7: {  	s6 =	rddreg [dreg:$0x6];
	[sflag:s18] =	ssyncadd.s32 $0xFFFFC000  }
0xa8: {  	[spmem:s6] =	stream.linear.scatter [tilespmem:s3], [sflag:$0x3], $0x3800, $0x38;
	[tilespmem:$0x1B980] =	vst v63  }
0xa9: {  	_ =	swait.ge [sflag:s18], $0x3800  }
0xaa: {  	[sflag:s18] =	ssyncset.done $0x0  }
0xab: {  	s26 =	simm.s32 @!p0 $0x0;
	[sflag:s18] =	ssyncadd.s32 $0xFFFFC800  }
0xac: {  	[spmem:s9] =	stream.linear.scatter @!p0 [tilespmem:s26], [sflag:$0x3], $0x800, $0x38;
	[tilespmem:$0x1B980] =	vst v63  }
0xad: {  	s26 =	simm.s32 @!p0 $0x3  }
0xae: {  	_ =	swait.ge @!p0 [sflag:s26], $0x800  }
0xaf: {  	[sflag:s26] =	ssyncset.done @!p0 $0x0  }
0xb0: {  	[sflag:s26] =	ssyncadd.s32 @!p0 $0xFFFFF800  }
0xb1: {  	s7 =	simm.s32 $0x0;
	[bflag:$0x0] =	sbarrier.arrive $0xFFFF  }
0xb2: {  	[tilespmem:s19], [sflag:$0x3] =	stream.linear.gather [hbm4b:s10+s7], $0x80, $0x38;
	[tilespmem:$0x1B980] =	vst v63  }
0xb3: {  	_ =	swait.ge [sflag:s18], $0x80  }
0xb4: {  	[sflag:s18] =	ssyncset.done $0x0  }
0xb5: {  	[sflag:s18] =	ssyncadd.s32 $0xFFFFFF80  }
0xb6: {  	[tilespmem:s7], [sflag:$0x1] =	stream.linear.gather [hbm4b:s11+s7], $0x4000, $0x38;
	[tilespmem:$0x1B980] =	vst v63  }
0xb7: {  	_ =	swait.ge [sflag:s20], $0x4000  }
0xb8: {  	s8 =	sadd.s32 $0x0, s15;
	[sflag:s20] =	ssyncset.done $0x0  }
0xb9: {  	s26 =	sadd.s32 $0x200, s8;
	[sflag:s20] =	ssyncadd.s32 $0xFFFFC000  }
0xba: {  	[tilespmem:s21], [sflag:$0x3] =	stream.linear.gather [hbm4b:s26+s3], $0x80, $0x38;
	[tilespmem:$0x1B980] =	vst v63  }
0xbb: {  	_ =	swait.ge [sflag:s18], $0x80  }
0xbc: {  	[sflag:s18] =	ssyncset.done $0x0  }
0xbd: {  	[sflag:s18] =	ssyncadd.s32 $0xFFFFFF80  }
0xbe: {  	[tilespmem:s22], [sflag:$0x2] =	stream.linear.gather [hbm4b:s16+s3], $0x4000, $0x38;
	[tilespmem:$0x1B980] =	vst v63  }
0xbf: {  	_ = 	snop  }
0xc0: {  	[spmem:s1] =	stream.indirect.scatter.add.f32 [tilespmem:s3], [sflag:$0x3], $0x80, s19, s23, $0xb8;
	[tilespmem:$0x1B980] =	vst v63  }
0xc1: {  	_ =	swait.ge [sflag:s18], $0x4000  }
0xc2: {  	[sflag:s18] =	ssyncset.done $0x0  }
0xc3: {  	p2 =	sgt.u32 s17, $0x9C3;
	[sflag:s18] =	ssyncadd.s32 $0xFFFFC000  }
0xc4: {  	s28 =	simm.s32 @!p2 $0x8000;
	_ =	swait.ge [sflag:s24], $0x4000  }
0xc5: {  	s29 =	simm.s32 @p2 $0x8080;
	s30 =	simm.s32 @p2 $0x4000;
	[sflag:s24] =	ssyncset.done $0x0  }
0xc6: {  	s31 =	sadd.s32 @!p2 $0x0, s15;
	s26 =	simm.s32 @p2 $0x80;
	[sflag:s24] =	ssyncadd.s32 $0xFFFFC000  }
0xc7: {  	[spmem:s1] =	stream.indirect.scatter.add.f32 @p2 [tilespmem:s30], [sflag:$0x3], $0x80, s29, s26, $0xb8;
	[tilespmem:$0x1B980] =	vst v63  }
0xc8: {  	s0 =	simm.s32 @!p2 $0x3;
	s26 =	sadd.s32 @!p2 $0x400, s31;
	s29 =	simm.s32 @!p2 $0x0  }
0xc9: {  	[tilespmem:s28], [sflag:$0x3] =	stream.linear.gather @!p2 [hbm4b:s26+s29], $0x80, $0x38;
	[tilespmem:$0x1B980] =	vst v63  }
0xca: {  	_ =	swait.ge @!p2 [sflag:s0], $0x80  }
0xcb: {  	[sflag:s0] =	ssyncset.done @!p2 $0x0  }
0xcc: {  	s26 =	sadd.s32 @!p2 $0x10000, s16;
	[sflag:s0] =	ssyncadd.s32 @!p2 $0xFFFFFF80  }
0xcd: {  	[tilespmem:s29], [sflag:$0x1] =	stream.linear.gather @!p2 [hbm4b:s26+s29], $0x4000, $0x38;
	[tilespmem:$0x1B980] =	vst v63  }
0xce: {  	s28 =	simm.s32 @!p2 $0x80;
	s26 =	simm.s32 @!p2 $0x4000;
	s29 =	simm.s32 @!p2 $0x8080  }
0xcf: {  	[spmem:s1] =	stream.indirect.scatter.add.f32 @!p2 [tilespmem:s26], [sflag:$0x3], $0x80, s29, s28, $0xb8;
	[tilespmem:$0x1B980] =	vst v63  }
0xd0: {  	_ =	swait.ge @!p2 [sflag:s0], $0x4000  }
0xd1: {  	s31 =	simm.s32 @!p2 $0x1;
	s30 =	simm.s32 $0x800;
	[sflag:s0] =	ssyncset.done @!p2 $0x0  }
0xd2: {  	s31 =	simm.s32 @p2 $0x3;
	s28 =	simm.s32 $0x400;
	[sflag:s0] =	ssyncadd.s32 @!p2 $0xFFFFC000  }
0xd3: {  	s26 =	sadd.s32 $0x20000, s16;
	s29 =	sadd.s32 $0x40, s17;
	_ =	swait.ge [sflag:s31], $0x4000  }
.LBB2_4:
0xd4: {  	s0 =	sadd.s32 s28, s15  }
0xd5: {  	[sflag:s31] =	ssyncset.done $0x0;
	s2 =	smov.u32 s30;
	s30 =	sadd.s32 $0x400, s30  }
0xd6: {  	p2 =	sne.s32 s30, $0x9C00;
	s0 =	sadd.s32 $0x200, s0;
	[sflag:s31] =	ssyncadd.s32 $0xFFFFC000  }
0xd7: {  	[tilespmem:s21], [sflag:$0x3] =	stream.linear.gather [hbm4b:s0+s3], $0x80, $0x38;
	[tilespmem:$0x1B980] =	vst v63  }
0xd8: {  	_ =	swait.ge [sflag:s18], $0x80  }
0xd9: {  	[sflag:s18] =	ssyncset.done $0x0  }
0xda: {  	[sflag:s18] =	ssyncadd.s32 $0xFFFFFF80  }
0xdb: {  	[tilespmem:s22], [sflag:$0x2] =	stream.linear.gather [hbm4b:s26+s3], $0x4000, $0x38;
	[tilespmem:$0x1B980] =	vst v63  }
0xdc: {  	_ = 	snop  }
0xdd: {  	[spmem:s1] =	stream.indirect.scatter.add.f32 [tilespmem:s3], [sflag:$0x3], $0x80, s19, s23, $0xb8;
	[tilespmem:$0x1B980] =	vst v63  }
0xde: {  	_ =	swait.ge [sflag:s18], $0x4000  }
0xdf: {  	[sflag:s18] =	ssyncset.done $0x0  }
0xe0: {  	[sflag:s18] =	ssyncadd.s32 $0xFFFFC000  }
0xe1: {  	_ =	swait.ge [sflag:s24], $0x4000  }
0xe2: {  	p3 =	sgt.u32 s29, $0x9C3;
	[sflag:s24] =	ssyncset.done $0x0  }
0xe3: {  	s31 =	simm.s32 @!p3 $0x8000;
	s0 =	simm.s32 @p3 $0x80;
	[sflag:s24] =	ssyncadd.s32 $0xFFFFC000  }
0xe4: {  	s5 =	simm.s32 @p3 $0x8080;
	s6 =	simm.s32 @p3 $0x4000;
	s28 =	sadd.s32 @!p3 s28, s15  }
0xe5: {  	[spmem:s1] =	stream.indirect.scatter.add.f32 @p3 [tilespmem:s6], [sflag:$0x3], $0x80, s5, s0, $0xb8;
	[tilespmem:$0x1B980] =	vst v63  }
0xe6: {  	s0 =	sadd.s32 @!p3 $0x400, s28;
	s5 =	simm.s32 @!p3 $0x0;
	s6 =	simm.s32 @!p3 $0x3  }
0xe7: {  	[tilespmem:s31], [sflag:$0x3] =	stream.linear.gather @!p3 [hbm4b:s0+s5], $0x80, $0x38;
	[tilespmem:$0x1B980] =	vst v63  }
0xe8: {  	s28 =	smov.u32 s2;
	s31 =	simm.s32 @!p3 $0x1;
	_ =	swait.ge @!p3 [sflag:s6], $0x80  }
0xe9: {  	s2 =	simm.s32 @!p3 $0x4000;
	s0 =	sadd.s32 @!p3 $0x10000, s26;
	[sflag:s6] =	ssyncset.done @!p3 $0x0  }
0xea: {  	s7 =	simm.s32 @!p3 $0x80;
	s8 =	simm.s32 @!p3 $0x8080;
	[sflag:s6] =	ssyncadd.s32 @!p3 $0xFFFFFF80  }
0xeb: {  	[tilespmem:s5], [sflag:$0x1] =	stream.linear.gather @!p3 [hbm4b:s0+s5], $0x4000, $0x38;
	[tilespmem:$0x1B980] =	vst v63  }
0xec: {  	_ = 	snop  }
0xed: {  	[spmem:s1] =	stream.indirect.scatter.add.f32 @!p3 [tilespmem:s2], [sflag:$0x3], $0x80, s8, s7, $0xb8;
	[tilespmem:$0x1B980] =	vst v63  }
.Ltmp1:
0xee: {  	_ = 	snop;
	(pc) =	sbr.rel @p2 .LBB2_4-.Ltmp1, $4  }
0xef: {  	_ =	swait.ge @!p3 [sflag:s6], $0x4000  }
0xf0: {  	s31 =	simm.s32 @p3 $0x3;
	[sflag:s6] =	ssyncset.done @!p3 $0x0  }
0xf1: {  	[sflag:s6] =	ssyncadd.s32 @!p3 $0xFFFFC000  }
0xf2: {  	s29 =	sadd.s32 $0x40, s29;
	s26 =	sadd.s32 $0x20000, s26;
	_ =	swait.ge [sflag:s31], $0x4000  }
0xf3: {  	s0 =	sadd.s32 s28, s15;
	[sflag:s31] =	ssyncset.done $0x0  }
0xf4: {  	s0 =	sadd.s32 $0x200, s0;
	[sflag:s31] =	ssyncadd.s32 $0xFFFFC000  }
0xf5: {  	[tilespmem:s21], [sflag:$0x3] =	stream.linear.gather [hbm4b:s0+s3], $0x80, $0x38;
	[tilespmem:$0x1B980] =	vst v63  }
0xf6: {  	_ =	swait.ge [sflag:s18], $0x80  }
0xf7: {  	[sflag:s18] =	ssyncset.done $0x0  }
0xf8: {  	[sflag:s18] =	ssyncadd.s32 $0xFFFFFF80  }
0xf9: {  	[tilespmem:s22], [sflag:$0x2] =	stream.linear.gather [hbm4b:s26+s3], $0x4000, $0x38;
	[tilespmem:$0x1B980] =	vst v63  }
0xfa: {  	_ = 	snop  }
0xfb: {  	[spmem:s1] =	stream.indirect.scatter.add.f32 [tilespmem:s3], [sflag:$0x3], $0x80, s19, s23, $0xb8;
	[tilespmem:$0x1B980] =	vst v63  }
0xfc: {  	_ =	swait.ge [sflag:s18], $0x4000  }
0xfd: {  	[sflag:s18] =	ssyncset.done $0x0  }
0xfe: {  	p2 =	sgt.u32 s29, $0x9C3;
	[sflag:s18] =	ssyncadd.s32 $0xFFFFC000  }
0xff: {  	s2 =	simm.s32 @!p2 $0x8000;
	_ =	swait.ge [sflag:s24], $0x4000  }
0x100: {  	s5 =	simm.s32 @p2 $0x8080;
	s6 =	simm.s32 @p2 $0x4000;
	[sflag:s24] =	ssyncset.done $0x0  }
0x101: {  	s7 =	sadd.s32 @!p2 s28, s15;
	s0 =	simm.s32 @p2 $0x80;
	[sflag:s24] =	ssyncadd.s32 $0xFFFFC000  }
0x102: {  	[spmem:s1] =	stream.indirect.scatter.add.f32 @p2 [tilespmem:s6], [sflag:$0x3], $0x80, s5, s0, $0xb8;
	[tilespmem:$0x1B980] =	vst v63  }
0x103: {  	s0 =	sadd.s32 @!p2 $0x400, s7;
	s5 =	simm.s32 @!p2 $0x0;
	s6 =	simm.s32 @!p2 $0x3  }
0x104: {  	[tilespmem:s2], [sflag:$0x3] =	stream.linear.gather @!p2 [hbm4b:s0+s5], $0x80, $0x38;
	[tilespmem:$0x1B980] =	vst v63  }
0x105: {  	_ =	swait.ge @!p2 [sflag:s6], $0x80  }
0x106: {  	[sflag:s6] =	ssyncset.done @!p2 $0x0  }
0x107: {  	s0 =	sadd.s32 @!p2 $0x10000, s26;
	[sflag:s6] =	ssyncadd.s32 @!p2 $0xFFFFFF80  }
0x108: {  	[tilespmem:s5], [sflag:$0x1] =	stream.linear.gather @!p2 [hbm4b:s0+s5], $0x4000, $0x38;
	[tilespmem:$0x1B980] =	vst v63  }
0x109: {  	s2 =	simm.s32 @!p2 $0x80;
	s0 =	simm.s32 @!p2 $0x4000;
	s5 =	simm.s32 @!p2 $0x8080  }
0x10a: {  	[spmem:s1] =	stream.indirect.scatter.add.f32 @!p2 [tilespmem:s0], [sflag:$0x3], $0x80, s5, s2, $0xb8;
	[tilespmem:$0x1B980] =	vst v63  }
0x10b: {  	_ =	swait.ge @!p2 [sflag:s6], $0x4000  }
0x10c: {  	s0 =	simm.s32 @!p2 $0x1;
	[sflag:s6] =	ssyncset.done @!p2 $0x0  }
0x10d: {  	s0 =	simm.s32 @p2 $0x3;
	[sflag:s6] =	ssyncadd.s32 @!p2 $0xFFFFC000  }
0x10e: {  	_ =	swait.ge [sflag:s0], $0x4000  }
0x10f: {  	s2 =	simm.s32 @!p1 $0x8000;
	[sflag:s0] =	ssyncset.done $0x0  }
0x110: {  	s5 =	simm.s32 @!p1 $0x0;
	[sflag:s0] =	ssyncadd.s32 $0xFFFFC000;
	s0 =	simm.s32 @!p1 $0x80  }
0x111: {  	[spmem:s1] =	stream.indirect.scatter.add.f32 @!p1 [tilespmem:s5], [sflag:$0x3], $0x80, s2, s0, $0xb8;
	[tilespmem:$0x1B980] =	vst v63  }
0x112: {  	s0 =	simm.s32 @!p1 $0x3  }
0x113: {  	_ =	swait.ge @!p1 [sflag:s0], $0x4000  }
0x114: {  	s30 =	stileid.u32;
	[sflag:s0] =	ssyncset.done @!p1 $0x0  }
0x115: {  	[sflag:s0] =	ssyncadd.s32 @!p1 $0xFFFFC000;
	s0 =	sshll.u32 s30, $0x6  }
0x116: {  	s31 =	sshrl.u32 s4, $0x3;
	[bflag:$0x0] =	sbarrier.arrive $0xFFFF;
	s0 =	sor.u32 $0x1C03, s0  }
0x117: {  	[hbm:s12], [sflag:s0] =	dma.local [spmem:s31], $0x2700  }
0x118: {  	_ =	swait.ge [sflag:s18], $0x2700  }
0x119: {  	s25 =	sadd.s32 $0x1, s25;
	[sflag:s18] =	ssyncset.done $0x0  }
0x11a: {  	p2 =	sne.s32 s25, s14;
	s2 =	sshrl.u32 @!p0 s9, $0x3;
	[sflag:s18] =	ssyncadd.s32 $0xFFFFD900  }
0x11b: {  	[hbm:s13], [sflag:s0] =	dma.local @!p0 [spmem:s2], $0x100  }
.Ltmp2:
0x11c: {  	_ = 	snop;
	(pc) =	sbr.rel @p2 .LBB2_1-.Ltmp2, $4  }
0x11d: {  	s0 =	simm.s32 @!p0 $0x3  }
0x11e: {  	_ =	swait.ge @!p0 [sflag:s0], $0x100  }
0x11f: {  	[sflag:s0] =	ssyncset.done @!p0 $0x0  }
0x120: {  	[sflag:s0] =	ssyncadd.s32 @!p0 $0xFFFFFF00  }
0x121: {  	_ =	sfence.sel $0x180000  }
0x122: {  	[bflag:$0x0] =	sbarrier.arrive $0xFFFF  }
0x123: {  	_ =	strace $0x9000004D  }
0x124: {  	s0 =	stileid.u32;
	[bflag:$0x2] =	sbarrier.arrive $0xFFFF  }
0x125: {  	p0 =	sne.s32 s0, $0x0;
	s0 =	rddreg [dreg:$0x2]  }
0x126: {  	s0 =	sadd.s32 @!p0 $0x100000, s0  }
0x127: {  	[sflag:s0] =	ssyncadd.tile.s32 @!p0 $0x1;
	_ =	shalt  }
.Lfunc_end2:
_tile_overlayer_lowered:
.L_overlay_start_2:
0x128: {  	(tag) =	ssettag $0x2  }
0x129: {  	s0 =	rddreg [dreg:$0x0];
	s2 =	stileid.u32  }
0x12a: {  	s1 =	rddreg [dreg:$0x1];
	p0 =	sne.s32 s2, $0x0  }
0x12b: {  	s3 =	rddreg [dreg:$0x2];
	[bflag:$0x3] =	sbarrier.arrive $0xFFFF;
	s2 =	simm.s32 @!p0 $0x1C03  }
0x12c: {  	[timem:s3], [sflag:s2] =	dma.local @!p0 [hbm:s0], s1  }
0x12d: {  	s0 =	simm.s32 @!p0 $0x3  }
0x12e: {  	_ =	swait.ge @!p0 [sflag:s0], s1  }
0x12f: {  	s1 =	ssub.s32 @!p0 $0x0, s1;
	[sflag:s0] =	ssyncset.done @!p0 $0x0  }
0x130: {  	[sflag:s0] =	ssyncadd.s32 @!p0 s1  }
0x131: {  	[bflag:$0x3] =	sbarrier.arrive $0xFFFF  }
0x132: {  	_ =	shalt  }

// kernel: kernel.6.cloned.1.call-start
scs
__scs_entry_jumppad:
0x0: {  	(pc) =	sbr.rel $0x88, $3  }
0x1: {  	(tag) =	ssettag $0x0;
	lr =	simm.s32 $0x1  }
0x2: {  	[smem:$0x3F8B] =	sst lr;
	_ =	strace $0xD0000000  }
0x3: {  	_ = 	snop  }
0x4: {  	_ = 	snop  }
0x5: {  	_ = 	snop  }
0x6: {  	_ = 	snop  }
0x7: {  	_ = 	snop  }
__scs_overlays_trampoline_lowered:
0x8: {  	[smem:$0x3F9A] =	sst s0  }
0x9: {  	[smem:$0x3F9B] =	sst s1  }
0xa: {  	[smem:$0x3F9C] =	sst s2  }
0xb: {  	[smem:$0x3F9D] =	sst s3  }
0xc: {  	[smem:$0x3F9E] =	sst s4  }
0xd: {  	[smem:$0x3F9F] =	sst s5  }
0xe: {  	[smem:$0x3FA0] =	sst s6  }
0xf: {  	[smem:$0x3FA1] =	sst s7  }
0x10: {  	[smem:$0x3FA2] =	sst s8  }
0x11: {  	[smem:$0x3FA3] =	sst s9;
	s0 =	simm.s32 @!p0 $0x0  }
0x12: {  	s1 =	sld [smem:$0x3F89];
	s0 =	simm.s32 @p0 $0x1  }
0x13: {  	[smem:$0x3FA4] =	sst s0;
	s0 =	simm.s32 @!p1 $0x0  }
0x14: {  	s2 =	sld [smem:$0x3F88];
	s0 =	simm.s32 @p1 $0x1  }
0x15: {  	[smem:$0x3FA5] =	sst s0;
	s0 =	simm.s32 @!p2 $0x0  }
0x16: {  	s3 =	sld [smem:$0x3FDB];
	s0 =	simm.s32 @p2 $0x1  }
0x17: {  	s4 =	simm.s32 $0x1BF5;
	[smem:$0x3FA7] =	sst s0  }
0x18: {  	s0 =	sld [smem:$0x3F8A];
	_ =	swait.ge [sflag:s4], $0x0  }
0x19: {  	s7 =	sld [smem:$0x3F8B]  }
0x1a: {  	s8 =	sadd.s32 $0xFFFFE003, lr  }
0x1b: {  	s9 =	sadd.s32 $0xFFFFFEF7, lr;
	s5 =	simm.s32 $0xFFFFFFFF;
	p2 =	slt.u32 s8, $0xFFFFF086  }
0x1c: {  	p1 =	slt.u32 s9, $0xF7A;
	s5 =	simm.s32 @!p2 $0x0  }
0x1d: {  	s5 =	simm.s32 @p1 $0x1;
	p0 =	seq.s32 s7, s2  }
0x1e: {  	s7 =	smul.u32 @!p0 $0xF7A, s2;
	p2 =	seq.s32 @!p0 s5, $0x0  }
0x1f: {  	s9 =	smul.u32 $0xF7A, s1;
	s8 =	simm.s32 @!p0 $0x1BF5;
	p2 =	por !p2, p0  }
0x20: {  	[sflag:s8] =	ssyncset.s32 @!p0 $0xFFFFF086;
	s6 =	sadd.s32 @!p0 s3, s7;
	s7 =	simm.s32 @!p0 $0x108  }
0x21: {  	s3 =	sadd.s32 s3, s9;
	s6 =	sadd.s32 @!p0 $0x88, s6;
	s7 =	simm.s32 @p2 $0x1082  }
0x22: {  	[simem:s7], [sflag:s8] =	dma.local @!p0 [hbm:s6], $0xF7A  }
0x23: {  	s9 =	sor.u32 $0xD0000000, s2;
	s6 =	simm.s32 $0x108;
	_ =	swait.ge @!p0 [sflag:s8], $0x0  }
0x24: {  	s3 =	sadd.s32 $0x88, s3;
	s6 =	simm.s32 @!p1 $0x1082;
	[sflag:s4] =	ssyncset.s32 $0xFFFFF086  }
0x25: {  	[simem:s6], [sflag:s4] =	dma.local [hbm:s3], $0xF7A  }
0x26: {  	[smem:$0x3F8B] =	sst s1;
	(tag) =	ssettag s2;
	_ =	strace s9  }
0x27: {  	s1 =	sld [smem:$0x3F9B]  }
0x28: {  	s2 =	sld [smem:$0x3F9C]  }
0x29: {  	s4 =	sld [smem:$0x3F9E]  }
0x2a: {  	p0 =	seq.s32 s5, $0x0;
	s5 =	sld [smem:$0x3F9F]  }
0x2b: {  	s6 =	sld [smem:$0x3FA0]  }
0x2c: {  	s7 =	sld [smem:$0x3FA1]  }
0x2d: {  	s3 =	simm.s32 $0x108;
	s8 =	sld [smem:$0x3FA2]  }
0x2e: {  	s3 =	simm.s32 @!p0 $0x1082;
	s9 =	sld [smem:$0x3FA3]  }
0x2f: {  	lr =	sadd.s32 s0, s3;
	s0 =	sld [smem:$0x3F9A]  }
0x30: {  	s3 =	sld [smem:$0x3F9D]  }
0x31: {  	[smem:$0x3FA6] =	sst s10  }
0x32: {  	s10 =	sld [smem:$0x3FA4];
	_ =	sdelay $0x3  }
0x33: {  	p0 =	seq.s32 s10, $0x1;
	s10 =	sld [smem:$0x3FA6];
	_ =	sdelay $0x3  }
0x34: {  	[smem:$0x3FA6] =	sst s10  }
0x35: {  	s10 =	sld [smem:$0x3FA5];
	_ =	sdelay $0x3  }
0x36: {  	p1 =	seq.s32 s10, $0x1;
	s10 =	sld [smem:$0x3FA6];
	_ =	sdelay $0x3  }
0x37: {  	[smem:$0x3FA6] =	sst s10  }
0x38: {  	s10 =	sld [smem:$0x3FA7]  }
0x39: {  	_ = 	snop;
	(pc) =	sbr.ind lr, $3  }
0x3a: {  	_ = 	snop  }
0x3b: {  	_ = 	snop  }
0x3c: {  	p2 =	seq.s32 s10, $0x1;
	s10 =	sld [smem:$0x3FA6]  }
0x3d: {  	_ =	shalt  }
0x3e: {  	_ =	shalt  }
0x3f: {  	_ =	shalt  }
0x40: {  	_ =	shalt  }
0x41: {  	_ =	shalt  }
0x42: {  	_ =	shalt  }
0x43: {  	_ =	shalt  }
0x44: {  	_ =	shalt  }
0x45: {  	_ =	shalt  }
0x46: {  	_ =	shalt  }
0x47: {  	_ =	shalt  }
0x48: {  	_ =	shalt  }
0x49: {  	_ =	shalt  }
0x4a: {  	_ =	shalt  }
0x4b: {  	_ =	shalt  }
0x4c: {  	_ =	shalt  }
0x4d: {  	_ =	shalt  }
0x4e: {  	_ =	shalt  }
0x4f: {  	_ =	shalt  }
0x50: {  	_ =	shalt  }
0x51: {  	_ =	shalt  }
0x52: {  	_ =	shalt  }
0x53: {  	_ =	shalt  }
0x54: {  	_ =	shalt  }
0x55: {  	_ =	shalt  }
0x56: {  	_ =	shalt  }
0x57: {  	_ =	shalt  }
0x58: {  	_ =	shalt  }
0x59: {  	_ =	shalt  }
0x5a: {  	_ =	shalt  }
0x5b: {  	_ =	shalt  }
0x5c: {  	_ =	shalt  }
0x5d: {  	_ =	shalt  }
0x5e: {  	_ =	shalt  }
0x5f: {  	_ =	shalt  }
0x60: {  	_ =	shalt  }
0x61: {  	_ =	shalt  }
0x62: {  	_ =	shalt  }
0x63: {  	_ =	shalt  }
0x64: {  	_ =	shalt  }
0x65: {  	_ =	shalt  }
0x66: {  	_ =	shalt  }
0x67: {  	_ =	shalt  }
0x68: {  	_ =	shalt  }
0x69: {  	_ =	shalt  }
0x6a: {  	_ =	shalt  }
0x6b: {  	_ =	shalt  }
0x6c: {  	_ =	shalt  }
0x6d: {  	_ =	shalt  }
0x6e: {  	_ =	shalt  }
0x6f: {  	_ =	shalt  }
0x70: {  	_ =	shalt  }
0x71: {  	_ =	shalt  }
0x72: {  	_ =	shalt  }
0x73: {  	_ =	shalt  }
0x74: {  	_ =	shalt  }
0x75: {  	_ =	shalt  }
0x76: {  	_ =	shalt  }
0x77: {  	_ =	shalt  }
0x78: {  	_ =	shalt  }
0x79: {  	_ =	shalt  }
0x7a: {  	_ =	shalt  }
0x7b: {  	_ =	shalt  }
0x7c: {  	_ =	shalt  }
0x7d: {  	_ =	shalt  }
0x7e: {  	_ =	shalt  }
0x7f: {  	_ =	shalt  }
0x80: {  	_ =	shalt  }
0x81: {  	_ =	shalt  }
0x82: {  	_ =	shalt  }
0x83: {  	_ =	shalt  }
0x84: {  	_ =	shalt  }
0x85: {  	_ =	shalt  }
0x86: {  	_ =	shalt  }
0x87: {  	_ =	shalt  }
.Lfunc_end0:
.L_simem_size_0:
called_computation.2_lowered:
.L_overlay_start_0:
0x88: {  	s2 =	sld [smem:$0x3FD9]  }
0x89: {  	s3 =	sld [smem:$0x3FFE];
	_ =	sdelay $0x1  }
0x8a: {  	s1 =	srdreg.scid  }
0x8b: {  	s0 =	sand.u32 $0x1, s1  }
0x8c: {  	s17 =	sshll.u32 s0, $0xA;
	s2 =	sadd.s32 s3, s2  }
0x8d: {  	s2 =	sadd.s32 s2, s17  }
0x8e: {  	[smem:$0x3FB2] =	sst s2  }
0x8f: {  	_ = 	snop  }
0x90: {  	s2 =	sld [smem:$0x3FC6];
	(tm) =	ssettm $0x1  }
0x91: {  	s18 =	sld [smem:$0x3FFB];
	_ =	sdelay $0x3  }
0x92: {  	_ =	strace s18  }
0x93: {  	s3 =	sld [smem:$0x3FFC];
	_ =	sdelay $0x3  }
0x94: {  	_ =	strace s3  }
0x95: {  	s3 =	sld [smem:$0x3FFD];
	_ =	sdelay $0x3  }
0x96: {  	_ =	strace s3  }
0x97: {  	_ =	strace $0x8FFFFFFF  }
0x98: {  	s19 =	sld [smem:$0x3FDB];
	_ =	sdelay $0x1  }
0x99: {  	s4 =	simm.s32 $_scs_section_size  }
0x9a: {  	s5 =	simm.s32 $_size__tile_overlayer_lowered;
	s6 =	simm.s32 $_tile_overlayer_lowered  }
0x9b: {  	s22 =	simm.s32 $0x1BFF;
	s21 =	sshll.u32 s6, $0x1;
	s3 =	sadd.s32 s4, s19  }
0x9c: {  	s7 =	simm.s32 $0x0;
	s20 =	sshll.u32 s5, $0x1;
	s5 =	sadd.s32 s21, s3  }
0x9d: {  	[timem:s7], [sflag:s22] =	dma.local [hbm:s5], s20  }
0x9e: {  	_ =	swait.ge [sflag:s22], s20  }
0x9f: {  	s4 =	ssub.s32 $0x0, s20;
	[sflag:s22] =	ssyncset.done $0x0  }
0xa0: {  	[sflag:s22] =	ssyncadd.s32 s4;
	_ =	sdelay $0x1  }
0xa1: {  	s23 =	simm.s32 $0x1B8B  }
0xa2: {  	_ =	swait.ge [sflag:s23], $0x1  }
0xa3: {  	[sflag:s23] =	ssyncset.done $0x0  }
0xa4: {  	s25 =	simm.s32 $0x1B8E;
	s24 =	sld [smem:$0x3FFE];
	[sflag:s23] =	ssyncadd.s32 $0xFFFFFFFF  }
0xa5: {  	s26 =	simm.s32 $execute0_lowered;
	[smem:$0x3FD2] =	sst s25  }
0xa6: {  	s5 =	sshll.u32 s26, $0x1;
	_ =	strace $0x80000046;
	[dreg:$0x1] =	wrdreg $0xFFFFFFFF  }
0xa7: {  	s28 =	simm.s32 $_size_execute0_lowered;
	s3 =	sadd.s32 s3, s5;
	[dreg:$0x0] =	wrdreg $0x0  }
0xa8: {  	s5 =	sshll.u32 s28, $0x1;
	[dreg:$0x2] =	wrdreg s3  }
0xa9: {  	[dreg:$0x3] =	wrdreg s5  }
0xaa: {  	[dreg:$0x4] =	wrdreg $0xC0  }
0xab: {  	_ =	task [dreg:s7], $0x5FFFF  }
0xac: {  	[dreg:$0x1] =	wrdreg $0xFFFFFFFF  }
0xad: {  	[dreg:$0x0] =	wrdreg $0x60  }
0xae: {  	[dreg:$0x2] =	wrdreg s24  }
0xaf: {  	[dreg:$0x3] =	wrdreg s2  }
0xb0: {  	[dreg:$0x4] =	wrdreg $0x1AA800  }
0xb1: {  	[dreg:$0x5] =	wrdreg $0x9  }
0xb2: {  	_ =	task.clear_ibuf [dreg:s7], $0x6FFFF;
	_ =	strace $0x90000046  }
0xb3: {  	s29 =	simm.s32 $0x9;
	_ =	strace $0x80000048  }
0xb4: {  	_ =	swait.ge [sflag:s29], $0x1  }
0xb5: {  	[sflag:s29] =	ssyncadd.s32 $0xFFFFFFFF  }
0xb6: {  	_ =	strace $0x90000048  }
0xb7: {  	_ =	sfence  }
0xb8: {  	s30 =	sld [smem:$0x0];
	_ =	sdelay $0x2  }
0xb9: {  	s31 =	sshll.u32 s1, $0xD;
	s1 =	sshrl.u32 s1, $0x2  }
0xba: {  	s3 =	sand.u32 $0x4000, s31;
	s1 =	sadd.s32 s1, s30  }
0xbb: {  	s0 =	sor.u32 s3, s0;
	s1 =	sshll.u32 s1, $0x11  }
0xbc: {  	s0 =	sor.u32 s1, s0  }
0xbd: {  	s0 =	sadd.s32 $0x8F2B, s0  }
0xbe: {  	[sflag:s0] =	ssyncadd.remote.s32 $0x1  }
0xbf: {  	_ =	sfence.sel $0xFFFF  }
0xc0: {  	[dreg:$0x0] =	wrdreg $0xFFFFFFFF;
	(pc) =	sbr.abs _section_cstart, $3  }
0xc1: {  	[dreg:$0x1] =	wrdreg $0xFFFFFFFF  }
0xc2: {  	_ =	task.clear_ibuf [dreg:s7], $0x2FFFF;
	_ =	strace $0x9FFFFFFF  }
0xc3: {  	(tm) =	ssettm $0x7FFFFFFF  }
tec
execute0_lowered:
.L_overlay_start_1:
0x0: {  	(tag) =	ssettag $0x1  }
0x1: {  	s0 =	rddreg [dreg:$0x0]  }
0x2: {  	s2 =	rddreg [dreg:$0x2]  }
0x3: {  	s3 =	simm.s32 $0x0;
	s1 =	srdreg.scid;
	s17 =	stileid.u32  }
0x4: {  	s18 =	simm.s32 $0x3;
	s21 =	simm.s32 $0x80;
	s24 =	simm.s32 $0x1  }
0x5: {  	s25 =	simm.s32 $0x18200;
	s26 =	simm.s32 $0x18280;
	s28 =	simm.s32 $0x4000  }
0x6: {  	s29 =	simm.s32 $0x0;
	[smem:$0x7FF] =	sst s3;
	s4 =	sadd.s32 $0x4FFA00, s0  }
0x7: {  	s5 =	sadd.s32 $0x2BC00, s0;
	s6 =	sadd.s32 $0x4F0800, s0;
	s1 =	sand.u32 $0x1, s1  }
0x8: {  	s7 =	sadd.s32 $0x52E00, s0;
	s8 =	sadd.s32 $0x4E6A00, s0;
	p0 =	sne.s32 s17, $0x0  }
0x9: {  	_ =	strace $0x80000047;
	s9 =	sshll.u32 s1, $0xB;
	s10 =	ssub.s32 $0x2, s1  }
0xa: {  	s1 =	sshll.u32 s1, $0x4;
	s0 =	sadd.s32 s9, s0;
	s30 =	sshrl.u32 s10, $0x1  }
.Ltmp0:
0xb: {  	s1 =	sor.u32 s17, s1;
	s17 =	simm.s32 $0x18300;
	(pc) =	sbr.rel .LBB2_1-.Ltmp0, $4  }
0xc: {  	s9 =	ssub.s32 s10, s30;
	s31 =	sshll.u32 s1, $0x4;
	s11 =	sshll.u32 s1, $0xB  }
0xd: {  	s13 =	sor.u32 $0x40, s1;
	s14 =	sadd.s32 $0x4FA600, s0;
	s16 =	sor.u32 $0x20, s1  }
0xe: {  	v0 =	vimm.f32 $0.0e+00;
	vm0 =	vcmask $0x3330;
	s12 =	sadd.s32 s6, s31;
	s10 =	sadd.s32 s8, s31;
	s11 =	sadd.s32 s4, s11  }
0xf: {  	v1 =	vsel vm0, $0x3F800000, v0;
	s15 =	smax.u32 s9, $0x1;
	[dreg:$0x4] =	wrdreg s12;
	s12 =	ssub.s32 $0x9C4, s1  }
.LBB2_13:
0x10: {  	[bflag:$0x0] =	sbarrier.arrive $0xFFFF  }
0x11: {  	s0 =	sshrl.u32 @!p0 s2, $0x3;
	s1 =	simm.s32 @!p0 $0x1C03;
	s29 =	sadd.s32 $0x1, s29  }
0x12: {  	[hbm:s14], [sflag:s1] =	dma.local @!p0 [spmem:s0], $0x800  }
0x13: {  	p1 =	sne.s32 s29, s15  }
.Ltmp1:
0x14: {  	_ = 	snop;
	(pc) =	sbr.rel @!p1 .LBB2_14-.Ltmp1, $4  }
0x15: {  	s0 =	simm.s32 @!p0 $0x3  }
0x16: {  	_ =	swait.ge @!p0 [sflag:s0], $0x800  }
0x17: {  	[sflag:s0] =	ssyncset.done @!p0 $0x0  }
0x18: {  	[sflag:s0] =	ssyncadd.s32 @!p0 $0xFFFFF800  }
.LBB2_1:
0x19: {  	s0 =	simm.s32 $0x200  }
0x1a: {  	[tilespmem:s0+$0xFFFFFE00] =	vst v0  }
0x1b: {  	[tilespmem:s0+$0x1F0] =	vst v0  }
0x1c: {  	[tilespmem:s0+$0x1E0] =	vst v0  }
0x1d: {  	[tilespmem:s0+$0x1D0] =	vst v0  }
0x1e: {  	[tilespmem:s0+$0x1C0] =	vst v0  }
0x1f: {  	[tilespmem:s0+$0x1B0] =	vst v0  }
0x20: {  	[tilespmem:s0+$0x1A0] =	vst v0  }
0x21: {  	[tilespmem:s0+$0x190] =	vst v0  }
0x22: {  	[tilespmem:s0+$0x180] =	vst v0  }
0x23: {  	[tilespmem:s0+$0x170] =	vst v0  }
0x24: {  	[tilespmem:s0+$0x160] =	vst v0  }
0x25: {  	[tilespmem:s0+$0x150] =	vst v0  }
0x26: {  	[tilespmem:s0+$0x140] =	vst v0  }
0x27: {  	[tilespmem:s0+$0x130] =	vst v0  }
0x28: {  	[tilespmem:s0+$0x120] =	vst v0  }
0x29: {  	[tilespmem:s0+$0x110] =	vst v0  }
0x2a: {  	[tilespmem:s0+$0x100] =	vst v0  }
0x2b: {  	[tilespmem:s0+$0xF0] =	vst v0  }
0x2c: {  	[tilespmem:s0+$0xE0] =	vst v0  }
0x2d: {  	[tilespmem:s0+$0xD0] =	vst v0  }
0x2e: {  	[tilespmem:s0+$0xC0] =	vst v0  }
0x2f: {  	[tilespmem:s0+$0xB0] =	vst v0  }
0x30: {  	[tilespmem:s0+$0xA0] =	vst v0  }
0x31: {  	[tilespmem:s0+$0x90] =	vst v0  }
0x32: {  	[tilespmem:s0+$0x80] =	vst v0  }
0x33: {  	[tilespmem:s0+$0x70] =	vst v0  }
0x34: {  	[tilespmem:s0+$0x60] =	vst v0  }
0x35: {  	[tilespmem:s0+$0x50] =	vst v0  }
0x36: {  	[tilespmem:s0+$0x40] =	vst v0  }
0x37: {  	[tilespmem:s0+$0x30] =	vst v0  }
0x38: {  	[tilespmem:s0+$0x20] =	vst v0  }
0x39: {  	[tilespmem:s0+$0x10] =	vst v0  }
0x3a: {  	[tilespmem:s0+$0x0] =	vst v0  }
0x3b: {  	[tilespmem:s0+$0xFFFFFFF0] =	vst v0  }
0x3c: {  	[tilespmem:s0+$0xFFFFFFE0] =	vst v0  }
0x3d: {  	[tilespmem:s0+$0xFFFFFFD0] =	vst v0  }
0x3e: {  	[tilespmem:s0+$0xFFFFFFC0] =	vst v0  }
0x3f: {  	[tilespmem:s0+$0xFFFFFFB0] =	vst v0  }
0x40: {  	[tilespmem:s0+$0xFFFFFFA0] =	vst v0  }
0x41: {  	[tilespmem:s0+$0xFFFFFF90] =	vst v0  }
0x42: {  	[tilespmem:s0+$0xFFFFFF80] =	vst v0  }
0x43: {  	[tilespmem:s0+$0xFFFFFF70] =	vst v0  }
0x44: {  	[tilespmem:s0+$0xFFFFFF60] =	vst v0  }
0x45: {  	[tilespmem:s0+$0xFFFFFF50] =	vst v0  }
0x46: {  	[tilespmem:s0+$0xFFFFFF40] =	vst v0  }
0x47: {  	[tilespmem:s0+$0xFFFFFF30] =	vst v0  }
0x48: {  	[tilespmem:s0+$0xFFFFFF20] =	vst v0  }
0x49: {  	[tilespmem:s0+$0xFFFFFF10] =	vst v0  }
0x4a: {  	[tilespmem:s0+$0xFFFFFF00] =	vst v0  }
0x4b: {  	[tilespmem:s0+$0xFFFFFEF0] =	vst v0  }
0x4c: {  	[tilespmem:s0+$0xFFFFFEE0] =	vst v0  }
0x4d: {  	[tilespmem:s0+$0xFFFFFED0] =	vst v0  }
0x4e: {  	[tilespmem:s0+$0xFFFFFEC0] =	vst v0  }
0x4f: {  	[tilespmem:s0+$0xFFFFFEB0] =	vst v0  }
0x50: {  	[tilespmem:s0+$0xFFFFFEA0] =	vst v0  }
0x51: {  	[tilespmem:s0+$0xFFFFFE90] =	vst v0  }
0x52: {  	[tilespmem:s0+$0xFFFFFE80] =	vst v0  }
0x53: {  	[tilespmem:s0+$0xFFFFFE70] =	vst v0  }
0x54: {  	[tilespmem:s0+$0xFFFFFE60] =	vst v0  }
0x55: {  	[tilespmem:s0+$0xFFFFFE50] =	vst v0  }
0x56: {  	[tilespmem:s0+$0xFFFFFE40] =	vst v0  }
0x57: {  	[tilespmem:s0+$0xFFFFFE30] =	vst v0  }
0x58: {  	s1 =	simm.s32 $0x0;
	[tilespmem:s0+$0xFFFFFE20] =	vst v0  }
.LBB2_2:
0x59: {  	s1 =	sadd.s32 $0x8, s1;
	[tilespmem:s0+$0xFFFFFE10] =	vst v0;
	s0 =	sadd.s32 $0x400, s0  }
0x5a: {  	[tilespmem:s0+$0xFFFFFE00] =	vst v0;
	p1 =	slt.u32 s1, $0x78  }
0x5b: {  	[tilespmem:s0+$0x1F0] =	vst v0  }
0x5c: {  	[tilespmem:s0+$0x1E0] =	vst v0  }
0x5d: {  	[tilespmem:s0+$0x1D0] =	vst v0  }
0x5e: {  	[tilespmem:s0+$0x1C0] =	vst v0  }
0x5f: {  	[tilespmem:s0+$0x1B0] =	vst v0  }
0x60: {  	[tilespmem:s0+$0x1A0] =	vst v0  }
0x61: {  	[tilespmem:s0+$0x190] =	vst v0  }
0x62: {  	[tilespmem:s0+$0x180] =	vst v0  }
0x63: {  	[tilespmem:s0+$0x170] =	vst v0  }
0x64: {  	[tilespmem:s0+$0x160] =	vst v0  }
0x65: {  	[tilespmem:s0+$0x150] =	vst v0  }
0x66: {  	[tilespmem:s0+$0x140] =	vst v0  }
0x67: {  	[tilespmem:s0+$0x130] =	vst v0  }
0x68: {  	[tilespmem:s0+$0x120] =	vst v0  }
0x69: {  	[tilespmem:s0+$0x110] =	vst v0  }
0x6a: {  	[tilespmem:s0+$0x100] =	vst v0  }
0x6b: {  	[tilespmem:s0+$0xF0] =	vst v0  }
0x6c: {  	[tilespmem:s0+$0xE0] =	vst v0  }
0x6d: {  	[tilespmem:s0+$0xD0] =	vst v0  }
0x6e: {  	[tilespmem:s0+$0xC0] =	vst v0  }
0x6f: {  	[tilespmem:s0+$0xB0] =	vst v0  }
0x70: {  	[tilespmem:s0+$0xA0] =	vst v0  }
0x71: {  	[tilespmem:s0+$0x90] =	vst v0  }
0x72: {  	[tilespmem:s0+$0x80] =	vst v0  }
0x73: {  	[tilespmem:s0+$0x70] =	vst v0  }
0x74: {  	[tilespmem:s0+$0x60] =	vst v0  }
0x75: {  	[tilespmem:s0+$0x50] =	vst v0  }
0x76: {  	[tilespmem:s0+$0x40] =	vst v0  }
0x77: {  	[tilespmem:s0+$0x30] =	vst v0  }
0x78: {  	[tilespmem:s0+$0x20] =	vst v0  }
0x79: {  	[tilespmem:s0+$0x10] =	vst v0  }
0x7a: {  	[tilespmem:s0+$0x0] =	vst v0  }
0x7b: {  	[tilespmem:s0+$0xFFFFFFF0] =	vst v0  }
0x7c: {  	[tilespmem:s0+$0xFFFFFFE0] =	vst v0  }
0x7d: {  	[tilespmem:s0+$0xFFFFFFD0] =	vst v0  }
0x7e: {  	[tilespmem:s0+$0xFFFFFFC0] =	vst v0  }
0x7f: {  	[tilespmem:s0+$0xFFFFFFB0] =	vst v0  }
0x80: {  	[tilespmem:s0+$0xFFFFFFA0] =	vst v0  }
0x81: {  	[tilespmem:s0+$0xFFFFFF90] =	vst v0  }
0x82: {  	[tilespmem:s0+$0xFFFFFF80] =	vst v0  }
0x83: {  	[tilespmem:s0+$0xFFFFFF70] =	vst v0  }
0x84: {  	[tilespmem:s0+$0xFFFFFF60] =	vst v0  }
0x85: {  	[tilespmem:s0+$0xFFFFFF50] =	vst v0  }
0x86: {  	[tilespmem:s0+$0xFFFFFF40] =	vst v0  }
0x87: {  	[tilespmem:s0+$0xFFFFFF30] =	vst v0  }
0x88: {  	[tilespmem:s0+$0xFFFFFF20] =	vst v0  }
0x89: {  	[tilespmem:s0+$0xFFFFFF10] =	vst v0  }
0x8a: {  	[tilespmem:s0+$0xFFFFFF00] =	vst v0  }
0x8b: {  	[tilespmem:s0+$0xFFFFFEF0] =	vst v0  }
0x8c: {  	[tilespmem:s0+$0xFFFFFEE0] =	vst v0  }
0x8d: {  	[tilespmem:s0+$0xFFFFFED0] =	vst v0  }
0x8e: {  	[tilespmem:s0+$0xFFFFFEC0] =	vst v0  }
0x8f: {  	[tilespmem:s0+$0xFFFFFEB0] =	vst v0  }
0x90: {  	[tilespmem:s0+$0xFFFFFEA0] =	vst v0  }
0x91: {  	[tilespmem:s0+$0xFFFFFE90] =	vst v0  }
0x92: {  	[tilespmem:s0+$0xFFFFFE80] =	vst v0  }
0x93: {  	[tilespmem:s0+$0xFFFFFE70] =	vst v0  }
.Ltmp2:
0x94: {  	[tilespmem:s0+$0xFFFFFE60] =	vst v0;
	(pc) =	sbr.rel @p1 .LBB2_2-.Ltmp2, $4  }
0x95: {  	[tilespmem:s0+$0xFFFFFE50] =	vst v0  }
0x96: {  	[tilespmem:s0+$0xFFFFFE40] =	vst v0  }
0x97: {  	[tilespmem:s0+$0xFFFFFE30] =	vst v0  }
0x98: {  	[tilespmem:s0+$0xFFFFFE20] =	vst v0  }
0x99: {  	[tilespmem:s0+$0xFFFFFE10] =	vst v0;
	s0 =	simm.s32 @!p0 $0x0  }
0x9a: {  	[spmem:s2] =	stream.linear.scatter @!p0 [tilespmem:s0], [sflag:$0x3], $0x4000, $0x38;
	[tilespmem:$0x1AE80] =	vst v63  }
0x9b: {  	s0 =	simm.s32 @!p0 $0x3  }
0x9c: {  	_ =	swait.ge @!p0 [sflag:s0], $0x4000  }
0x9d: {  	[sflag:s0] =	ssyncset.done @!p0 $0x0  }
0x9e: {  	[sflag:s0] =	ssyncadd.s32 @!p0 $0xFFFFC000  }
0x9f: {  	s30 =	simm.s32 $0x0;
	s0 =	rddreg [dreg:$0x1]  }
0xa0: {  	[tilespmem:s17], [sflag:$0x3] =	stream.linear.gather [hbm4b:s0+s30], $0x2780, $0x38;
	[tilespmem:$0x1AE80] =	vst v63  }
0xa1: {  	_ =	swait.ge [sflag:s18], $0x2780  }
0xa2: {  	[sflag:s18] =	ssyncset.done $0x0  }
0xa3: {  	[sflag:s18] =	ssyncadd.s32 $0xFFFFD880  }
0xa4: {  	[bflag:$0x0] =	sbarrier.arrive $0xFFFF  }
0xa5: {  	s1 =	simm.s32 $0x18000;
	s22 =	rddreg [dreg:$0x4]  }
0xa6: {  	[tilespmem:s1], [sflag:$0x3] =	stream.linear.gather [hbm4b:s22+s30], $0x80, $0x38;
	[tilespmem:$0x1AE80] =	vst v63  }
0xa7: {  	_ =	swait.ge [sflag:s18], $0x80  }
0xa8: {  	[sflag:s18] =	ssyncset.done $0x0  }
0xa9: {  	s23 =	simm.s32 $0x18100;
	[sflag:s18] =	ssyncadd.s32 $0xFFFFFF80  }
0xaa: {  	[tilespmem:s23], [sflag:$0x3] =	stream.linear.gather [hbm4b:s10+s30], $0x80, $0x38;
	[tilespmem:$0x1AE80] =	vst v63  }
0xab: {  	_ =	swait.ge [sflag:s18], $0x80  }
0xac: {  	[sflag:s18] =	ssyncset.done $0x0  }
0xad: {  	[sflag:s18] =	ssyncadd.s32 $0xFFFFFF80  }
0xae: {  	[tilespmem:s30], [sflag:$0x1] =	stream.linear.gather [hbm4b:s11+s30], $0x4000, $0x38;
	[tilespmem:$0x1AE80] =	vst v63  }
0xaf: {  	s9 =	simm.s32 $0x8000  }
0xb0: {  	[tilespmem:s9], [sflag:$0x1] =	stream.indirect.gather [hbm4b:s5+s21], $0x80, s1, s21, $0xb8;
	[tilespmem:$0x1AE80] =	vst v63  }
0xb1: {  	s31 =	simm.s32 $0x10000  }
0xb2: {  	[tilespmem:s31], [sflag:$0x1] =	stream.indirect.gather [hbm4b:s7+s21], $0x80, s23, s21, $0xb8;
	[tilespmem:$0x1AE80] =	vst v63  }
0xb3: {  	_ =	swait.ge [sflag:s24], $0x4000  }
0xb4: {  	[sflag:s24] =	ssyncset.done $0x0  }
0xb5: {  	[sflag:s24] =	ssyncadd.s32 $0xFFFFC000  }
0xb6: {  	_ =	swait.ge [sflag:s24], $0x4000  }
.Ltmp3:
0xb7: {  	[sflag:s24] =	ssyncset.done $0x0;
	(pc) =	sbr.rel .LBB2_4-.Ltmp3, $4  }
0xb8: {  	[sflag:s24] =	ssyncadd.s32 $0xFFFFC000  }
0xb9: {  	_ =	swait.ge [sflag:s24], $0x4000  }
0xba: {  	[sflag:s24] =	ssyncset.done $0x0  }
0xbb: {  	[sflag:s24] =	ssyncadd.s32 $0xFFFFC000  }
.LBB2_12:
0xbc: {  	s0 =	simm.s32 @!p2 $0x1  }
0xbd: {  	_ =	swait.ge @!p2 [sflag:s0], $0x4000  }
0xbe: {  	[sflag:s0] =	ssyncset.done @!p2 $0x0  }
0xbf: {  	s30 =	sadd.s32 $0x1, s30;
	[sflag:s0] =	ssyncadd.s32 @!p2 $0xFFFFC000  }
0xc0: {  	p1 =	sne.s32 s30, $0x28;
	_ =	swait.ge @!p2 [sflag:s0], $0x4000  }
.Ltmp4:
0xc1: {  	[sflag:s0] =	ssyncset.done @!p2 $0x0;
	(pc) =	sbr.rel @!p1 .LBB2_13-.Ltmp4, $4  }
0xc2: {  	[sflag:s0] =	ssyncadd.s32 @!p2 $0xFFFFC000  }
0xc3: {  	_ =	swait.ge @!p2 [sflag:s0], $0x4000  }
0xc4: {  	[sflag:s0] =	ssyncset.done @!p2 $0x0  }
0xc5: {  	[sflag:s0] =	ssyncadd.s32 @!p2 $0xFFFFC000  }
.LBB2_4:
0xc6: {  	s31 =	sshll.u32 s30, $0x6  }
0xc7: {  	s0 =	sor.u32 s16, s31  }
0xc8: {  	p1 =	sgt.u32 s0, $0x9C3  }
0xc9: {  	s1 =	sshll.u32 @!p1 s0, $0x4  }
0xca: {  	s19 =	simm.s32 @!p1 $0x0;
	s20 =	simm.s32 @!p1 $0x18080;
	s9 =	sadd.s32 @!p1 s6, s1  }
0xcb: {  	[tilespmem:s20], [sflag:$0x3] =	stream.linear.gather @!p1 [hbm4b:s9+s19], $0x80, $0x38;
	[tilespmem:$0x1AE80] =	vst v63  }
0xcc: {  	s9 =	simm.s32 @!p1 $0x3  }
0xcd: {  	_ =	swait.ge @!p1 [sflag:s9], $0x80  }
0xce: {  	[sflag:s9] =	ssyncset.done @!p1 $0x0  }
0xcf: {  	s22 =	simm.s32 @!p1 $0x18180;
	s1 =	sadd.s32 @!p1 s8, s1;
	[sflag:s9] =	ssyncadd.s32 @!p1 $0xFFFFFF80  }
0xd0: {  	[tilespmem:s22], [sflag:$0x3] =	stream.linear.gather @!p1 [hbm4b:s1+s19], $0x80, $0x38;
	[tilespmem:$0x1AE80] =	vst v63  }
0xd1: {  	_ =	swait.ge @!p1 [sflag:s9], $0x80  }
0xd2: {  	p2 =	sge.u32 s31, s12;
	s0 =	sshll.u32 @!p1 s0, $0xB;
	[sflag:s9] =	ssyncset.done @!p1 $0x0  }
0xd3: {  	s0 =	sadd.s32 @!p1 s4, s0;
	s1 =	simm.s32 @!p1 $0x4000;
	[sflag:s9] =	ssyncadd.s32 @!p1 $0xFFFFFF80  }
0xd4: {  	[tilespmem:s1], [sflag:$0x2] =	stream.linear.gather @!p1 [hbm4b:s0+s19], $0x4000, $0x38;
	[tilespmem:$0x1AE80] =	vst v63  }
.Ltmp5:
0xd5: {  	_ = 	snop;
	(pc) =	sbr.rel @p2 .LBB2_8-.Ltmp5, $4  }
0xd6: {  	s0 =	simm.s32 @!p1 $0x80;
	s1 =	simm.s32 @!p1 $0xC000  }
0xd7: {  	[tilespmem:s1], [sflag:$0x2] =	stream.indirect.gather @!p1 [hbm4b:s5+s0], $0x80, s20, s0, $0xb8;
	[tilespmem:$0x1AE80] =	vst v63  }
0xd8: {  	s1 =	simm.s32 @!p1 $0x14000  }
0xd9: {  	[tilespmem:s1], [sflag:$0x2] =	stream.indirect.gather @!p1 [hbm4b:s7+s0], $0x80, s22, s0, $0xb8;
	[tilespmem:$0x1AE80] =	vst v63  }
0xda: {  	v2 =	vld [tilespmem:$0x18000];
	_ =	sdelay $0x5  }
0xdb: {  	v3 =	vld [tilespmem:$0x18010];
	_ =	sdelay $0x1  }
0xdc: {  	v2 =	vld.idx.msk [tilespmem:v2+s17+$0x0], $0xffff;
	_ =	sdelay $0x3  }
0xdd: {  	v4 =	vld [tilespmem:$0x18020]  }
0xde: {  	[tilespmem:$0x18200] =	vst v2  }
0xdf: {  	v2 =	vld.idx.msk [tilespmem:v3+s17+$0x0], $0xffff;
	_ =	sdelay $0x3  }
0xe0: {  	v3 =	vld [tilespmem:$0x18030]  }
0xe1: {  	[tilespmem:$0x18210] =	vst v2  }
0xe2: {  	v2 =	vld.idx.msk [tilespmem:v4+s17+$0x0], $0xffff;
	_ =	sdelay $0x3  }
0xe3: {  	v4 =	vld [tilespmem:$0x18040]  }
0xe4: {  	[tilespmem:$0x18220] =	vst v2  }
0xe5: {  	v2 =	vld.idx.msk [tilespmem:v3+s17+$0x0], $0xffff;
	_ =	sdelay $0x3  }
0xe6: {  	v3 =	vld [tilespmem:$0x18050]  }
0xe7: {  	[tilespmem:$0x18230] =	vst v2  }
0xe8: {  	v2 =	vld.idx.msk [tilespmem:v4+s17+$0x0], $0xffff;
	_ =	sdelay $0x3  }
0xe9: {  	v4 =	vld [tilespmem:$0x18060]  }
0xea: {  	[tilespmem:$0x18240] =	vst v2  }
0xeb: {  	v2 =	vld.idx.msk [tilespmem:v3+s17+$0x0], $0xffff;
	_ =	sdelay $0x3  }
0xec: {  	v3 =	vld [tilespmem:$0x18070]  }
0xed: {  	[tilespmem:$0x18250] =	vst v2  }
0xee: {  	v2 =	vld.idx.msk [tilespmem:v4+s17+$0x0], $0xffff;
	_ =	sdelay $0x4  }
0xef: {  	[tilespmem:$0x18260] =	vst v2  }
0xf0: {  	v2 =	vld.idx.msk [tilespmem:v3+s17+$0x0], $0xffff;
	_ =	sdelay $0x4  }
0xf1: {  	s1 =	simm.s32 $0x8100;
	[tilespmem:$0x18270] =	vst v2  }
0xf2: {  	s22 =	simm.s32 $0x10100;
	v2 =	vld [tilespmem:s1+$0x80]  }
0xf3: {  	v3 =	vld [tilespmem:s22+$0x80]  }
0xf4: {  	s0 =	simm.s32 $0x100  }
0xf5: {  	v4 =	vld [tilespmem:s0+$0x80];
	_ =	sdelay $0x1  }
0xf6: {  	v5 =	vld [tilespmem:s22+$0xFFFFFF00]  }
0xf7: {  	v6 =	vld [tilespmem:s1+$0xFFFFFF80];
	v2 =	vadd.f32 v3, v2  }
0xf8: {  	v7 =	vld [tilespmem:s1+$0xFFFFFF00]  }
0xf9: {  	v8 =	vld [tilespmem:s0+$0xFFFFFF00];
	v2 =	vadd.f32 v4, v2  }
0xfa: {  	v9 =	vld [tilespmem:s0+$0xFFFFFF80]  }
0xfb: {  	v3 =	vld [tilespmem:s22+$0xFFFFFF80];
	v2 =	vmax.f32 v2, $0.0e+00  }
0xfc: {  	v10 =	vld [tilespmem:s22+$0x0];
	[tilespmem:s0+$0x80] =	vst v2  }
0xfd: {  	v5 =	vadd.f32 v5, v7;
	v2 =	vld [tilespmem:s1+$0x90]  }
0xfe: {  	v7 =	vld [tilespmem:s22+$0x90]  }
0xff: {  	v11 =	vld [tilespmem:s0+$0xFFFFFF10];
	v5 =	vadd.f32 v8, v5  }
0x100: {  	v3 =	vadd.f32 v3, v6;
	v6 =	vld [tilespmem:s0+$0x90]  }
0x101: {  	v4 =	vld [tilespmem:s1+$0x0];
	v5 =	vmax.f32 v5, $0.0e+00  }
0x102: {  	v8 =	vld [tilespmem:s0+$0x0];
	[tilespmem:s0+$0xFFFFFF00] =	vst v5;
	v3 =	vadd.f32 v9, v3  }
0x103: {  	v5 =	vld [tilespmem:s1+$0xFFFFFF10];
	v2 =	vadd.f32 v7, v2  }
0x104: {  	v9 =	vld [tilespmem:s0+$0xFFFFFF90];
	v3 =	vmax.f32 v3, $0.0e+00  }
0x105: {  	[tilespmem:s0+$0xFFFFFF80] =	vst v3;
	v3 =	vld [tilespmem:s22+$0xFFFFFF10];
	v2 =	vadd.f32 v6, v2  }
0x106: {  	v7 =	vld [tilespmem:s22+$0xFFFFFF90]  }
0x107: {  	v4 =	vadd.f32 v10, v4;
	v6 =	vld [tilespmem:s1+$0xFFFFFF90];
	v2 =	vmax.f32 v2, $0.0e+00  }
0x108: {  	v10 =	vld [tilespmem:s0+$0x10];
	[tilespmem:s0+$0x90] =	vst v2  }
0x109: {  	v2 =	vadd.f32 v8, v4;
	v4 =	vld [tilespmem:s1+$0xA0]  }
0x10a: {  	v3 =	vadd.f32 v3, v5;
	v5 =	vld [tilespmem:s22+$0xA0]  }
0x10b: {  	v8 =	vld [tilespmem:s0+$0xFFFFFF20];
	v2 =	vmax.f32 v2, $0.0e+00  }
0x10c: {  	[tilespmem:s0+$0x0] =	vst v2;
	v2 =	vadd.f32 v11, v3;
	v3 =	vadd.f32 v7, v6;
	v6 =	vld [tilespmem:s0+$0xA0]  }
0x10d: {  	v7 =	vld [tilespmem:s1+$0x10]  }
0x10e: {  	v11 =	vld [tilespmem:s22+$0x10];
	v2 =	vmax.f32 v2, $0.0e+00;
	v3 =	vadd.f32 v9, v3  }
0x10f: {  	v9 =	vld [tilespmem:s0+$0xFFFFFFA0];
	[tilespmem:s0+$0xFFFFFF10] =	vst v2;
	v2 =	vadd.f32 v5, v4  }
0x110: {  	v4 =	vld [tilespmem:s1+$0xFFFFFF20];
	v3 =	vmax.f32 v3, $0.0e+00  }
0x111: {  	v5 =	vld [tilespmem:s22+$0xFFFFFF20];
	[tilespmem:s0+$0xFFFFFF90] =	vst v3;
	v2 =	vadd.f32 v6, v2  }
0x112: {  	v3 =	vld [tilespmem:s1+$0xFFFFFFA0]  }
0x113: {  	v6 =	vadd.f32 v11, v7;
	v7 =	vld [tilespmem:s22+$0xFFFFFFA0];
	v2 =	vmax.f32 v2, $0.0e+00  }
0x114: {  	v11 =	vld [tilespmem:s0+$0x20];
	[tilespmem:s0+$0xA0] =	vst v2  }
0x115: {  	v2 =	vadd.f32 v10, v6;
	v6 =	vld [tilespmem:s1+$0xB0]  }
0x116: {  	v4 =	vadd.f32 v5, v4;
	v5 =	vld [tilespmem:s22+$0xB0]  }
0x117: {  	v10 =	vld [tilespmem:s0+$0xFFFFFF30];
	v2 =	vmax.f32 v2, $0.0e+00  }
0x118: {  	[tilespmem:s0+$0x10] =	vst v2;
	v2 =	vadd.f32 v8, v4;
	v3 =	vadd.f32 v7, v3;
	v4 =	vld [tilespmem:s0+$0xB0]  }
0x119: {  	v7 =	vld [tilespmem:s1+$0x20]  }
0x11a: {  	v8 =	vld [tilespmem:s22+$0x20];
	v2 =	vmax.f32 v2, $0.0e+00;
	v3 =	vadd.f32 v9, v3  }
0x11b: {  	v9 =	vld [tilespmem:s0+$0xFFFFFFB0];
	[tilespmem:s0+$0xFFFFFF20] =	vst v2;
	v2 =	vadd.f32 v5, v6  }
0x11c: {  	v5 =	vld [tilespmem:s1+$0xFFFFFF30];
	v3 =	vmax.f32 v3, $0.0e+00  }
0x11d: {  	v6 =	vld [tilespmem:s22+$0xFFFFFF30];
	[tilespmem:s0+$0xFFFFFFA0] =	vst v3;
	v2 =	vadd.f32 v4, v2  }
0x11e: {  	v12 =	vld [tilespmem:s1+$0xFFFFFFB0]  }
0x11f: {  	v4 =	vadd.f32 v8, v7;
	v7 =	vld [tilespmem:s22+$0xFFFFFFB0];
	v2 =	vmax.f32 v2, $0.0e+00  }
0x120: {  	v3 =	vld [tilespmem:s0+$0x30];
	[tilespmem:s0+$0xB0] =	vst v2  }
0x121: {  	v2 =	vadd.f32 v11, v4;
	v8 =	vld [tilespmem:s1+$0xC0]  }
0x122: {  	v5 =	vadd.f32 v6, v5;
	v6 =	vld [tilespmem:s22+$0xC0]  }
0x123: {  	v4 =	vld [tilespmem:s0+$0xFFFFFF40];
	v2 =	vmax.f32 v2, $0.0e+00  }
0x124: {  	[tilespmem:s0+$0x20] =	vst v2;
	v2 =	vadd.f32 v10, v5;
	v5 =	vadd.f32 v7, v12;
	v7 =	vld [tilespmem:s0+$0xC0]  }
0x125: {  	v10 =	vld [tilespmem:s1+$0x30]  }
0x126: {  	v11 =	vld [tilespmem:s22+$0x30];
	v2 =	vmax.f32 v2, $0.0e+00;
	v9 =	vadd.f32 v9, v5  }
0x127: {  	v5 =	vld [tilespmem:s0+$0xFFFFFFC0];
	[tilespmem:s0+$0xFFFFFF30] =	vst v2;
	v2 =	vadd.f32 v6, v8  }
0x128: {  	v6 =	vld [tilespmem:s1+$0xFFFFFF40];
	v9 =	vmax.f32 v9, $0.0e+00  }
0x129: {  	v8 =	vld [tilespmem:s22+$0xFFFFFF40];
	[tilespmem:s0+$0xFFFFFFB0] =	vst v9;
	v2 =	vadd.f32 v7, v2  }
0x12a: {  	v7 =	vld [tilespmem:s1+$0xFFFFFFC0]  }
0x12b: {  	s19 =	simm.s32 $0x0;
	v9 =	vld [tilespmem:s22+$0xFFFFFFC0];
	v11 =	vadd.f32 v11, v10;
	v63 =	vmax.f32 v2, $0.0e+00  }
0x12c: {  	s9 =	simm.s32 $0x8300;
	s23 =	simm.s32 $0x100;
	s20 =	simm.s32 $0x10100;
	v2 =	vld [tilespmem:s0+$0x40];
	v10 =	vadd.f32 v1, v63  }
.LBB2_6:
0x12d: {  	v12 =	vld [tilespmem:s9+$0x80];
	v3 =	vadd.f32 v3, v11;
	s22 =	sadd.s32 $0x200, s22  }
0x12e: {  	v11 =	vld [tilespmem:s22+$0x80];
	v6 =	vadd.f32 v8, v6;
	[tilespmem:s0+$0xC0] =	vst v10  }
0x12f: {  	s0 =	sadd.s32 $0x200, s0;
	v8 =	vld [tilespmem:s22+$0xFFFFFF00];
	v3 =	vmax.f32 v3, $0.0e+00  }
0x130: {  	v10 =	vld [tilespmem:s0+$0x80];
	v4 =	vadd.f32 v4, v6;
	v6 =	vadd.f32 v9, v7;
	[tilespmem:s23+$0x30] =	vst v3  }
0x131: {  	v3 =	vld [tilespmem:s9+$0xFFFFFF80]  }
0x132: {  	s19 =	sadd.s32 $0x4, s19;
	v7 =	vld [tilespmem:s22+$0xFFFFFF80];
	v4 =	vmax.f32 v4, $0.0e+00;
	v5 =	vadd.f32 v5, v6  }
0x133: {  	p2 =	slt.u32 s19, $0x7C;
	v6 =	vld [tilespmem:s9+$0x0];
	v9 =	vadd.f32 v11, v12;
	v4 =	vadd.f32 v1, v4  }
0x134: {  	v11 =	vld [tilespmem:s22+$0x0];
	v5 =	vmax.f32 v5, $0.0e+00  }
0x135: {  	v12 =	vld [tilespmem:s9+$0xFFFFFF00];
	v9 =	vadd.f32 v10, v9;
	[tilespmem:s23+$0xFFFFFF40] =	vst v4;
	v4 =	vadd.f32 v1, v5  }
0x136: {  	v5 =	vld [tilespmem:s0+$0xFFFFFF00]  }
0x137: {  	v3 =	vadd.f32 v7, v3;
	v7 =	vld [tilespmem:s0+$0xFFFFFF80];
	v9 =	vmax.f32 v9, $0.0e+00;
	[tilespmem:s23+$0xFFFFFFC0] =	vst v4  }
0x138: {  	v4 =	vld [tilespmem:s0+$0x0];
	[tilespmem:s0+$0x80] =	vst v9  }
0x139: {  	v6 =	vadd.f32 v11, v6;
	v9 =	vld [tilespmem:s9+$0x90]  }
0x13a: {  	v8 =	vadd.f32 v8, v12;
	v10 =	vld [tilespmem:s22+$0x90]  }
0x13b: {  	v11 =	vld [tilespmem:s0+$0xFFFFFF10]  }
0x13c: {  	v5 =	vadd.f32 v5, v8;
	v3 =	vadd.f32 v7, v3;
	v7 =	vld [tilespmem:s0+$0x90]  }
0x13d: {  	v8 =	vld [tilespmem:s0+$0xFFFFFF90];
	v4 =	vadd.f32 v4, v6  }
0x13e: {  	v5 =	vmax.f32 v5, $0.0e+00;
	v3 =	vmax.f32 v3, $0.0e+00;
	v6 =	vld [tilespmem:s0+$0x10]  }
0x13f: {  	[tilespmem:s0+$0xFFFFFF00] =	vst v5;
	v5 =	vld [tilespmem:s0+$0xFFFFFF20];
	v4 =	vmax.f32 v4, $0.0e+00;
	v9 =	vadd.f32 v10, v9  }
0x140: {  	v10 =	vld [tilespmem:s9+$0xFFFFFF10];
	[tilespmem:s0+$0xFFFFFF80] =	vst v3  }
0x141: {  	v3 =	vld [tilespmem:s22+$0xFFFFFF10];
	[tilespmem:s0+$0x0] =	vst v4;
	v4 =	vadd.f32 v7, v9  }
0x142: {  	v7 =	vld [tilespmem:s9+$0xFFFFFF90]  }
0x143: {  	v9 =	vld [tilespmem:s22+$0xFFFFFF90];
	v4 =	vmax.f32 v4, $0.0e+00  }
0x144: {  	v12 =	vld [tilespmem:s9+$0x10];
	[tilespmem:s0+$0x90] =	vst v4  }
0x145: {  	v4 =	vld [tilespmem:s9+$0xA0]  }
0x146: {  	v3 =	vadd.f32 v3, v10;
	v10 =	vld [tilespmem:s22+$0xA0]  }
0x147: {  	v13 =	vld [tilespmem:s22+$0x10]  }
0x148: {  	v3 =	vadd.f32 v11, v3;
	v7 =	vadd.f32 v9, v7;
	v9 =	vld [tilespmem:s0+$0xA0]  }
0x149: {  	v11 =	vld [tilespmem:s0+$0xFFFFFFA0]  }
0x14a: {  	v3 =	vmax.f32 v3, $0.0e+00;
	v7 =	vadd.f32 v8, v7;
	v8 =	vld [tilespmem:s0+$0x20]  }
0x14b: {  	[tilespmem:s0+$0xFFFFFF10] =	vst v3;
	v14 =	vld [tilespmem:s0+$0xFFFFFF30];
	v3 =	vadd.f32 v10, v4  }
0x14c: {  	v4 =	vld [tilespmem:s9+$0xFFFFFF20];
	v7 =	vmax.f32 v7, $0.0e+00;
	v10 =	vadd.f32 v13, v12  }
0x14d: {  	v12 =	vld [tilespmem:s22+$0xFFFFFF20];
	[tilespmem:s0+$0xFFFFFF90] =	vst v7;
	v3 =	vadd.f32 v9, v3  }
0x14e: {  	v7 =	vld [tilespmem:s9+$0xFFFFFFA0];
	v6 =	vadd.f32 v6, v10  }
0x14f: {  	v9 =	vld [tilespmem:s22+$0xFFFFFFA0];
	v3 =	vmax.f32 v3, $0.0e+00  }
0x150: {  	v10 =	vld [tilespmem:s0+$0xFFFFFFB0];
	v6 =	vmax.f32 v6, $0.0e+00;
	[tilespmem:s0+$0xA0] =	vst v3  }
0x151: {  	[tilespmem:s0+$0x10] =	vst v6;
	v6 =	vld [tilespmem:s9+$0xB0]  }
0x152: {  	v3 =	vadd.f32 v12, v4;
	v4 =	vld [tilespmem:s22+$0xB0]  }
0x153: {  	v12 =	vld [tilespmem:s9+$0x20]  }
0x154: {  	v3 =	vadd.f32 v5, v3;
	v5 =	vadd.f32 v9, v7;
	v7 =	vld [tilespmem:s0+$0xB0]  }
0x155: {  	v9 =	vld [tilespmem:s22+$0x20]  }
0x156: {  	v13 =	vmax.f32 v3, $0.0e+00;
	v5 =	vadd.f32 v11, v5;
	v3 =	vld [tilespmem:s0+$0x30]  }
0x157: {  	[tilespmem:s0+$0xFFFFFF20] =	vst v13;
	v4 =	vadd.f32 v4, v6;
	v6 =	vld [tilespmem:s1+$0x40];
	s1 =	smov.u32 s9  }
0x158: {  	v11 =	vld [tilespmem:s9+$0xFFFFFF30];
	v5 =	vmax.f32 v5, $0.0e+00  }
0x159: {  	v13 =	vld [tilespmem:s22+$0xFFFFFF30];
	[tilespmem:s0+$0xFFFFFFA0] =	vst v5;
	v4 =	vadd.f32 v7, v4  }
0x15a: {  	v5 =	vld [tilespmem:s9+$0xFFFFFFB0];
	v7 =	vadd.f32 v9, v12  }
0x15b: {  	v9 =	vld [tilespmem:s22+$0xFFFFFFB0];
	v4 =	vmax.f32 v4, $0.0e+00  }
0x15c: {  	v7 =	vadd.f32 v8, v7;
	[tilespmem:s0+$0xB0] =	vst v4;
	v8 =	vld [tilespmem:s20+$0x40];
	s20 =	smov.u32 s22  }
0x15d: {  	v12 =	vld [tilespmem:s9+$0xC0]  }
0x15e: {  	v11 =	vadd.f32 v13, v11;
	v7 =	vmax.f32 v7, $0.0e+00;
	v13 =	vld [tilespmem:s22+$0xC0]  }
0x15f: {  	v4 =	vld [tilespmem:s0+$0xFFFFFF40];
	[tilespmem:s0+$0x20] =	vst v7  }
0x160: {  	v7 =	vadd.f32 v14, v11;
	v5 =	vadd.f32 v9, v5;
	v9 =	vld [tilespmem:s0+$0xC0]  }
0x161: {  	v11 =	vld [tilespmem:s9+$0x30];
	v6 =	vadd.f32 v8, v6  }
0x162: {  	v7 =	vmax.f32 v7, $0.0e+00;
	v8 =	vadd.f32 v10, v5;
	v10 =	vld [tilespmem:s22+$0x30]  }
0x163: {  	[tilespmem:s0+$0xFFFFFF30] =	vst v7;
	v5 =	vld [tilespmem:s0+$0xFFFFFFC0];
	v7 =	vadd.f32 v13, v12;
	v2 =	vadd.f32 v2, v6  }
.Ltmp6:
0x164: {  	v6 =	vld [tilespmem:s9+$0xFFFFFF40];
	v12 =	vmax.f32 v8, $0.0e+00;
	(pc) =	sbr.rel @p2 .LBB2_6-.Ltmp6, $4  }
0x165: {  	v8 =	vld [tilespmem:s22+$0xFFFFFF40];
	[tilespmem:s0+$0xFFFFFFB0] =	vst v12;
	v12 =	vadd.f32 v9, v7;
	v2 =	vmax.f32 v2, $0.0e+00  }
0x166: {  	v7 =	vld [tilespmem:s9+$0xFFFFFFC0];
	v13 =	vadd.f32 v1, v2  }
0x167: {  	v9 =	vld [tilespmem:s22+$0xFFFFFFC0];
	v11 =	vadd.f32 v10, v11;
	v10 =	vmax.f32 v12, $0.0e+00  }
0x168: {  	s9 =	sadd.s32 $0x200, s9;
	v2 =	vld [tilespmem:s0+$0x40];
	v10 =	vadd.f32 v1, v10;
	[tilespmem:s23+$0x40] =	vst v13;
	s23 =	smov.u32 s0  }
0x169: {  	v3 =	vadd.f32 v3, v11;
	_ =	sdelay $0x1  }
0x16a: {  	v3 =	vmax.f32 v3, $0.0e+00  }
0x16b: {  	[tilespmem:s23+$0x30] =	vst v3  }
0x16c: {  	v3 =	vld [tilespmem:s1+$0x40]  }
0x16d: {  	v62 =	vld [tilespmem:s20+$0x40];
	_ =	sdelay $0x2  }
0x16e: {  	v6 =	vadd.f32 v8, v6  }
0x16f: {  	v7 =	vadd.f32 v9, v7  }
0x170: {  	v4 =	vadd.f32 v4, v6;
	v3 =	vadd.f32 v62, v3  }
0x171: {  	v5 =	vadd.f32 v5, v7  }
0x172: {  	v4 =	vmax.f32 v4, $0.0e+00;
	v2 =	vadd.f32 v2, v3  }
0x173: {  	v63 =	vmax.f32 v5, $0.0e+00;
	v3 =	vadd.f32 v1, v4  }
0x174: {  	[tilespmem:s0+$0xC0] =	vst v10;
	v4 =	vadd.f32 v1, v63;
	v2 =	vmax.f32 v2, $0.0e+00  }
0x175: {  	[tilespmem:s23+$0xFFFFFF40] =	vst v3;
	v2 =	vadd.f32 v1, v2  }
0x176: {  	[tilespmem:s23+$0xFFFFFFC0] =	vst v4  }
0x177: {  	[tilespmem:s23+$0x40] =	vst v2  }
0x178: {  	[spmem:s2] =	stream.indirect.scatter.add.f32 [tilespmem:s3], [sflag:$0x3], $0x80, s25, s21, $0xb8;
	[tilespmem:$0x1AE80] =	vst v63  }
0x179: {  	_ =	swait.ge [sflag:s18], $0x4000  }
0x17a: {  	[sflag:s18] =	ssyncset.done $0x0  }
0x17b: {  	[sflag:s18] =	ssyncadd.s32 $0xFFFFC000  }
.LBB2_8:
0x17c: {  	s0 =	simm.s32 @!p1 $0x2  }
0x17d: {  	_ =	swait.ge @!p1 [sflag:s0], $0x4000  }
0x17e: {  	[sflag:s0] =	ssyncset.done @!p1 $0x0  }
0x17f: {  	[sflag:s0] =	ssyncadd.s32 @!p1 $0xFFFFC000  }
0x180: {  	_ =	swait.ge @!p1 [sflag:s0], $0x4000  }
0x181: {  	[sflag:s0] =	ssyncset.done @!p1 $0x0  }
0x182: {  	[sflag:s0] =	ssyncadd.s32 @!p1 $0xFFFFC000  }
0x183: {  	s1 =	sadd.s32 s13, s31;
	_ =	swait.ge @!p1 [sflag:s0], $0x4000  }
0x184: {  	p2 =	sgt.u32 s1, $0x9C3;
	[sflag:s0] =	ssyncset.done @!p1 $0x0  }
0x185: {  	[sflag:s0] =	ssyncadd.s32 @!p1 $0xFFFFC000;
	s0 =	sshll.u32 @!p2 s1, $0x4  }
0x186: {  	s19 =	simm.s32 @!p2 $0x0;
	s20 =	simm.s32 @!p2 $0x18000;
	s9 =	sadd.s32 @!p2 s6, s0  }
0x187: {  	[tilespmem:s20], [sflag:$0x3] =	stream.linear.gather @!p2 [hbm4b:s9+s19], $0x80, $0x38;
	[tilespmem:$0x1AE80] =	vst v63  }
0x188: {  	s9 =	simm.s32 @!p2 $0x3  }
0x189: {  	_ =	swait.ge @!p2 [sflag:s9], $0x80  }
0x18a: {  	[sflag:s9] =	ssyncset.done @!p2 $0x0  }
0x18b: {  	s22 =	simm.s32 @!p2 $0x18100;
	s0 =	sadd.s32 @!p2 s8, s0;
	[sflag:s9] =	ssyncadd.s32 @!p2 $0xFFFFFF80  }
0x18c: {  	[tilespmem:s22], [sflag:$0x3] =	stream.linear.gather @!p2 [hbm4b:s0+s19], $0x80, $0x38;
	[tilespmem:$0x1AE80] =	vst v63  }
0x18d: {  	_ =	swait.ge @!p2 [sflag:s9], $0x80  }
0x18e: {  	s0 =	sshll.u32 @!p2 s1, $0xB;
	[sflag:s9] =	ssyncset.done @!p2 $0x0  }
0x18f: {  	s0 =	sadd.s32 @!p2 s4, s0;
	[sflag:s9] =	ssyncadd.s32 @!p2 $0xFFFFFF80  }
0x190: {  	[tilespmem:s19], [sflag:$0x1] =	stream.linear.gather @!p2 [hbm4b:s0+s19], $0x4000, $0x38;
	[tilespmem:$0x1AE80] =	vst v63  }
.Ltmp7:
0x191: {  	_ = 	snop;
	(pc) =	sbr.rel @p1 .LBB2_12-.Ltmp7, $4  }
0x192: {  	s1 =	simm.s32 @!p2 $0x8000;
	s0 =	simm.s32 @!p2 $0x80  }
0x193: {  	[tilespmem:s1], [sflag:$0x1] =	stream.indirect.gather @!p2 [hbm4b:s5+s0], $0x80, s20, s0, $0xb8;
	[tilespmem:$0x1AE80] =	vst v63  }
0x194: {  	s1 =	simm.s32 @!p2 $0x10000  }
0x195: {  	[tilespmem:s1], [sflag:$0x1] =	stream.indirect.gather @!p2 [hbm4b:s7+s0], $0x80, s22, s0, $0xb8;
	[tilespmem:$0x1AE80] =	vst v63  }
0x196: {  	v2 =	vld [tilespmem:$0x18080];
	_ =	sdelay $0x5  }
0x197: {  	v3 =	vld [tilespmem:$0x18090];
	_ =	sdelay $0x1  }
0x198: {  	v2 =	vld.idx.msk [tilespmem:v2+s17+$0x0], $0xffff;
	_ =	sdelay $0x3  }
0x199: {  	v4 =	vld [tilespmem:$0x180A0]  }
0x19a: {  	[tilespmem:$0x18280] =	vst v2  }
0x19b: {  	v2 =	vld.idx.msk [tilespmem:v3+s17+$0x0], $0xffff;
	_ =	sdelay $0x3  }
0x19c: {  	v3 =	vld [tilespmem:$0x180B0]  }
0x19d: {  	[tilespmem:$0x18290] =	vst v2  }
0x19e: {  	v2 =	vld.idx.msk [tilespmem:v4+s17+$0x0], $0xffff;
	_ =	sdelay $0x3  }
0x19f: {  	v4 =	vld [tilespmem:$0x180C0]  }
0x1a0: {  	[tilespmem:$0x182A0] =	vst v2  }
0x1a1: {  	v2 =	vld.idx.msk [tilespmem:v3+s17+$0x0], $0xffff;
	_ =	sdelay $0x3  }
0x1a2: {  	v3 =	vld [tilespmem:$0x180D0]  }
0x1a3: {  	[tilespmem:$0x182B0] =	vst v2  }
0x1a4: {  	v2 =	vld.idx.msk [tilespmem:v4+s17+$0x0], $0xffff;
	_ =	sdelay $0x3  }
0x1a5: {  	v4 =	vld [tilespmem:$0x180E0]  }
0x1a6: {  	[tilespmem:$0x182C0] =	vst v2  }
0x1a7: {  	v2 =	vld.idx.msk [tilespmem:v3+s17+$0x0], $0xffff;
	_ =	sdelay $0x3  }
0x1a8: {  	v3 =	vld [tilespmem:$0x180F0]  }
0x1a9: {  	[tilespmem:$0x182D0] =	vst v2  }
0x1aa: {  	v2 =	vld.idx.msk [tilespmem:v4+s17+$0x0], $0xffff;
	_ =	sdelay $0x4  }
0x1ab: {  	[tilespmem:$0x182E0] =	vst v2  }
0x1ac: {  	v2 =	vld.idx.msk [tilespmem:v3+s17+$0x0], $0xffff;
	_ =	sdelay $0x4  }
0x1ad: {  	s1 =	simm.s32 $0xC100;
	[tilespmem:$0x182F0] =	vst v2  }
0x1ae: {  	s22 =	simm.s32 $0x14100;
	v2 =	vld [tilespmem:s1+$0x80]  }
0x1af: {  	v3 =	vld [tilespmem:s22+$0x80]  }
0x1b0: {  	s0 =	simm.s32 $0x4100  }
0x1b1: {  	v4 =	vld [tilespmem:s0+$0x80];
	_ =	sdelay $0x1  }
0x1b2: {  	v5 =	vld [tilespmem:s22+$0xFFFFFF00]  }
0x1b3: {  	v6 =	vld [tilespmem:s1+$0xFFFFFF80];
	v2 =	vadd.f32 v3, v2  }
0x1b4: {  	v7 =	vld [tilespmem:s1+$0xFFFFFF00]  }
0x1b5: {  	v8 =	vld [tilespmem:s0+$0xFFFFFF00];
	v2 =	vadd.f32 v4, v2  }
0x1b6: {  	v9 =	vld [tilespmem:s0+$0xFFFFFF80]  }
0x1b7: {  	v3 =	vld [tilespmem:s22+$0xFFFFFF80];
	v2 =	vmax.f32 v2, $0.0e+00  }
0x1b8: {  	v10 =	vld [tilespmem:s22+$0x0];
	[tilespmem:s0+$0x80] =	vst v2  }
0x1b9: {  	v5 =	vadd.f32 v5, v7;
	v2 =	vld [tilespmem:s1+$0x90]  }
0x1ba: {  	v7 =	vld [tilespmem:s22+$0x90]  }
0x1bb: {  	v11 =	vld [tilespmem:s0+$0xFFFFFF10];
	v5 =	vadd.f32 v8, v5  }
0x1bc: {  	v3 =	vadd.f32 v3, v6;
	v6 =	vld [tilespmem:s0+$0x90]  }
0x1bd: {  	v4 =	vld [tilespmem:s1+$0x0];
	v5 =	vmax.f32 v5, $0.0e+00  }
0x1be: {  	v8 =	vld [tilespmem:s0+$0x0];
	[tilespmem:s0+$0xFFFFFF00] =	vst v5;
	v3 =	vadd.f32 v9, v3  }
0x1bf: {  	v5 =	vld [tilespmem:s1+$0xFFFFFF10];
	v2 =	vadd.f32 v7, v2  }
0x1c0: {  	v9 =	vld [tilespmem:s0+$0xFFFFFF90];
	v3 =	vmax.f32 v3, $0.0e+00  }
0x1c1: {  	[tilespmem:s0+$0xFFFFFF80] =	vst v3;
	v3 =	vld [tilespmem:s22+$0xFFFFFF10];
	v2 =	vadd.f32 v6, v2  }
0x1c2: {  	v7 =	vld [tilespmem:s22+$0xFFFFFF90]  }
0x1c3: {  	v4 =	vadd.f32 v10, v4;
	v6 =	vld [tilespmem:s1+$0xFFFFFF90];
	v2 =	vmax.f32 v2, $0.0e+00  }
0x1c4: {  	v10 =	vld [tilespmem:s0+$0x10];
	[tilespmem:s0+$0x90] =	vst v2  }
0x1c5: {  	v2 =	vadd.f32 v8, v4;
	v4 =	vld [tilespmem:s1+$0xA0]  }
0x1c6: {  	v3 =	vadd.f32 v3, v5;
	v5 =	vld [tilespmem:s22+$0xA0]  }
0x1c7: {  	v8 =	vld [tilespmem:s0+$0xFFFFFF20];
	v2 =	vmax.f32 v2, $0.0e+00  }
0x1c8: {  	[tilespmem:s0+$0x0] =	vst v2;
	v2 =	vadd.f32 v11, v3;
	v3 =	vadd.f32 v7, v6;
	v6 =	vld [tilespmem:s0+$0xA0]  }
0x1c9: {  	v7 =	vld [tilespmem:s1+$0x10]  }
0x1ca: {  	v11 =	vld [tilespmem:s22+$0x10];
	v2 =	vmax.f32 v2, $0.0e+00;
	v3 =	vadd.f32 v9, v3  }
0x1cb: {  	v9 =	vld [tilespmem:s0+$0xFFFFFFA0];
	[tilespmem:s0+$0xFFFFFF10] =	vst v2;
	v2 =	vadd.f32 v5, v4  }
0x1cc: {  	v4 =	vld [tilespmem:s1+$0xFFFFFF20];
	v3 =	vmax.f32 v3, $0.0e+00  }
0x1cd: {  	v5 =	vld [tilespmem:s22+$0xFFFFFF20];
	[tilespmem:s0+$0xFFFFFF90] =	vst v3;
	v2 =	vadd.f32 v6, v2  }
0x1ce: {  	v3 =	vld [tilespmem:s1+$0xFFFFFFA0]  }
0x1cf: {  	v6 =	vadd.f32 v11, v7;
	v7 =	vld [tilespmem:s22+$0xFFFFFFA0];
	v2 =	vmax.f32 v2, $0.0e+00  }
0x1d0: {  	v11 =	vld [tilespmem:s0+$0x20];
	[tilespmem:s0+$0xA0] =	vst v2  }
0x1d1: {  	v2 =	vadd.f32 v10, v6;
	v6 =	vld [tilespmem:s1+$0xB0]  }
0x1d2: {  	v4 =	vadd.f32 v5, v4;
	v5 =	vld [tilespmem:s22+$0xB0]  }
0x1d3: {  	v10 =	vld [tilespmem:s0+$0xFFFFFF30];
	v2 =	vmax.f32 v2, $0.0e+00  }
0x1d4: {  	[tilespmem:s0+$0x10] =	vst v2;
	v2 =	vadd.f32 v8, v4;
	v3 =	vadd.f32 v7, v3;
	v4 =	vld [tilespmem:s0+$0xB0]  }
0x1d5: {  	v7 =	vld [tilespmem:s1+$0x20]  }
0x1d6: {  	v8 =	vld [tilespmem:s22+$0x20];
	v2 =	vmax.f32 v2, $0.0e+00;
	v3 =	vadd.f32 v9, v3  }
0x1d7: {  	v9 =	vld [tilespmem:s0+$0xFFFFFFB0];
	[tilespmem:s0+$0xFFFFFF20] =	vst v2;
	v2 =	vadd.f32 v5, v6  }
0x1d8: {  	v5 =	vld [tilespmem:s1+$0xFFFFFF30];
	v3 =	vmax.f32 v3, $0.0e+00  }
0x1d9: {  	v6 =	vld [tilespmem:s22+$0xFFFFFF30];
	[tilespmem:s0+$0xFFFFFFA0] =	vst v3;
	v2 =	vadd.f32 v4, v2  }
0x1da: {  	v12 =	vld [tilespmem:s1+$0xFFFFFFB0]  }
0x1db: {  	v4 =	vadd.f32 v8, v7;
	v7 =	vld [tilespmem:s22+$0xFFFFFFB0];
	v2 =	vmax.f32 v2, $0.0e+00  }
0x1dc: {  	v3 =	vld [tilespmem:s0+$0x30];
	[tilespmem:s0+$0xB0] =	vst v2  }
0x1dd: {  	v2 =	vadd.f32 v11, v4;
	v8 =	vld [tilespmem:s1+$0xC0]  }
0x1de: {  	v5 =	vadd.f32 v6, v5;
	v6 =	vld [tilespmem:s22+$0xC0]  }
0x1df: {  	v4 =	vld [tilespmem:s0+$0xFFFFFF40];
	v2 =	vmax.f32 v2, $0.0e+00  }
0x1e0: {  	[tilespmem:s0+$0x20] =	vst v2;
	v2 =	vadd.f32 v10, v5;
	v5 =	vadd.f32 v7, v12;
	v7 =	vld [tilespmem:s0+$0xC0]  }
0x1e1: {  	v10 =	vld [tilespmem:s1+$0x30]  }
0x1e2: {  	v11 =	vld [tilespmem:s22+$0x30];
	v2 =	vmax.f32 v2, $0.0e+00;
	v9 =	vadd.f32 v9, v5  }
0x1e3: {  	v5 =	vld [tilespmem:s0+$0xFFFFFFC0];
	[tilespmem:s0+$0xFFFFFF30] =	vst v2;
	v2 =	vadd.f32 v6, v8  }
0x1e4: {  	v6 =	vld [tilespmem:s1+$0xFFFFFF40];
	v9 =	vmax.f32 v9, $0.0e+00  }
0x1e5: {  	v8 =	vld [tilespmem:s22+$0xFFFFFF40];
	[tilespmem:s0+$0xFFFFFFB0] =	vst v9;
	v2 =	vadd.f32 v7, v2  }
0x1e6: {  	v7 =	vld [tilespmem:s1+$0xFFFFFFC0]  }
0x1e7: {  	s19 =	simm.s32 $0x0;
	v9 =	vld [tilespmem:s22+$0xFFFFFFC0];
	v11 =	vadd.f32 v11, v10;
	v63 =	vmax.f32 v2, $0.0e+00  }
0x1e8: {  	s9 =	simm.s32 $0xC300;
	s23 =	simm.s32 $0x4100;
	s20 =	simm.s32 $0x14100;
	v2 =	vld [tilespmem:s0+$0x40];
	v10 =	vadd.f32 v1, v63  }
.LBB2_10:
0x1e9: {  	v12 =	vld [tilespmem:s9+$0x80];
	v3 =	vadd.f32 v3, v11;
	s22 =	sadd.s32 $0x200, s22  }
0x1ea: {  	v11 =	vld [tilespmem:s22+$0x80];
	v6 =	vadd.f32 v8, v6;
	[tilespmem:s0+$0xC0] =	vst v10  }
0x1eb: {  	s0 =	sadd.s32 $0x200, s0;
	v8 =	vld [tilespmem:s22+$0xFFFFFF00];
	v3 =	vmax.f32 v3, $0.0e+00  }
0x1ec: {  	v10 =	vld [tilespmem:s0+$0x80];
	v4 =	vadd.f32 v4, v6;
	v6 =	vadd.f32 v9, v7;
	[tilespmem:s23+$0x30] =	vst v3  }
0x1ed: {  	v3 =	vld [tilespmem:s9+$0xFFFFFF80]  }
0x1ee: {  	s19 =	sadd.s32 $0x4, s19;
	v7 =	vld [tilespmem:s22+$0xFFFFFF80];
	v4 =	vmax.f32 v4, $0.0e+00;
	v5 =	vadd.f32 v5, v6  }
0x1ef: {  	p1 =	slt.u32 s19, $0x7C;
	v6 =	vld [tilespmem:s9+$0x0];
	v9 =	vadd.f32 v11, v12;
	v4 =	vadd.f32 v1, v4  }
0x1f0: {  	v11 =	vld [tilespmem:s22+$0x0];
	v5 =	vmax.f32 v5, $0.0e+00  }
0x1f1: {  	v12 =	vld [tilespmem:s9+$0xFFFFFF00];
	v9 =	vadd.f32 v10, v9;
	[tilespmem:s23+$0xFFFFFF40] =	vst v4;
	v4 =	vadd.f32 v1, v5  }
0x1f2: {  	v5 =	vld [tilespmem:s0+$0xFFFFFF00]  }
0x1f3: {  	v3 =	vadd.f32 v7, v3;
	v7 =	vld [tilespmem:s0+$0xFFFFFF80];
	v9 =	vmax.f32 v9, $0.0e+00;
	[tilespmem:s23+$0xFFFFFFC0] =	vst v4  }
0x1f4: {  	v4 =	vld [tilespmem:s0+$0x0];
	[tilespmem:s0+$0x80] =	vst v9  }
0x1f5: {  	v6 =	vadd.f32 v11, v6;
	v9 =	vld [tilespmem:s9+$0x90]  }
0x1f6: {  	v8 =	vadd.f32 v8, v12;
	v10 =	vld [tilespmem:s22+$0x90]  }
0x1f7: {  	v11 =	vld [tilespmem:s0+$0xFFFFFF10]  }
0x1f8: {  	v5 =	vadd.f32 v5, v8;
	v3 =	vadd.f32 v7, v3;
	v7 =	vld [tilespmem:s0+$0x90]  }
0x1f9: {  	v8 =	vld [tilespmem:s0+$0xFFFFFF90];
	v4 =	vadd.f32 v4, v6  }
0x1fa: {  	v5 =	vmax.f32 v5, $0.0e+00;
	v3 =	vmax.f32 v3, $0.0e+00;
	v6 =	vld [tilespmem:s0+$0x10]  }
0x1fb: {  	[tilespmem:s0+$0xFFFFFF00] =	vst v5;
	v5 =	vld [tilespmem:s0+$0xFFFFFF20];
	v4 =	vmax.f32 v4, $0.0e+00;
	v9 =	vadd.f32 v10, v9  }
0x1fc: {  	v10 =	vld [tilespmem:s9+$0xFFFFFF10];
	[tilespmem:s0+$0xFFFFFF80] =	vst v3  }
0x1fd: {  	v3 =	vld [tilespmem:s22+$0xFFFFFF10];
	[tilespmem:s0+$0x0] =	vst v4;
	v4 =	vadd.f32 v7, v9  }
0x1fe: {  	v7 =	vld [tilespmem:s9+$0xFFFFFF90]  }
0x1ff: {  	v9 =	vld [tilespmem:s22+$0xFFFFFF90];
	v4 =	vmax.f32 v4, $0.0e+00  }
0x200: {  	v12 =	vld [tilespmem:s9+$0x10];
	[tilespmem:s0+$0x90] =	vst v4  }
0x201: {  	v4 =	vld [tilespmem:s9+$0xA0]  }
0x202: {  	v3 =	vadd.f32 v3, v10;
	v10 =	vld [tilespmem:s22+$0xA0]  }
0x203: {  	v13 =	vld [tilespmem:s22+$0x10]  }
0x204: {  	v3 =	vadd.f32 v11, v3;
	v7 =	vadd.f32 v9, v7;
	v9 =	vld [tilespmem:s0+$0xA0]  }
0x205: {  	v11 =	vld [tilespmem:s0+$0xFFFFFFA0]  }
0x206: {  	v3 =	vmax.f32 v3, $0.0e+00;
	v7 =	vadd.f32 v8, v7;
	v8 =	vld [tilespmem:s0+$0x20]  }
0x207: {  	[tilespmem:s0+$0xFFFFFF10] =	vst v3;
	v14 =	vld [tilespmem:s0+$0xFFFFFF30];
	v3 =	vadd.f32 v10, v4  }
0x208: {  	v4 =	vld [tilespmem:s9+$0xFFFFFF20];
	v7 =	vmax.f32 v7, $0.0e+00;
	v10 =	vadd.f32 v13, v12  }
0x209: {  	v12 =	vld [tilespmem:s22+$0xFFFFFF20];
	[tilespmem:s0+$0xFFFFFF90] =	vst v7;
	v3 =	vadd.f32 v9, v3  }
0x20a: {  	v7 =	vld [tilespmem:s9+$0xFFFFFFA0];
	v6 =	vadd.f32 v6, v10  }
0x20b: {  	v9 =	vld [tilespmem:s22+$0xFFFFFFA0];
	v3 =	vmax.f32 v3, $0.0e+00  }
0x20c: {  	v10 =	vld [tilespmem:s0+$0xFFFFFFB0];
	v6 =	vmax.f32 v6, $0.0e+00;
	[tilespmem:s0+$0xA0] =	vst v3  }
0x20d: {  	[tilespmem:s0+$0x10] =	vst v6;
	v6 =	vld [tilespmem:s9+$0xB0]  }
0x20e: {  	v3 =	vadd.f32 v12, v4;
	v4 =	vld [tilespmem:s22+$0xB0]  }
0x20f: {  	v12 =	vld [tilespmem:s9+$0x20]  }
0x210: {  	v3 =	vadd.f32 v5, v3;
	v5 =	vadd.f32 v9, v7;
	v7 =	vld [tilespmem:s0+$0xB0]  }
0x211: {  	v9 =	vld [tilespmem:s22+$0x20]  }
0x212: {  	v13 =	vmax.f32 v3, $0.0e+00;
	v5 =	vadd.f32 v11, v5;
	v3 =	vld [tilespmem:s0+$0x30]  }
0x213: {  	[tilespmem:s0+$0xFFFFFF20] =	vst v13;
	v4 =	vadd.f32 v4, v6;
	v6 =	vld [tilespmem:s1+$0x40];
	s1 =	smov.u32 s9  }
0x214: {  	v11 =	vld [tilespmem:s9+$0xFFFFFF30];
	v5 =	vmax.f32 v5, $0.0e+00  }
0x215: {  	v13 =	vld [tilespmem:s22+$0xFFFFFF30];
	[tilespmem:s0+$0xFFFFFFA0] =	vst v5;
	v4 =	vadd.f32 v7, v4  }
0x216: {  	v5 =	vld [tilespmem:s9+$0xFFFFFFB0];
	v7 =	vadd.f32 v9, v12  }
0x217: {  	v9 =	vld [tilespmem:s22+$0xFFFFFFB0];
	v4 =	vmax.f32 v4, $0.0e+00  }
0x218: {  	v7 =	vadd.f32 v8, v7;
	[tilespmem:s0+$0xB0] =	vst v4;
	v8 =	vld [tilespmem:s20+$0x40];
	s20 =	smov.u32 s22  }
0x219: {  	v12 =	vld [tilespmem:s9+$0xC0]  }
0x21a: {  	v11 =	vadd.f32 v13, v11;
	v7 =	vmax.f32 v7, $0.0e+00;
	v13 =	vld [tilespmem:s22+$0xC0]  }
0x21b: {  	v4 =	vld [tilespmem:s0+$0xFFFFFF40];
	[tilespmem:s0+$0x20] =	vst v7  }
0x21c: {  	v7 =	vadd.f32 v14, v11;
	v5 =	vadd.f32 v9, v5;
	v9 =	vld [tilespmem:s0+$0xC0]  }
0x21d: {  	v11 =	vld [tilespmem:s9+$0x30];
	v6 =	vadd.f32 v8, v6  }
0x21e: {  	v7 =	vmax.f32 v7, $0.0e+00;
	v8 =	vadd.f32 v10, v5;
	v10 =	vld [tilespmem:s22+$0x30]  }
0x21f: {  	[tilespmem:s0+$0xFFFFFF30] =	vst v7;
	v5 =	vld [tilespmem:s0+$0xFFFFFFC0];
	v7 =	vadd.f32 v13, v12;
	v2 =	vadd.f32 v2, v6  }
.Ltmp8:
0x220: {  	v6 =	vld [tilespmem:s9+$0xFFFFFF40];
	v12 =	vmax.f32 v8, $0.0e+00;
	(pc) =	sbr.rel @p1 .LBB2_10-.Ltmp8, $4  }
0x221: {  	v8 =	vld [tilespmem:s22+$0xFFFFFF40];
	[tilespmem:s0+$0xFFFFFFB0] =	vst v12;
	v12 =	vadd.f32 v9, v7;
	v2 =	vmax.f32 v2, $0.0e+00  }
0x222: {  	v7 =	vld [tilespmem:s9+$0xFFFFFFC0];
	v13 =	vadd.f32 v1, v2  }
0x223: {  	v9 =	vld [tilespmem:s22+$0xFFFFFFC0];
	v11 =	vadd.f32 v10, v11;
	v10 =	vmax.f32 v12, $0.0e+00  }
0x224: {  	s9 =	sadd.s32 $0x200, s9;
	v2 =	vld [tilespmem:s0+$0x40];
	v10 =	vadd.f32 v1, v10;
	[tilespmem:s23+$0x40] =	vst v13;
	s23 =	smov.u32 s0  }
0x225: {  	v3 =	vadd.f32 v3, v11;
	_ =	sdelay $0x1  }
0x226: {  	v3 =	vmax.f32 v3, $0.0e+00  }
0x227: {  	[tilespmem:s23+$0x30] =	vst v3  }
0x228: {  	v3 =	vld [tilespmem:s1+$0x40]  }
0x229: {  	v62 =	vld [tilespmem:s20+$0x40];
	_ =	sdelay $0x2  }
0x22a: {  	v6 =	vadd.f32 v8, v6  }
0x22b: {  	v7 =	vadd.f32 v9, v7  }
0x22c: {  	v4 =	vadd.f32 v4, v6;
	v3 =	vadd.f32 v62, v3  }
0x22d: {  	v5 =	vadd.f32 v5, v7  }
0x22e: {  	v4 =	vmax.f32 v4, $0.0e+00;
	v2 =	vadd.f32 v2, v3  }
0x22f: {  	v63 =	vmax.f32 v5, $0.0e+00;
	v3 =	vadd.f32 v1, v4  }
0x230: {  	[tilespmem:s0+$0xC0] =	vst v10;
	v4 =	vadd.f32 v1, v63;
	v2 =	vmax.f32 v2, $0.0e+00  }
0x231: {  	[tilespmem:s23+$0xFFFFFF40] =	vst v3;
	v2 =	vadd.f32 v1, v2  }
0x232: {  	[tilespmem:s23+$0xFFFFFFC0] =	vst v4  }
.Ltmp9:
0x233: {  	[tilespmem:s23+$0x40] =	vst v2;
	(pc) =	sbr.rel .LBB2_12-.Ltmp9, $4  }
0x234: {  	[spmem:s2] =	stream.indirect.scatter.add.f32 [tilespmem:s28], [sflag:$0x3], $0x80, s26, s21, $0xb8;
	[tilespmem:$0x1AE80] =	vst v63  }
0x235: {  	_ =	swait.ge [sflag:s18], $0x4000  }
0x236: {  	[sflag:s18] =	ssyncset.done $0x0  }
0x237: {  	[sflag:s18] =	ssyncadd.s32 $0xFFFFC000  }
.LBB2_14:
0x238: {  	_ =	sfence.sel $0x180000  }
0x239: {  	[bflag:$0x0] =	sbarrier.arrive $0xFFFF  }
0x23a: {  	_ =	strace $0x90000047  }
0x23b: {  	[bflag:$0x2] =	sbarrier.arrive $0xFFFF  }
0x23c: {  	s0 =	rddreg [dreg:$0x3]  }
0x23d: {  	s0 =	sadd.s32 @!p0 $0x100000, s0  }
0x23e: {  	[sflag:s0] =	ssyncadd.tile.s32 @!p0 $0x1;
	_ =	shalt  }
.Lfunc_end2:
_tile_overlayer_lowered:
.L_overlay_start_2:
0x23f: {  	(tag) =	ssettag $0x2  }
0x240: {  	s0 =	rddreg [dreg:$0x0];
	s2 =	stileid.u32  }
0x241: {  	s1 =	rddreg [dreg:$0x1];
	p0 =	sne.s32 s2, $0x0  }
0x242: {  	s3 =	rddreg [dreg:$0x2];
	[bflag:$0x3] =	sbarrier.arrive $0xFFFF;
	s2 =	simm.s32 @!p0 $0x1C03  }
0x243: {  	[timem:s3], [sflag:s2] =	dma.local @!p0 [hbm:s0], s1  }
0x244: {  	s0 =	simm.s32 @!p0 $0x3  }
0x245: {  	_ =	swait.ge @!p0 [sflag:s0], s1  }
0x246: {  	s1 =	ssub.s32 @!p0 $0x0, s1;
	[sflag:s0] =	ssyncset.done @!p0 $0x0  }
0x247: {  	[sflag:s0] =	ssyncadd.s32 @!p0 s1  }
0x248: {  	[bflag:$0x3] =	sbarrier.arrive $0xFFFF  }
0x249: {  	_ =	shalt  }

</sc_bundles>
